<compile_context>
chip_gen: v7x
topology: tpu7x:2x2x1
jax: 0.10.2.dev20260603
libtpu: 0.0.44.dev20260713+nightly
codegen_flags: <defaults>
</compile_context>

<pallas_src>
import functools

import jax
import jax.numpy as jnp
from jax import lax
from jax.experimental import pallas as pl
from jax.experimental.pallas import tpu as pltpu
from jax.experimental.pallas import tpu_sc as plsc

NUM_CLASSES = 100
N_SUPPORT = 100000
Q = 4096
D = 128

TILE = 400
NW = 32

NCHUNK = 1
CHUNK = N_SUPPORT // NCHUNK
CTILES = CHUNK // TILE

EMB_TILE = 10000


def _embed_body(x_ref, w_ref, o_ref):
    o_ref[...] = jnp.dot(x_ref[...], w_ref[...].T)


def _tc_embed(support_data, W):
    n = support_data.shape[0]
    return pl.pallas_call(
        _embed_body,
        grid=(n // EMB_TILE,),
        in_specs=[pl.BlockSpec((EMB_TILE, D), lambda i: (i, 0)),
                  pl.BlockSpec((D, D), lambda i: (0, 0))],
        out_specs=pl.BlockSpec((EMB_TILE, D), lambda i: (i, 0)),
        out_shape=jax.ShapeDtypeStruct((n, D), jnp.float32),
    )(support_data, W)


def _sc_segment_body(sup_hbm, lab_hbm, sums_hbm, cnts_hbm, buf, labv, acc, cnt):
    c = lax.axis_index("c")
    s = lax.axis_index("s")
    wid = s * 2 + c
    ntiles = CTILES // NW + jnp.where(wid < CTILES % NW, 1, 0)

    iota = lax.iota(jnp.int32, 16)
    zero16 = jnp.zeros((16,), jnp.float32)
    one0 = jnp.where(iota == 0, 1.0, 0.0).astype(jnp.float32)
    sixteen0 = jnp.where(iota == 0, 16.0, 0.0).astype(jnp.float32)

    def _zero_row(i, carry):
        for k in range(8):
            acc[pl.ds(i * D + k * 16, 16)] = zero16
        cnt[pl.ds(i * 16, 16)] = zero16
        return carry

    lax.fori_loop(0, NUM_CLASSES, _zero_row, 0)

    def _tile(t, carry):
        tile = wid + NW * t
        row0 = tile * TILE
        pltpu.sync_copy(sup_hbm.at[pl.ds(row0, TILE), :], buf)
        pltpu.sync_copy(lab_hbm.at[pl.ds(row0, TILE)], labv)

        def _group(g, rc):
            lv = labv[pl.ds(g * 16, 16)]
            r0 = g * 16
            l0 = lv[0]
            l15 = lv[15]

            @pl.when(l0 == l15)
            def _fast():
                base = l0 * D
                for k in range(8):
                    vs = [buf[r0 + j, pl.ds(k * 16, 16)] for j in range(16)]
                    while len(vs) > 1:
                        vs = [vs[i] + vs[i + 1] for i in range(0, len(vs), 2)]
                    plsc.addupdate_scatter(acc, [iota + (base + k * 16)], vs[0])
                plsc.addupdate_scatter(cnt, [iota + l0 * 16], sixteen0)

            @pl.when(l0 != l15)
            def _slow():
                for j in range(16):
                    base = lv[j] * D
                    for k in range(8):
                        v = buf[r0 + j, pl.ds(k * 16, 16)]
                        plsc.addupdate_scatter(acc, [iota + (base + k * 16)], v)
                    plsc.addupdate_scatter(cnt, [iota + lv[j] * 16], one0)

            return rc

        lax.fori_loop(0, TILE // 16, _group, 0)
        return carry

    lax.fori_loop(0, ntiles, _tile, 0)

    pltpu.sync_copy(acc, sums_hbm.at[wid])
    pltpu.sync_copy(cnt, cnts_hbm.at[wid])


@functools.partial(
    pl.kernel,
    out_type=(
        jax.ShapeDtypeStruct((NW, NUM_CLASSES * D), jnp.float32),
        jax.ShapeDtypeStruct((NW, NUM_CLASSES * 16), jnp.float32),
    ),
    mesh=plsc.VectorSubcoreMesh(core_axis_name="c", subcore_axis_name="s"),
    compiler_params=pltpu.CompilerParams(needs_layout_passes=False),
    scratch_types=(
        pltpu.VMEM((TILE, D), jnp.float32),
        pltpu.VMEM((TILE,), jnp.int32),
        pltpu.VMEM((NUM_CLASSES * D,), jnp.float32),
        pltpu.VMEM((NUM_CLASSES * 16,), jnp.float32),
    ),
)
def _sc_segment_sum(sup, lab, sums, cnts, buf, labv, acc, cnt):
    _sc_segment_body(sup, lab, sums, cnts, buf, labv, acc, cnt)


def _tc_tail_body(sums_ref, cnts_ref, q_ref, w_ref, pred_ref, probs_ref):
    total = jnp.sum(sums_ref[...], axis=0).reshape(NUM_CLASSES, D)
    counts = jnp.sum(cnts_ref[...], axis=0)[:, 0:1]
    protos = total / jnp.maximum(counts, 1.0)
    qe = jnp.dot(q_ref[...], w_ref[...].T)
    pn = jnp.sum(protos * protos, axis=1)[None, :]
    qp = lax.dot_general(qe, protos, (((1,), (1,)), ((), ())),
                         precision=lax.Precision.HIGHEST,
                         preferred_element_type=jnp.float32)
    scores = 2.0 * qp - pn
    m = jnp.max(scores, axis=1, keepdims=True)
    e = jnp.exp(scores - m)
    probs = e / jnp.sum(e, axis=1, keepdims=True)
    pred_ref[...] = jnp.argmax(scores, axis=1, keepdims=True).astype(jnp.int32)
    probs_ref[...] = probs


def _tc_tail(sums_p, cnts_p, query_data, W):
    nw = sums_p.shape[0]
    return pl.pallas_call(
        _tc_tail_body,
        out_shape=(
            jax.ShapeDtypeStruct((Q, 1), jnp.int32),
            jax.ShapeDtypeStruct((Q, NUM_CLASSES), jnp.float32),
        ),
    )(sums_p, cnts_p.reshape(nw, NUM_CLASSES, 16), query_data, W)


def kernel(support_data, query_data, W, labels):
    lab32 = labels.astype(jnp.int32)
    sums_parts, cnts_parts = [], []
    for k in range(NCHUNK):
        emb = _tc_embed(support_data[k * CHUNK:(k + 1) * CHUNK], W)
        s_p, c_p = _sc_segment_sum(emb, lab32[k * CHUNK:(k + 1) * CHUNK])
        sums_parts.append(s_p)
        cnts_parts.append(c_p)
    sums_p = jnp.concatenate(sums_parts, axis=0)
    cnts_p = jnp.concatenate(cnts_parts, axis=0)
    pred, probs = _tc_tail(sums_p, cnts_p, query_data, W)
    return pred.reshape((Q,)), probs

# --- scband reference (transcript-rebuilt; emitter-appended) ---
"""Pipeline reference for scband-prototype-net-25615184953574 (READ-ONLY COPY).

The authoritative reference and input builder live on the scoring server;
editing this copy changes nothing except your own understanding.
"""

import jax, jax.numpy as jnp
import numpy as np

NUM_CLASSES = 100
N_SUPPORT = 100000
Q = 4096
D_IN = 128
D_EMB = 128


def setup_inputs(seed: int = 0) -> dict:
    key = jax.random.key(seed)
    k1, k2, k3, k4 = jax.random.split(key, 4)
    support_data = jax.random.normal(k1, (N_SUPPORT, D_IN), dtype=jnp.float32)
    labels = jnp.sort(jax.random.randint(k2, (N_SUPPORT,), 0, NUM_CLASSES)).astype(jnp.int64)
    query_data = jax.random.normal(k3, (Q, D_IN), dtype=jnp.float32)
    W = jax.random.normal(k4, (D_EMB, D_IN), dtype=jnp.float32) * (1.0 / np.sqrt(D_IN))
    return {"support_data": support_data, "query_data": query_data, "W": W, "labels": labels}


def _embed(x, W):
    # embedding_net = nn.Linear(D_IN, D_EMB, bias=False)
    return x @ W.T


def _euclidean_dist(x, y):
    # squared euclidean distance, broadcast form as in protonets euclidean_dist
    # x: [n, d], y: [m, d] -> [n, m]
    return jnp.sum((x[:, None, :] - y[None, :, :]) ** 2, axis=-1)


def reference(support_data, query_data, W, labels):
    # init_prototypes: per-class mean of support embeddings (segment mean)
    sup_emb = _embed(support_data, W)
    seg = labels.astype(jnp.int32)
    sums = jax.ops.segment_sum(sup_emb, seg, num_segments=NUM_CLASSES)
    counts = jax.ops.segment_sum(jnp.ones((sup_emb.shape[0],), jnp.float32), seg, num_segments=NUM_CLASSES)
    prototypes = sums / jnp.maximum(counts, 1.0)[:, None]
    # forward: embed queries, distance to prototypes, log-softmax, argmax + softmax probs
    q_emb = _embed(query_data, W)
    dists = _euclidean_dist(q_emb, prototypes)
    log_p_y = jax.nn.log_softmax(-dists, axis=1)
    pred_classes = jnp.argmax(log_p_y, axis=1)
    probs = jax.nn.softmax(log_p_y, axis=1)  # F.softmax(log_p_y) in the torch code
    return (pred_classes, probs)

if __name__ == "__main__":
    import jax
    _d = setup_inputs()
    print(jax.jit(kernel)(*tuple(_d.values())))

</pallas_src>

<mosaic_0001>
#map = affine_map<(d0, d1) -> (0, 0)>
#map1 = affine_map<(d0, d1) -> (0)>
module attributes {stable_mosaic.version = 14 : i64} {
  func.func @_sc_segment_sum(%arg0: i32, %arg1: i32, %arg2: memref<100000x128xf32, #tpu.memory_space<hbm>>, %arg3: memref<100000xi32, #tpu.memory_space<hbm>>, %arg4: memref<32x12800xf32, #tpu.memory_space<hbm>>, %arg5: memref<32x1600xf32, #tpu.memory_space<hbm>>, %arg6: memref<400x128xf32, #tpu.memory_space<vmem>>, %arg7: memref<400xi32, #tpu.memory_space<vmem>>, %arg8: memref<12800xf32, #tpu.memory_space<vmem>>, %arg9: memref<1600xf32, #tpu.memory_space<vmem>>) attributes {dimension_semantics = [#tpu.dimension_semantics<core_parallel>, #tpu.dimension_semantics<subcore_parallel>], iteration_bounds = array<i64: 2, 16>, scalar_prefetch = 0 : i64, scratch_operands = 4 : i64, tpu.core_type = #tpu.core_type<sc_vector_subcore>, window_params = [{transform_indices = #map}, {transform_indices = #map1}, {transform_indices = #map}, {transform_indices = #map}]} {
    %mul3A = arith.constant 2 : i32
    %mul3A_0 = arith.muli %arg1, %mul3A : i32
    %add3A = arith.addi %mul3A_0, %arg0 : i32
    %lt3A = arith.constant 26 : i32
    %lt3A_1 = arith.cmpi slt, %add3A, %lt3A : i32
    %jit3A = arith.constant 1 : i32
    %jit3A_2 = arith.constant 0 : i32
    %select_n3A = arith.select %lt3A_1, %jit3A, %jit3A_2 : i32
    %add3A_3 = arith.constant 7 : i32
    %add3A_4 = arith.addi %add3A_3, %select_n3A : i32
    %iota3A = tpu.iota {dimensions = array<i32: 0>} : vector<16xi32>
    %broadcast_in_dim3A = arith.constant 0.000000e+00 : f32
    %broadcast_in_dim3A_5 = vector.broadcast %broadcast_in_dim3A : f32 to vector<16xf32>
    %eq3A = arith.constant 0 : i32
    %eq3A_6 = vector.broadcast %eq3A : i32 to vector<16xi32>
    %eq3A_7 = arith.cmpi eq, %iota3A, %eq3A_6 : vector<16xi32>
    %jit3A_8 = arith.constant 1.000000e+00 : f32
    %jit3A_9 = arith.constant 0.000000e+00 : f32
    %broadcast_in_dim3A_10 = vector.broadcast %jit3A_8 : f32 to vector<16xf32>
    %broadcast_in_dim3A_11 = vector.broadcast %jit3A_9 : f32 to vector<16xf32>
    %select_n3A_12 = arith.select %eq3A_7, %broadcast_in_dim3A_10, %broadcast_in_dim3A_11 : vector<16xi1>, vector<16xf32>
    %eq3A_13 = arith.constant 0 : i32
    %eq3A_14 = vector.broadcast %eq3A_13 : i32 to vector<16xi32>
    %eq3A_15 = arith.cmpi eq, %iota3A, %eq3A_14 : vector<16xi32>
    %jit3A_16 = arith.constant 1.600000e+01 : f32
    %jit3A_17 = arith.constant 0.000000e+00 : f32
    %broadcast_in_dim3A_18 = vector.broadcast %jit3A_16 : f32 to vector<16xf32>
    %broadcast_in_dim3A_19 = vector.broadcast %jit3A_17 : f32 to vector<16xf32>
    %select_n3A_20 = arith.select %eq3A_15, %broadcast_in_dim3A_18, %broadcast_in_dim3A_19 : vector<16xi1>, vector<16xf32>
    %scan3A = arith.constant 0 : i32
    %scan3A_21 = arith.constant 0 : i32
    %scan3A_22 = arith.constant 100 : i32
    %scan3A_23 = arith.addi %scan3A_21, %scan3A_22 : i32
    %scan3A_24 = arith.constant 1 : i32
    scf.for %scan3A_35 = %scan3A_21 to %scan3A_23 step %scan3A_24  : i32 {
      %mul3A_36 = arith.constant 128 : i32
      %mul3A_37 = arith.muli %scan3A_35, %mul3A_36 : i32
      %add3A_38 = arith.constant 0 : i32
      %add3A_39 = arith.addi %mul3A_37, %add3A_38 : i32
      %swap3A = arith.index_cast %add3A_39 : i32 to index
      %swap3A_40 = tpu.vector_load %arg8[%swap3A] {strides = array<i32>} : memref<12800xf32, #tpu.memory_space<vmem>>, vector<16xf32>,
      tpu.vector_store %arg8[%swap3A], %broadcast_in_dim3A_5 {strides = array<i32>} : memref<12800xf32, #tpu.memory_space<vmem>>, vector<16xf32>,
      %mul3A_41 = arith.constant 128 : i32
      %mul3A_42 = arith.muli %scan3A_35, %mul3A_41 : i32
      %add3A_43 = arith.constant 16 : i32
      %add3A_44 = arith.addi %mul3A_42, %add3A_43 : i32
      %swap3A_45 = arith.index_cast %add3A_44 : i32 to index
      %swap3A_46 = tpu.vector_load %arg8[%swap3A_45] {strides = array<i32>} : memref<12800xf32, #tpu.memory_space<vmem>>, vector<16xf32>,
      tpu.vector_store %arg8[%swap3A_45], %broadcast_in_dim3A_5 {strides = array<i32>} : memref<12800xf32, #tpu.memory_space<vmem>>, vector<16xf32>,
      %mul3A_47 = arith.constant 128 : i32
      %mul3A_48 = arith.muli %scan3A_35, %mul3A_47 : i32
      %add3A_49 = arith.constant 32 : i32
      %add3A_50 = arith.addi %mul3A_48, %add3A_49 : i32
      %swap3A_51 = arith.index_cast %add3A_50 : i32 to index
      %swap3A_52 = tpu.vector_load %arg8[%swap3A_51] {strides = array<i32>} : memref<12800xf32, #tpu.memory_space<vmem>>, vector<16xf32>,
      tpu.vector_store %arg8[%swap3A_51], %broadcast_in_dim3A_5 {strides = array<i32>} : memref<12800xf32, #tpu.memory_space<vmem>>, vector<16xf32>,
      %mul3A_53 = arith.constant 128 : i32
      %mul3A_54 = arith.muli %scan3A_35, %mul3A_53 : i32
      %add3A_55 = arith.constant 48 : i32
      %add3A_56 = arith.addi %mul3A_54, %add3A_55 : i32
      %swap3A_57 = arith.index_cast %add3A_56 : i32 to index
      %swap3A_58 = tpu.vector_load %arg8[%swap3A_57] {strides = array<i32>} : memref<12800xf32, #tpu.memory_space<vmem>>, vector<16xf32>,
      tpu.vector_store %arg8[%swap3A_57], %broadcast_in_dim3A_5 {strides = array<i32>} : memref<12800xf32, #tpu.memory_space<vmem>>, vector<16xf32>,
      %mul3A_59 = arith.constant 128 : i32
      %mul3A_60 = arith.muli %scan3A_35, %mul3A_59 : i32
      %add3A_61 = arith.constant 64 : i32
      %add3A_62 = arith.addi %mul3A_60, %add3A_61 : i32
      %swap3A_63 = arith.index_cast %add3A_62 : i32 to index
      %swap3A_64 = tpu.vector_load %arg8[%swap3A_63] {strides = array<i32>} : memref<12800xf32, #tpu.memory_space<vmem>>, vector<16xf32>,
      tpu.vector_store %arg8[%swap3A_63], %broadcast_in_dim3A_5 {strides = array<i32>} : memref<12800xf32, #tpu.memory_space<vmem>>, vector<16xf32>,
      %mul3A_65 = arith.constant 128 : i32
      %mul3A_66 = arith.muli %scan3A_35, %mul3A_65 : i32
      %add3A_67 = arith.constant 80 : i32
      %add3A_68 = arith.addi %mul3A_66, %add3A_67 : i32
      %swap3A_69 = arith.index_cast %add3A_68 : i32 to index
      %swap3A_70 = tpu.vector_load %arg8[%swap3A_69] {strides = array<i32>} : memref<12800xf32, #tpu.memory_space<vmem>>, vector<16xf32>,
      tpu.vector_store %arg8[%swap3A_69], %broadcast_in_dim3A_5 {strides = array<i32>} : memref<12800xf32, #tpu.memory_space<vmem>>, vector<16xf32>,
      %mul3A_71 = arith.constant 128 : i32
      %mul3A_72 = arith.muli %scan3A_35, %mul3A_71 : i32
      %add3A_73 = arith.constant 96 : i32
      %add3A_74 = arith.addi %mul3A_72, %add3A_73 : i32
      %swap3A_75 = arith.index_cast %add3A_74 : i32 to index
      %swap3A_76 = tpu.vector_load %arg8[%swap3A_75] {strides = array<i32>} : memref<12800xf32, #tpu.memory_space<vmem>>, vector<16xf32>,
      tpu.vector_store %arg8[%swap3A_75], %broadcast_in_dim3A_5 {strides = array<i32>} : memref<12800xf32, #tpu.memory_space<vmem>>, vector<16xf32>,
      %mul3A_77 = arith.constant 128 : i32
      %mul3A_78 = arith.muli %scan3A_35, %mul3A_77 : i32
      %add3A_79 = arith.constant 112 : i32
      %add3A_80 = arith.addi %mul3A_78, %add3A_79 : i32
      %swap3A_81 = arith.index_cast %add3A_80 : i32 to index
      %swap3A_82 = tpu.vector_load %arg8[%swap3A_81] {strides = array<i32>} : memref<12800xf32, #tpu.memory_space<vmem>>, vector<16xf32>,
      tpu.vector_store %arg8[%swap3A_81], %broadcast_in_dim3A_5 {strides = array<i32>} : memref<12800xf32, #tpu.memory_space<vmem>>, vector<16xf32>,
      %mul3A_83 = arith.constant 16 : i32
      %mul3A_84 = arith.muli %scan3A_35, %mul3A_83 : i32
      %swap3A_85 = arith.index_cast %mul3A_84 : i32 to index
      %swap3A_86 = tpu.vector_load %arg9[%swap3A_85] {strides = array<i32>} : memref<1600xf32, #tpu.memory_space<vmem>>, vector<16xf32>,
      tpu.vector_store %arg9[%swap3A_85], %broadcast_in_dim3A_5 {strides = array<i32>} : memref<1600xf32, #tpu.memory_space<vmem>>, vector<16xf32>,
    }
    %scan3A_25 = arith.constant 100 : i32
    %while3A = arith.constant 0 : i32
    %while3A_26 = arith.constant 0 : i32
    %while3A_27 = arith.subi %add3A_4, %while3A_26 : i32
    %while3A_28 = arith.addi %while3A_26, %while3A_27 : i32
    %while3A_29 = arith.constant 1 : i32
    %while3A_30 = arith.divsi %while3A_27, %while3A_29 : i32
    %while3A_31 = arith.muli %while3A_30, %while3A_29 : i32
    %while3A_32 = arith.addi %while3A_26, %while3A_31 : i32
    %while3A_33 = arith.constant 1 : i32
    scf.for %while3A_35 = %while3A_26 to %while3A_32 step %while3A_33  : i32 {
      %mul3A_36 = arith.constant 32 : i32
      %mul3A_37 = arith.muli %mul3A_36, %while3A_35 : i32
      %add3A_38 = arith.addi %add3A, %mul3A_37 : i32
      %mul3A_39 = arith.constant 400 : i32
      %mul3A_40 = arith.muli %add3A_38, %mul3A_39 : i32
      "tpu.region"() ({
        %run_scoped3A = tpu.sem_alloc : memref<!tpu.dma_semaphore, #tpu.memory_space<semaphore_mem>>
        %dma_start3A = arith.constant 0 : i32
        %dma_start3A_47 = tpu.memref_slice %arg2[%mul3A_40, %dma_start3A] : memref<100000x128xf32, #tpu.memory_space<hbm>> -> memref<400x128xf32, #tpu.memory_space<hbm>>
        %dma_start3A_48 = arith.constant 0 : i32
        %dma_start3A_49 = tpu.memref_slice %arg2[%mul3A_40, %dma_start3A_48] : memref<100000x128xf32, #tpu.memory_space<hbm>> -> memref<400x128xf32, #tpu.memory_space<hbm>>
        tpu.enqueue_dma source(%dma_start3A_49 : memref<400x128xf32, #tpu.memory_space<hbm>>) target(%arg6 : memref<400x128xf32, #tpu.memory_space<vmem>>) target_semaphore(%run_scoped3A : memref<!tpu.dma_semaphore, #tpu.memory_space<semaphore_mem>>)
        %dma_wait3A = arith.constant 0 : i32
        %dma_wait3A_50 = tpu.memref_slice %arg2[%mul3A_40, %dma_wait3A] : memref<100000x128xf32, #tpu.memory_space<hbm>> -> memref<400x128xf32, #tpu.memory_space<hbm>>
        %dma_wait3A_51 = arith.constant 0 : i32
        %dma_wait3A_52 = tpu.memref_slice %arg2[%mul3A_40, %dma_wait3A_51] : memref<100000x128xf32, #tpu.memory_space<hbm>> -> memref<400x128xf32, #tpu.memory_space<hbm>>
        tpu.wait_dma2 semaphore(%run_scoped3A : memref<!tpu.dma_semaphore, #tpu.memory_space<semaphore_mem>>) src(%dma_wait3A_52 : memref<400x128xf32, #tpu.memory_space<hbm>>) dst(%arg6 : memref<400x128xf32, #tpu.memory_space<vmem>>)
        tpu.yield
      }) : () -> ()
      "tpu.region"() ({
        %run_scoped3A = tpu.sem_alloc : memref<!tpu.dma_semaphore, #tpu.memory_space<semaphore_mem>>
        %dma_start3A = tpu.memref_slice %arg3[%mul3A_40] : memref<100000xi32, #tpu.memory_space<hbm>> -> memref<400xi32, #tpu.memory_space<hbm>>
        %dma_start3A_47 = tpu.memref_slice %arg3[%mul3A_40] : memref<100000xi32, #tpu.memory_space<hbm>> -> memref<400xi32, #tpu.memory_space<hbm>>
        tpu.enqueue_dma source(%dma_start3A_47 : memref<400xi32, #tpu.memory_space<hbm>>) target(%arg7 : memref<400xi32, #tpu.memory_space<vmem>>) target_semaphore(%run_scoped3A : memref<!tpu.dma_semaphore, #tpu.memory_space<semaphore_mem>>)
        %dma_wait3A = tpu.memref_slice %arg3[%mul3A_40] : memref<100000xi32, #tpu.memory_space<hbm>> -> memref<400xi32, #tpu.memory_space<hbm>>
        %dma_wait3A_48 = tpu.memref_slice %arg3[%mul3A_40] : memref<100000xi32, #tpu.memory_space<hbm>> -> memref<400xi32, #tpu.memory_space<hbm>>
        tpu.wait_dma2 semaphore(%run_scoped3A : memref<!tpu.dma_semaphore, #tpu.memory_space<semaphore_mem>>) src(%dma_wait3A_48 : memref<400xi32, #tpu.memory_space<hbm>>) dst(%arg7 : memref<400xi32, #tpu.memory_space<vmem>>)
        tpu.yield
      }) : () -> ()
      %scan3A_41 = arith.constant 0 : i32
      %scan3A_42 = arith.constant 0 : i32
      %scan3A_43 = arith.constant 25 : i32
      %scan3A_44 = arith.addi %scan3A_42, %scan3A_43 : i32
      %scan3A_45 = arith.constant 1 : i32
      scf.for %scan3A_47 = %scan3A_42 to %scan3A_44 step %scan3A_45  : i32 {
        %mul3A_48 = arith.constant 16 : i32
        %mul3A_49 = arith.muli %scan3A_47, %mul3A_48 : i32
        %get3A = arith.index_cast %mul3A_49 : i32 to index
        %get3A_50 = tpu.vector_load %arg7[%get3A] {strides = array<i32>} : memref<400xi32, #tpu.memory_space<vmem>>, vector<16xi32>,
        %mul3A_51 = arith.constant 16 : i32
        %mul3A_52 = arith.muli %scan3A_47, %mul3A_51 : i32
        %slice3A = vector.extract_strided_slice %get3A_50 {offsets = [0], sizes = [1], strides = [1]} : vector<16xi32> to vector<1xi32>
        %squeeze3A = vector.extract %slice3A[0] : i32 from vector<1xi32>
        %slice3A_53 = vector.extract_strided_slice %get3A_50 {offsets = [15], sizes = [1], strides = [1]} : vector<16xi32> to vector<1xi32>
        %squeeze3A_54 = vector.extract %slice3A_53[0] : i32 from vector<1xi32>
        %eq3A_55 = arith.cmpi eq, %squeeze3A, %squeeze3A_54 : i32
        %convert_element_type3A = arith.extui %eq3A_55 : i1 to i32
        %cond3A = arith.constant 0 : i32
        %cond3A_56 = arith.cmpi ne, %convert_element_type3A, %cond3A : i32
        scf.if %cond3A_56 {
          %mul3A_60 = arith.constant 128 : i32
          %mul3A_61 = arith.muli %squeeze3A, %mul3A_60 : i32
          %add3A_62 = arith.constant 0 : i32
          %add3A_63 = arith.addi %mul3A_52, %add3A_62 : i32
          %get3A_64 = arith.index_cast %add3A_63 : i32 to index
          %get3A_65 = arith.constant 0 : index
          %get3A_66 = tpu.vector_load %arg6[%get3A_64, %get3A_65] {strides = array<i32>} : memref<400x128xf32, #tpu.memory_space<vmem>>, vector<16xf32>,
          %add3A_67 = arith.constant 1 : i32
          %add3A_68 = arith.addi %mul3A_52, %add3A_67 : i32
          %get3A_69 = arith.index_cast %add3A_68 : i32 to index
          %get3A_70 = arith.constant 0 : index
          %get3A_71 = tpu.vector_load %arg6[%get3A_69, %get3A_70] {strides = array<i32>} : memref<400x128xf32, #tpu.memory_space<vmem>>, vector<16xf32>,
          %add3A_72 = arith.constant 2 : i32
          %add3A_73 = arith.addi %mul3A_52, %add3A_72 : i32
          %get3A_74 = arith.index_cast %add3A_73 : i32 to index
          %get3A_75 = arith.constant 0 : index
          %get3A_76 = tpu.vector_load %arg6[%get3A_74, %get3A_75] {strides = array<i32>} : memref<400x128xf32, #tpu.memory_space<vmem>>, vector<16xf32>,
          %add3A_77 = arith.constant 3 : i32
          %add3A_78 = arith.addi %mul3A_52, %add3A_77 : i32
          %get3A_79 = arith.index_cast %add3A_78 : i32 to index
          %get3A_80 = arith.constant 0 : index
          %get3A_81 = tpu.vector_load %arg6[%get3A_79, %get3A_80] {strides = array<i32>} : memref<400x128xf32, #tpu.memory_space<vmem>>, vector<16xf32>,
          %add3A_82 = arith.constant 4 : i32
          %add3A_83 = arith.addi %mul3A_52, %add3A_82 : i32
          %get3A_84 = arith.index_cast %add3A_83 : i32 to index
          %get3A_85 = arith.constant 0 : index
          %get3A_86 = tpu.vector_load %arg6[%get3A_84, %get3A_85] {strides = array<i32>} : memref<400x128xf32, #tpu.memory_space<vmem>>, vector<16xf32>,
          %add3A_87 = arith.constant 5 : i32
          %add3A_88 = arith.addi %mul3A_52, %add3A_87 : i32
          %get3A_89 = arith.index_cast %add3A_88 : i32 to index
          %get3A_90 = arith.constant 0 : index
          %get3A_91 = tpu.vector_load %arg6[%get3A_89, %get3A_90] {strides = array<i32>} : memref<400x128xf32, #tpu.memory_space<vmem>>, vector<16xf32>,
          %add3A_92 = arith.constant 6 : i32
          %add3A_93 = arith.addi %mul3A_52, %add3A_92 : i32
          %get3A_94 = arith.index_cast %add3A_93 : i32 to index
          %get3A_95 = arith.constant 0 : index
          %get3A_96 = tpu.vector_load %arg6[%get3A_94, %get3A_95] {strides = array<i32>} : memref<400x128xf32, #tpu.memory_space<vmem>>, vector<16xf32>,
          %add3A_97 = arith.constant 7 : i32
          %add3A_98 = arith.addi %mul3A_52, %add3A_97 : i32
          %get3A_99 = arith.index_cast %add3A_98 : i32 to index
          %get3A_100 = arith.constant 0 : index
          %get3A_101 = tpu.vector_load %arg6[%get3A_99, %get3A_100] {strides = array<i32>} : memref<400x128xf32, #tpu.memory_space<vmem>>, vector<16xf32>,
          %add3A_102 = arith.constant 8 : i32
          %add3A_103 = arith.addi %mul3A_52, %add3A_102 : i32
          %get3A_104 = arith.index_cast %add3A_103 : i32 to index
          %get3A_105 = arith.constant 0 : index
          %get3A_106 = tpu.vector_load %arg6[%get3A_104, %get3A_105] {strides = array<i32>} : memref<400x128xf32, #tpu.memory_space<vmem>>, vector<16xf32>,
          %add3A_107 = arith.constant 9 : i32
          %add3A_108 = arith.addi %mul3A_52, %add3A_107 : i32
          %get3A_109 = arith.index_cast %add3A_108 : i32 to index
          %get3A_110 = arith.constant 0 : index
          %get3A_111 = tpu.vector_load %arg6[%get3A_109, %get3A_110] {strides = array<i32>} : memref<400x128xf32, #tpu.memory_space<vmem>>, vector<16xf32>,
          %add3A_112 = arith.constant 10 : i32
          %add3A_113 = arith.addi %mul3A_52, %add3A_112 : i32
          %get3A_114 = arith.index_cast %add3A_113 : i32 to index
          %get3A_115 = arith.constant 0 : index
          %get3A_116 = tpu.vector_load %arg6[%get3A_114, %get3A_115] {strides = array<i32>} : memref<400x128xf32, #tpu.memory_space<vmem>>, vector<16xf32>,
          %add3A_117 = arith.constant 11 : i32
          %add3A_118 = arith.addi %mul3A_52, %add3A_117 : i32
          %get3A_119 = arith.index_cast %add3A_118 : i32 to index
          %get3A_120 = arith.constant 0 : index
          %get3A_121 = tpu.vector_load %arg6[%get3A_119, %get3A_120] {strides = array<i32>} : memref<400x128xf32, #tpu.memory_space<vmem>>, vector<16xf32>,
          %add3A_122 = arith.constant 12 : i32
          %add3A_123 = arith.addi %mul3A_52, %add3A_122 : i32
          %get3A_124 = arith.index_cast %add3A_123 : i32 to index
          %get3A_125 = arith.constant 0 : index
          %get3A_126 = tpu.vector_load %arg6[%get3A_124, %get3A_125] {strides = array<i32>} : memref<400x128xf32, #tpu.memory_space<vmem>>, vector<16xf32>,
          %add3A_127 = arith.constant 13 : i32
          %add3A_128 = arith.addi %mul3A_52, %add3A_127 : i32
          %get3A_129 = arith.index_cast %add3A_128 : i32 to index
          %get3A_130 = arith.constant 0 : index
          %get3A_131 = tpu.vector_load %arg6[%get3A_129, %get3A_130] {strides = array<i32>} : memref<400x128xf32, #tpu.memory_space<vmem>>, vector<16xf32>,
          %add3A_132 = arith.constant 14 : i32
          %add3A_133 = arith.addi %mul3A_52, %add3A_132 : i32
          %get3A_134 = arith.index_cast %add3A_133 : i32 to index
          %get3A_135 = arith.constant 0 : index
          %get3A_136 = tpu.vector_load %arg6[%get3A_134, %get3A_135] {strides = array<i32>} : memref<400x128xf32, #tpu.memory_space<vmem>>, vector<16xf32>,
          %add3A_137 = arith.constant 15 : i32
          %add3A_138 = arith.addi %mul3A_52, %add3A_137 : i32
          %get3A_139 = arith.index_cast %add3A_138 : i32 to index
          %get3A_140 = arith.constant 0 : index
          %get3A_141 = tpu.vector_load %arg6[%get3A_139, %get3A_140] {strides = array<i32>} : memref<400x128xf32, #tpu.memory_space<vmem>>, vector<16xf32>,
          %add3A_142 = arith.addf %get3A_66, %get3A_71 : vector<16xf32>
          %add3A_143 = arith.addf %get3A_76, %get3A_81 : vector<16xf32>
          %add3A_144 = arith.addf %get3A_86, %get3A_91 : vector<16xf32>
          %add3A_145 = arith.addf %get3A_96, %get3A_101 : vector<16xf32>
          %add3A_146 = arith.addf %get3A_106, %get3A_111 : vector<16xf32>
          %add3A_147 = arith.addf %get3A_116, %get3A_121 : vector<16xf32>
          %add3A_148 = arith.addf %get3A_126, %get3A_131 : vector<16xf32>
          %add3A_149 = arith.addf %get3A_136, %get3A_141 : vector<16xf32>
          %add3A_150 = arith.addf %add3A_142, %add3A_143 : vector<16xf32>
          %add3A_151 = arith.addf %add3A_144, %add3A_145 : vector<16xf32>
          %add3A_152 = arith.addf %add3A_146, %add3A_147 : vector<16xf32>
          %add3A_153 = arith.addf %add3A_148, %add3A_149 : vector<16xf32>
          %add3A_154 = arith.addf %add3A_150, %add3A_151 : vector<16xf32>
          %add3A_155 = arith.addf %add3A_152, %add3A_153 : vector<16xf32>
          %add3A_156 = arith.addf %add3A_154, %add3A_155 : vector<16xf32>
          %add3A_157 = arith.constant 0 : i32
          %add3A_158 = arith.addi %mul3A_61, %add3A_157 : i32
          %add3A_159 = vector.broadcast %add3A_158 : i32 to vector<16xi32>
          %add3A_160 = arith.addi %iota3A, %add3A_159 : vector<16xi32>
          tpu.vector_store_idx %arg8[%add3A_160], %add3A_156 {add = true} : memref<12800xf32, #tpu.memory_space<vmem>>[vector<16xi32>], vector<16xf32>,
          %add3A_161 = arith.constant 0 : i32
          %add3A_162 = arith.addi %mul3A_52, %add3A_161 : i32
          %get3A_163 = arith.index_cast %add3A_162 : i32 to index
          %get3A_164 = arith.constant 16 : index
          %get3A_165 = tpu.vector_load %arg6[%get3A_163, %get3A_164] {strides = array<i32>} : memref<400x128xf32, #tpu.memory_space<vmem>>, vector<16xf32>,
          %add3A_166 = arith.constant 1 : i32
          %add3A_167 = arith.addi %mul3A_52, %add3A_166 : i32
          %get3A_168 = arith.index_cast %add3A_167 : i32 to index
          %get3A_169 = arith.constant 16 : index
          %get3A_170 = tpu.vector_load %arg6[%get3A_168, %get3A_169] {strides = array<i32>} : memref<400x128xf32, #tpu.memory_space<vmem>>, vector<16xf32>,
          %add3A_171 = arith.constant 2 : i32
          %add3A_172 = arith.addi %mul3A_52, %add3A_171 : i32
          %get3A_173 = arith.index_cast %add3A_172 : i32 to index
          %get3A_174 = arith.constant 16 : index
          %get3A_175 = tpu.vector_load %arg6[%get3A_173, %get3A_174] {strides = array<i32>} : memref<400x128xf32, #tpu.memory_space<vmem>>, vector<16xf32>,
          %add3A_176 = arith.constant 3 : i32
          %add3A_177 = arith.addi %mul3A_52, %add3A_176 : i32
          %get3A_178 = arith.index_cast %add3A_177 : i32 to index
          %get3A_179 = arith.constant 16 : index
          %get3A_180 = tpu.vector_load %arg6[%get3A_178, %get3A_179] {strides = array<i32>} : memref<400x128xf32, #tpu.memory_space<vmem>>, vector<16xf32>,
          %add3A_181 = arith.constant 4 : i32
          %add3A_182 = arith.addi %mul3A_52, %add3A_181 : i32
          %get3A_183 = arith.index_cast %add3A_182 : i32 to index
          %get3A_184 = arith.constant 16 : index
          %get3A_185 = tpu.vector_load %arg6[%get3A_183, %get3A_184] {strides = array<i32>} : memref<400x128xf32, #tpu.memory_space<vmem>>, vector<16xf32>,
          %add3A_186 = arith.constant 5 : i32
          %add3A_187 = arith.addi %mul3A_52, %add3A_186 : i32
          %get3A_188 = arith.index_cast %add3A_187 : i32 to index
          %get3A_189 = arith.constant 16 : index
          %get3A_190 = tpu.vector_load %arg6[%get3A_188, %get3A_189] {strides = array<i32>} : memref<400x128xf32, #tpu.memory_space<vmem>>, vector<16xf32>,
          %add3A_191 = arith.constant 6 : i32
          %add3A_192 = arith.addi %mul3A_52, %add3A_191 : i32
          %get3A_193 = arith.index_cast %add3A_192 : i32 to index
          %get3A_194 = arith.constant 16 : index
          %get3A_195 = tpu.vector_load %arg6[%get3A_193, %get3A_194] {strides = array<i32>} : memref<400x128xf32, #tpu.memory_space<vmem>>, vector<16xf32>,
          %add3A_196 = arith.constant 7 : i32
          %add3A_197 = arith.addi %mul3A_52, %add3A_196 : i32
          %get3A_198 = arith.index_cast %add3A_197 : i32 to index
          %get3A_199 = arith.constant 16 : index
          %get3A_200 = tpu.vector_load %arg6[%get3A_198, %get3A_199] {strides = array<i32>} : memref<400x128xf32, #tpu.memory_space<vmem>>, vector<16xf32>,
          %add3A_201 = arith.constant 8 : i32
          %add3A_202 = arith.addi %mul3A_52, %add3A_201 : i32
          %get3A_203 = arith.index_cast %add3A_202 : i32 to index
          %get3A_204 = arith.constant 16 : index
          %get3A_205 = tpu.vector_load %arg6[%get3A_203, %get3A_204] {strides = array<i32>} : memref<400x128xf32, #tpu.memory_space<vmem>>, vector<16xf32>,
          %add3A_206 = arith.constant 9 : i32
          %add3A_207 = arith.addi %mul3A_52, %add3A_206 : i32
          %get3A_208 = arith.index_cast %add3A_207 : i32 to index
          %get3A_209 = arith.constant 16 : index
          %get3A_210 = tpu.vector_load %arg6[%get3A_208, %get3A_209] {strides = array<i32>} : memref<400x128xf32, #tpu.memory_space<vmem>>, vector<16xf32>,
          %add3A_211 = arith.constant 10 : i32
          %add3A_212 = arith.addi %mul3A_52, %add3A_211 : i32
          %get3A_213 = arith.index_cast %add3A_212 : i32 to index
          %get3A_214 = arith.constant 16 : index
          %get3A_215 = tpu.vector_load %arg6[%get3A_213, %get3A_214] {strides = array<i32>} : memref<400x128xf32, #tpu.memory_space<vmem>>, vector<16xf32>,
          %add3A_216 = arith.constant 11 : i32
          %add3A_217 = arith.addi %mul3A_52, %add3A_216 : i32
          %get3A_218 = arith.index_cast %add3A_217 : i32 to index
          %get3A_219 = arith.constant 16 : index
          %get3A_220 = tpu.vector_load %arg6[%get3A_218, %get3A_219] {strides = array<i32>} : memref<400x128xf32, #tpu.memory_space<vmem>>, vector<16xf32>,
          %add3A_221 = arith.constant 12 : i32
          %add3A_222 = arith.addi %mul3A_52, %add3A_221 : i32
          %get3A_223 = arith.index_cast %add3A_222 : i32 to index
          %get3A_224 = arith.constant 16 : index
          %get3A_225 = tpu.vector_load %arg6[%get3A_223, %get3A_224] {strides = array<i32>} : memref<400x128xf32, #tpu.memory_space<vmem>>, vector<16xf32>,
          %add3A_226 = arith.constant 13 : i32
          %add3A_227 = arith.addi %mul3A_52, %add3A_226 : i32
          %get3A_228 = arith.index_cast %add3A_227 : i32 to index
          %get3A_229 = arith.constant 16 : index
          %get3A_230 = tpu.vector_load %arg6[%get3A_228, %get3A_229] {strides = array<i32>} : memref<400x128xf32, #tpu.memory_space<vmem>>, vector<16xf32>,
          %add3A_231 = arith.constant 14 : i32
          %add3A_232 = arith.addi %mul3A_52, %add3A_231 : i32
          %get3A_233 = arith.index_cast %add3A_232 : i32 to index
          %get3A_234 = arith.constant 16 : index
          %get3A_235 = tpu.vector_load %arg6[%get3A_233, %get3A_234] {strides = array<i32>} : memref<400x128xf32, #tpu.memory_space<vmem>>, vector<16xf32>,
          %add3A_236 = arith.constant 15 : i32
          %add3A_237 = arith.addi %mul3A_52, %add3A_236 : i32
          %get3A_238 = arith.index_cast %add3A_237 : i32 to index
          %get3A_239 = arith.constant 16 : index
          %get3A_240 = tpu.vector_load %arg6[%get3A_238, %get3A_239] {strides = array<i32>} : memref<400x128xf32, #tpu.memory_space<vmem>>, vector<16xf32>,
          %add3A_241 = arith.addf %get3A_165, %get3A_170 : vector<16xf32>
          %add3A_242 = arith.addf %get3A_175, %get3A_180 : vector<16xf32>
          %add3A_243 = arith.addf %get3A_185, %get3A_190 : vector<16xf32>
          %add3A_244 = arith.addf %get3A_195, %get3A_200 : vector<16xf32>
          %add3A_245 = arith.addf %get3A_205, %get3A_210 : vector<16xf32>
          %add3A_246 = arith.addf %get3A_215, %get3A_220 : vector<16xf32>
          %add3A_247 = arith.addf %get3A_225, %get3A_230 : vector<16xf32>
          %add3A_248 = arith.addf %get3A_235, %get3A_240 : vector<16xf32>
          %add3A_249 = arith.addf %add3A_241, %add3A_242 : vector<16xf32>
          %add3A_250 = arith.addf %add3A_243, %add3A_244 : vector<16xf32>
          %add3A_251 = arith.addf %add3A_245, %add3A_246 : vector<16xf32>
          %add3A_252 = arith.addf %add3A_247, %add3A_248 : vector<16xf32>
          %add3A_253 = arith.addf %add3A_249, %add3A_250 : vector<16xf32>
          %add3A_254 = arith.addf %add3A_251, %add3A_252 : vector<16xf32>
          %add3A_255 = arith.addf %add3A_253, %add3A_254 : vector<16xf32>
          %add3A_256 = arith.constant 16 : i32
          %add3A_257 = arith.addi %mul3A_61, %add3A_256 : i32
          %add3A_258 = vector.broadcast %add3A_257 : i32 to vector<16xi32>
          %add3A_259 = arith.addi %iota3A, %add3A_258 : vector<16xi32>
          tpu.vector_store_idx %arg8[%add3A_259], %add3A_255 {add = true} : memref<12800xf32, #tpu.memory_space<vmem>>[vector<16xi32>], vector<16xf32>,
          %add3A_260 = arith.constant 0 : i32
          %add3A_261 = arith.addi %mul3A_52, %add3A_260 : i32
          %get3A_262 = arith.index_cast %add3A_261 : i32 to index
          %get3A_263 = arith.constant 32 : index
          %get3A_264 = tpu.vector_load %arg6[%get3A_262, %get3A_263] {strides = array<i32>} : memref<400x128xf32, #tpu.memory_space<vmem>>, vector<16xf32>,
          %add3A_265 = arith.constant 1 : i32
          %add3A_266 = arith.addi %mul3A_52, %add3A_265 : i32
          %get3A_267 = arith.index_cast %add3A_266 : i32 to index
          %get3A_268 = arith.constant 32 : index
          %get3A_269 = tpu.vector_load %arg6[%get3A_267, %get3A_268] {strides = array<i32>} : memref<400x128xf32, #tpu.memory_space<vmem>>, vector<16xf32>,
          %add3A_270 = arith.constant 2 : i32
          %add3A_271 = arith.addi %mul3A_52, %add3A_270 : i32
          %get3A_272 = arith.index_cast %add3A_271 : i32 to index
          %get3A_273 = arith.constant 32 : index
          %get3A_274 = tpu.vector_load %arg6[%get3A_272, %get3A_273] {strides = array<i32>} : memref<400x128xf32, #tpu.memory_space<vmem>>, vector<16xf32>,
          %add3A_275 = arith.constant 3 : i32
          %add3A_276 = arith.addi %mul3A_52, %add3A_275 : i32
          %get3A_277 = arith.index_cast %add3A_276 : i32 to index
          %get3A_278 = arith.constant 32 : index
          %get3A_279 = tpu.vector_load %arg6[%get3A_277, %get3A_278] {strides = array<i32>} : memref<400x128xf32, #tpu.memory_space<vmem>>, vector<16xf32>,
          %add3A_280 = arith.constant 4 : i32
          %add3A_281 = arith.addi %mul3A_52, %add3A_280 : i32
          %get3A_282 = arith.index_cast %add3A_281 : i32 to index
          %get3A_283 = arith.constant 32 : index
          %get3A_284 = tpu.vector_load %arg6[%get3A_282, %get3A_283] {strides = array<i32>} : memref<400x128xf32, #tpu.memory_space<vmem>>, vector<16xf32>,
          %add3A_285 = arith.constant 5 : i32
          %add3A_286 = arith.addi %mul3A_52, %add3A_285 : i32
          %get3A_287 = arith.index_cast %add3A_286 : i32 to index
          %get3A_288 = arith.constant 32 : index
          %get3A_289 = tpu.vector_load %arg6[%get3A_287, %get3A_288] {strides = array<i32>} : memref<400x128xf32, #tpu.memory_space<vmem>>, vector<16xf32>,
          %add3A_290 = arith.constant 6 : i32
          %add3A_291 = arith.addi %mul3A_52, %add3A_290 : i32
          %get3A_292 = arith.index_cast %add3A_291 : i32 to index
          %get3A_293 = arith.constant 32 : index
          %get3A_294 = tpu.vector_load %arg6[%get3A_292, %get3A_293] {strides = array<i32>} : memref<400x128xf32, #tpu.memory_space<vmem>>, vector<16xf32>,
          %add3A_295 = arith.constant 7 : i32
          %add3A_296 = arith.addi %mul3A_52, %add3A_295 : i32
          %get3A_297 = arith.index_cast %add3A_296 : i32 to index
          %get3A_298 = arith.constant 32 : index
          %get3A_299 = tpu.vector_load %arg6[%get3A_297, %get3A_298] {strides = array<i32>} : memref<400x128xf32, #tpu.memory_space<vmem>>, vector<16xf32>,
          %add3A_300 = arith.constant 8 : i32
          %add3A_301 = arith.addi %mul3A_52, %add3A_300 : i32
          %get3A_302 = arith.index_cast %add3A_301 : i32 to index
          %get3A_303 = arith.constant 32 : index
          %get3A_304 = tpu.vector_load %arg6[%get3A_302, %get3A_303] {strides = array<i32>} : memref<400x128xf32, #tpu.memory_space<vmem>>, vector<16xf32>,
          %add3A_305 = arith.constant 9 : i32
          %add3A_306 = arith.addi %mul3A_52, %add3A_305 : i32
          %get3A_307 = arith.index_cast %add3A_306 : i32 to index
          %get3A_308 = arith.constant 32 : index
          %get3A_309 = tpu.vector_load %arg6[%get3A_307, %get3A_308] {strides = array<i32>} : memref<400x128xf32, #tpu.memory_space<vmem>>, vector<16xf32>,
          %add3A_310 = arith.constant 10 : i32
          %add3A_311 = arith.addi %mul3A_52, %add3A_310 : i32
          %get3A_312 = arith.index_cast %add3A_311 : i32 to index
          %get3A_313 = arith.constant 32 : index
          %get3A_314 = tpu.vector_load %arg6[%get3A_312, %get3A_313] {strides = array<i32>} : memref<400x128xf32, #tpu.memory_space<vmem>>, vector<16xf32>,
          %add3A_315 = arith.constant 11 : i32
          %add3A_316 = arith.addi %mul3A_52, %add3A_315 : i32
          %get3A_317 = arith.index_cast %add3A_316 : i32 to index
          %get3A_318 = arith.constant 32 : index
          %get3A_319 = tpu.vector_load %arg6[%get3A_317, %get3A_318] {strides = array<i32>} : memref<400x128xf32, #tpu.memory_space<vmem>>, vector<16xf32>,
          %add3A_320 = arith.constant 12 : i32
          %add3A_321 = arith.addi %mul3A_52, %add3A_320 : i32
          %get3A_322 = arith.index_cast %add3A_321 : i32 to index
          %get3A_323 = arith.constant 32 : index
          %get3A_324 = tpu.vector_load %arg6[%get3A_322, %get3A_323] {strides = array<i32>} : memref<400x128xf32, #tpu.memory_space<vmem>>, vector<16xf32>,
          %add3A_325 = arith.constant 13 : i32
          %add3A_326 = arith.addi %mul3A_52, %add3A_325 : i32
          %get3A_327 = arith.index_cast %add3A_326 : i32 to index
          %get3A_328 = arith.constant 32 : index
          %get3A_329 = tpu.vector_load %arg6[%get3A_327, %get3A_328] {strides = array<i32>} : memref<400x128xf32, #tpu.memory_space<vmem>>, vector<16xf32>,
          %add3A_330 = arith.constant 14 : i32
          %add3A_331 = arith.addi %mul3A_52, %add3A_330 : i32
          %get3A_332 = arith.index_cast %add3A_331 : i32 to index
          %get3A_333 = arith.constant 32 : index
          %get3A_334 = tpu.vector_load %arg6[%get3A_332, %get3A_333] {strides = array<i32>} : memref<400x128xf32, #tpu.memory_space<vmem>>, vector<16xf32>,
          %add3A_335 = arith.constant 15 : i32
          %add3A_336 = arith.addi %mul3A_52, %add3A_335 : i32
          %get3A_337 = arith.index_cast %add3A_336 : i32 to index
          %get3A_338 = arith.constant 32 : index
          %get3A_339 = tpu.vector_load %arg6[%get3A_337, %get3A_338] {strides = array<i32>} : memref<400x128xf32, #tpu.memory_space<vmem>>, vector<16xf32>,
          %add3A_340 = arith.addf %get3A_264, %get3A_269 : vector<16xf32>
          %add3A_341 = arith.addf %get3A_274, %get3A_279 : vector<16xf32>
          %add3A_342 = arith.addf %get3A_284, %get3A_289 : vector<16xf32>
          %add3A_343 = arith.addf %get3A_294, %get3A_299 : vector<16xf32>
          %add3A_344 = arith.addf %get3A_304, %get3A_309 : vector<16xf32>
          %add3A_345 = arith.addf %get3A_314, %get3A_319 : vector<16xf32>
          %add3A_346 = arith.addf %get3A_324, %get3A_329 : vector<16xf32>
          %add3A_347 = arith.addf %get3A_334, %get3A_339 : vector<16xf32>
          %add3A_348 = arith.addf %add3A_340, %add3A_341 : vector<16xf32>
          %add3A_349 = arith.addf %add3A_342, %add3A_343 : vector<16xf32>
          %add3A_350 = arith.addf %add3A_344, %add3A_345 : vector<16xf32>
          %add3A_351 = arith.addf %add3A_346, %add3A_347 : vector<16xf32>
          %add3A_352 = arith.addf %add3A_348, %add3A_349 : vector<16xf32>
          %add3A_353 = arith.addf %add3A_350, %add3A_351 : vector<16xf32>
          %add3A_354 = arith.addf %add3A_352, %add3A_353 : vector<16xf32>
          %add3A_355 = arith.constant 32 : i32
          %add3A_356 = arith.addi %mul3A_61, %add3A_355 : i32
          %add3A_357 = vector.broadcast %add3A_356 : i32 to vector<16xi32>
          %add3A_358 = arith.addi %iota3A, %add3A_357 : vector<16xi32>
          tpu.vector_store_idx %arg8[%add3A_358], %add3A_354 {add = true} : memref<12800xf32, #tpu.memory_space<vmem>>[vector<16xi32>], vector<16xf32>,
          %add3A_359 = arith.constant 0 : i32
          %add3A_360 = arith.addi %mul3A_52, %add3A_359 : i32
          %get3A_361 = arith.index_cast %add3A_360 : i32 to index
          %get3A_362 = arith.constant 48 : index
          %get3A_363 = tpu.vector_load %arg6[%get3A_361, %get3A_362] {strides = array<i32>} : memref<400x128xf32, #tpu.memory_space<vmem>>, vector<16xf32>,
          %add3A_364 = arith.constant 1 : i32
          %add3A_365 = arith.addi %mul3A_52, %add3A_364 : i32
          %get3A_366 = arith.index_cast %add3A_365 : i32 to index
          %get3A_367 = arith.constant 48 : index
          %get3A_368 = tpu.vector_load %arg6[%get3A_366, %get3A_367] {strides = array<i32>} : memref<400x128xf32, #tpu.memory_space<vmem>>, vector<16xf32>,
          %add3A_369 = arith.constant 2 : i32
          %add3A_370 = arith.addi %mul3A_52, %add3A_369 : i32
          %get3A_371 = arith.index_cast %add3A_370 : i32 to index
          %get3A_372 = arith.constant 48 : index
          %get3A_373 = tpu.vector_load %arg6[%get3A_371, %get3A_372] {strides = array<i32>} : memref<400x128xf32, #tpu.memory_space<vmem>>, vector<16xf32>,
          %add3A_374 = arith.constant 3 : i32
          %add3A_375 = arith.addi %mul3A_52, %add3A_374 : i32
          %get3A_376 = arith.index_cast %add3A_375 : i32 to index
          %get3A_377 = arith.constant 48 : index
          %get3A_378 = tpu.vector_load %arg6[%get3A_376, %get3A_377] {strides = array<i32>} : memref<400x128xf32, #tpu.memory_space<vmem>>, vector<16xf32>,
          %add3A_379 = arith.constant 4 : i32
          %add3A_380 = arith.addi %mul3A_52, %add3A_379 : i32
          %get3A_381 = arith.index_cast %add3A_380 : i32 to index
          %get3A_382 = arith.constant 48 : index
          %get3A_383 = tpu.vector_load %arg6[%get3A_381, %get3A_382] {strides = array<i32>} : memref<400x128xf32, #tpu.memory_space<vmem>>, vector<16xf32>,
          %add3A_384 = arith.constant 5 : i32
          %add3A_385 = arith.addi %mul3A_52, %add3A_384 : i32
          %get3A_386 = arith.index_cast %add3A_385 : i32 to index
          %get3A_387 = arith.constant 48 : index
          %get3A_388 = tpu.vector_load %arg6[%get3A_386, %get3A_387] {strides = array<i32>} : memref<400x128xf32, #tpu.memory_space<vmem>>, vector<16xf32>,
          %add3A_389 = arith.constant 6 : i32
          %add3A_390 = arith.addi %mul3A_52, %add3A_389 : i32
          %get3A_391 = arith.index_cast %add3A_390 : i32 to index
          %get3A_392 = arith.constant 48 : index
          %get3A_393 = tpu.vector_load %arg6[%get3A_391, %get3A_392] {strides = array<i32>} : memref<400x128xf32, #tpu.memory_space<vmem>>, vector<16xf32>,
          %add3A_394 = arith.constant 7 : i32
          %add3A_395 = arith.addi %mul3A_52, %add3A_394 : i32
          %get3A_396 = arith.index_cast %add3A_395 : i32 to index
          %get3A_397 = arith.constant 48 : index
          %get3A_398 = tpu.vector_load %arg6[%get3A_396, %get3A_397] {strides = array<i32>} : memref<400x128xf32, #tpu.memory_space<vmem>>, vector<16xf32>,
          %add3A_399 = arith.constant 8 : i32
          %add3A_400 = arith.addi %mul3A_52, %add3A_399 : i32
          %get3A_401 = arith.index_cast %add3A_400 : i32 to index
          %get3A_402 = arith.constant 48 : index
          %get3A_403 = tpu.vector_load %arg6[%get3A_401, %get3A_402] {strides = array<i32>} : memref<400x128xf32, #tpu.memory_space<vmem>>, vector<16xf32>,
          %add3A_404 = arith.constant 9 : i32
          %add3A_405 = arith.addi %mul3A_52, %add3A_404 : i32
          %get3A_406 = arith.index_cast %add3A_405 : i32 to index
          %get3A_407 = arith.constant 48 : index
          %get3A_408 = tpu.vector_load %arg6[%get3A_406, %get3A_407] {strides = array<i32>} : memref<400x128xf32, #tpu.memory_space<vmem>>, vector<16xf32>,
          %add3A_409 = arith.constant 10 : i32
          %add3A_410 = arith.addi %mul3A_52, %add3A_409 : i32
          %get3A_411 = arith.index_cast %add3A_410 : i32 to index
          %get3A_412 = arith.constant 48 : index
          %get3A_413 = tpu.vector_load %arg6[%get3A_411, %get3A_412] {strides = array<i32>} : memref<400x128xf32, #tpu.memory_space<vmem>>, vector<16xf32>,
          %add3A_414 = arith.constant 11 : i32
          %add3A_415 = arith.addi %mul3A_52, %add3A_414 : i32
          %get3A_416 = arith.index_cast %add3A_415 : i32 to index
          %get3A_417 = arith.constant 48 : index
          %get3A_418 = tpu.vector_load %arg6[%get3A_416, %get3A_417] {strides = array<i32>} : memref<400x128xf32, #tpu.memory_space<vmem>>, vector<16xf32>,
          %add3A_419 = arith.constant 12 : i32
          %add3A_420 = arith.addi %mul3A_52, %add3A_419 : i32
          %get3A_421 = arith.index_cast %add3A_420 : i32 to index
          %get3A_422 = arith.constant 48 : index
          %get3A_423 = tpu.vector_load %arg6[%get3A_421, %get3A_422] {strides = array<i32>} : memref<400x128xf32, #tpu.memory_space<vmem>>, vector<16xf32>,
          %add3A_424 = arith.constant 13 : i32
          %add3A_425 = arith.addi %mul3A_52, %add3A_424 : i32
          %get3A_426 = arith.index_cast %add3A_425 : i32 to index
          %get3A_427 = arith.constant 48 : index
          %get3A_428 = tpu.vector_load %arg6[%get3A_426, %get3A_427] {strides = array<i32>} : memref<400x128xf32, #tpu.memory_space<vmem>>, vector<16xf32>,
          %add3A_429 = arith.constant 14 : i32
          %add3A_430 = arith.addi %mul3A_52, %add3A_429 : i32
          %get3A_431 = arith.index_cast %add3A_430 : i32 to index
          %get3A_432 = arith.constant 48 : index
          %get3A_433 = tpu.vector_load %arg6[%get3A_431, %get3A_432] {strides = array<i32>} : memref<400x128xf32, #tpu.memory_space<vmem>>, vector<16xf32>,
          %add3A_434 = arith.constant 15 : i32
          %add3A_435 = arith.addi %mul3A_52, %add3A_434 : i32
          %get3A_436 = arith.index_cast %add3A_435 : i32 to index
          %get3A_437 = arith.constant 48 : index
          %get3A_438 = tpu.vector_load %arg6[%get3A_436, %get3A_437] {strides = array<i32>} : memref<400x128xf32, #tpu.memory_space<vmem>>, vector<16xf32>,
          %add3A_439 = arith.addf %get3A_363, %get3A_368 : vector<16xf32>
          %add3A_440 = arith.addf %get3A_373, %get3A_378 : vector<16xf32>
          %add3A_441 = arith.addf %get3A_383, %get3A_388 : vector<16xf32>
          %add3A_442 = arith.addf %get3A_393, %get3A_398 : vector<16xf32>
          %add3A_443 = arith.addf %get3A_403, %get3A_408 : vector<16xf32>
          %add3A_444 = arith.addf %get3A_413, %get3A_418 : vector<16xf32>
          %add3A_445 = arith.addf %get3A_423, %get3A_428 : vector<16xf32>
          %add3A_446 = arith.addf %get3A_433, %get3A_438 : vector<16xf32>
          %add3A_447 = arith.addf %add3A_439, %add3A_440 : vector<16xf32>
          %add3A_448 = arith.addf %add3A_441, %add3A_442 : vector<16xf32>
          %add3A_449 = arith.addf %add3A_443, %add3A_444 : vector<16xf32>
          %add3A_450 = arith.addf %add3A_445, %add3A_446 : vector<16xf32>
          %add3A_451 = arith.addf %add3A_447, %add3A_448 : vector<16xf32>
          %add3A_452 = arith.addf %add3A_449, %add3A_450 : vector<16xf32>
          %add3A_453 = arith.addf %add3A_451, %add3A_452 : vector<16xf32>
          %add3A_454 = arith.constant 48 : i32
          %add3A_455 = arith.addi %mul3A_61, %add3A_454 : i32
          %add3A_456 = vector.broadcast %add3A_455 : i32 to vector<16xi32>
          %add3A_457 = arith.addi %iota3A, %add3A_456 : vector<16xi32>
          tpu.vector_store_idx %arg8[%add3A_457], %add3A_453 {add = true} : memref<12800xf32, #tpu.memory_space<vmem>>[vector<16xi32>], vector<16xf32>,
          %add3A_458 = arith.constant 0 : i32
          %add3A_459 = arith.addi %mul3A_52, %add3A_458 : i32
          %get3A_460 = arith.index_cast %add3A_459 : i32 to index
          %get3A_461 = arith.constant 64 : index
          %get3A_462 = tpu.vector_load %arg6[%get3A_460, %get3A_461] {strides = array<i32>} : memref<400x128xf32, #tpu.memory_space<vmem>>, vector<16xf32>,
          %add3A_463 = arith.constant 1 : i32
          %add3A_464 = arith.addi %mul3A_52, %add3A_463 : i32
          %get3A_465 = arith.index_cast %add3A_464 : i32 to index
          %get3A_466 = arith.constant 64 : index
          %get3A_467 = tpu.vector_load %arg6[%get3A_465, %get3A_466] {strides = array<i32>} : memref<400x128xf32, #tpu.memory_space<vmem>>, vector<16xf32>,
          %add3A_468 = arith.constant 2 : i32
          %add3A_469 = arith.addi %mul3A_52, %add3A_468 : i32
          %get3A_470 = arith.index_cast %add3A_469 : i32 to index
          %get3A_471 = arith.constant 64 : index
          %get3A_472 = tpu.vector_load %arg6[%get3A_470, %get3A_471] {strides = array<i32>} : memref<400x128xf32, #tpu.memory_space<vmem>>, vector<16xf32>,
          %add3A_473 = arith.constant 3 : i32
          %add3A_474 = arith.addi %mul3A_52, %add3A_473 : i32
          %get3A_475 = arith.index_cast %add3A_474 : i32 to index
          %get3A_476 = arith.constant 64 : index
          %get3A_477 = tpu.vector_load %arg6[%get3A_475, %get3A_476] {strides = array<i32>} : memref<400x128xf32, #tpu.memory_space<vmem>>, vector<16xf32>,
          %add3A_478 = arith.constant 4 : i32
          %add3A_479 = arith.addi %mul3A_52, %add3A_478 : i32
          %get3A_480 = arith.index_cast %add3A_479 : i32 to index
          %get3A_481 = arith.constant 64 : index
          %get3A_482 = tpu.vector_load %arg6[%get3A_480, %get3A_481] {strides = array<i32>} : memref<400x128xf32, #tpu.memory_space<vmem>>, vector<16xf32>,
          %add3A_483 = arith.constant 5 : i32
          %add3A_484 = arith.addi %mul3A_52, %add3A_483 : i32
          %get3A_485 = arith.index_cast %add3A_484 : i32 to index
          %get3A_486 = arith.constant 64 : index
          %get3A_487 = tpu.vector_load %arg6[%get3A_485, %get3A_486] {strides = array<i32>} : memref<400x128xf32, #tpu.memory_space<vmem>>, vector<16xf32>,
          %add3A_488 = arith.constant 6 : i32
          %add3A_489 = arith.addi %mul3A_52, %add3A_488 : i32
          %get3A_490 = arith.index_cast %add3A_489 : i32 to index
          %get3A_491 = arith.constant 64 : index
          %get3A_492 = tpu.vector_load %arg6[%get3A_490, %get3A_491] {strides = array<i32>} : memref<400x128xf32, #tpu.memory_space<vmem>>, vector<16xf32>,
          %add3A_493 = arith.constant 7 : i32
          %add3A_494 = arith.addi %mul3A_52, %add3A_493 : i32
          %get3A_495 = arith.index_cast %add3A_494 : i32 to index
          %get3A_496 = arith.constant 64 : index
          %get3A_497 = tpu.vector_load %arg6[%get3A_495, %get3A_496] {strides = array<i32>} : memref<400x128xf32, #tpu.memory_space<vmem>>, vector<16xf32>,
          %add3A_498 = arith.constant 8 : i32
          %add3A_499 = arith.addi %mul3A_52, %add3A_498 : i32
          %get3A_500 = arith.index_cast %add3A_499 : i32 to index
          %get3A_501 = arith.constant 64 : index
          %get3A_502 = tpu.vector_load %arg6[%get3A_500, %get3A_501] {strides = array<i32>} : memref<400x128xf32, #tpu.memory_space<vmem>>, vector<16xf32>,
          %add3A_503 = arith.constant 9 : i32
          %add3A_504 = arith.addi %mul3A_52, %add3A_503 : i32
          %get3A_505 = arith.index_cast %add3A_504 : i32 to index
          %get3A_506 = arith.constant 64 : index
          %get3A_507 = tpu.vector_load %arg6[%get3A_505, %get3A_506] {strides = array<i32>} : memref<400x128xf32, #tpu.memory_space<vmem>>, vector<16xf32>,
          %add3A_508 = arith.constant 10 : i32
          %add3A_509 = arith.addi %mul3A_52, %add3A_508 : i32
          %get3A_510 = arith.index_cast %add3A_509 : i32 to index
          %get3A_511 = arith.constant 64 : index
          %get3A_512 = tpu.vector_load %arg6[%get3A_510, %get3A_511] {strides = array<i32>} : memref<400x128xf32, #tpu.memory_space<vmem>>, vector<16xf32>,
          %add3A_513 = arith.constant 11 : i32
          %add3A_514 = arith.addi %mul3A_52, %add3A_513 : i32
          %get3A_515 = arith.index_cast %add3A_514 : i32 to index
          %get3A_516 = arith.constant 64 : index
          %get3A_517 = tpu.vector_load %arg6[%get3A_515, %get3A_516] {strides = array<i32>} : memref<400x128xf32, #tpu.memory_space<vmem>>, vector<16xf32>,
          %add3A_518 = arith.constant 12 : i32
          %add3A_519 = arith.addi %mul3A_52, %add3A_518 : i32
          %get3A_520 = arith.index_cast %add3A_519 : i32 to index
          %get3A_521 = arith.constant 64 : index
          %get3A_522 = tpu.vector_load %arg6[%get3A_520, %get3A_521] {strides = array<i32>} : memref<400x128xf32, #tpu.memory_space<vmem>>, vector<16xf32>,
          %add3A_523 = arith.constant 13 : i32
          %add3A_524 = arith.addi %mul3A_52, %add3A_523 : i32
          %get3A_525 = arith.index_cast %add3A_524 : i32 to index
          %get3A_526 = arith.constant 64 : index
          %get3A_527 = tpu.vector_load %arg6[%get3A_525, %get3A_526] {strides = array<i32>} : memref<400x128xf32, #tpu.memory_space<vmem>>, vector<16xf32>,
          %add3A_528 = arith.constant 14 : i32
          %add3A_529 = arith.addi %mul3A_52, %add3A_528 : i32
          %get3A_530 = arith.index_cast %add3A_529 : i32 to index
          %get3A_531 = arith.constant 64 : index
          %get3A_532 = tpu.vector_load %arg6[%get3A_530, %get3A_531] {strides = array<i32>} : memref<400x128xf32, #tpu.memory_space<vmem>>, vector<16xf32>,
          %add3A_533 = arith.constant 15 : i32
          %add3A_534 = arith.addi %mul3A_52, %add3A_533 : i32
          %get3A_535 = arith.index_cast %add3A_534 : i32 to index
          %get3A_536 = arith.constant 64 : index
          %get3A_537 = tpu.vector_load %arg6[%get3A_535, %get3A_536] {strides = array<i32>} : memref<400x128xf32, #tpu.memory_space<vmem>>, vector<16xf32>,
          %add3A_538 = arith.addf %get3A_462, %get3A_467 : vector<16xf32>
          %add3A_539 = arith.addf %get3A_472, %get3A_477 : vector<16xf32>
          %add3A_540 = arith.addf %get3A_482, %get3A_487 : vector<16xf32>
          %add3A_541 = arith.addf %get3A_492, %get3A_497 : vector<16xf32>
          %add3A_542 = arith.addf %get3A_502, %get3A_507 : vector<16xf32>
          %add3A_543 = arith.addf %get3A_512, %get3A_517 : vector<16xf32>
          %add3A_544 = arith.addf %get3A_522, %get3A_527 : vector<16xf32>
          %add3A_545 = arith.addf %get3A_532, %get3A_537 : vector<16xf32>
          %add3A_546 = arith.addf %add3A_538, %add3A_539 : vector<16xf32>
          %add3A_547 = arith.addf %add3A_540, %add3A_541 : vector<16xf32>
          %add3A_548 = arith.addf %add3A_542, %add3A_543 : vector<16xf32>
          %add3A_549 = arith.addf %add3A_544, %add3A_545 : vector<16xf32>
          %add3A_550 = arith.addf %add3A_546, %add3A_547 : vector<16xf32>
          %add3A_551 = arith.addf %add3A_548, %add3A_549 : vector<16xf32>
          %add3A_552 = arith.addf %add3A_550, %add3A_551 : vector<16xf32>
          %add3A_553 = arith.constant 64 : i32
          %add3A_554 = arith.addi %mul3A_61, %add3A_553 : i32
          %add3A_555 = vector.broadcast %add3A_554 : i32 to vector<16xi32>
          %add3A_556 = arith.addi %iota3A, %add3A_555 : vector<16xi32>
          tpu.vector_store_idx %arg8[%add3A_556], %add3A_552 {add = true} : memref<12800xf32, #tpu.memory_space<vmem>>[vector<16xi32>], vector<16xf32>,
          %add3A_557 = arith.constant 0 : i32
          %add3A_558 = arith.addi %mul3A_52, %add3A_557 : i32
          %get3A_559 = arith.index_cast %add3A_558 : i32 to index
          %get3A_560 = arith.constant 80 : index
          %get3A_561 = tpu.vector_load %arg6[%get3A_559, %get3A_560] {strides = array<i32>} : memref<400x128xf32, #tpu.memory_space<vmem>>, vector<16xf32>,
          %add3A_562 = arith.constant 1 : i32
          %add3A_563 = arith.addi %mul3A_52, %add3A_562 : i32
          %get3A_564 = arith.index_cast %add3A_563 : i32 to index
          %get3A_565 = arith.constant 80 : index
          %get3A_566 = tpu.vector_load %arg6[%get3A_564, %get3A_565] {strides = array<i32>} : memref<400x128xf32, #tpu.memory_space<vmem>>, vector<16xf32>,
          %add3A_567 = arith.constant 2 : i32
          %add3A_568 = arith.addi %mul3A_52, %add3A_567 : i32
          %get3A_569 = arith.index_cast %add3A_568 : i32 to index
          %get3A_570 = arith.constant 80 : index
          %get3A_571 = tpu.vector_load %arg6[%get3A_569, %get3A_570] {strides = array<i32>} : memref<400x128xf32, #tpu.memory_space<vmem>>, vector<16xf32>,
          %add3A_572 = arith.constant 3 : i32
          %add3A_573 = arith.addi %mul3A_52, %add3A_572 : i32
          %get3A_574 = arith.index_cast %add3A_573 : i32 to index
          %get3A_575 = arith.constant 80 : index
          %get3A_576 = tpu.vector_load %arg6[%get3A_574, %get3A_575] {strides = array<i32>} : memref<400x128xf32, #tpu.memory_space<vmem>>, vector<16xf32>,
          %add3A_577 = arith.constant 4 : i32
          %add3A_578 = arith.addi %mul3A_52, %add3A_577 : i32
          %get3A_579 = arith.index_cast %add3A_578 : i32 to index
          %get3A_580 = arith.constant 80 : index
          %get3A_581 = tpu.vector_load %arg6[%get3A_579, %get3A_580] {strides = array<i32>} : memref<400x128xf32, #tpu.memory_space<vmem>>, vector<16xf32>,
          %add3A_582 = arith.constant 5 : i32
          %add3A_583 = arith.addi %mul3A_52, %add3A_582 : i32
          %get3A_584 = arith.index_cast %add3A_583 : i32 to index
          %get3A_585 = arith.constant 80 : index
          %get3A_586 = tpu.vector_load %arg6[%get3A_584, %get3A_585] {strides = array<i32>} : memref<400x128xf32, #tpu.memory_space<vmem>>, vector<16xf32>,
          %add3A_587 = arith.constant 6 : i32
          %add3A_588 = arith.addi %mul3A_52, %add3A_587 : i32
          %get3A_589 = arith.index_cast %add3A_588 : i32 to index
          %get3A_590 = arith.constant 80 : index
          %get3A_591 = tpu.vector_load %arg6[%get3A_589, %get3A_590] {strides = array<i32>} : memref<400x128xf32, #tpu.memory_space<vmem>>, vector<16xf32>,
          %add3A_592 = arith.constant 7 : i32
          %add3A_593 = arith.addi %mul3A_52, %add3A_592 : i32
          %get3A_594 = arith.index_cast %add3A_593 : i32 to index
          %get3A_595 = arith.constant 80 : index
          %get3A_596 = tpu.vector_load %arg6[%get3A_594, %get3A_595] {strides = array<i32>} : memref<400x128xf32, #tpu.memory_space<vmem>>, vector<16xf32>,
          %add3A_597 = arith.constant 8 : i32
          %add3A_598 = arith.addi %mul3A_52, %add3A_597 : i32
          %get3A_599 = arith.index_cast %add3A_598 : i32 to index
          %get3A_600 = arith.constant 80 : index
          %get3A_601 = tpu.vector_load %arg6[%get3A_599, %get3A_600] {strides = array<i32>} : memref<400x128xf32, #tpu.memory_space<vmem>>, vector<16xf32>,
          %add3A_602 = arith.constant 9 : i32
          %add3A_603 = arith.addi %mul3A_52, %add3A_602 : i32
          %get3A_604 = arith.index_cast %add3A_603 : i32 to index
          %get3A_605 = arith.constant 80 : index
          %get3A_606 = tpu.vector_load %arg6[%get3A_604, %get3A_605] {strides = array<i32>} : memref<400x128xf32, #tpu.memory_space<vmem>>, vector<16xf32>,
          %add3A_607 = arith.constant 10 : i32
          %add3A_608 = arith.addi %mul3A_52, %add3A_607 : i32
          %get3A_609 = arith.index_cast %add3A_608 : i32 to index
          %get3A_610 = arith.constant 80 : index
          %get3A_611 = tpu.vector_load %arg6[%get3A_609, %get3A_610] {strides = array<i32>} : memref<400x128xf32, #tpu.memory_space<vmem>>, vector<16xf32>,
          %add3A_612 = arith.constant 11 : i32
          %add3A_613 = arith.addi %mul3A_52, %add3A_612 : i32
          %get3A_614 = arith.index_cast %add3A_613 : i32 to index
          %get3A_615 = arith.constant 80 : index
          %get3A_616 = tpu.vector_load %arg6[%get3A_614, %get3A_615] {strides = array<i32>} : memref<400x128xf32, #tpu.memory_space<vmem>>, vector<16xf32>,
          %add3A_617 = arith.constant 12 : i32
          %add3A_618 = arith.addi %mul3A_52, %add3A_617 : i32
          %get3A_619 = arith.index_cast %add3A_618 : i32 to index
          %get3A_620 = arith.constant 80 : index
          %get3A_621 = tpu.vector_load %arg6[%get3A_619, %get3A_620] {strides = array<i32>} : memref<400x128xf32, #tpu.memory_space<vmem>>, vector<16xf32>,
          %add3A_622 = arith.constant 13 : i32
          %add3A_623 = arith.addi %mul3A_52, %add3A_622 : i32
          %get3A_624 = arith.index_cast %add3A_623 : i32 to index
          %get3A_625 = arith.constant 80 : index
          %get3A_626 = tpu.vector_load %arg6[%get3A_624, %get3A_625] {strides = array<i32>} : memref<400x128xf32, #tpu.memory_space<vmem>>, vector<16xf32>,
          %add3A_627 = arith.constant 14 : i32
          %add3A_628 = arith.addi %mul3A_52, %add3A_627 : i32
          %get3A_629 = arith.index_cast %add3A_628 : i32 to index
          %get3A_630 = arith.constant 80 : index
          %get3A_631 = tpu.vector_load %arg6[%get3A_629, %get3A_630] {strides = array<i32>} : memref<400x128xf32, #tpu.memory_space<vmem>>, vector<16xf32>,
          %add3A_632 = arith.constant 15 : i32
          %add3A_633 = arith.addi %mul3A_52, %add3A_632 : i32
          %get3A_634 = arith.index_cast %add3A_633 : i32 to index
          %get3A_635 = arith.constant 80 : index
          %get3A_636 = tpu.vector_load %arg6[%get3A_634, %get3A_635] {strides = array<i32>} : memref<400x128xf32, #tpu.memory_space<vmem>>, vector<16xf32>,
          %add3A_637 = arith.addf %get3A_561, %get3A_566 : vector<16xf32>
          %add3A_638 = arith.addf %get3A_571, %get3A_576 : vector<16xf32>
          %add3A_639 = arith.addf %get3A_581, %get3A_586 : vector<16xf32>
          %add3A_640 = arith.addf %get3A_591, %get3A_596 : vector<16xf32>
          %add3A_641 = arith.addf %get3A_601, %get3A_606 : vector<16xf32>
          %add3A_642 = arith.addf %get3A_611, %get3A_616 : vector<16xf32>
          %add3A_643 = arith.addf %get3A_621, %get3A_626 : vector<16xf32>
          %add3A_644 = arith.addf %get3A_631, %get3A_636 : vector<16xf32>
          %add3A_645 = arith.addf %add3A_637, %add3A_638 : vector<16xf32>
          %add3A_646 = arith.addf %add3A_639, %add3A_640 : vector<16xf32>
          %add3A_647 = arith.addf %add3A_641, %add3A_642 : vector<16xf32>
          %add3A_648 = arith.addf %add3A_643, %add3A_644 : vector<16xf32>
          %add3A_649 = arith.addf %add3A_645, %add3A_646 : vector<16xf32>
          %add3A_650 = arith.addf %add3A_647, %add3A_648 : vector<16xf32>
          %add3A_651 = arith.addf %add3A_649, %add3A_650 : vector<16xf32>
          %add3A_652 = arith.constant 80 : i32
          %add3A_653 = arith.addi %mul3A_61, %add3A_652 : i32
          %add3A_654 = vector.broadcast %add3A_653 : i32 to vector<16xi32>
          %add3A_655 = arith.addi %iota3A, %add3A_654 : vector<16xi32>
          tpu.vector_store_idx %arg8[%add3A_655], %add3A_651 {add = true} : memref<12800xf32, #tpu.memory_space<vmem>>[vector<16xi32>], vector<16xf32>,
          %add3A_656 = arith.constant 0 : i32
          %add3A_657 = arith.addi %mul3A_52, %add3A_656 : i32
          %get3A_658 = arith.index_cast %add3A_657 : i32 to index
          %get3A_659 = arith.constant 96 : index
          %get3A_660 = tpu.vector_load %arg6[%get3A_658, %get3A_659] {strides = array<i32>} : memref<400x128xf32, #tpu.memory_space<vmem>>, vector<16xf32>,
          %add3A_661 = arith.constant 1 : i32
          %add3A_662 = arith.addi %mul3A_52, %add3A_661 : i32
          %get3A_663 = arith.index_cast %add3A_662 : i32 to index
          %get3A_664 = arith.constant 96 : index
          %get3A_665 = tpu.vector_load %arg6[%get3A_663, %get3A_664] {strides = array<i32>} : memref<400x128xf32, #tpu.memory_space<vmem>>, vector<16xf32>,
          %add3A_666 = arith.constant 2 : i32
          %add3A_667 = arith.addi %mul3A_52, %add3A_666 : i32
          %get3A_668 = arith.index_cast %add3A_667 : i32 to index
          %get3A_669 = arith.constant 96 : index
          %get3A_670 = tpu.vector_load %arg6[%get3A_668, %get3A_669] {strides = array<i32>} : memref<400x128xf32, #tpu.memory_space<vmem>>, vector<16xf32>,
          %add3A_671 = arith.constant 3 : i32
          %add3A_672 = arith.addi %mul3A_52, %add3A_671 : i32
          %get3A_673 = arith.index_cast %add3A_672 : i32 to index
          %get3A_674 = arith.constant 96 : index
          %get3A_675 = tpu.vector_load %arg6[%get3A_673, %get3A_674] {strides = array<i32>} : memref<400x128xf32, #tpu.memory_space<vmem>>, vector<16xf32>,
          %add3A_676 = arith.constant 4 : i32
          %add3A_677 = arith.addi %mul3A_52, %add3A_676 : i32
          %get3A_678 = arith.index_cast %add3A_677 : i32 to index
          %get3A_679 = arith.constant 96 : index
          %get3A_680 = tpu.vector_load %arg6[%get3A_678, %get3A_679] {strides = array<i32>} : memref<400x128xf32, #tpu.memory_space<vmem>>, vector<16xf32>,
          %add3A_681 = arith.constant 5 : i32
          %add3A_682 = arith.addi %mul3A_52, %add3A_681 : i32
          %get3A_683 = arith.index_cast %add3A_682 : i32 to index
          %get3A_684 = arith.constant 96 : index
          %get3A_685 = tpu.vector_load %arg6[%get3A_683, %get3A_684] {strides = array<i32>} : memref<400x128xf32, #tpu.memory_space<vmem>>, vector<16xf32>,
          %add3A_686 = arith.constant 6 : i32
          %add3A_687 = arith.addi %mul3A_52, %add3A_686 : i32
          %get3A_688 = arith.index_cast %add3A_687 : i32 to index
          %get3A_689 = arith.constant 96 : index
          %get3A_690 = tpu.vector_load %arg6[%get3A_688, %get3A_689] {strides = array<i32>} : memref<400x128xf32, #tpu.memory_space<vmem>>, vector<16xf32>,
          %add3A_691 = arith.constant 7 : i32
          %add3A_692 = arith.addi %mul3A_52, %add3A_691 : i32
          %get3A_693 = arith.index_cast %add3A_692 : i32 to index
          %get3A_694 = arith.constant 96 : index
          %get3A_695 = tpu.vector_load %arg6[%get3A_693, %get3A_694] {strides = array<i32>} : memref<400x128xf32, #tpu.memory_space<vmem>>, vector<16xf32>,
          %add3A_696 = arith.constant 8 : i32
          %add3A_697 = arith.addi %mul3A_52, %add3A_696 : i32
          %get3A_698 = arith.index_cast %add3A_697 : i32 to index
          %get3A_699 = arith.constant 96 : index
          %get3A_700 = tpu.vector_load %arg6[%get3A_698, %get3A_699] {strides = array<i32>} : memref<400x128xf32, #tpu.memory_space<vmem>>, vector<16xf32>,
          %add3A_701 = arith.constant 9 : i32
          %add3A_702 = arith.addi %mul3A_52, %add3A_701 : i32
          %get3A_703 = arith.index_cast %add3A_702 : i32 to index
          %get3A_704 = arith.constant 96 : index
          %get3A_705 = tpu.vector_load %arg6[%get3A_703, %get3A_704] {strides = array<i32>} : memref<400x128xf32, #tpu.memory_space<vmem>>, vector<16xf32>,
          %add3A_706 = arith.constant 10 : i32
          %add3A_707 = arith.addi %mul3A_52, %add3A_706 : i32
          %get3A_708 = arith.index_cast %add3A_707 : i32 to index
          %get3A_709 = arith.constant 96 : index
          %get3A_710 = tpu.vector_load %arg6[%get3A_708, %get3A_709] {strides = array<i32>} : memref<400x128xf32, #tpu.memory_space<vmem>>, vector<16xf32>,
          %add3A_711 = arith.constant 11 : i32
          %add3A_712 = arith.addi %mul3A_52, %add3A_711 : i32
          %get3A_713 = arith.index_cast %add3A_712 : i32 to index
          %get3A_714 = arith.constant 96 : index
          %get3A_715 = tpu.vector_load %arg6[%get3A_713, %get3A_714] {strides = array<i32>} : memref<400x128xf32, #tpu.memory_space<vmem>>, vector<16xf32>,
          %add3A_716 = arith.constant 12 : i32
          %add3A_717 = arith.addi %mul3A_52, %add3A_716 : i32
          %get3A_718 = arith.index_cast %add3A_717 : i32 to index
          %get3A_719 = arith.constant 96 : index
          %get3A_720 = tpu.vector_load %arg6[%get3A_718, %get3A_719] {strides = array<i32>} : memref<400x128xf32, #tpu.memory_space<vmem>>, vector<16xf32>,
          %add3A_721 = arith.constant 13 : i32
          %add3A_722 = arith.addi %mul3A_52, %add3A_721 : i32
          %get3A_723 = arith.index_cast %add3A_722 : i32 to index
          %get3A_724 = arith.constant 96 : index
          %get3A_725 = tpu.vector_load %arg6[%get3A_723, %get3A_724] {strides = array<i32>} : memref<400x128xf32, #tpu.memory_space<vmem>>, vector<16xf32>,
          %add3A_726 = arith.constant 14 : i32
          %add3A_727 = arith.addi %mul3A_52, %add3A_726 : i32
          %get3A_728 = arith.index_cast %add3A_727 : i32 to index
          %get3A_729 = arith.constant 96 : index
          %get3A_730 = tpu.vector_load %arg6[%get3A_728, %get3A_729] {strides = array<i32>} : memref<400x128xf32, #tpu.memory_space<vmem>>, vector<16xf32>,
          %add3A_731 = arith.constant 15 : i32
          %add3A_732 = arith.addi %mul3A_52, %add3A_731 : i32
          %get3A_733 = arith.index_cast %add3A_732 : i32 to index
          %get3A_734 = arith.constant 96 : index
          %get3A_735 = tpu.vector_load %arg6[%get3A_733, %get3A_734] {strides = array<i32>} : memref<400x128xf32, #tpu.memory_space<vmem>>, vector<16xf32>,
          %add3A_736 = arith.addf %get3A_660, %get3A_665 : vector<16xf32>
          %add3A_737 = arith.addf %get3A_670, %get3A_675 : vector<16xf32>
          %add3A_738 = arith.addf %get3A_680, %get3A_685 : vector<16xf32>
          %add3A_739 = arith.addf %get3A_690, %get3A_695 : vector<16xf32>
          %add3A_740 = arith.addf %get3A_700, %get3A_705 : vector<16xf32>
          %add3A_741 = arith.addf %get3A_710, %get3A_715 : vector<16xf32>
          %add3A_742 = arith.addf %get3A_720, %get3A_725 : vector<16xf32>
          %add3A_743 = arith.addf %get3A_730, %get3A_735 : vector<16xf32>
          %add3A_744 = arith.addf %add3A_736, %add3A_737 : vector<16xf32>
          %add3A_745 = arith.addf %add3A_738, %add3A_739 : vector<16xf32>
          %add3A_746 = arith.addf %add3A_740, %add3A_741 : vector<16xf32>
          %add3A_747 = arith.addf %add3A_742, %add3A_743 : vector<16xf32>
          %add3A_748 = arith.addf %add3A_744, %add3A_745 : vector<16xf32>
          %add3A_749 = arith.addf %add3A_746, %add3A_747 : vector<16xf32>
          %add3A_750 = arith.addf %add3A_748, %add3A_749 : vector<16xf32>
          %add3A_751 = arith.constant 96 : i32
          %add3A_752 = arith.addi %mul3A_61, %add3A_751 : i32
          %add3A_753 = vector.broadcast %add3A_752 : i32 to vector<16xi32>
          %add3A_754 = arith.addi %iota3A, %add3A_753 : vector<16xi32>
          tpu.vector_store_idx %arg8[%add3A_754], %add3A_750 {add = true} : memref<12800xf32, #tpu.memory_space<vmem>>[vector<16xi32>], vector<16xf32>,
          %add3A_755 = arith.constant 0 : i32
          %add3A_756 = arith.addi %mul3A_52, %add3A_755 : i32
          %get3A_757 = arith.index_cast %add3A_756 : i32 to index
          %get3A_758 = arith.constant 112 : index
          %get3A_759 = tpu.vector_load %arg6[%get3A_757, %get3A_758] {strides = array<i32>} : memref<400x128xf32, #tpu.memory_space<vmem>>, vector<16xf32>,
          %add3A_760 = arith.constant 1 : i32
          %add3A_761 = arith.addi %mul3A_52, %add3A_760 : i32
          %get3A_762 = arith.index_cast %add3A_761 : i32 to index
          %get3A_763 = arith.constant 112 : index
          %get3A_764 = tpu.vector_load %arg6[%get3A_762, %get3A_763] {strides = array<i32>} : memref<400x128xf32, #tpu.memory_space<vmem>>, vector<16xf32>,
          %add3A_765 = arith.constant 2 : i32
          %add3A_766 = arith.addi %mul3A_52, %add3A_765 : i32
          %get3A_767 = arith.index_cast %add3A_766 : i32 to index
          %get3A_768 = arith.constant 112 : index
          %get3A_769 = tpu.vector_load %arg6[%get3A_767, %get3A_768] {strides = array<i32>} : memref<400x128xf32, #tpu.memory_space<vmem>>, vector<16xf32>,
          %add3A_770 = arith.constant 3 : i32
          %add3A_771 = arith.addi %mul3A_52, %add3A_770 : i32
          %get3A_772 = arith.index_cast %add3A_771 : i32 to index
          %get3A_773 = arith.constant 112 : index
          %get3A_774 = tpu.vector_load %arg6[%get3A_772, %get3A_773] {strides = array<i32>} : memref<400x128xf32, #tpu.memory_space<vmem>>, vector<16xf32>,
          %add3A_775 = arith.constant 4 : i32
          %add3A_776 = arith.addi %mul3A_52, %add3A_775 : i32
          %get3A_777 = arith.index_cast %add3A_776 : i32 to index
          %get3A_778 = arith.constant 112 : index
          %get3A_779 = tpu.vector_load %arg6[%get3A_777, %get3A_778] {strides = array<i32>} : memref<400x128xf32, #tpu.memory_space<vmem>>, vector<16xf32>,
          %add3A_780 = arith.constant 5 : i32
          %add3A_781 = arith.addi %mul3A_52, %add3A_780 : i32
          %get3A_782 = arith.index_cast %add3A_781 : i32 to index
          %get3A_783 = arith.constant 112 : index
          %get3A_784 = tpu.vector_load %arg6[%get3A_782, %get3A_783] {strides = array<i32>} : memref<400x128xf32, #tpu.memory_space<vmem>>, vector<16xf32>,
          %add3A_785 = arith.constant 6 : i32
          %add3A_786 = arith.addi %mul3A_52, %add3A_785 : i32
          %get3A_787 = arith.index_cast %add3A_786 : i32 to index
          %get3A_788 = arith.constant 112 : index
          %get3A_789 = tpu.vector_load %arg6[%get3A_787, %get3A_788] {strides = array<i32>} : memref<400x128xf32, #tpu.memory_space<vmem>>, vector<16xf32>,
          %add3A_790 = arith.constant 7 : i32
          %add3A_791 = arith.addi %mul3A_52, %add3A_790 : i32
          %get3A_792 = arith.index_cast %add3A_791 : i32 to index
          %get3A_793 = arith.constant 112 : index
          %get3A_794 = tpu.vector_load %arg6[%get3A_792, %get3A_793] {strides = array<i32>} : memref<400x128xf32, #tpu.memory_space<vmem>>, vector<16xf32>,
          %add3A_795 = arith.constant 8 : i32
          %add3A_796 = arith.addi %mul3A_52, %add3A_795 : i32
          %get3A_797 = arith.index_cast %add3A_796 : i32 to index
          %get3A_798 = arith.constant 112 : index
          %get3A_799 = tpu.vector_load %arg6[%get3A_797, %get3A_798] {strides = array<i32>} : memref<400x128xf32, #tpu.memory_space<vmem>>, vector<16xf32>,
          %add3A_800 = arith.constant 9 : i32
          %add3A_801 = arith.addi %mul3A_52, %add3A_800 : i32
          %get3A_802 = arith.index_cast %add3A_801 : i32 to index
          %get3A_803 = arith.constant 112 : index
          %get3A_804 = tpu.vector_load %arg6[%get3A_802, %get3A_803] {strides = array<i32>} : memref<400x128xf32, #tpu.memory_space<vmem>>, vector<16xf32>,
          %add3A_805 = arith.constant 10 : i32
          %add3A_806 = arith.addi %mul3A_52, %add3A_805 : i32
          %get3A_807 = arith.index_cast %add3A_806 : i32 to index
          %get3A_808 = arith.constant 112 : index
          %get3A_809 = tpu.vector_load %arg6[%get3A_807, %get3A_808] {strides = array<i32>} : memref<400x128xf32, #tpu.memory_space<vmem>>, vector<16xf32>,
          %add3A_810 = arith.constant 11 : i32
          %add3A_811 = arith.addi %mul3A_52, %add3A_810 : i32
          %get3A_812 = arith.index_cast %add3A_811 : i32 to index
          %get3A_813 = arith.constant 112 : index
          %get3A_814 = tpu.vector_load %arg6[%get3A_812, %get3A_813] {strides = array<i32>} : memref<400x128xf32, #tpu.memory_space<vmem>>, vector<16xf32>,
          %add3A_815 = arith.constant 12 : i32
          %add3A_816 = arith.addi %mul3A_52, %add3A_815 : i32
          %get3A_817 = arith.index_cast %add3A_816 : i32 to index
          %get3A_818 = arith.constant 112 : index
          %get3A_819 = tpu.vector_load %arg6[%get3A_817, %get3A_818] {strides = array<i32>} : memref<400x128xf32, #tpu.memory_space<vmem>>, vector<16xf32>,
          %add3A_820 = arith.constant 13 : i32
          %add3A_821 = arith.addi %mul3A_52, %add3A_820 : i32
          %get3A_822 = arith.index_cast %add3A_821 : i32 to index
          %get3A_823 = arith.constant 112 : index
          %get3A_824 = tpu.vector_load %arg6[%get3A_822, %get3A_823] {strides = array<i32>} : memref<400x128xf32, #tpu.memory_space<vmem>>, vector<16xf32>,
          %add3A_825 = arith.constant 14 : i32
          %add3A_826 = arith.addi %mul3A_52, %add3A_825 : i32
          %get3A_827 = arith.index_cast %add3A_826 : i32 to index
          %get3A_828 = arith.constant 112 : index
          %get3A_829 = tpu.vector_load %arg6[%get3A_827, %get3A_828] {strides = array<i32>} : memref<400x128xf32, #tpu.memory_space<vmem>>, vector<16xf32>,
          %add3A_830 = arith.constant 15 : i32
          %add3A_831 = arith.addi %mul3A_52, %add3A_830 : i32
          %get3A_832 = arith.index_cast %add3A_831 : i32 to index
          %get3A_833 = arith.constant 112 : index
          %get3A_834 = tpu.vector_load %arg6[%get3A_832, %get3A_833] {strides = array<i32>} : memref<400x128xf32, #tpu.memory_space<vmem>>, vector<16xf32>,
          %add3A_835 = arith.addf %get3A_759, %get3A_764 : vector<16xf32>
          %add3A_836 = arith.addf %get3A_769, %get3A_774 : vector<16xf32>
          %add3A_837 = arith.addf %get3A_779, %get3A_784 : vector<16xf32>
          %add3A_838 = arith.addf %get3A_789, %get3A_794 : vector<16xf32>
          %add3A_839 = arith.addf %get3A_799, %get3A_804 : vector<16xf32>
          %add3A_840 = arith.addf %get3A_809, %get3A_814 : vector<16xf32>
          %add3A_841 = arith.addf %get3A_819, %get3A_824 : vector<16xf32>
          %add3A_842 = arith.addf %get3A_829, %get3A_834 : vector<16xf32>
          %add3A_843 = arith.addf %add3A_835, %add3A_836 : vector<16xf32>
          %add3A_844 = arith.addf %add3A_837, %add3A_838 : vector<16xf32>
          %add3A_845 = arith.addf %add3A_839, %add3A_840 : vector<16xf32>
          %add3A_846 = arith.addf %add3A_841, %add3A_842 : vector<16xf32>
          %add3A_847 = arith.addf %add3A_843, %add3A_844 : vector<16xf32>
          %add3A_848 = arith.addf %add3A_845, %add3A_846 : vector<16xf32>
          %add3A_849 = arith.addf %add3A_847, %add3A_848 : vector<16xf32>
          %add3A_850 = arith.constant 112 : i32
          %add3A_851 = arith.addi %mul3A_61, %add3A_850 : i32
          %add3A_852 = vector.broadcast %add3A_851 : i32 to vector<16xi32>
          %add3A_853 = arith.addi %iota3A, %add3A_852 : vector<16xi32>
          tpu.vector_store_idx %arg8[%add3A_853], %add3A_849 {add = true} : memref<12800xf32, #tpu.memory_space<vmem>>[vector<16xi32>], vector<16xf32>,
          %mul3A_854 = arith.constant 16 : i32
          %mul3A_855 = arith.muli %squeeze3A, %mul3A_854 : i32
          %add3A_856 = vector.broadcast %mul3A_855 : i32 to vector<16xi32>
          %add3A_857 = arith.addi %iota3A, %add3A_856 : vector<16xi32>
          tpu.vector_store_idx %arg9[%add3A_857], %select_n3A_20 {add = true} : memref<1600xf32, #tpu.memory_space<vmem>>[vector<16xi32>], vector<16xf32>,
        } else {
        }
        %ne3A = arith.cmpi ne, %squeeze3A, %squeeze3A_54 : i32
        %convert_element_type3A_57 = arith.extui %ne3A : i1 to i32
        %cond3A_58 = arith.constant 0 : i32
        %cond3A_59 = arith.cmpi ne, %convert_element_type3A_57, %cond3A_58 : i32
        scf.if %cond3A_59 {
          %slice3A_60 = vector.extract_strided_slice %get3A_50 {offsets = [0], sizes = [1], strides = [1]} : vector<16xi32> to vector<1xi32>
          %squeeze3A_61 = vector.extract %slice3A_60[0] : i32 from vector<1xi32>
          %mul3A_62 = arith.constant 128 : i32
          %mul3A_63 = arith.muli %squeeze3A_61, %mul3A_62 : i32
          %add3A_64 = arith.constant 0 : i32
          %add3A_65 = arith.addi %mul3A_52, %add3A_64 : i32
          %get3A_66 = arith.index_cast %add3A_65 : i32 to index
          %get3A_67 = arith.constant 0 : index
          %get3A_68 = tpu.vector_load %arg6[%get3A_66, %get3A_67] {strides = array<i32>} : memref<400x128xf32, #tpu.memory_space<vmem>>, vector<16xf32>,
          %add3A_69 = arith.constant 0 : i32
          %add3A_70 = arith.addi %mul3A_63, %add3A_69 : i32
          %add3A_71 = vector.broadcast %add3A_70 : i32 to vector<16xi32>
          %add3A_72 = arith.addi %iota3A, %add3A_71 : vector<16xi32>
          tpu.vector_store_idx %arg8[%add3A_72], %get3A_68 {add = true} : memref<12800xf32, #tpu.memory_space<vmem>>[vector<16xi32>], vector<16xf32>,
          %add3A_73 = arith.constant 0 : i32
          %add3A_74 = arith.addi %mul3A_52, %add3A_73 : i32
          %get3A_75 = arith.index_cast %add3A_74 : i32 to index
          %get3A_76 = arith.constant 16 : index
          %get3A_77 = tpu.vector_load %arg6[%get3A_75, %get3A_76] {strides = array<i32>} : memref<400x128xf32, #tpu.memory_space<vmem>>, vector<16xf32>,
          %add3A_78 = arith.constant 16 : i32
          %add3A_79 = arith.addi %mul3A_63, %add3A_78 : i32
          %add3A_80 = vector.broadcast %add3A_79 : i32 to vector<16xi32>
          %add3A_81 = arith.addi %iota3A, %add3A_80 : vector<16xi32>
          tpu.vector_store_idx %arg8[%add3A_81], %get3A_77 {add = true} : memref<12800xf32, #tpu.memory_space<vmem>>[vector<16xi32>], vector<16xf32>,
          %add3A_82 = arith.constant 0 : i32
          %add3A_83 = arith.addi %mul3A_52, %add3A_82 : i32
          %get3A_84 = arith.index_cast %add3A_83 : i32 to index
          %get3A_85 = arith.constant 32 : index
          %get3A_86 = tpu.vector_load %arg6[%get3A_84, %get3A_85] {strides = array<i32>} : memref<400x128xf32, #tpu.memory_space<vmem>>, vector<16xf32>,
          %add3A_87 = arith.constant 32 : i32
          %add3A_88 = arith.addi %mul3A_63, %add3A_87 : i32
          %add3A_89 = vector.broadcast %add3A_88 : i32 to vector<16xi32>
          %add3A_90 = arith.addi %iota3A, %add3A_89 : vector<16xi32>
          tpu.vector_store_idx %arg8[%add3A_90], %get3A_86 {add = true} : memref<12800xf32, #tpu.memory_space<vmem>>[vector<16xi32>], vector<16xf32>,
          %add3A_91 = arith.constant 0 : i32
          %add3A_92 = arith.addi %mul3A_52, %add3A_91 : i32
          %get3A_93 = arith.index_cast %add3A_92 : i32 to index
          %get3A_94 = arith.constant 48 : index
          %get3A_95 = tpu.vector_load %arg6[%get3A_93, %get3A_94] {strides = array<i32>} : memref<400x128xf32, #tpu.memory_space<vmem>>, vector<16xf32>,
          %add3A_96 = arith.constant 48 : i32
          %add3A_97 = arith.addi %mul3A_63, %add3A_96 : i32
          %add3A_98 = vector.broadcast %add3A_97 : i32 to vector<16xi32>
          %add3A_99 = arith.addi %iota3A, %add3A_98 : vector<16xi32>
          tpu.vector_store_idx %arg8[%add3A_99], %get3A_95 {add = true} : memref<12800xf32, #tpu.memory_space<vmem>>[vector<16xi32>], vector<16xf32>,
          %add3A_100 = arith.constant 0 : i32
          %add3A_101 = arith.addi %mul3A_52, %add3A_100 : i32
          %get3A_102 = arith.index_cast %add3A_101 : i32 to index
          %get3A_103 = arith.constant 64 : index
          %get3A_104 = tpu.vector_load %arg6[%get3A_102, %get3A_103] {strides = array<i32>} : memref<400x128xf32, #tpu.memory_space<vmem>>, vector<16xf32>,
          %add3A_105 = arith.constant 64 : i32
          %add3A_106 = arith.addi %mul3A_63, %add3A_105 : i32
          %add3A_107 = vector.broadcast %add3A_106 : i32 to vector<16xi32>
          %add3A_108 = arith.addi %iota3A, %add3A_107 : vector<16xi32>
          tpu.vector_store_idx %arg8[%add3A_108], %get3A_104 {add = true} : memref<12800xf32, #tpu.memory_space<vmem>>[vector<16xi32>], vector<16xf32>,
          %add3A_109 = arith.constant 0 : i32
          %add3A_110 = arith.addi %mul3A_52, %add3A_109 : i32
          %get3A_111 = arith.index_cast %add3A_110 : i32 to index
          %get3A_112 = arith.constant 80 : index
          %get3A_113 = tpu.vector_load %arg6[%get3A_111, %get3A_112] {strides = array<i32>} : memref<400x128xf32, #tpu.memory_space<vmem>>, vector<16xf32>,
          %add3A_114 = arith.constant 80 : i32
          %add3A_115 = arith.addi %mul3A_63, %add3A_114 : i32
          %add3A_116 = vector.broadcast %add3A_115 : i32 to vector<16xi32>
          %add3A_117 = arith.addi %iota3A, %add3A_116 : vector<16xi32>
          tpu.vector_store_idx %arg8[%add3A_117], %get3A_113 {add = true} : memref<12800xf32, #tpu.memory_space<vmem>>[vector<16xi32>], vector<16xf32>,
          %add3A_118 = arith.constant 0 : i32
          %add3A_119 = arith.addi %mul3A_52, %add3A_118 : i32
          %get3A_120 = arith.index_cast %add3A_119 : i32 to index
          %get3A_121 = arith.constant 96 : index
          %get3A_122 = tpu.vector_load %arg6[%get3A_120, %get3A_121] {strides = array<i32>} : memref<400x128xf32, #tpu.memory_space<vmem>>, vector<16xf32>,
          %add3A_123 = arith.constant 96 : i32
          %add3A_124 = arith.addi %mul3A_63, %add3A_123 : i32
          %add3A_125 = vector.broadcast %add3A_124 : i32 to vector<16xi32>
          %add3A_126 = arith.addi %iota3A, %add3A_125 : vector<16xi32>
          tpu.vector_store_idx %arg8[%add3A_126], %get3A_122 {add = true} : memref<12800xf32, #tpu.memory_space<vmem>>[vector<16xi32>], vector<16xf32>,
          %add3A_127 = arith.constant 0 : i32
          %add3A_128 = arith.addi %mul3A_52, %add3A_127 : i32
          %get3A_129 = arith.index_cast %add3A_128 : i32 to index
          %get3A_130 = arith.constant 112 : index
          %get3A_131 = tpu.vector_load %arg6[%get3A_129, %get3A_130] {strides = array<i32>} : memref<400x128xf32, #tpu.memory_space<vmem>>, vector<16xf32>,
          %add3A_132 = arith.constant 112 : i32
          %add3A_133 = arith.addi %mul3A_63, %add3A_132 : i32
          %add3A_134 = vector.broadcast %add3A_133 : i32 to vector<16xi32>
          %add3A_135 = arith.addi %iota3A, %add3A_134 : vector<16xi32>
          tpu.vector_store_idx %arg8[%add3A_135], %get3A_131 {add = true} : memref<12800xf32, #tpu.memory_space<vmem>>[vector<16xi32>], vector<16xf32>,
          %slice3A_136 = vector.extract_strided_slice %get3A_50 {offsets = [0], sizes = [1], strides = [1]} : vector<16xi32> to vector<1xi32>
          %squeeze3A_137 = vector.extract %slice3A_136[0] : i32 from vector<1xi32>
          %mul3A_138 = arith.constant 16 : i32
          %mul3A_139 = arith.muli %squeeze3A_137, %mul3A_138 : i32
          %add3A_140 = vector.broadcast %mul3A_139 : i32 to vector<16xi32>
          %add3A_141 = arith.addi %iota3A, %add3A_140 : vector<16xi32>
          tpu.vector_store_idx %arg9[%add3A_141], %select_n3A_12 {add = true} : memref<1600xf32, #tpu.memory_space<vmem>>[vector<16xi32>], vector<16xf32>,
          %slice3A_142 = vector.extract_strided_slice %get3A_50 {offsets = [1], sizes = [1], strides = [1]} : vector<16xi32> to vector<1xi32>
          %squeeze3A_143 = vector.extract %slice3A_142[0] : i32 from vector<1xi32>
          %mul3A_144 = arith.constant 128 : i32
          %mul3A_145 = arith.muli %squeeze3A_143, %mul3A_144 : i32
          %add3A_146 = arith.constant 1 : i32
          %add3A_147 = arith.addi %mul3A_52, %add3A_146 : i32
          %get3A_148 = arith.index_cast %add3A_147 : i32 to index
          %get3A_149 = arith.constant 0 : index
          %get3A_150 = tpu.vector_load %arg6[%get3A_148, %get3A_149] {strides = array<i32>} : memref<400x128xf32, #tpu.memory_space<vmem>>, vector<16xf32>,
          %add3A_151 = arith.constant 0 : i32
          %add3A_152 = arith.addi %mul3A_145, %add3A_151 : i32
          %add3A_153 = vector.broadcast %add3A_152 : i32 to vector<16xi32>
          %add3A_154 = arith.addi %iota3A, %add3A_153 : vector<16xi32>
          tpu.vector_store_idx %arg8[%add3A_154], %get3A_150 {add = true} : memref<12800xf32, #tpu.memory_space<vmem>>[vector<16xi32>], vector<16xf32>,
          %add3A_155 = arith.constant 1 : i32
          %add3A_156 = arith.addi %mul3A_52, %add3A_155 : i32
          %get3A_157 = arith.index_cast %add3A_156 : i32 to index
          %get3A_158 = arith.constant 16 : index
          %get3A_159 = tpu.vector_load %arg6[%get3A_157, %get3A_158] {strides = array<i32>} : memref<400x128xf32, #tpu.memory_space<vmem>>, vector<16xf32>,
          %add3A_160 = arith.constant 16 : i32
          %add3A_161 = arith.addi %mul3A_145, %add3A_160 : i32
          %add3A_162 = vector.broadcast %add3A_161 : i32 to vector<16xi32>
          %add3A_163 = arith.addi %iota3A, %add3A_162 : vector<16xi32>
          tpu.vector_store_idx %arg8[%add3A_163], %get3A_159 {add = true} : memref<12800xf32, #tpu.memory_space<vmem>>[vector<16xi32>], vector<16xf32>,
          %add3A_164 = arith.constant 1 : i32
          %add3A_165 = arith.addi %mul3A_52, %add3A_164 : i32
          %get3A_166 = arith.index_cast %add3A_165 : i32 to index
          %get3A_167 = arith.constant 32 : index
          %get3A_168 = tpu.vector_load %arg6[%get3A_166, %get3A_167] {strides = array<i32>} : memref<400x128xf32, #tpu.memory_space<vmem>>, vector<16xf32>,
          %add3A_169 = arith.constant 32 : i32
          %add3A_170 = arith.addi %mul3A_145, %add3A_169 : i32
          %add3A_171 = vector.broadcast %add3A_170 : i32 to vector<16xi32>
          %add3A_172 = arith.addi %iota3A, %add3A_171 : vector<16xi32>
          tpu.vector_store_idx %arg8[%add3A_172], %get3A_168 {add = true} : memref<12800xf32, #tpu.memory_space<vmem>>[vector<16xi32>], vector<16xf32>,
          %add3A_173 = arith.constant 1 : i32
          %add3A_174 = arith.addi %mul3A_52, %add3A_173 : i32
          %get3A_175 = arith.index_cast %add3A_174 : i32 to index
          %get3A_176 = arith.constant 48 : index
          %get3A_177 = tpu.vector_load %arg6[%get3A_175, %get3A_176] {strides = array<i32>} : memref<400x128xf32, #tpu.memory_space<vmem>>, vector<16xf32>,
          %add3A_178 = arith.constant 48 : i32
          %add3A_179 = arith.addi %mul3A_145, %add3A_178 : i32
          %add3A_180 = vector.broadcast %add3A_179 : i32 to vector<16xi32>
          %add3A_181 = arith.addi %iota3A, %add3A_180 : vector<16xi32>
          tpu.vector_store_idx %arg8[%add3A_181], %get3A_177 {add = true} : memref<12800xf32, #tpu.memory_space<vmem>>[vector<16xi32>], vector<16xf32>,
          %add3A_182 = arith.constant 1 : i32
          %add3A_183 = arith.addi %mul3A_52, %add3A_182 : i32
          %get3A_184 = arith.index_cast %add3A_183 : i32 to index
          %get3A_185 = arith.constant 64 : index
          %get3A_186 = tpu.vector_load %arg6[%get3A_184, %get3A_185] {strides = array<i32>} : memref<400x128xf32, #tpu.memory_space<vmem>>, vector<16xf32>,
          %add3A_187 = arith.constant 64 : i32
          %add3A_188 = arith.addi %mul3A_145, %add3A_187 : i32
          %add3A_189 = vector.broadcast %add3A_188 : i32 to vector<16xi32>
          %add3A_190 = arith.addi %iota3A, %add3A_189 : vector<16xi32>
          tpu.vector_store_idx %arg8[%add3A_190], %get3A_186 {add = true} : memref<12800xf32, #tpu.memory_space<vmem>>[vector<16xi32>], vector<16xf32>,
          %add3A_191 = arith.constant 1 : i32
          %add3A_192 = arith.addi %mul3A_52, %add3A_191 : i32
          %get3A_193 = arith.index_cast %add3A_192 : i32 to index
          %get3A_194 = arith.constant 80 : index
          %get3A_195 = tpu.vector_load %arg6[%get3A_193, %get3A_194] {strides = array<i32>} : memref<400x128xf32, #tpu.memory_space<vmem>>, vector<16xf32>,
          %add3A_196 = arith.constant 80 : i32
          %add3A_197 = arith.addi %mul3A_145, %add3A_196 : i32
          %add3A_198 = vector.broadcast %add3A_197 : i32 to vector<16xi32>
          %add3A_199 = arith.addi %iota3A, %add3A_198 : vector<16xi32>
          tpu.vector_store_idx %arg8[%add3A_199], %get3A_195 {add = true} : memref<12800xf32, #tpu.memory_space<vmem>>[vector<16xi32>], vector<16xf32>,
          %add3A_200 = arith.constant 1 : i32
          %add3A_201 = arith.addi %mul3A_52, %add3A_200 : i32
          %get3A_202 = arith.index_cast %add3A_201 : i32 to index
          %get3A_203 = arith.constant 96 : index
          %get3A_204 = tpu.vector_load %arg6[%get3A_202, %get3A_203] {strides = array<i32>} : memref<400x128xf32, #tpu.memory_space<vmem>>, vector<16xf32>,
          %add3A_205 = arith.constant 96 : i32
          %add3A_206 = arith.addi %mul3A_145, %add3A_205 : i32
          %add3A_207 = vector.broadcast %add3A_206 : i32 to vector<16xi32>
          %add3A_208 = arith.addi %iota3A, %add3A_207 : vector<16xi32>
          tpu.vector_store_idx %arg8[%add3A_208], %get3A_204 {add = true} : memref<12800xf32, #tpu.memory_space<vmem>>[vector<16xi32>], vector<16xf32>,
          %add3A_209 = arith.constant 1 : i32
          %add3A_210 = arith.addi %mul3A_52, %add3A_209 : i32
          %get3A_211 = arith.index_cast %add3A_210 : i32 to index
          %get3A_212 = arith.constant 112 : index
          %get3A_213 = tpu.vector_load %arg6[%get3A_211, %get3A_212] {strides = array<i32>} : memref<400x128xf32, #tpu.memory_space<vmem>>, vector<16xf32>,
          %add3A_214 = arith.constant 112 : i32
          %add3A_215 = arith.addi %mul3A_145, %add3A_214 : i32
          %add3A_216 = vector.broadcast %add3A_215 : i32 to vector<16xi32>
          %add3A_217 = arith.addi %iota3A, %add3A_216 : vector<16xi32>
          tpu.vector_store_idx %arg8[%add3A_217], %get3A_213 {add = true} : memref<12800xf32, #tpu.memory_space<vmem>>[vector<16xi32>], vector<16xf32>,
          %slice3A_218 = vector.extract_strided_slice %get3A_50 {offsets = [1], sizes = [1], strides = [1]} : vector<16xi32> to vector<1xi32>
          %squeeze3A_219 = vector.extract %slice3A_218[0] : i32 from vector<1xi32>
          %mul3A_220 = arith.constant 16 : i32
          %mul3A_221 = arith.muli %squeeze3A_219, %mul3A_220 : i32
          %add3A_222 = vector.broadcast %mul3A_221 : i32 to vector<16xi32>
          %add3A_223 = arith.addi %iota3A, %add3A_222 : vector<16xi32>
          tpu.vector_store_idx %arg9[%add3A_223], %select_n3A_12 {add = true} : memref<1600xf32, #tpu.memory_space<vmem>>[vector<16xi32>], vector<16xf32>,
          %slice3A_224 = vector.extract_strided_slice %get3A_50 {offsets = [2], sizes = [1], strides = [1]} : vector<16xi32> to vector<1xi32>
          %squeeze3A_225 = vector.extract %slice3A_224[0] : i32 from vector<1xi32>
          %mul3A_226 = arith.constant 128 : i32
          %mul3A_227 = arith.muli %squeeze3A_225, %mul3A_226 : i32
          %add3A_228 = arith.constant 2 : i32
          %add3A_229 = arith.addi %mul3A_52, %add3A_228 : i32
          %get3A_230 = arith.index_cast %add3A_229 : i32 to index
          %get3A_231 = arith.constant 0 : index
          %get3A_232 = tpu.vector_load %arg6[%get3A_230, %get3A_231] {strides = array<i32>} : memref<400x128xf32, #tpu.memory_space<vmem>>, vector<16xf32>,
          %add3A_233 = arith.constant 0 : i32
          %add3A_234 = arith.addi %mul3A_227, %add3A_233 : i32
          %add3A_235 = vector.broadcast %add3A_234 : i32 to vector<16xi32>
          %add3A_236 = arith.addi %iota3A, %add3A_235 : vector<16xi32>
          tpu.vector_store_idx %arg8[%add3A_236], %get3A_232 {add = true} : memref<12800xf32, #tpu.memory_space<vmem>>[vector<16xi32>], vector<16xf32>,
          %add3A_237 = arith.constant 2 : i32
          %add3A_238 = arith.addi %mul3A_52, %add3A_237 : i32
          %get3A_239 = arith.index_cast %add3A_238 : i32 to index
          %get3A_240 = arith.constant 16 : index
          %get3A_241 = tpu.vector_load %arg6[%get3A_239, %get3A_240] {strides = array<i32>} : memref<400x128xf32, #tpu.memory_space<vmem>>, vector<16xf32>,
          %add3A_242 = arith.constant 16 : i32
          %add3A_243 = arith.addi %mul3A_227, %add3A_242 : i32
          %add3A_244 = vector.broadcast %add3A_243 : i32 to vector<16xi32>
          %add3A_245 = arith.addi %iota3A, %add3A_244 : vector<16xi32>
          tpu.vector_store_idx %arg8[%add3A_245], %get3A_241 {add = true} : memref<12800xf32, #tpu.memory_space<vmem>>[vector<16xi32>], vector<16xf32>,
          %add3A_246 = arith.constant 2 : i32
          %add3A_247 = arith.addi %mul3A_52, %add3A_246 : i32
          %get3A_248 = arith.index_cast %add3A_247 : i32 to index
          %get3A_249 = arith.constant 32 : index
          %get3A_250 = tpu.vector_load %arg6[%get3A_248, %get3A_249] {strides = array<i32>} : memref<400x128xf32, #tpu.memory_space<vmem>>, vector<16xf32>,
          %add3A_251 = arith.constant 32 : i32
          %add3A_252 = arith.addi %mul3A_227, %add3A_251 : i32
          %add3A_253 = vector.broadcast %add3A_252 : i32 to vector<16xi32>
          %add3A_254 = arith.addi %iota3A, %add3A_253 : vector<16xi32>
          tpu.vector_store_idx %arg8[%add3A_254], %get3A_250 {add = true} : memref<12800xf32, #tpu.memory_space<vmem>>[vector<16xi32>], vector<16xf32>,
          %add3A_255 = arith.constant 2 : i32
          %add3A_256 = arith.addi %mul3A_52, %add3A_255 : i32
          %get3A_257 = arith.index_cast %add3A_256 : i32 to index
          %get3A_258 = arith.constant 48 : index
          %get3A_259 = tpu.vector_load %arg6[%get3A_257, %get3A_258] {strides = array<i32>} : memref<400x128xf32, #tpu.memory_space<vmem>>, vector<16xf32>,
          %add3A_260 = arith.constant 48 : i32
          %add3A_261 = arith.addi %mul3A_227, %add3A_260 : i32
          %add3A_262 = vector.broadcast %add3A_261 : i32 to vector<16xi32>
          %add3A_263 = arith.addi %iota3A, %add3A_262 : vector<16xi32>
          tpu.vector_store_idx %arg8[%add3A_263], %get3A_259 {add = true} : memref<12800xf32, #tpu.memory_space<vmem>>[vector<16xi32>], vector<16xf32>,
          %add3A_264 = arith.constant 2 : i32
          %add3A_265 = arith.addi %mul3A_52, %add3A_264 : i32
          %get3A_266 = arith.index_cast %add3A_265 : i32 to index
          %get3A_267 = arith.constant 64 : index
          %get3A_268 = tpu.vector_load %arg6[%get3A_266, %get3A_267] {strides = array<i32>} : memref<400x128xf32, #tpu.memory_space<vmem>>, vector<16xf32>,
          %add3A_269 = arith.constant 64 : i32
          %add3A_270 = arith.addi %mul3A_227, %add3A_269 : i32
          %add3A_271 = vector.broadcast %add3A_270 : i32 to vector<16xi32>
          %add3A_272 = arith.addi %iota3A, %add3A_271 : vector<16xi32>
          tpu.vector_store_idx %arg8[%add3A_272], %get3A_268 {add = true} : memref<12800xf32, #tpu.memory_space<vmem>>[vector<16xi32>], vector<16xf32>,
          %add3A_273 = arith.constant 2 : i32
          %add3A_274 = arith.addi %mul3A_52, %add3A_273 : i32
          %get3A_275 = arith.index_cast %add3A_274 : i32 to index
          %get3A_276 = arith.constant 80 : index
          %get3A_277 = tpu.vector_load %arg6[%get3A_275, %get3A_276] {strides = array<i32>} : memref<400x128xf32, #tpu.memory_space<vmem>>, vector<16xf32>,
          %add3A_278 = arith.constant 80 : i32
          %add3A_279 = arith.addi %mul3A_227, %add3A_278 : i32
          %add3A_280 = vector.broadcast %add3A_279 : i32 to vector<16xi32>
          %add3A_281 = arith.addi %iota3A, %add3A_280 : vector<16xi32>
          tpu.vector_store_idx %arg8[%add3A_281], %get3A_277 {add = true} : memref<12800xf32, #tpu.memory_space<vmem>>[vector<16xi32>], vector<16xf32>,
          %add3A_282 = arith.constant 2 : i32
          %add3A_283 = arith.addi %mul3A_52, %add3A_282 : i32
          %get3A_284 = arith.index_cast %add3A_283 : i32 to index
          %get3A_285 = arith.constant 96 : index
          %get3A_286 = tpu.vector_load %arg6[%get3A_284, %get3A_285] {strides = array<i32>} : memref<400x128xf32, #tpu.memory_space<vmem>>, vector<16xf32>,
          %add3A_287 = arith.constant 96 : i32
          %add3A_288 = arith.addi %mul3A_227, %add3A_287 : i32
          %add3A_289 = vector.broadcast %add3A_288 : i32 to vector<16xi32>
          %add3A_290 = arith.addi %iota3A, %add3A_289 : vector<16xi32>
          tpu.vector_store_idx %arg8[%add3A_290], %get3A_286 {add = true} : memref<12800xf32, #tpu.memory_space<vmem>>[vector<16xi32>], vector<16xf32>,
          %add3A_291 = arith.constant 2 : i32
          %add3A_292 = arith.addi %mul3A_52, %add3A_291 : i32
          %get3A_293 = arith.index_cast %add3A_292 : i32 to index
          %get3A_294 = arith.constant 112 : index
          %get3A_295 = tpu.vector_load %arg6[%get3A_293, %get3A_294] {strides = array<i32>} : memref<400x128xf32, #tpu.memory_space<vmem>>, vector<16xf32>,
          %add3A_296 = arith.constant 112 : i32
          %add3A_297 = arith.addi %mul3A_227, %add3A_296 : i32
          %add3A_298 = vector.broadcast %add3A_297 : i32 to vector<16xi32>
          %add3A_299 = arith.addi %iota3A, %add3A_298 : vector<16xi32>
          tpu.vector_store_idx %arg8[%add3A_299], %get3A_295 {add = true} : memref<12800xf32, #tpu.memory_space<vmem>>[vector<16xi32>], vector<16xf32>,
          %slice3A_300 = vector.extract_strided_slice %get3A_50 {offsets = [2], sizes = [1], strides = [1]} : vector<16xi32> to vector<1xi32>
          %squeeze3A_301 = vector.extract %slice3A_300[0] : i32 from vector<1xi32>
          %mul3A_302 = arith.constant 16 : i32
          %mul3A_303 = arith.muli %squeeze3A_301, %mul3A_302 : i32
          %add3A_304 = vector.broadcast %mul3A_303 : i32 to vector<16xi32>
          %add3A_305 = arith.addi %iota3A, %add3A_304 : vector<16xi32>
          tpu.vector_store_idx %arg9[%add3A_305], %select_n3A_12 {add = true} : memref<1600xf32, #tpu.memory_space<vmem>>[vector<16xi32>], vector<16xf32>,
          %slice3A_306 = vector.extract_strided_slice %get3A_50 {offsets = [3], sizes = [1], strides = [1]} : vector<16xi32> to vector<1xi32>
          %squeeze3A_307 = vector.extract %slice3A_306[0] : i32 from vector<1xi32>
          %mul3A_308 = arith.constant 128 : i32
          %mul3A_309 = arith.muli %squeeze3A_307, %mul3A_308 : i32
          %add3A_310 = arith.constant 3 : i32
          %add3A_311 = arith.addi %mul3A_52, %add3A_310 : i32
          %get3A_312 = arith.index_cast %add3A_311 : i32 to index
          %get3A_313 = arith.constant 0 : index
          %get3A_314 = tpu.vector_load %arg6[%get3A_312, %get3A_313] {strides = array<i32>} : memref<400x128xf32, #tpu.memory_space<vmem>>, vector<16xf32>,
          %add3A_315 = arith.constant 0 : i32
          %add3A_316 = arith.addi %mul3A_309, %add3A_315 : i32
          %add3A_317 = vector.broadcast %add3A_316 : i32 to vector<16xi32>
          %add3A_318 = arith.addi %iota3A, %add3A_317 : vector<16xi32>
          tpu.vector_store_idx %arg8[%add3A_318], %get3A_314 {add = true} : memref<12800xf32, #tpu.memory_space<vmem>>[vector<16xi32>], vector<16xf32>,
          %add3A_319 = arith.constant 3 : i32
          %add3A_320 = arith.addi %mul3A_52, %add3A_319 : i32
          %get3A_321 = arith.index_cast %add3A_320 : i32 to index
          %get3A_322 = arith.constant 16 : index
          %get3A_323 = tpu.vector_load %arg6[%get3A_321, %get3A_322] {strides = array<i32>} : memref<400x128xf32, #tpu.memory_space<vmem>>, vector<16xf32>,
          %add3A_324 = arith.constant 16 : i32
          %add3A_325 = arith.addi %mul3A_309, %add3A_324 : i32
          %add3A_326 = vector.broadcast %add3A_325 : i32 to vector<16xi32>
          %add3A_327 = arith.addi %iota3A, %add3A_326 : vector<16xi32>
          tpu.vector_store_idx %arg8[%add3A_327], %get3A_323 {add = true} : memref<12800xf32, #tpu.memory_space<vmem>>[vector<16xi32>], vector<16xf32>,
          %add3A_328 = arith.constant 3 : i32
          %add3A_329 = arith.addi %mul3A_52, %add3A_328 : i32
          %get3A_330 = arith.index_cast %add3A_329 : i32 to index
          %get3A_331 = arith.constant 32 : index
          %get3A_332 = tpu.vector_load %arg6[%get3A_330, %get3A_331] {strides = array<i32>} : memref<400x128xf32, #tpu.memory_space<vmem>>, vector<16xf32>,
          %add3A_333 = arith.constant 32 : i32
          %add3A_334 = arith.addi %mul3A_309, %add3A_333 : i32
          %add3A_335 = vector.broadcast %add3A_334 : i32 to vector<16xi32>
          %add3A_336 = arith.addi %iota3A, %add3A_335 : vector<16xi32>
          tpu.vector_store_idx %arg8[%add3A_336], %get3A_332 {add = true} : memref<12800xf32, #tpu.memory_space<vmem>>[vector<16xi32>], vector<16xf32>,
          %add3A_337 = arith.constant 3 : i32
          %add3A_338 = arith.addi %mul3A_52, %add3A_337 : i32
          %get3A_339 = arith.index_cast %add3A_338 : i32 to index
          %get3A_340 = arith.constant 48 : index
          %get3A_341 = tpu.vector_load %arg6[%get3A_339, %get3A_340] {strides = array<i32>} : memref<400x128xf32, #tpu.memory_space<vmem>>, vector<16xf32>,
          %add3A_342 = arith.constant 48 : i32
          %add3A_343 = arith.addi %mul3A_309, %add3A_342 : i32
          %add3A_344 = vector.broadcast %add3A_343 : i32 to vector<16xi32>
          %add3A_345 = arith.addi %iota3A, %add3A_344 : vector<16xi32>
          tpu.vector_store_idx %arg8[%add3A_345], %get3A_341 {add = true} : memref<12800xf32, #tpu.memory_space<vmem>>[vector<16xi32>], vector<16xf32>,
          %add3A_346 = arith.constant 3 : i32
          %add3A_347 = arith.addi %mul3A_52, %add3A_346 : i32
          %get3A_348 = arith.index_cast %add3A_347 : i32 to index
          %get3A_349 = arith.constant 64 : index
          %get3A_350 = tpu.vector_load %arg6[%get3A_348, %get3A_349] {strides = array<i32>} : memref<400x128xf32, #tpu.memory_space<vmem>>, vector<16xf32>,
          %add3A_351 = arith.constant 64 : i32
          %add3A_352 = arith.addi %mul3A_309, %add3A_351 : i32
          %add3A_353 = vector.broadcast %add3A_352 : i32 to vector<16xi32>
          %add3A_354 = arith.addi %iota3A, %add3A_353 : vector<16xi32>
          tpu.vector_store_idx %arg8[%add3A_354], %get3A_350 {add = true} : memref<12800xf32, #tpu.memory_space<vmem>>[vector<16xi32>], vector<16xf32>,
          %add3A_355 = arith.constant 3 : i32
          %add3A_356 = arith.addi %mul3A_52, %add3A_355 : i32
          %get3A_357 = arith.index_cast %add3A_356 : i32 to index
          %get3A_358 = arith.constant 80 : index
          %get3A_359 = tpu.vector_load %arg6[%get3A_357, %get3A_358] {strides = array<i32>} : memref<400x128xf32, #tpu.memory_space<vmem>>, vector<16xf32>,
          %add3A_360 = arith.constant 80 : i32
          %add3A_361 = arith.addi %mul3A_309, %add3A_360 : i32
          %add3A_362 = vector.broadcast %add3A_361 : i32 to vector<16xi32>
          %add3A_363 = arith.addi %iota3A, %add3A_362 : vector<16xi32>
          tpu.vector_store_idx %arg8[%add3A_363], %get3A_359 {add = true} : memref<12800xf32, #tpu.memory_space<vmem>>[vector<16xi32>], vector<16xf32>,
          %add3A_364 = arith.constant 3 : i32
          %add3A_365 = arith.addi %mul3A_52, %add3A_364 : i32
          %get3A_366 = arith.index_cast %add3A_365 : i32 to index
          %get3A_367 = arith.constant 96 : index
          %get3A_368 = tpu.vector_load %arg6[%get3A_366, %get3A_367] {strides = array<i32>} : memref<400x128xf32, #tpu.memory_space<vmem>>, vector<16xf32>,
          %add3A_369 = arith.constant 96 : i32
          %add3A_370 = arith.addi %mul3A_309, %add3A_369 : i32
          %add3A_371 = vector.broadcast %add3A_370 : i32 to vector<16xi32>
          %add3A_372 = arith.addi %iota3A, %add3A_371 : vector<16xi32>
          tpu.vector_store_idx %arg8[%add3A_372], %get3A_368 {add = true} : memref<12800xf32, #tpu.memory_space<vmem>>[vector<16xi32>], vector<16xf32>,
          %add3A_373 = arith.constant 3 : i32
          %add3A_374 = arith.addi %mul3A_52, %add3A_373 : i32
          %get3A_375 = arith.index_cast %add3A_374 : i32 to index
          %get3A_376 = arith.constant 112 : index
          %get3A_377 = tpu.vector_load %arg6[%get3A_375, %get3A_376] {strides = array<i32>} : memref<400x128xf32, #tpu.memory_space<vmem>>, vector<16xf32>,
          %add3A_378 = arith.constant 112 : i32
          %add3A_379 = arith.addi %mul3A_309, %add3A_378 : i32
          %add3A_380 = vector.broadcast %add3A_379 : i32 to vector<16xi32>
          %add3A_381 = arith.addi %iota3A, %add3A_380 : vector<16xi32>
          tpu.vector_store_idx %arg8[%add3A_381], %get3A_377 {add = true} : memref<12800xf32, #tpu.memory_space<vmem>>[vector<16xi32>], vector<16xf32>,
          %slice3A_382 = vector.extract_strided_slice %get3A_50 {offsets = [3], sizes = [1], strides = [1]} : vector<16xi32> to vector<1xi32>
          %squeeze3A_383 = vector.extract %slice3A_382[0] : i32 from vector<1xi32>
          %mul3A_384 = arith.constant 16 : i32
          %mul3A_385 = arith.muli %squeeze3A_383, %mul3A_384 : i32
          %add3A_386 = vector.broadcast %mul3A_385 : i32 to vector<16xi32>
          %add3A_387 = arith.addi %iota3A, %add3A_386 : vector<16xi32>
          tpu.vector_store_idx %arg9[%add3A_387], %select_n3A_12 {add = true} : memref<1600xf32, #tpu.memory_space<vmem>>[vector<16xi32>], vector<16xf32>,
          %slice3A_388 = vector.extract_strided_slice %get3A_50 {offsets = [4], sizes = [1], strides = [1]} : vector<16xi32> to vector<1xi32>
          %squeeze3A_389 = vector.extract %slice3A_388[0] : i32 from vector<1xi32>
          %mul3A_390 = arith.constant 128 : i32
          %mul3A_391 = arith.muli %squeeze3A_389, %mul3A_390 : i32
          %add3A_392 = arith.constant 4 : i32
          %add3A_393 = arith.addi %mul3A_52, %add3A_392 : i32
          %get3A_394 = arith.index_cast %add3A_393 : i32 to index
          %get3A_395 = arith.constant 0 : index
          %get3A_396 = tpu.vector_load %arg6[%get3A_394, %get3A_395] {strides = array<i32>} : memref<400x128xf32, #tpu.memory_space<vmem>>, vector<16xf32>,
          %add3A_397 = arith.constant 0 : i32
          %add3A_398 = arith.addi %mul3A_391, %add3A_397 : i32
          %add3A_399 = vector.broadcast %add3A_398 : i32 to vector<16xi32>
          %add3A_400 = arith.addi %iota3A, %add3A_399 : vector<16xi32>
          tpu.vector_store_idx %arg8[%add3A_400], %get3A_396 {add = true} : memref<12800xf32, #tpu.memory_space<vmem>>[vector<16xi32>], vector<16xf32>,
          %add3A_401 = arith.constant 4 : i32
          %add3A_402 = arith.addi %mul3A_52, %add3A_401 : i32
          %get3A_403 = arith.index_cast %add3A_402 : i32 to index
          %get3A_404 = arith.constant 16 : index
          %get3A_405 = tpu.vector_load %arg6[%get3A_403, %get3A_404] {strides = array<i32>} : memref<400x128xf32, #tpu.memory_space<vmem>>, vector<16xf32>,
          %add3A_406 = arith.constant 16 : i32
          %add3A_407 = arith.addi %mul3A_391, %add3A_406 : i32
          %add3A_408 = vector.broadcast %add3A_407 : i32 to vector<16xi32>
          %add3A_409 = arith.addi %iota3A, %add3A_408 : vector<16xi32>
          tpu.vector_store_idx %arg8[%add3A_409], %get3A_405 {add = true} : memref<12800xf32, #tpu.memory_space<vmem>>[vector<16xi32>], vector<16xf32>,
          %add3A_410 = arith.constant 4 : i32
          %add3A_411 = arith.addi %mul3A_52, %add3A_410 : i32
          %get3A_412 = arith.index_cast %add3A_411 : i32 to index
          %get3A_413 = arith.constant 32 : index
          %get3A_414 = tpu.vector_load %arg6[%get3A_412, %get3A_413] {strides = array<i32>} : memref<400x128xf32, #tpu.memory_space<vmem>>, vector<16xf32>,
          %add3A_415 = arith.constant 32 : i32
          %add3A_416 = arith.addi %mul3A_391, %add3A_415 : i32
          %add3A_417 = vector.broadcast %add3A_416 : i32 to vector<16xi32>
          %add3A_418 = arith.addi %iota3A, %add3A_417 : vector<16xi32>
          tpu.vector_store_idx %arg8[%add3A_418], %get3A_414 {add = true} : memref<12800xf32, #tpu.memory_space<vmem>>[vector<16xi32>], vector<16xf32>,
          %add3A_419 = arith.constant 4 : i32
          %add3A_420 = arith.addi %mul3A_52, %add3A_419 : i32
          %get3A_421 = arith.index_cast %add3A_420 : i32 to index
          %get3A_422 = arith.constant 48 : index
          %get3A_423 = tpu.vector_load %arg6[%get3A_421, %get3A_422] {strides = array<i32>} : memref<400x128xf32, #tpu.memory_space<vmem>>, vector<16xf32>,
          %add3A_424 = arith.constant 48 : i32
          %add3A_425 = arith.addi %mul3A_391, %add3A_424 : i32
          %add3A_426 = vector.broadcast %add3A_425 : i32 to vector<16xi32>
          %add3A_427 = arith.addi %iota3A, %add3A_426 : vector<16xi32>
          tpu.vector_store_idx %arg8[%add3A_427], %get3A_423 {add = true} : memref<12800xf32, #tpu.memory_space<vmem>>[vector<16xi32>], vector<16xf32>,
          %add3A_428 = arith.constant 4 : i32
          %add3A_429 = arith.addi %mul3A_52, %add3A_428 : i32
          %get3A_430 = arith.index_cast %add3A_429 : i32 to index
          %get3A_431 = arith.constant 64 : index
          %get3A_432 = tpu.vector_load %arg6[%get3A_430, %get3A_431] {strides = array<i32>} : memref<400x128xf32, #tpu.memory_space<vmem>>, vector<16xf32>,
          %add3A_433 = arith.constant 64 : i32
          %add3A_434 = arith.addi %mul3A_391, %add3A_433 : i32
          %add3A_435 = vector.broadcast %add3A_434 : i32 to vector<16xi32>
          %add3A_436 = arith.addi %iota3A, %add3A_435 : vector<16xi32>
          tpu.vector_store_idx %arg8[%add3A_436], %get3A_432 {add = true} : memref<12800xf32, #tpu.memory_space<vmem>>[vector<16xi32>], vector<16xf32>,
          %add3A_437 = arith.constant 4 : i32
          %add3A_438 = arith.addi %mul3A_52, %add3A_437 : i32
          %get3A_439 = arith.index_cast %add3A_438 : i32 to index
          %get3A_440 = arith.constant 80 : index
          %get3A_441 = tpu.vector_load %arg6[%get3A_439, %get3A_440] {strides = array<i32>} : memref<400x128xf32, #tpu.memory_space<vmem>>, vector<16xf32>,
          %add3A_442 = arith.constant 80 : i32
          %add3A_443 = arith.addi %mul3A_391, %add3A_442 : i32
          %add3A_444 = vector.broadcast %add3A_443 : i32 to vector<16xi32>
          %add3A_445 = arith.addi %iota3A, %add3A_444 : vector<16xi32>
          tpu.vector_store_idx %arg8[%add3A_445], %get3A_441 {add = true} : memref<12800xf32, #tpu.memory_space<vmem>>[vector<16xi32>], vector<16xf32>,
          %add3A_446 = arith.constant 4 : i32
          %add3A_447 = arith.addi %mul3A_52, %add3A_446 : i32
          %get3A_448 = arith.index_cast %add3A_447 : i32 to index
          %get3A_449 = arith.constant 96 : index
          %get3A_450 = tpu.vector_load %arg6[%get3A_448, %get3A_449] {strides = array<i32>} : memref<400x128xf32, #tpu.memory_space<vmem>>, vector<16xf32>,
          %add3A_451 = arith.constant 96 : i32
          %add3A_452 = arith.addi %mul3A_391, %add3A_451 : i32
          %add3A_453 = vector.broadcast %add3A_452 : i32 to vector<16xi32>
          %add3A_454 = arith.addi %iota3A, %add3A_453 : vector<16xi32>
          tpu.vector_store_idx %arg8[%add3A_454], %get3A_450 {add = true} : memref<12800xf32, #tpu.memory_space<vmem>>[vector<16xi32>], vector<16xf32>,
          %add3A_455 = arith.constant 4 : i32
          %add3A_456 = arith.addi %mul3A_52, %add3A_455 : i32
          %get3A_457 = arith.index_cast %add3A_456 : i32 to index
          %get3A_458 = arith.constant 112 : index
          %get3A_459 = tpu.vector_load %arg6[%get3A_457, %get3A_458] {strides = array<i32>} : memref<400x128xf32, #tpu.memory_space<vmem>>, vector<16xf32>,
          %add3A_460 = arith.constant 112 : i32
          %add3A_461 = arith.addi %mul3A_391, %add3A_460 : i32
          %add3A_462 = vector.broadcast %add3A_461 : i32 to vector<16xi32>
          %add3A_463 = arith.addi %iota3A, %add3A_462 : vector<16xi32>
          tpu.vector_store_idx %arg8[%add3A_463], %get3A_459 {add = true} : memref<12800xf32, #tpu.memory_space<vmem>>[vector<16xi32>], vector<16xf32>,
          %slice3A_464 = vector.extract_strided_slice %get3A_50 {offsets = [4], sizes = [1], strides = [1]} : vector<16xi32> to vector<1xi32>
          %squeeze3A_465 = vector.extract %slice3A_464[0] : i32 from vector<1xi32>
          %mul3A_466 = arith.constant 16 : i32
          %mul3A_467 = arith.muli %squeeze3A_465, %mul3A_466 : i32
          %add3A_468 = vector.broadcast %mul3A_467 : i32 to vector<16xi32>
          %add3A_469 = arith.addi %iota3A, %add3A_468 : vector<16xi32>
          tpu.vector_store_idx %arg9[%add3A_469], %select_n3A_12 {add = true} : memref<1600xf32, #tpu.memory_space<vmem>>[vector<16xi32>], vector<16xf32>,
          %slice3A_470 = vector.extract_strided_slice %get3A_50 {offsets = [5], sizes = [1], strides = [1]} : vector<16xi32> to vector<1xi32>
          %squeeze3A_471 = vector.extract %slice3A_470[0] : i32 from vector<1xi32>
          %mul3A_472 = arith.constant 128 : i32
          %mul3A_473 = arith.muli %squeeze3A_471, %mul3A_472 : i32
          %add3A_474 = arith.constant 5 : i32
          %add3A_475 = arith.addi %mul3A_52, %add3A_474 : i32
          %get3A_476 = arith.index_cast %add3A_475 : i32 to index
          %get3A_477 = arith.constant 0 : index
          %get3A_478 = tpu.vector_load %arg6[%get3A_476, %get3A_477] {strides = array<i32>} : memref<400x128xf32, #tpu.memory_space<vmem>>, vector<16xf32>,
          %add3A_479 = arith.constant 0 : i32
          %add3A_480 = arith.addi %mul3A_473, %add3A_479 : i32
          %add3A_481 = vector.broadcast %add3A_480 : i32 to vector<16xi32>
          %add3A_482 = arith.addi %iota3A, %add3A_481 : vector<16xi32>
          tpu.vector_store_idx %arg8[%add3A_482], %get3A_478 {add = true} : memref<12800xf32, #tpu.memory_space<vmem>>[vector<16xi32>], vector<16xf32>,
          %add3A_483 = arith.constant 5 : i32
          %add3A_484 = arith.addi %mul3A_52, %add3A_483 : i32
          %get3A_485 = arith.index_cast %add3A_484 : i32 to index
          %get3A_486 = arith.constant 16 : index
          %get3A_487 = tpu.vector_load %arg6[%get3A_485, %get3A_486] {strides = array<i32>} : memref<400x128xf32, #tpu.memory_space<vmem>>, vector<16xf32>,
          %add3A_488 = arith.constant 16 : i32
          %add3A_489 = arith.addi %mul3A_473, %add3A_488 : i32
          %add3A_490 = vector.broadcast %add3A_489 : i32 to vector<16xi32>
          %add3A_491 = arith.addi %iota3A, %add3A_490 : vector<16xi32>
          tpu.vector_store_idx %arg8[%add3A_491], %get3A_487 {add = true} : memref<12800xf32, #tpu.memory_space<vmem>>[vector<16xi32>], vector<16xf32>,
          %add3A_492 = arith.constant 5 : i32
          %add3A_493 = arith.addi %mul3A_52, %add3A_492 : i32
          %get3A_494 = arith.index_cast %add3A_493 : i32 to index
          %get3A_495 = arith.constant 32 : index
          %get3A_496 = tpu.vector_load %arg6[%get3A_494, %get3A_495] {strides = array<i32>} : memref<400x128xf32, #tpu.memory_space<vmem>>, vector<16xf32>,
          %add3A_497 = arith.constant 32 : i32
          %add3A_498 = arith.addi %mul3A_473, %add3A_497 : i32
          %add3A_499 = vector.broadcast %add3A_498 : i32 to vector<16xi32>
          %add3A_500 = arith.addi %iota3A, %add3A_499 : vector<16xi32>
          tpu.vector_store_idx %arg8[%add3A_500], %get3A_496 {add = true} : memref<12800xf32, #tpu.memory_space<vmem>>[vector<16xi32>], vector<16xf32>,
          %add3A_501 = arith.constant 5 : i32
          %add3A_502 = arith.addi %mul3A_52, %add3A_501 : i32
          %get3A_503 = arith.index_cast %add3A_502 : i32 to index
          %get3A_504 = arith.constant 48 : index
          %get3A_505 = tpu.vector_load %arg6[%get3A_503, %get3A_504] {strides = array<i32>} : memref<400x128xf32, #tpu.memory_space<vmem>>, vector<16xf32>,
          %add3A_506 = arith.constant 48 : i32
          %add3A_507 = arith.addi %mul3A_473, %add3A_506 : i32
          %add3A_508 = vector.broadcast %add3A_507 : i32 to vector<16xi32>
          %add3A_509 = arith.addi %iota3A, %add3A_508 : vector<16xi32>
          tpu.vector_store_idx %arg8[%add3A_509], %get3A_505 {add = true} : memref<12800xf32, #tpu.memory_space<vmem>>[vector<16xi32>], vector<16xf32>,
          %add3A_510 = arith.constant 5 : i32
          %add3A_511 = arith.addi %mul3A_52, %add3A_510 : i32
          %get3A_512 = arith.index_cast %add3A_511 : i32 to index
          %get3A_513 = arith.constant 64 : index
          %get3A_514 = tpu.vector_load %arg6[%get3A_512, %get3A_513] {strides = array<i32>} : memref<400x128xf32, #tpu.memory_space<vmem>>, vector<16xf32>,
          %add3A_515 = arith.constant 64 : i32
          %add3A_516 = arith.addi %mul3A_473, %add3A_515 : i32
          %add3A_517 = vector.broadcast %add3A_516 : i32 to vector<16xi32>
          %add3A_518 = arith.addi %iota3A, %add3A_517 : vector<16xi32>
          tpu.vector_store_idx %arg8[%add3A_518], %get3A_514 {add = true} : memref<12800xf32, #tpu.memory_space<vmem>>[vector<16xi32>], vector<16xf32>,
          %add3A_519 = arith.constant 5 : i32
          %add3A_520 = arith.addi %mul3A_52, %add3A_519 : i32
          %get3A_521 = arith.index_cast %add3A_520 : i32 to index
          %get3A_522 = arith.constant 80 : index
          %get3A_523 = tpu.vector_load %arg6[%get3A_521, %get3A_522] {strides = array<i32>} : memref<400x128xf32, #tpu.memory_space<vmem>>, vector<16xf32>,
          %add3A_524 = arith.constant 80 : i32
          %add3A_525 = arith.addi %mul3A_473, %add3A_524 : i32
          %add3A_526 = vector.broadcast %add3A_525 : i32 to vector<16xi32>
          %add3A_527 = arith.addi %iota3A, %add3A_526 : vector<16xi32>
          tpu.vector_store_idx %arg8[%add3A_527], %get3A_523 {add = true} : memref<12800xf32, #tpu.memory_space<vmem>>[vector<16xi32>], vector<16xf32>,
          %add3A_528 = arith.constant 5 : i32
          %add3A_529 = arith.addi %mul3A_52, %add3A_528 : i32
          %get3A_530 = arith.index_cast %add3A_529 : i32 to index
          %get3A_531 = arith.constant 96 : index
          %get3A_532 = tpu.vector_load %arg6[%get3A_530, %get3A_531] {strides = array<i32>} : memref<400x128xf32, #tpu.memory_space<vmem>>, vector<16xf32>,
          %add3A_533 = arith.constant 96 : i32
          %add3A_534 = arith.addi %mul3A_473, %add3A_533 : i32
          %add3A_535 = vector.broadcast %add3A_534 : i32 to vector<16xi32>
          %add3A_536 = arith.addi %iota3A, %add3A_535 : vector<16xi32>
          tpu.vector_store_idx %arg8[%add3A_536], %get3A_532 {add = true} : memref<12800xf32, #tpu.memory_space<vmem>>[vector<16xi32>], vector<16xf32>,
          %add3A_537 = arith.constant 5 : i32
          %add3A_538 = arith.addi %mul3A_52, %add3A_537 : i32
          %get3A_539 = arith.index_cast %add3A_538 : i32 to index
          %get3A_540 = arith.constant 112 : index
          %get3A_541 = tpu.vector_load %arg6[%get3A_539, %get3A_540] {strides = array<i32>} : memref<400x128xf32, #tpu.memory_space<vmem>>, vector<16xf32>,
          %add3A_542 = arith.constant 112 : i32
          %add3A_543 = arith.addi %mul3A_473, %add3A_542 : i32
          %add3A_544 = vector.broadcast %add3A_543 : i32 to vector<16xi32>
          %add3A_545 = arith.addi %iota3A, %add3A_544 : vector<16xi32>
          tpu.vector_store_idx %arg8[%add3A_545], %get3A_541 {add = true} : memref<12800xf32, #tpu.memory_space<vmem>>[vector<16xi32>], vector<16xf32>,
          %slice3A_546 = vector.extract_strided_slice %get3A_50 {offsets = [5], sizes = [1], strides = [1]} : vector<16xi32> to vector<1xi32>
          %squeeze3A_547 = vector.extract %slice3A_546[0] : i32 from vector<1xi32>
          %mul3A_548 = arith.constant 16 : i32
          %mul3A_549 = arith.muli %squeeze3A_547, %mul3A_548 : i32
          %add3A_550 = vector.broadcast %mul3A_549 : i32 to vector<16xi32>
          %add3A_551 = arith.addi %iota3A, %add3A_550 : vector<16xi32>
          tpu.vector_store_idx %arg9[%add3A_551], %select_n3A_12 {add = true} : memref<1600xf32, #tpu.memory_space<vmem>>[vector<16xi32>], vector<16xf32>,
          %slice3A_552 = vector.extract_strided_slice %get3A_50 {offsets = [6], sizes = [1], strides = [1]} : vector<16xi32> to vector<1xi32>
          %squeeze3A_553 = vector.extract %slice3A_552[0] : i32 from vector<1xi32>
          %mul3A_554 = arith.constant 128 : i32
          %mul3A_555 = arith.muli %squeeze3A_553, %mul3A_554 : i32
          %add3A_556 = arith.constant 6 : i32
          %add3A_557 = arith.addi %mul3A_52, %add3A_556 : i32
          %get3A_558 = arith.index_cast %add3A_557 : i32 to index
          %get3A_559 = arith.constant 0 : index
          %get3A_560 = tpu.vector_load %arg6[%get3A_558, %get3A_559] {strides = array<i32>} : memref<400x128xf32, #tpu.memory_space<vmem>>, vector<16xf32>,
          %add3A_561 = arith.constant 0 : i32
          %add3A_562 = arith.addi %mul3A_555, %add3A_561 : i32
          %add3A_563 = vector.broadcast %add3A_562 : i32 to vector<16xi32>
          %add3A_564 = arith.addi %iota3A, %add3A_563 : vector<16xi32>
          tpu.vector_store_idx %arg8[%add3A_564], %get3A_560 {add = true} : memref<12800xf32, #tpu.memory_space<vmem>>[vector<16xi32>], vector<16xf32>,
          %add3A_565 = arith.constant 6 : i32
          %add3A_566 = arith.addi %mul3A_52, %add3A_565 : i32
          %get3A_567 = arith.index_cast %add3A_566 : i32 to index
          %get3A_568 = arith.constant 16 : index
          %get3A_569 = tpu.vector_load %arg6[%get3A_567, %get3A_568] {strides = array<i32>} : memref<400x128xf32, #tpu.memory_space<vmem>>, vector<16xf32>,
          %add3A_570 = arith.constant 16 : i32
          %add3A_571 = arith.addi %mul3A_555, %add3A_570 : i32
          %add3A_572 = vector.broadcast %add3A_571 : i32 to vector<16xi32>
          %add3A_573 = arith.addi %iota3A, %add3A_572 : vector<16xi32>
          tpu.vector_store_idx %arg8[%add3A_573], %get3A_569 {add = true} : memref<12800xf32, #tpu.memory_space<vmem>>[vector<16xi32>], vector<16xf32>,
          %add3A_574 = arith.constant 6 : i32
          %add3A_575 = arith.addi %mul3A_52, %add3A_574 : i32
          %get3A_576 = arith.index_cast %add3A_575 : i32 to index
          %get3A_577 = arith.constant 32 : index
          %get3A_578 = tpu.vector_load %arg6[%get3A_576, %get3A_577] {strides = array<i32>} : memref<400x128xf32, #tpu.memory_space<vmem>>, vector<16xf32>,
          %add3A_579 = arith.constant 32 : i32
          %add3A_580 = arith.addi %mul3A_555, %add3A_579 : i32
          %add3A_581 = vector.broadcast %add3A_580 : i32 to vector<16xi32>
          %add3A_582 = arith.addi %iota3A, %add3A_581 : vector<16xi32>
          tpu.vector_store_idx %arg8[%add3A_582], %get3A_578 {add = true} : memref<12800xf32, #tpu.memory_space<vmem>>[vector<16xi32>], vector<16xf32>,
          %add3A_583 = arith.constant 6 : i32
          %add3A_584 = arith.addi %mul3A_52, %add3A_583 : i32
          %get3A_585 = arith.index_cast %add3A_584 : i32 to index
          %get3A_586 = arith.constant 48 : index
          %get3A_587 = tpu.vector_load %arg6[%get3A_585, %get3A_586] {strides = array<i32>} : memref<400x128xf32, #tpu.memory_space<vmem>>, vector<16xf32>,
          %add3A_588 = arith.constant 48 : i32
          %add3A_589 = arith.addi %mul3A_555, %add3A_588 : i32
          %add3A_590 = vector.broadcast %add3A_589 : i32 to vector<16xi32>
          %add3A_591 = arith.addi %iota3A, %add3A_590 : vector<16xi32>
          tpu.vector_store_idx %arg8[%add3A_591], %get3A_587 {add = true} : memref<12800xf32, #tpu.memory_space<vmem>>[vector<16xi32>], vector<16xf32>,
          %add3A_592 = arith.constant 6 : i32
          %add3A_593 = arith.addi %mul3A_52, %add3A_592 : i32
          %get3A_594 = arith.index_cast %add3A_593 : i32 to index
          %get3A_595 = arith.constant 64 : index
          %get3A_596 = tpu.vector_load %arg6[%get3A_594, %get3A_595] {strides = array<i32>} : memref<400x128xf32, #tpu.memory_space<vmem>>, vector<16xf32>,
          %add3A_597 = arith.constant 64 : i32
          %add3A_598 = arith.addi %mul3A_555, %add3A_597 : i32
          %add3A_599 = vector.broadcast %add3A_598 : i32 to vector<16xi32>
          %add3A_600 = arith.addi %iota3A, %add3A_599 : vector<16xi32>
          tpu.vector_store_idx %arg8[%add3A_600], %get3A_596 {add = true} : memref<12800xf32, #tpu.memory_space<vmem>>[vector<16xi32>], vector<16xf32>,
          %add3A_601 = arith.constant 6 : i32
          %add3A_602 = arith.addi %mul3A_52, %add3A_601 : i32
          %get3A_603 = arith.index_cast %add3A_602 : i32 to index
          %get3A_604 = arith.constant 80 : index
          %get3A_605 = tpu.vector_load %arg6[%get3A_603, %get3A_604] {strides = array<i32>} : memref<400x128xf32, #tpu.memory_space<vmem>>, vector<16xf32>,
          %add3A_606 = arith.constant 80 : i32
          %add3A_607 = arith.addi %mul3A_555, %add3A_606 : i32
          %add3A_608 = vector.broadcast %add3A_607 : i32 to vector<16xi32>
          %add3A_609 = arith.addi %iota3A, %add3A_608 : vector<16xi32>
          tpu.vector_store_idx %arg8[%add3A_609], %get3A_605 {add = true} : memref<12800xf32, #tpu.memory_space<vmem>>[vector<16xi32>], vector<16xf32>,
          %add3A_610 = arith.constant 6 : i32
          %add3A_611 = arith.addi %mul3A_52, %add3A_610 : i32
          %get3A_612 = arith.index_cast %add3A_611 : i32 to index
          %get3A_613 = arith.constant 96 : index
          %get3A_614 = tpu.vector_load %arg6[%get3A_612, %get3A_613] {strides = array<i32>} : memref<400x128xf32, #tpu.memory_space<vmem>>, vector<16xf32>,
          %add3A_615 = arith.constant 96 : i32
          %add3A_616 = arith.addi %mul3A_555, %add3A_615 : i32
          %add3A_617 = vector.broadcast %add3A_616 : i32 to vector<16xi32>
          %add3A_618 = arith.addi %iota3A, %add3A_617 : vector<16xi32>
          tpu.vector_store_idx %arg8[%add3A_618], %get3A_614 {add = true} : memref<12800xf32, #tpu.memory_space<vmem>>[vector<16xi32>], vector<16xf32>,
          %add3A_619 = arith.constant 6 : i32
          %add3A_620 = arith.addi %mul3A_52, %add3A_619 : i32
          %get3A_621 = arith.index_cast %add3A_620 : i32 to index
          %get3A_622 = arith.constant 112 : index
          %get3A_623 = tpu.vector_load %arg6[%get3A_621, %get3A_622] {strides = array<i32>} : memref<400x128xf32, #tpu.memory_space<vmem>>, vector<16xf32>,
          %add3A_624 = arith.constant 112 : i32
          %add3A_625 = arith.addi %mul3A_555, %add3A_624 : i32
          %add3A_626 = vector.broadcast %add3A_625 : i32 to vector<16xi32>
          %add3A_627 = arith.addi %iota3A, %add3A_626 : vector<16xi32>
          tpu.vector_store_idx %arg8[%add3A_627], %get3A_623 {add = true} : memref<12800xf32, #tpu.memory_space<vmem>>[vector<16xi32>], vector<16xf32>,
          %slice3A_628 = vector.extract_strided_slice %get3A_50 {offsets = [6], sizes = [1], strides = [1]} : vector<16xi32> to vector<1xi32>
          %squeeze3A_629 = vector.extract %slice3A_628[0] : i32 from vector<1xi32>
          %mul3A_630 = arith.constant 16 : i32
          %mul3A_631 = arith.muli %squeeze3A_629, %mul3A_630 : i32
          %add3A_632 = vector.broadcast %mul3A_631 : i32 to vector<16xi32>
          %add3A_633 = arith.addi %iota3A, %add3A_632 : vector<16xi32>
          tpu.vector_store_idx %arg9[%add3A_633], %select_n3A_12 {add = true} : memref<1600xf32, #tpu.memory_space<vmem>>[vector<16xi32>], vector<16xf32>,
          %slice3A_634 = vector.extract_strided_slice %get3A_50 {offsets = [7], sizes = [1], strides = [1]} : vector<16xi32> to vector<1xi32>
          %squeeze3A_635 = vector.extract %slice3A_634[0] : i32 from vector<1xi32>
          %mul3A_636 = arith.constant 128 : i32
          %mul3A_637 = arith.muli %squeeze3A_635, %mul3A_636 : i32
          %add3A_638 = arith.constant 7 : i32
          %add3A_639 = arith.addi %mul3A_52, %add3A_638 : i32
          %get3A_640 = arith.index_cast %add3A_639 : i32 to index
          %get3A_641 = arith.constant 0 : index
          %get3A_642 = tpu.vector_load %arg6[%get3A_640, %get3A_641] {strides = array<i32>} : memref<400x128xf32, #tpu.memory_space<vmem>>, vector<16xf32>,
          %add3A_643 = arith.constant 0 : i32
          %add3A_644 = arith.addi %mul3A_637, %add3A_643 : i32
          %add3A_645 = vector.broadcast %add3A_644 : i32 to vector<16xi32>
          %add3A_646 = arith.addi %iota3A, %add3A_645 : vector<16xi32>
          tpu.vector_store_idx %arg8[%add3A_646], %get3A_642 {add = true} : memref<12800xf32, #tpu.memory_space<vmem>>[vector<16xi32>], vector<16xf32>,
          %add3A_647 = arith.constant 7 : i32
          %add3A_648 = arith.addi %mul3A_52, %add3A_647 : i32
          %get3A_649 = arith.index_cast %add3A_648 : i32 to index
          %get3A_650 = arith.constant 16 : index
          %get3A_651 = tpu.vector_load %arg6[%get3A_649, %get3A_650] {strides = array<i32>} : memref<400x128xf32, #tpu.memory_space<vmem>>, vector<16xf32>,
          %add3A_652 = arith.constant 16 : i32
          %add3A_653 = arith.addi %mul3A_637, %add3A_652 : i32
          %add3A_654 = vector.broadcast %add3A_653 : i32 to vector<16xi32>
          %add3A_655 = arith.addi %iota3A, %add3A_654 : vector<16xi32>
          tpu.vector_store_idx %arg8[%add3A_655], %get3A_651 {add = true} : memref<12800xf32, #tpu.memory_space<vmem>>[vector<16xi32>], vector<16xf32>,
          %add3A_656 = arith.constant 7 : i32
          %add3A_657 = arith.addi %mul3A_52, %add3A_656 : i32
          %get3A_658 = arith.index_cast %add3A_657 : i32 to index
          %get3A_659 = arith.constant 32 : index
          %get3A_660 = tpu.vector_load %arg6[%get3A_658, %get3A_659] {strides = array<i32>} : memref<400x128xf32, #tpu.memory_space<vmem>>, vector<16xf32>,
          %add3A_661 = arith.constant 32 : i32
          %add3A_662 = arith.addi %mul3A_637, %add3A_661 : i32
          %add3A_663 = vector.broadcast %add3A_662 : i32 to vector<16xi32>
          %add3A_664 = arith.addi %iota3A, %add3A_663 : vector<16xi32>
          tpu.vector_store_idx %arg8[%add3A_664], %get3A_660 {add = true} : memref<12800xf32, #tpu.memory_space<vmem>>[vector<16xi32>], vector<16xf32>,
          %add3A_665 = arith.constant 7 : i32
          %add3A_666 = arith.addi %mul3A_52, %add3A_665 : i32
          %get3A_667 = arith.index_cast %add3A_666 : i32 to index
          %get3A_668 = arith.constant 48 : index
          %get3A_669 = tpu.vector_load %arg6[%get3A_667, %get3A_668] {strides = array<i32>} : memref<400x128xf32, #tpu.memory_space<vmem>>, vector<16xf32>,
          %add3A_670 = arith.constant 48 : i32
          %add3A_671 = arith.addi %mul3A_637, %add3A_670 : i32
          %add3A_672 = vector.broadcast %add3A_671 : i32 to vector<16xi32>
          %add3A_673 = arith.addi %iota3A, %add3A_672 : vector<16xi32>
          tpu.vector_store_idx %arg8[%add3A_673], %get3A_669 {add = true} : memref<12800xf32, #tpu.memory_space<vmem>>[vector<16xi32>], vector<16xf32>,
          %add3A_674 = arith.constant 7 : i32
          %add3A_675 = arith.addi %mul3A_52, %add3A_674 : i32
          %get3A_676 = arith.index_cast %add3A_675 : i32 to index
          %get3A_677 = arith.constant 64 : index
          %get3A_678 = tpu.vector_load %arg6[%get3A_676, %get3A_677] {strides = array<i32>} : memref<400x128xf32, #tpu.memory_space<vmem>>, vector<16xf32>,
          %add3A_679 = arith.constant 64 : i32
          %add3A_680 = arith.addi %mul3A_637, %add3A_679 : i32
          %add3A_681 = vector.broadcast %add3A_680 : i32 to vector<16xi32>
          %add3A_682 = arith.addi %iota3A, %add3A_681 : vector<16xi32>
          tpu.vector_store_idx %arg8[%add3A_682], %get3A_678 {add = true} : memref<12800xf32, #tpu.memory_space<vmem>>[vector<16xi32>], vector<16xf32>,
          %add3A_683 = arith.constant 7 : i32
          %add3A_684 = arith.addi %mul3A_52, %add3A_683 : i32
          %get3A_685 = arith.index_cast %add3A_684 : i32 to index
          %get3A_686 = arith.constant 80 : index
          %get3A_687 = tpu.vector_load %arg6[%get3A_685, %get3A_686] {strides = array<i32>} : memref<400x128xf32, #tpu.memory_space<vmem>>, vector<16xf32>,
          %add3A_688 = arith.constant 80 : i32
          %add3A_689 = arith.addi %mul3A_637, %add3A_688 : i32
          %add3A_690 = vector.broadcast %add3A_689 : i32 to vector<16xi32>
          %add3A_691 = arith.addi %iota3A, %add3A_690 : vector<16xi32>
          tpu.vector_store_idx %arg8[%add3A_691], %get3A_687 {add = true} : memref<12800xf32, #tpu.memory_space<vmem>>[vector<16xi32>], vector<16xf32>,
          %add3A_692 = arith.constant 7 : i32
          %add3A_693 = arith.addi %mul3A_52, %add3A_692 : i32
          %get3A_694 = arith.index_cast %add3A_693 : i32 to index
          %get3A_695 = arith.constant 96 : index
          %get3A_696 = tpu.vector_load %arg6[%get3A_694, %get3A_695] {strides = array<i32>} : memref<400x128xf32, #tpu.memory_space<vmem>>, vector<16xf32>,
          %add3A_697 = arith.constant 96 : i32
          %add3A_698 = arith.addi %mul3A_637, %add3A_697 : i32
          %add3A_699 = vector.broadcast %add3A_698 : i32 to vector<16xi32>
          %add3A_700 = arith.addi %iota3A, %add3A_699 : vector<16xi32>
          tpu.vector_store_idx %arg8[%add3A_700], %get3A_696 {add = true} : memref<12800xf32, #tpu.memory_space<vmem>>[vector<16xi32>], vector<16xf32>,
          %add3A_701 = arith.constant 7 : i32
          %add3A_702 = arith.addi %mul3A_52, %add3A_701 : i32
          %get3A_703 = arith.index_cast %add3A_702 : i32 to index
          %get3A_704 = arith.constant 112 : index
          %get3A_705 = tpu.vector_load %arg6[%get3A_703, %get3A_704] {strides = array<i32>} : memref<400x128xf32, #tpu.memory_space<vmem>>, vector<16xf32>,
          %add3A_706 = arith.constant 112 : i32
          %add3A_707 = arith.addi %mul3A_637, %add3A_706 : i32
          %add3A_708 = vector.broadcast %add3A_707 : i32 to vector<16xi32>
          %add3A_709 = arith.addi %iota3A, %add3A_708 : vector<16xi32>
          tpu.vector_store_idx %arg8[%add3A_709], %get3A_705 {add = true} : memref<12800xf32, #tpu.memory_space<vmem>>[vector<16xi32>], vector<16xf32>,
          %slice3A_710 = vector.extract_strided_slice %get3A_50 {offsets = [7], sizes = [1], strides = [1]} : vector<16xi32> to vector<1xi32>
          %squeeze3A_711 = vector.extract %slice3A_710[0] : i32 from vector<1xi32>
          %mul3A_712 = arith.constant 16 : i32
          %mul3A_713 = arith.muli %squeeze3A_711, %mul3A_712 : i32
          %add3A_714 = vector.broadcast %mul3A_713 : i32 to vector<16xi32>
          %add3A_715 = arith.addi %iota3A, %add3A_714 : vector<16xi32>
          tpu.vector_store_idx %arg9[%add3A_715], %select_n3A_12 {add = true} : memref<1600xf32, #tpu.memory_space<vmem>>[vector<16xi32>], vector<16xf32>,
          %slice3A_716 = vector.extract_strided_slice %get3A_50 {offsets = [8], sizes = [1], strides = [1]} : vector<16xi32> to vector<1xi32>
          %squeeze3A_717 = vector.extract %slice3A_716[0] : i32 from vector<1xi32>
          %mul3A_718 = arith.constant 128 : i32
          %mul3A_719 = arith.muli %squeeze3A_717, %mul3A_718 : i32
          %add3A_720 = arith.constant 8 : i32
          %add3A_721 = arith.addi %mul3A_52, %add3A_720 : i32
          %get3A_722 = arith.index_cast %add3A_721 : i32 to index
          %get3A_723 = arith.constant 0 : index
          %get3A_724 = tpu.vector_load %arg6[%get3A_722, %get3A_723] {strides = array<i32>} : memref<400x128xf32, #tpu.memory_space<vmem>>, vector<16xf32>,
          %add3A_725 = arith.constant 0 : i32
          %add3A_726 = arith.addi %mul3A_719, %add3A_725 : i32
          %add3A_727 = vector.broadcast %add3A_726 : i32 to vector<16xi32>
          %add3A_728 = arith.addi %iota3A, %add3A_727 : vector<16xi32>
          tpu.vector_store_idx %arg8[%add3A_728], %get3A_724 {add = true} : memref<12800xf32, #tpu.memory_space<vmem>>[vector<16xi32>], vector<16xf32>,
          %add3A_729 = arith.constant 8 : i32
          %add3A_730 = arith.addi %mul3A_52, %add3A_729 : i32
          %get3A_731 = arith.index_cast %add3A_730 : i32 to index
          %get3A_732 = arith.constant 16 : index
          %get3A_733 = tpu.vector_load %arg6[%get3A_731, %get3A_732] {strides = array<i32>} : memref<400x128xf32, #tpu.memory_space<vmem>>, vector<16xf32>,
          %add3A_734 = arith.constant 16 : i32
          %add3A_735 = arith.addi %mul3A_719, %add3A_734 : i32
          %add3A_736 = vector.broadcast %add3A_735 : i32 to vector<16xi32>
          %add3A_737 = arith.addi %iota3A, %add3A_736 : vector<16xi32>
          tpu.vector_store_idx %arg8[%add3A_737], %get3A_733 {add = true} : memref<12800xf32, #tpu.memory_space<vmem>>[vector<16xi32>], vector<16xf32>,
          %add3A_738 = arith.constant 8 : i32
          %add3A_739 = arith.addi %mul3A_52, %add3A_738 : i32
          %get3A_740 = arith.index_cast %add3A_739 : i32 to index
          %get3A_741 = arith.constant 32 : index
          %get3A_742 = tpu.vector_load %arg6[%get3A_740, %get3A_741] {strides = array<i32>} : memref<400x128xf32, #tpu.memory_space<vmem>>, vector<16xf32>,
          %add3A_743 = arith.constant 32 : i32
          %add3A_744 = arith.addi %mul3A_719, %add3A_743 : i32
          %add3A_745 = vector.broadcast %add3A_744 : i32 to vector<16xi32>
          %add3A_746 = arith.addi %iota3A, %add3A_745 : vector<16xi32>
          tpu.vector_store_idx %arg8[%add3A_746], %get3A_742 {add = true} : memref<12800xf32, #tpu.memory_space<vmem>>[vector<16xi32>], vector<16xf32>,
          %add3A_747 = arith.constant 8 : i32
          %add3A_748 = arith.addi %mul3A_52, %add3A_747 : i32
          %get3A_749 = arith.index_cast %add3A_748 : i32 to index
          %get3A_750 = arith.constant 48 : index
          %get3A_751 = tpu.vector_load %arg6[%get3A_749, %get3A_750] {strides = array<i32>} : memref<400x128xf32, #tpu.memory_space<vmem>>, vector<16xf32>,
          %add3A_752 = arith.constant 48 : i32
          %add3A_753 = arith.addi %mul3A_719, %add3A_752 : i32
          %add3A_754 = vector.broadcast %add3A_753 : i32 to vector<16xi32>
          %add3A_755 = arith.addi %iota3A, %add3A_754 : vector<16xi32>
          tpu.vector_store_idx %arg8[%add3A_755], %get3A_751 {add = true} : memref<12800xf32, #tpu.memory_space<vmem>>[vector<16xi32>], vector<16xf32>,
          %add3A_756 = arith.constant 8 : i32
          %add3A_757 = arith.addi %mul3A_52, %add3A_756 : i32
          %get3A_758 = arith.index_cast %add3A_757 : i32 to index
          %get3A_759 = arith.constant 64 : index
          %get3A_760 = tpu.vector_load %arg6[%get3A_758, %get3A_759] {strides = array<i32>} : memref<400x128xf32, #tpu.memory_space<vmem>>, vector<16xf32>,
          %add3A_761 = arith.constant 64 : i32
          %add3A_762 = arith.addi %mul3A_719, %add3A_761 : i32
          %add3A_763 = vector.broadcast %add3A_762 : i32 to vector<16xi32>
          %add3A_764 = arith.addi %iota3A, %add3A_763 : vector<16xi32>
          tpu.vector_store_idx %arg8[%add3A_764], %get3A_760 {add = true} : memref<12800xf32, #tpu.memory_space<vmem>>[vector<16xi32>], vector<16xf32>,
          %add3A_765 = arith.constant 8 : i32
          %add3A_766 = arith.addi %mul3A_52, %add3A_765 : i32
          %get3A_767 = arith.index_cast %add3A_766 : i32 to index
          %get3A_768 = arith.constant 80 : index
          %get3A_769 = tpu.vector_load %arg6[%get3A_767, %get3A_768] {strides = array<i32>} : memref<400x128xf32, #tpu.memory_space<vmem>>, vector<16xf32>,
          %add3A_770 = arith.constant 80 : i32
          %add3A_771 = arith.addi %mul3A_719, %add3A_770 : i32
          %add3A_772 = vector.broadcast %add3A_771 : i32 to vector<16xi32>
          %add3A_773 = arith.addi %iota3A, %add3A_772 : vector<16xi32>
          tpu.vector_store_idx %arg8[%add3A_773], %get3A_769 {add = true} : memref<12800xf32, #tpu.memory_space<vmem>>[vector<16xi32>], vector<16xf32>,
          %add3A_774 = arith.constant 8 : i32
          %add3A_775 = arith.addi %mul3A_52, %add3A_774 : i32
          %get3A_776 = arith.index_cast %add3A_775 : i32 to index
          %get3A_777 = arith.constant 96 : index
          %get3A_778 = tpu.vector_load %arg6[%get3A_776, %get3A_777] {strides = array<i32>} : memref<400x128xf32, #tpu.memory_space<vmem>>, vector<16xf32>,
          %add3A_779 = arith.constant 96 : i32
          %add3A_780 = arith.addi %mul3A_719, %add3A_779 : i32
          %add3A_781 = vector.broadcast %add3A_780 : i32 to vector<16xi32>
          %add3A_782 = arith.addi %iota3A, %add3A_781 : vector<16xi32>
          tpu.vector_store_idx %arg8[%add3A_782], %get3A_778 {add = true} : memref<12800xf32, #tpu.memory_space<vmem>>[vector<16xi32>], vector<16xf32>,
          %add3A_783 = arith.constant 8 : i32
          %add3A_784 = arith.addi %mul3A_52, %add3A_783 : i32
          %get3A_785 = arith.index_cast %add3A_784 : i32 to index
          %get3A_786 = arith.constant 112 : index
          %get3A_787 = tpu.vector_load %arg6[%get3A_785, %get3A_786] {strides = array<i32>} : memref<400x128xf32, #tpu.memory_space<vmem>>, vector<16xf32>,
          %add3A_788 = arith.constant 112 : i32
          %add3A_789 = arith.addi %mul3A_719, %add3A_788 : i32
          %add3A_790 = vector.broadcast %add3A_789 : i32 to vector<16xi32>
          %add3A_791 = arith.addi %iota3A, %add3A_790 : vector<16xi32>
          tpu.vector_store_idx %arg8[%add3A_791], %get3A_787 {add = true} : memref<12800xf32, #tpu.memory_space<vmem>>[vector<16xi32>], vector<16xf32>,
          %slice3A_792 = vector.extract_strided_slice %get3A_50 {offsets = [8], sizes = [1], strides = [1]} : vector<16xi32> to vector<1xi32>
          %squeeze3A_793 = vector.extract %slice3A_792[0] : i32 from vector<1xi32>
          %mul3A_794 = arith.constant 16 : i32
          %mul3A_795 = arith.muli %squeeze3A_793, %mul3A_794 : i32
          %add3A_796 = vector.broadcast %mul3A_795 : i32 to vector<16xi32>
          %add3A_797 = arith.addi %iota3A, %add3A_796 : vector<16xi32>
          tpu.vector_store_idx %arg9[%add3A_797], %select_n3A_12 {add = true} : memref<1600xf32, #tpu.memory_space<vmem>>[vector<16xi32>], vector<16xf32>,
          %slice3A_798 = vector.extract_strided_slice %get3A_50 {offsets = [9], sizes = [1], strides = [1]} : vector<16xi32> to vector<1xi32>
          %squeeze3A_799 = vector.extract %slice3A_798[0] : i32 from vector<1xi32>
          %mul3A_800 = arith.constant 128 : i32
          %mul3A_801 = arith.muli %squeeze3A_799, %mul3A_800 : i32
          %add3A_802 = arith.constant 9 : i32
          %add3A_803 = arith.addi %mul3A_52, %add3A_802 : i32
          %get3A_804 = arith.index_cast %add3A_803 : i32 to index
          %get3A_805 = arith.constant 0 : index
          %get3A_806 = tpu.vector_load %arg6[%get3A_804, %get3A_805] {strides = array<i32>} : memref<400x128xf32, #tpu.memory_space<vmem>>, vector<16xf32>,
          %add3A_807 = arith.constant 0 : i32
          %add3A_808 = arith.addi %mul3A_801, %add3A_807 : i32
          %add3A_809 = vector.broadcast %add3A_808 : i32 to vector<16xi32>
          %add3A_810 = arith.addi %iota3A, %add3A_809 : vector<16xi32>
          tpu.vector_store_idx %arg8[%add3A_810], %get3A_806 {add = true} : memref<12800xf32, #tpu.memory_space<vmem>>[vector<16xi32>], vector<16xf32>,
          %add3A_811 = arith.constant 9 : i32
          %add3A_812 = arith.addi %mul3A_52, %add3A_811 : i32
          %get3A_813 = arith.index_cast %add3A_812 : i32 to index
          %get3A_814 = arith.constant 16 : index
          %get3A_815 = tpu.vector_load %arg6[%get3A_813, %get3A_814] {strides = array<i32>} : memref<400x128xf32, #tpu.memory_space<vmem>>, vector<16xf32>,
          %add3A_816 = arith.constant 16 : i32
          %add3A_817 = arith.addi %mul3A_801, %add3A_816 : i32
          %add3A_818 = vector.broadcast %add3A_817 : i32 to vector<16xi32>
          %add3A_819 = arith.addi %iota3A, %add3A_818 : vector<16xi32>
          tpu.vector_store_idx %arg8[%add3A_819], %get3A_815 {add = true} : memref<12800xf32, #tpu.memory_space<vmem>>[vector<16xi32>], vector<16xf32>,
          %add3A_820 = arith.constant 9 : i32
          %add3A_821 = arith.addi %mul3A_52, %add3A_820 : i32
          %get3A_822 = arith.index_cast %add3A_821 : i32 to index
          %get3A_823 = arith.constant 32 : index
          %get3A_824 = tpu.vector_load %arg6[%get3A_822, %get3A_823] {strides = array<i32>} : memref<400x128xf32, #tpu.memory_space<vmem>>, vector<16xf32>,
          %add3A_825 = arith.constant 32 : i32
          %add3A_826 = arith.addi %mul3A_801, %add3A_825 : i32
          %add3A_827 = vector.broadcast %add3A_826 : i32 to vector<16xi32>
          %add3A_828 = arith.addi %iota3A, %add3A_827 : vector<16xi32>
          tpu.vector_store_idx %arg8[%add3A_828], %get3A_824 {add = true} : memref<12800xf32, #tpu.memory_space<vmem>>[vector<16xi32>], vector<16xf32>,
          %add3A_829 = arith.constant 9 : i32
          %add3A_830 = arith.addi %mul3A_52, %add3A_829 : i32
          %get3A_831 = arith.index_cast %add3A_830 : i32 to index
          %get3A_832 = arith.constant 48 : index
          %get3A_833 = tpu.vector_load %arg6[%get3A_831, %get3A_832] {strides = array<i32>} : memref<400x128xf32, #tpu.memory_space<vmem>>, vector<16xf32>,
          %add3A_834 = arith.constant 48 : i32
          %add3A_835 = arith.addi %mul3A_801, %add3A_834 : i32
          %add3A_836 = vector.broadcast %add3A_835 : i32 to vector<16xi32>
          %add3A_837 = arith.addi %iota3A, %add3A_836 : vector<16xi32>
          tpu.vector_store_idx %arg8[%add3A_837], %get3A_833 {add = true} : memref<12800xf32, #tpu.memory_space<vmem>>[vector<16xi32>], vector<16xf32>,
          %add3A_838 = arith.constant 9 : i32
          %add3A_839 = arith.addi %mul3A_52, %add3A_838 : i32
          %get3A_840 = arith.index_cast %add3A_839 : i32 to index
          %get3A_841 = arith.constant 64 : index
          %get3A_842 = tpu.vector_load %arg6[%get3A_840, %get3A_841] {strides = array<i32>} : memref<400x128xf32, #tpu.memory_space<vmem>>, vector<16xf32>,
          %add3A_843 = arith.constant 64 : i32
          %add3A_844 = arith.addi %mul3A_801, %add3A_843 : i32
          %add3A_845 = vector.broadcast %add3A_844 : i32 to vector<16xi32>
          %add3A_846 = arith.addi %iota3A, %add3A_845 : vector<16xi32>
          tpu.vector_store_idx %arg8[%add3A_846], %get3A_842 {add = true} : memref<12800xf32, #tpu.memory_space<vmem>>[vector<16xi32>], vector<16xf32>,
          %add3A_847 = arith.constant 9 : i32
          %add3A_848 = arith.addi %mul3A_52, %add3A_847 : i32
          %get3A_849 = arith.index_cast %add3A_848 : i32 to index
          %get3A_850 = arith.constant 80 : index
          %get3A_851 = tpu.vector_load %arg6[%get3A_849, %get3A_850] {strides = array<i32>} : memref<400x128xf32, #tpu.memory_space<vmem>>, vector<16xf32>,
          %add3A_852 = arith.constant 80 : i32
          %add3A_853 = arith.addi %mul3A_801, %add3A_852 : i32
          %add3A_854 = vector.broadcast %add3A_853 : i32 to vector<16xi32>
          %add3A_855 = arith.addi %iota3A, %add3A_854 : vector<16xi32>
          tpu.vector_store_idx %arg8[%add3A_855], %get3A_851 {add = true} : memref<12800xf32, #tpu.memory_space<vmem>>[vector<16xi32>], vector<16xf32>,
          %add3A_856 = arith.constant 9 : i32
          %add3A_857 = arith.addi %mul3A_52, %add3A_856 : i32
          %get3A_858 = arith.index_cast %add3A_857 : i32 to index
          %get3A_859 = arith.constant 96 : index
          %get3A_860 = tpu.vector_load %arg6[%get3A_858, %get3A_859] {strides = array<i32>} : memref<400x128xf32, #tpu.memory_space<vmem>>, vector<16xf32>,
          %add3A_861 = arith.constant 96 : i32
          %add3A_862 = arith.addi %mul3A_801, %add3A_861 : i32
          %add3A_863 = vector.broadcast %add3A_862 : i32 to vector<16xi32>
          %add3A_864 = arith.addi %iota3A, %add3A_863 : vector<16xi32>
          tpu.vector_store_idx %arg8[%add3A_864], %get3A_860 {add = true} : memref<12800xf32, #tpu.memory_space<vmem>>[vector<16xi32>], vector<16xf32>,
          %add3A_865 = arith.constant 9 : i32
          %add3A_866 = arith.addi %mul3A_52, %add3A_865 : i32
          %get3A_867 = arith.index_cast %add3A_866 : i32 to index
          %get3A_868 = arith.constant 112 : index
          %get3A_869 = tpu.vector_load %arg6[%get3A_867, %get3A_868] {strides = array<i32>} : memref<400x128xf32, #tpu.memory_space<vmem>>, vector<16xf32>,
          %add3A_870 = arith.constant 112 : i32
          %add3A_871 = arith.addi %mul3A_801, %add3A_870 : i32
          %add3A_872 = vector.broadcast %add3A_871 : i32 to vector<16xi32>
          %add3A_873 = arith.addi %iota3A, %add3A_872 : vector<16xi32>
          tpu.vector_store_idx %arg8[%add3A_873], %get3A_869 {add = true} : memref<12800xf32, #tpu.memory_space<vmem>>[vector<16xi32>], vector<16xf32>,
          %slice3A_874 = vector.extract_strided_slice %get3A_50 {offsets = [9], sizes = [1], strides = [1]} : vector<16xi32> to vector<1xi32>
          %squeeze3A_875 = vector.extract %slice3A_874[0] : i32 from vector<1xi32>
          %mul3A_876 = arith.constant 16 : i32
          %mul3A_877 = arith.muli %squeeze3A_875, %mul3A_876 : i32
          %add3A_878 = vector.broadcast %mul3A_877 : i32 to vector<16xi32>
          %add3A_879 = arith.addi %iota3A, %add3A_878 : vector<16xi32>
          tpu.vector_store_idx %arg9[%add3A_879], %select_n3A_12 {add = true} : memref<1600xf32, #tpu.memory_space<vmem>>[vector<16xi32>], vector<16xf32>,
          %slice3A_880 = vector.extract_strided_slice %get3A_50 {offsets = [10], sizes = [1], strides = [1]} : vector<16xi32> to vector<1xi32>
          %squeeze3A_881 = vector.extract %slice3A_880[0] : i32 from vector<1xi32>
          %mul3A_882 = arith.constant 128 : i32
          %mul3A_883 = arith.muli %squeeze3A_881, %mul3A_882 : i32
          %add3A_884 = arith.constant 10 : i32
          %add3A_885 = arith.addi %mul3A_52, %add3A_884 : i32
          %get3A_886 = arith.index_cast %add3A_885 : i32 to index
          %get3A_887 = arith.constant 0 : index
          %get3A_888 = tpu.vector_load %arg6[%get3A_886, %get3A_887] {strides = array<i32>} : memref<400x128xf32, #tpu.memory_space<vmem>>, vector<16xf32>,
          %add3A_889 = arith.constant 0 : i32
          %add3A_890 = arith.addi %mul3A_883, %add3A_889 : i32
          %add3A_891 = vector.broadcast %add3A_890 : i32 to vector<16xi32>
          %add3A_892 = arith.addi %iota3A, %add3A_891 : vector<16xi32>
          tpu.vector_store_idx %arg8[%add3A_892], %get3A_888 {add = true} : memref<12800xf32, #tpu.memory_space<vmem>>[vector<16xi32>], vector<16xf32>,
          %add3A_893 = arith.constant 10 : i32
          %add3A_894 = arith.addi %mul3A_52, %add3A_893 : i32
          %get3A_895 = arith.index_cast %add3A_894 : i32 to index
          %get3A_896 = arith.constant 16 : index
          %get3A_897 = tpu.vector_load %arg6[%get3A_895, %get3A_896] {strides = array<i32>} : memref<400x128xf32, #tpu.memory_space<vmem>>, vector<16xf32>,
          %add3A_898 = arith.constant 16 : i32
          %add3A_899 = arith.addi %mul3A_883, %add3A_898 : i32
          %add3A_900 = vector.broadcast %add3A_899 : i32 to vector<16xi32>
          %add3A_901 = arith.addi %iota3A, %add3A_900 : vector<16xi32>
          tpu.vector_store_idx %arg8[%add3A_901], %get3A_897 {add = true} : memref<12800xf32, #tpu.memory_space<vmem>>[vector<16xi32>], vector<16xf32>,
          %add3A_902 = arith.constant 10 : i32
          %add3A_903 = arith.addi %mul3A_52, %add3A_902 : i32
          %get3A_904 = arith.index_cast %add3A_903 : i32 to index
          %get3A_905 = arith.constant 32 : index
          %get3A_906 = tpu.vector_load %arg6[%get3A_904, %get3A_905] {strides = array<i32>} : memref<400x128xf32, #tpu.memory_space<vmem>>, vector<16xf32>,
          %add3A_907 = arith.constant 32 : i32
          %add3A_908 = arith.addi %mul3A_883, %add3A_907 : i32
          %add3A_909 = vector.broadcast %add3A_908 : i32 to vector<16xi32>
          %add3A_910 = arith.addi %iota3A, %add3A_909 : vector<16xi32>
          tpu.vector_store_idx %arg8[%add3A_910], %get3A_906 {add = true} : memref<12800xf32, #tpu.memory_space<vmem>>[vector<16xi32>], vector<16xf32>,
          %add3A_911 = arith.constant 10 : i32
          %add3A_912 = arith.addi %mul3A_52, %add3A_911 : i32
          %get3A_913 = arith.index_cast %add3A_912 : i32 to index
          %get3A_914 = arith.constant 48 : index
          %get3A_915 = tpu.vector_load %arg6[%get3A_913, %get3A_914] {strides = array<i32>} : memref<400x128xf32, #tpu.memory_space<vmem>>, vector<16xf32>,
          %add3A_916 = arith.constant 48 : i32
          %add3A_917 = arith.addi %mul3A_883, %add3A_916 : i32
          %add3A_918 = vector.broadcast %add3A_917 : i32 to vector<16xi32>
          %add3A_919 = arith.addi %iota3A, %add3A_918 : vector<16xi32>
          tpu.vector_store_idx %arg8[%add3A_919], %get3A_915 {add = true} : memref<12800xf32, #tpu.memory_space<vmem>>[vector<16xi32>], vector<16xf32>,
          %add3A_920 = arith.constant 10 : i32
          %add3A_921 = arith.addi %mul3A_52, %add3A_920 : i32
          %get3A_922 = arith.index_cast %add3A_921 : i32 to index
          %get3A_923 = arith.constant 64 : index
          %get3A_924 = tpu.vector_load %arg6[%get3A_922, %get3A_923] {strides = array<i32>} : memref<400x128xf32, #tpu.memory_space<vmem>>, vector<16xf32>,
          %add3A_925 = arith.constant 64 : i32
          %add3A_926 = arith.addi %mul3A_883, %add3A_925 : i32
          %add3A_927 = vector.broadcast %add3A_926 : i32 to vector<16xi32>
          %add3A_928 = arith.addi %iota3A, %add3A_927 : vector<16xi32>
          tpu.vector_store_idx %arg8[%add3A_928], %get3A_924 {add = true} : memref<12800xf32, #tpu.memory_space<vmem>>[vector<16xi32>], vector<16xf32>,
          %add3A_929 = arith.constant 10 : i32
          %add3A_930 = arith.addi %mul3A_52, %add3A_929 : i32
          %get3A_931 = arith.index_cast %add3A_930 : i32 to index
          %get3A_932 = arith.constant 80 : index
          %get3A_933 = tpu.vector_load %arg6[%get3A_931, %get3A_932] {strides = array<i32>} : memref<400x128xf32, #tpu.memory_space<vmem>>, vector<16xf32>,
          %add3A_934 = arith.constant 80 : i32
          %add3A_935 = arith.addi %mul3A_883, %add3A_934 : i32
          %add3A_936 = vector.broadcast %add3A_935 : i32 to vector<16xi32>
          %add3A_937 = arith.addi %iota3A, %add3A_936 : vector<16xi32>
          tpu.vector_store_idx %arg8[%add3A_937], %get3A_933 {add = true} : memref<12800xf32, #tpu.memory_space<vmem>>[vector<16xi32>], vector<16xf32>,
          %add3A_938 = arith.constant 10 : i32
          %add3A_939 = arith.addi %mul3A_52, %add3A_938 : i32
          %get3A_940 = arith.index_cast %add3A_939 : i32 to index
          %get3A_941 = arith.constant 96 : index
          %get3A_942 = tpu.vector_load %arg6[%get3A_940, %get3A_941] {strides = array<i32>} : memref<400x128xf32, #tpu.memory_space<vmem>>, vector<16xf32>,
          %add3A_943 = arith.constant 96 : i32
          %add3A_944 = arith.addi %mul3A_883, %add3A_943 : i32
          %add3A_945 = vector.broadcast %add3A_944 : i32 to vector<16xi32>
          %add3A_946 = arith.addi %iota3A, %add3A_945 : vector<16xi32>
          tpu.vector_store_idx %arg8[%add3A_946], %get3A_942 {add = true} : memref<12800xf32, #tpu.memory_space<vmem>>[vector<16xi32>], vector<16xf32>,
          %add3A_947 = arith.constant 10 : i32
          %add3A_948 = arith.addi %mul3A_52, %add3A_947 : i32
          %get3A_949 = arith.index_cast %add3A_948 : i32 to index
          %get3A_950 = arith.constant 112 : index
          %get3A_951 = tpu.vector_load %arg6[%get3A_949, %get3A_950] {strides = array<i32>} : memref<400x128xf32, #tpu.memory_space<vmem>>, vector<16xf32>,
          %add3A_952 = arith.constant 112 : i32
          %add3A_953 = arith.addi %mul3A_883, %add3A_952 : i32
          %add3A_954 = vector.broadcast %add3A_953 : i32 to vector<16xi32>
          %add3A_955 = arith.addi %iota3A, %add3A_954 : vector<16xi32>
          tpu.vector_store_idx %arg8[%add3A_955], %get3A_951 {add = true} : memref<12800xf32, #tpu.memory_space<vmem>>[vector<16xi32>], vector<16xf32>,
          %slice3A_956 = vector.extract_strided_slice %get3A_50 {offsets = [10], sizes = [1], strides = [1]} : vector<16xi32> to vector<1xi32>
          %squeeze3A_957 = vector.extract %slice3A_956[0] : i32 from vector<1xi32>
          %mul3A_958 = arith.constant 16 : i32
          %mul3A_959 = arith.muli %squeeze3A_957, %mul3A_958 : i32
          %add3A_960 = vector.broadcast %mul3A_959 : i32 to vector<16xi32>
          %add3A_961 = arith.addi %iota3A, %add3A_960 : vector<16xi32>
          tpu.vector_store_idx %arg9[%add3A_961], %select_n3A_12 {add = true} : memref<1600xf32, #tpu.memory_space<vmem>>[vector<16xi32>], vector<16xf32>,
          %slice3A_962 = vector.extract_strided_slice %get3A_50 {offsets = [11], sizes = [1], strides = [1]} : vector<16xi32> to vector<1xi32>
          %squeeze3A_963 = vector.extract %slice3A_962[0] : i32 from vector<1xi32>
          %mul3A_964 = arith.constant 128 : i32
          %mul3A_965 = arith.muli %squeeze3A_963, %mul3A_964 : i32
          %add3A_966 = arith.constant 11 : i32
          %add3A_967 = arith.addi %mul3A_52, %add3A_966 : i32
          %get3A_968 = arith.index_cast %add3A_967 : i32 to index
          %get3A_969 = arith.constant 0 : index
          %get3A_970 = tpu.vector_load %arg6[%get3A_968, %get3A_969] {strides = array<i32>} : memref<400x128xf32, #tpu.memory_space<vmem>>, vector<16xf32>,
          %add3A_971 = arith.constant 0 : i32
          %add3A_972 = arith.addi %mul3A_965, %add3A_971 : i32
          %add3A_973 = vector.broadcast %add3A_972 : i32 to vector<16xi32>
          %add3A_974 = arith.addi %iota3A, %add3A_973 : vector<16xi32>
          tpu.vector_store_idx %arg8[%add3A_974], %get3A_970 {add = true} : memref<12800xf32, #tpu.memory_space<vmem>>[vector<16xi32>], vector<16xf32>,
          %add3A_975 = arith.constant 11 : i32
          %add3A_976 = arith.addi %mul3A_52, %add3A_975 : i32
          %get3A_977 = arith.index_cast %add3A_976 : i32 to index
          %get3A_978 = arith.constant 16 : index
          %get3A_979 = tpu.vector_load %arg6[%get3A_977, %get3A_978] {strides = array<i32>} : memref<400x128xf32, #tpu.memory_space<vmem>>, vector<16xf32>,
          %add3A_980 = arith.constant 16 : i32
          %add3A_981 = arith.addi %mul3A_965, %add3A_980 : i32
          %add3A_982 = vector.broadcast %add3A_981 : i32 to vector<16xi32>
          %add3A_983 = arith.addi %iota3A, %add3A_982 : vector<16xi32>
          tpu.vector_store_idx %arg8[%add3A_983], %get3A_979 {add = true} : memref<12800xf32, #tpu.memory_space<vmem>>[vector<16xi32>], vector<16xf32>,
          %add3A_984 = arith.constant 11 : i32
          %add3A_985 = arith.addi %mul3A_52, %add3A_984 : i32
          %get3A_986 = arith.index_cast %add3A_985 : i32 to index
          %get3A_987 = arith.constant 32 : index
          %get3A_988 = tpu.vector_load %arg6[%get3A_986, %get3A_987] {strides = array<i32>} : memref<400x128xf32, #tpu.memory_space<vmem>>, vector<16xf32>,
          %add3A_989 = arith.constant 32 : i32
          %add3A_990 = arith.addi %mul3A_965, %add3A_989 : i32
          %add3A_991 = vector.broadcast %add3A_990 : i32 to vector<16xi32>
          %add3A_992 = arith.addi %iota3A, %add3A_991 : vector<16xi32>
          tpu.vector_store_idx %arg8[%add3A_992], %get3A_988 {add = true} : memref<12800xf32, #tpu.memory_space<vmem>>[vector<16xi32>], vector<16xf32>,
          %add3A_993 = arith.constant 11 : i32
          %add3A_994 = arith.addi %mul3A_52, %add3A_993 : i32
          %get3A_995 = arith.index_cast %add3A_994 : i32 to index
          %get3A_996 = arith.constant 48 : index
          %get3A_997 = tpu.vector_load %arg6[%get3A_995, %get3A_996] {strides = array<i32>} : memref<400x128xf32, #tpu.memory_space<vmem>>, vector<16xf32>,
          %add3A_998 = arith.constant 48 : i32
          %add3A_999 = arith.addi %mul3A_965, %add3A_998 : i32
          %add3A_1000 = vector.broadcast %add3A_999 : i32 to vector<16xi32>
          %add3A_1001 = arith.addi %iota3A, %add3A_1000 : vector<16xi32>
          tpu.vector_store_idx %arg8[%add3A_1001], %get3A_997 {add = true} : memref<12800xf32, #tpu.memory_space<vmem>>[vector<16xi32>], vector<16xf32>,
          %add3A_1002 = arith.constant 11 : i32
          %add3A_1003 = arith.addi %mul3A_52, %add3A_1002 : i32
          %get3A_1004 = arith.index_cast %add3A_1003 : i32 to index
          %get3A_1005 = arith.constant 64 : index
          %get3A_1006 = tpu.vector_load %arg6[%get3A_1004, %get3A_1005] {strides = array<i32>} : memref<400x128xf32, #tpu.memory_space<vmem>>, vector<16xf32>,
          %add3A_1007 = arith.constant 64 : i32
          %add3A_1008 = arith.addi %mul3A_965, %add3A_1007 : i32
          %add3A_1009 = vector.broadcast %add3A_1008 : i32 to vector<16xi32>
          %add3A_1010 = arith.addi %iota3A, %add3A_1009 : vector<16xi32>
          tpu.vector_store_idx %arg8[%add3A_1010], %get3A_1006 {add = true} : memref<12800xf32, #tpu.memory_space<vmem>>[vector<16xi32>], vector<16xf32>,
          %add3A_1011 = arith.constant 11 : i32
          %add3A_1012 = arith.addi %mul3A_52, %add3A_1011 : i32
          %get3A_1013 = arith.index_cast %add3A_1012 : i32 to index
          %get3A_1014 = arith.constant 80 : index
          %get3A_1015 = tpu.vector_load %arg6[%get3A_1013, %get3A_1014] {strides = array<i32>} : memref<400x128xf32, #tpu.memory_space<vmem>>, vector<16xf32>,
          %add3A_1016 = arith.constant 80 : i32
          %add3A_1017 = arith.addi %mul3A_965, %add3A_1016 : i32
          %add3A_1018 = vector.broadcast %add3A_1017 : i32 to vector<16xi32>
          %add3A_1019 = arith.addi %iota3A, %add3A_1018 : vector<16xi32>
          tpu.vector_store_idx %arg8[%add3A_1019], %get3A_1015 {add = true} : memref<12800xf32, #tpu.memory_space<vmem>>[vector<16xi32>], vector<16xf32>,
          %add3A_1020 = arith.constant 11 : i32
          %add3A_1021 = arith.addi %mul3A_52, %add3A_1020 : i32
          %get3A_1022 = arith.index_cast %add3A_1021 : i32 to index
          %get3A_1023 = arith.constant 96 : index
          %get3A_1024 = tpu.vector_load %arg6[%get3A_1022, %get3A_1023] {strides = array<i32>} : memref<400x128xf32, #tpu.memory_space<vmem>>, vector<16xf32>,
          %add3A_1025 = arith.constant 96 : i32
          %add3A_1026 = arith.addi %mul3A_965, %add3A_1025 : i32
          %add3A_1027 = vector.broadcast %add3A_1026 : i32 to vector<16xi32>
          %add3A_1028 = arith.addi %iota3A, %add3A_1027 : vector<16xi32>
          tpu.vector_store_idx %arg8[%add3A_1028], %get3A_1024 {add = true} : memref<12800xf32, #tpu.memory_space<vmem>>[vector<16xi32>], vector<16xf32>,
          %add3A_1029 = arith.constant 11 : i32
          %add3A_1030 = arith.addi %mul3A_52, %add3A_1029 : i32
          %get3A_1031 = arith.index_cast %add3A_1030 : i32 to index
          %get3A_1032 = arith.constant 112 : index
          %get3A_1033 = tpu.vector_load %arg6[%get3A_1031, %get3A_1032] {strides = array<i32>} : memref<400x128xf32, #tpu.memory_space<vmem>>, vector<16xf32>,
          %add3A_1034 = arith.constant 112 : i32
          %add3A_1035 = arith.addi %mul3A_965, %add3A_1034 : i32
          %add3A_1036 = vector.broadcast %add3A_1035 : i32 to vector<16xi32>
          %add3A_1037 = arith.addi %iota3A, %add3A_1036 : vector<16xi32>
          tpu.vector_store_idx %arg8[%add3A_1037], %get3A_1033 {add = true} : memref<12800xf32, #tpu.memory_space<vmem>>[vector<16xi32>], vector<16xf32>,
          %slice3A_1038 = vector.extract_strided_slice %get3A_50 {offsets = [11], sizes = [1], strides = [1]} : vector<16xi32> to vector<1xi32>
          %squeeze3A_1039 = vector.extract %slice3A_1038[0] : i32 from vector<1xi32>
          %mul3A_1040 = arith.constant 16 : i32
          %mul3A_1041 = arith.muli %squeeze3A_1039, %mul3A_1040 : i32
          %add3A_1042 = vector.broadcast %mul3A_1041 : i32 to vector<16xi32>
          %add3A_1043 = arith.addi %iota3A, %add3A_1042 : vector<16xi32>
          tpu.vector_store_idx %arg9[%add3A_1043], %select_n3A_12 {add = true} : memref<1600xf32, #tpu.memory_space<vmem>>[vector<16xi32>], vector<16xf32>,
          %slice3A_1044 = vector.extract_strided_slice %get3A_50 {offsets = [12], sizes = [1], strides = [1]} : vector<16xi32> to vector<1xi32>
          %squeeze3A_1045 = vector.extract %slice3A_1044[0] : i32 from vector<1xi32>
          %mul3A_1046 = arith.constant 128 : i32
          %mul3A_1047 = arith.muli %squeeze3A_1045, %mul3A_1046 : i32
          %add3A_1048 = arith.constant 12 : i32
          %add3A_1049 = arith.addi %mul3A_52, %add3A_1048 : i32
          %get3A_1050 = arith.index_cast %add3A_1049 : i32 to index
          %get3A_1051 = arith.constant 0 : index
          %get3A_1052 = tpu.vector_load %arg6[%get3A_1050, %get3A_1051] {strides = array<i32>} : memref<400x128xf32, #tpu.memory_space<vmem>>, vector<16xf32>,
          %add3A_1053 = arith.constant 0 : i32
          %add3A_1054 = arith.addi %mul3A_1047, %add3A_1053 : i32
          %add3A_1055 = vector.broadcast %add3A_1054 : i32 to vector<16xi32>
          %add3A_1056 = arith.addi %iota3A, %add3A_1055 : vector<16xi32>
          tpu.vector_store_idx %arg8[%add3A_1056], %get3A_1052 {add = true} : memref<12800xf32, #tpu.memory_space<vmem>>[vector<16xi32>], vector<16xf32>,
          %add3A_1057 = arith.constant 12 : i32
          %add3A_1058 = arith.addi %mul3A_52, %add3A_1057 : i32
          %get3A_1059 = arith.index_cast %add3A_1058 : i32 to index
          %get3A_1060 = arith.constant 16 : index
          %get3A_1061 = tpu.vector_load %arg6[%get3A_1059, %get3A_1060] {strides = array<i32>} : memref<400x128xf32, #tpu.memory_space<vmem>>, vector<16xf32>,
          %add3A_1062 = arith.constant 16 : i32
          %add3A_1063 = arith.addi %mul3A_1047, %add3A_1062 : i32
          %add3A_1064 = vector.broadcast %add3A_1063 : i32 to vector<16xi32>
          %add3A_1065 = arith.addi %iota3A, %add3A_1064 : vector<16xi32>
          tpu.vector_store_idx %arg8[%add3A_1065], %get3A_1061 {add = true} : memref<12800xf32, #tpu.memory_space<vmem>>[vector<16xi32>], vector<16xf32>,
          %add3A_1066 = arith.constant 12 : i32
          %add3A_1067 = arith.addi %mul3A_52, %add3A_1066 : i32
          %get3A_1068 = arith.index_cast %add3A_1067 : i32 to index
          %get3A_1069 = arith.constant 32 : index
          %get3A_1070 = tpu.vector_load %arg6[%get3A_1068, %get3A_1069] {strides = array<i32>} : memref<400x128xf32, #tpu.memory_space<vmem>>, vector<16xf32>,
          %add3A_1071 = arith.constant 32 : i32
          %add3A_1072 = arith.addi %mul3A_1047, %add3A_1071 : i32
          %add3A_1073 = vector.broadcast %add3A_1072 : i32 to vector<16xi32>
          %add3A_1074 = arith.addi %iota3A, %add3A_1073 : vector<16xi32>
          tpu.vector_store_idx %arg8[%add3A_1074], %get3A_1070 {add = true} : memref<12800xf32, #tpu.memory_space<vmem>>[vector<16xi32>], vector<16xf32>,
          %add3A_1075 = arith.constant 12 : i32
          %add3A_1076 = arith.addi %mul3A_52, %add3A_1075 : i32
          %get3A_1077 = arith.index_cast %add3A_1076 : i32 to index
          %get3A_1078 = arith.constant 48 : index
          %get3A_1079 = tpu.vector_load %arg6[%get3A_1077, %get3A_1078] {strides = array<i32>} : memref<400x128xf32, #tpu.memory_space<vmem>>, vector<16xf32>,
          %add3A_1080 = arith.constant 48 : i32
          %add3A_1081 = arith.addi %mul3A_1047, %add3A_1080 : i32
          %add3A_1082 = vector.broadcast %add3A_1081 : i32 to vector<16xi32>
          %add3A_1083 = arith.addi %iota3A, %add3A_1082 : vector<16xi32>
          tpu.vector_store_idx %arg8[%add3A_1083], %get3A_1079 {add = true} : memref<12800xf32, #tpu.memory_space<vmem>>[vector<16xi32>], vector<16xf32>,
          %add3A_1084 = arith.constant 12 : i32
          %add3A_1085 = arith.addi %mul3A_52, %add3A_1084 : i32
          %get3A_1086 = arith.index_cast %add3A_1085 : i32 to index
          %get3A_1087 = arith.constant 64 : index
          %get3A_1088 = tpu.vector_load %arg6[%get3A_1086, %get3A_1087] {strides = array<i32>} : memref<400x128xf32, #tpu.memory_space<vmem>>, vector<16xf32>,
          %add3A_1089 = arith.constant 64 : i32
          %add3A_1090 = arith.addi %mul3A_1047, %add3A_1089 : i32
          %add3A_1091 = vector.broadcast %add3A_1090 : i32 to vector<16xi32>
          %add3A_1092 = arith.addi %iota3A, %add3A_1091 : vector<16xi32>
          tpu.vector_store_idx %arg8[%add3A_1092], %get3A_1088 {add = true} : memref<12800xf32, #tpu.memory_space<vmem>>[vector<16xi32>], vector<16xf32>,
          %add3A_1093 = arith.constant 12 : i32
          %add3A_1094 = arith.addi %mul3A_52, %add3A_1093 : i32
          %get3A_1095 = arith.index_cast %add3A_1094 : i32 to index
          %get3A_1096 = arith.constant 80 : index
          %get3A_1097 = tpu.vector_load %arg6[%get3A_1095, %get3A_1096] {strides = array<i32>} : memref<400x128xf32, #tpu.memory_space<vmem>>, vector<16xf32>,
          %add3A_1098 = arith.constant 80 : i32
          %add3A_1099 = arith.addi %mul3A_1047, %add3A_1098 : i32
          %add3A_1100 = vector.broadcast %add3A_1099 : i32 to vector<16xi32>
          %add3A_1101 = arith.addi %iota3A, %add3A_1100 : vector<16xi32>
          tpu.vector_store_idx %arg8[%add3A_1101], %get3A_1097 {add = true} : memref<12800xf32, #tpu.memory_space<vmem>>[vector<16xi32>], vector<16xf32>,
          %add3A_1102 = arith.constant 12 : i32
          %add3A_1103 = arith.addi %mul3A_52, %add3A_1102 : i32
          %get3A_1104 = arith.index_cast %add3A_1103 : i32 to index
          %get3A_1105 = arith.constant 96 : index
          %get3A_1106 = tpu.vector_load %arg6[%get3A_1104, %get3A_1105] {strides = array<i32>} : memref<400x128xf32, #tpu.memory_space<vmem>>, vector<16xf32>,
          %add3A_1107 = arith.constant 96 : i32
          %add3A_1108 = arith.addi %mul3A_1047, %add3A_1107 : i32
          %add3A_1109 = vector.broadcast %add3A_1108 : i32 to vector<16xi32>
          %add3A_1110 = arith.addi %iota3A, %add3A_1109 : vector<16xi32>
          tpu.vector_store_idx %arg8[%add3A_1110], %get3A_1106 {add = true} : memref<12800xf32, #tpu.memory_space<vmem>>[vector<16xi32>], vector<16xf32>,
          %add3A_1111 = arith.constant 12 : i32
          %add3A_1112 = arith.addi %mul3A_52, %add3A_1111 : i32
          %get3A_1113 = arith.index_cast %add3A_1112 : i32 to index
          %get3A_1114 = arith.constant 112 : index
          %get3A_1115 = tpu.vector_load %arg6[%get3A_1113, %get3A_1114] {strides = array<i32>} : memref<400x128xf32, #tpu.memory_space<vmem>>, vector<16xf32>,
          %add3A_1116 = arith.constant 112 : i32
          %add3A_1117 = arith.addi %mul3A_1047, %add3A_1116 : i32
          %add3A_1118 = vector.broadcast %add3A_1117 : i32 to vector<16xi32>
          %add3A_1119 = arith.addi %iota3A, %add3A_1118 : vector<16xi32>
          tpu.vector_store_idx %arg8[%add3A_1119], %get3A_1115 {add = true} : memref<12800xf32, #tpu.memory_space<vmem>>[vector<16xi32>], vector<16xf32>,
          %slice3A_1120 = vector.extract_strided_slice %get3A_50 {offsets = [12], sizes = [1], strides = [1]} : vector<16xi32> to vector<1xi32>
          %squeeze3A_1121 = vector.extract %slice3A_1120[0] : i32 from vector<1xi32>
          %mul3A_1122 = arith.constant 16 : i32
          %mul3A_1123 = arith.muli %squeeze3A_1121, %mul3A_1122 : i32
          %add3A_1124 = vector.broadcast %mul3A_1123 : i32 to vector<16xi32>
          %add3A_1125 = arith.addi %iota3A, %add3A_1124 : vector<16xi32>
          tpu.vector_store_idx %arg9[%add3A_1125], %select_n3A_12 {add = true} : memref<1600xf32, #tpu.memory_space<vmem>>[vector<16xi32>], vector<16xf32>,
          %slice3A_1126 = vector.extract_strided_slice %get3A_50 {offsets = [13], sizes = [1], strides = [1]} : vector<16xi32> to vector<1xi32>
          %squeeze3A_1127 = vector.extract %slice3A_1126[0] : i32 from vector<1xi32>
          %mul3A_1128 = arith.constant 128 : i32
          %mul3A_1129 = arith.muli %squeeze3A_1127, %mul3A_1128 : i32
          %add3A_1130 = arith.constant 13 : i32
          %add3A_1131 = arith.addi %mul3A_52, %add3A_1130 : i32
          %get3A_1132 = arith.index_cast %add3A_1131 : i32 to index
          %get3A_1133 = arith.constant 0 : index
          %get3A_1134 = tpu.vector_load %arg6[%get3A_1132, %get3A_1133] {strides = array<i32>} : memref<400x128xf32, #tpu.memory_space<vmem>>, vector<16xf32>,
          %add3A_1135 = arith.constant 0 : i32
          %add3A_1136 = arith.addi %mul3A_1129, %add3A_1135 : i32
          %add3A_1137 = vector.broadcast %add3A_1136 : i32 to vector<16xi32>
          %add3A_1138 = arith.addi %iota3A, %add3A_1137 : vector<16xi32>
          tpu.vector_store_idx %arg8[%add3A_1138], %get3A_1134 {add = true} : memref<12800xf32, #tpu.memory_space<vmem>>[vector<16xi32>], vector<16xf32>,
          %add3A_1139 = arith.constant 13 : i32
          %add3A_1140 = arith.addi %mul3A_52, %add3A_1139 : i32
          %get3A_1141 = arith.index_cast %add3A_1140 : i32 to index
          %get3A_1142 = arith.constant 16 : index
          %get3A_1143 = tpu.vector_load %arg6[%get3A_1141, %get3A_1142] {strides = array<i32>} : memref<400x128xf32, #tpu.memory_space<vmem>>, vector<16xf32>,
          %add3A_1144 = arith.constant 16 : i32
          %add3A_1145 = arith.addi %mul3A_1129, %add3A_1144 : i32
          %add3A_1146 = vector.broadcast %add3A_1145 : i32 to vector<16xi32>
          %add3A_1147 = arith.addi %iota3A, %add3A_1146 : vector<16xi32>
          tpu.vector_store_idx %arg8[%add3A_1147], %get3A_1143 {add = true} : memref<12800xf32, #tpu.memory_space<vmem>>[vector<16xi32>], vector<16xf32>,
          %add3A_1148 = arith.constant 13 : i32
          %add3A_1149 = arith.addi %mul3A_52, %add3A_1148 : i32
          %get3A_1150 = arith.index_cast %add3A_1149 : i32 to index
          %get3A_1151 = arith.constant 32 : index
          %get3A_1152 = tpu.vector_load %arg6[%get3A_1150, %get3A_1151] {strides = array<i32>} : memref<400x128xf32, #tpu.memory_space<vmem>>, vector<16xf32>,
          %add3A_1153 = arith.constant 32 : i32
          %add3A_1154 = arith.addi %mul3A_1129, %add3A_1153 : i32
          %add3A_1155 = vector.broadcast %add3A_1154 : i32 to vector<16xi32>
          %add3A_1156 = arith.addi %iota3A, %add3A_1155 : vector<16xi32>
          tpu.vector_store_idx %arg8[%add3A_1156], %get3A_1152 {add = true} : memref<12800xf32, #tpu.memory_space<vmem>>[vector<16xi32>], vector<16xf32>,
          %add3A_1157 = arith.constant 13 : i32
          %add3A_1158 = arith.addi %mul3A_52, %add3A_1157 : i32
          %get3A_1159 = arith.index_cast %add3A_1158 : i32 to index
          %get3A_1160 = arith.constant 48 : index
          %get3A_1161 = tpu.vector_load %arg6[%get3A_1159, %get3A_1160] {strides = array<i32>} : memref<400x128xf32, #tpu.memory_space<vmem>>, vector<16xf32>,
          %add3A_1162 = arith.constant 48 : i32
          %add3A_1163 = arith.addi %mul3A_1129, %add3A_1162 : i32
          %add3A_1164 = vector.broadcast %add3A_1163 : i32 to vector<16xi32>
          %add3A_1165 = arith.addi %iota3A, %add3A_1164 : vector<16xi32>
          tpu.vector_store_idx %arg8[%add3A_1165], %get3A_1161 {add = true} : memref<12800xf32, #tpu.memory_space<vmem>>[vector<16xi32>], vector<16xf32>,
          %add3A_1166 = arith.constant 13 : i32
          %add3A_1167 = arith.addi %mul3A_52, %add3A_1166 : i32
          %get3A_1168 = arith.index_cast %add3A_1167 : i32 to index
          %get3A_1169 = arith.constant 64 : index
          %get3A_1170 = tpu.vector_load %arg6[%get3A_1168, %get3A_1169] {strides = array<i32>} : memref<400x128xf32, #tpu.memory_space<vmem>>, vector<16xf32>,
          %add3A_1171 = arith.constant 64 : i32
          %add3A_1172 = arith.addi %mul3A_1129, %add3A_1171 : i32
          %add3A_1173 = vector.broadcast %add3A_1172 : i32 to vector<16xi32>
          %add3A_1174 = arith.addi %iota3A, %add3A_1173 : vector<16xi32>
          tpu.vector_store_idx %arg8[%add3A_1174], %get3A_1170 {add = true} : memref<12800xf32, #tpu.memory_space<vmem>>[vector<16xi32>], vector<16xf32>,
          %add3A_1175 = arith.constant 13 : i32
          %add3A_1176 = arith.addi %mul3A_52, %add3A_1175 : i32
          %get3A_1177 = arith.index_cast %add3A_1176 : i32 to index
          %get3A_1178 = arith.constant 80 : index
          %get3A_1179 = tpu.vector_load %arg6[%get3A_1177, %get3A_1178] {strides = array<i32>} : memref<400x128xf32, #tpu.memory_space<vmem>>, vector<16xf32>,
          %add3A_1180 = arith.constant 80 : i32
          %add3A_1181 = arith.addi %mul3A_1129, %add3A_1180 : i32
          %add3A_1182 = vector.broadcast %add3A_1181 : i32 to vector<16xi32>
          %add3A_1183 = arith.addi %iota3A, %add3A_1182 : vector<16xi32>
          tpu.vector_store_idx %arg8[%add3A_1183], %get3A_1179 {add = true} : memref<12800xf32, #tpu.memory_space<vmem>>[vector<16xi32>], vector<16xf32>,
          %add3A_1184 = arith.constant 13 : i32
          %add3A_1185 = arith.addi %mul3A_52, %add3A_1184 : i32
          %get3A_1186 = arith.index_cast %add3A_1185 : i32 to index
          %get3A_1187 = arith.constant 96 : index
          %get3A_1188 = tpu.vector_load %arg6[%get3A_1186, %get3A_1187] {strides = array<i32>} : memref<400x128xf32, #tpu.memory_space<vmem>>, vector<16xf32>,
          %add3A_1189 = arith.constant 96 : i32
          %add3A_1190 = arith.addi %mul3A_1129, %add3A_1189 : i32
          %add3A_1191 = vector.broadcast %add3A_1190 : i32 to vector<16xi32>
          %add3A_1192 = arith.addi %iota3A, %add3A_1191 : vector<16xi32>
          tpu.vector_store_idx %arg8[%add3A_1192], %get3A_1188 {add = true} : memref<12800xf32, #tpu.memory_space<vmem>>[vector<16xi32>], vector<16xf32>,
          %add3A_1193 = arith.constant 13 : i32
          %add3A_1194 = arith.addi %mul3A_52, %add3A_1193 : i32
          %get3A_1195 = arith.index_cast %add3A_1194 : i32 to index
          %get3A_1196 = arith.constant 112 : index
          %get3A_1197 = tpu.vector_load %arg6[%get3A_1195, %get3A_1196] {strides = array<i32>} : memref<400x128xf32, #tpu.memory_space<vmem>>, vector<16xf32>,
          %add3A_1198 = arith.constant 112 : i32
          %add3A_1199 = arith.addi %mul3A_1129, %add3A_1198 : i32
          %add3A_1200 = vector.broadcast %add3A_1199 : i32 to vector<16xi32>
          %add3A_1201 = arith.addi %iota3A, %add3A_1200 : vector<16xi32>
          tpu.vector_store_idx %arg8[%add3A_1201], %get3A_1197 {add = true} : memref<12800xf32, #tpu.memory_space<vmem>>[vector<16xi32>], vector<16xf32>,
          %slice3A_1202 = vector.extract_strided_slice %get3A_50 {offsets = [13], sizes = [1], strides = [1]} : vector<16xi32> to vector<1xi32>
          %squeeze3A_1203 = vector.extract %slice3A_1202[0] : i32 from vector<1xi32>
          %mul3A_1204 = arith.constant 16 : i32
          %mul3A_1205 = arith.muli %squeeze3A_1203, %mul3A_1204 : i32
          %add3A_1206 = vector.broadcast %mul3A_1205 : i32 to vector<16xi32>
          %add3A_1207 = arith.addi %iota3A, %add3A_1206 : vector<16xi32>
          tpu.vector_store_idx %arg9[%add3A_1207], %select_n3A_12 {add = true} : memref<1600xf32, #tpu.memory_space<vmem>>[vector<16xi32>], vector<16xf32>,
          %slice3A_1208 = vector.extract_strided_slice %get3A_50 {offsets = [14], sizes = [1], strides = [1]} : vector<16xi32> to vector<1xi32>
          %squeeze3A_1209 = vector.extract %slice3A_1208[0] : i32 from vector<1xi32>
          %mul3A_1210 = arith.constant 128 : i32
          %mul3A_1211 = arith.muli %squeeze3A_1209, %mul3A_1210 : i32
          %add3A_1212 = arith.constant 14 : i32
          %add3A_1213 = arith.addi %mul3A_52, %add3A_1212 : i32
          %get3A_1214 = arith.index_cast %add3A_1213 : i32 to index
          %get3A_1215 = arith.constant 0 : index
          %get3A_1216 = tpu.vector_load %arg6[%get3A_1214, %get3A_1215] {strides = array<i32>} : memref<400x128xf32, #tpu.memory_space<vmem>>, vector<16xf32>,
          %add3A_1217 = arith.constant 0 : i32
          %add3A_1218 = arith.addi %mul3A_1211, %add3A_1217 : i32
          %add3A_1219 = vector.broadcast %add3A_1218 : i32 to vector<16xi32>
          %add3A_1220 = arith.addi %iota3A, %add3A_1219 : vector<16xi32>
          tpu.vector_store_idx %arg8[%add3A_1220], %get3A_1216 {add = true} : memref<12800xf32, #tpu.memory_space<vmem>>[vector<16xi32>], vector<16xf32>,
          %add3A_1221 = arith.constant 14 : i32
          %add3A_1222 = arith.addi %mul3A_52, %add3A_1221 : i32
          %get3A_1223 = arith.index_cast %add3A_1222 : i32 to index
          %get3A_1224 = arith.constant 16 : index
          %get3A_1225 = tpu.vector_load %arg6[%get3A_1223, %get3A_1224] {strides = array<i32>} : memref<400x128xf32, #tpu.memory_space<vmem>>, vector<16xf32>,
          %add3A_1226 = arith.constant 16 : i32
          %add3A_1227 = arith.addi %mul3A_1211, %add3A_1226 : i32
          %add3A_1228 = vector.broadcast %add3A_1227 : i32 to vector<16xi32>
          %add3A_1229 = arith.addi %iota3A, %add3A_1228 : vector<16xi32>
          tpu.vector_store_idx %arg8[%add3A_1229], %get3A_1225 {add = true} : memref<12800xf32, #tpu.memory_space<vmem>>[vector<16xi32>], vector<16xf32>,
          %add3A_1230 = arith.constant 14 : i32
          %add3A_1231 = arith.addi %mul3A_52, %add3A_1230 : i32
          %get3A_1232 = arith.index_cast %add3A_1231 : i32 to index
          %get3A_1233 = arith.constant 32 : index
          %get3A_1234 = tpu.vector_load %arg6[%get3A_1232, %get3A_1233] {strides = array<i32>} : memref<400x128xf32, #tpu.memory_space<vmem>>, vector<16xf32>,
          %add3A_1235 = arith.constant 32 : i32
          %add3A_1236 = arith.addi %mul3A_1211, %add3A_1235 : i32
          %add3A_1237 = vector.broadcast %add3A_1236 : i32 to vector<16xi32>
          %add3A_1238 = arith.addi %iota3A, %add3A_1237 : vector<16xi32>
          tpu.vector_store_idx %arg8[%add3A_1238], %get3A_1234 {add = true} : memref<12800xf32, #tpu.memory_space<vmem>>[vector<16xi32>], vector<16xf32>,
          %add3A_1239 = arith.constant 14 : i32
          %add3A_1240 = arith.addi %mul3A_52, %add3A_1239 : i32
          %get3A_1241 = arith.index_cast %add3A_1240 : i32 to index
          %get3A_1242 = arith.constant 48 : index
          %get3A_1243 = tpu.vector_load %arg6[%get3A_1241, %get3A_1242] {strides = array<i32>} : memref<400x128xf32, #tpu.memory_space<vmem>>, vector<16xf32>,
          %add3A_1244 = arith.constant 48 : i32
          %add3A_1245 = arith.addi %mul3A_1211, %add3A_1244 : i32
          %add3A_1246 = vector.broadcast %add3A_1245 : i32 to vector<16xi32>
          %add3A_1247 = arith.addi %iota3A, %add3A_1246 : vector<16xi32>
          tpu.vector_store_idx %arg8[%add3A_1247], %get3A_1243 {add = true} : memref<12800xf32, #tpu.memory_space<vmem>>[vector<16xi32>], vector<16xf32>,
          %add3A_1248 = arith.constant 14 : i32
          %add3A_1249 = arith.addi %mul3A_52, %add3A_1248 : i32
          %get3A_1250 = arith.index_cast %add3A_1249 : i32 to index
          %get3A_1251 = arith.constant 64 : index
          %get3A_1252 = tpu.vector_load %arg6[%get3A_1250, %get3A_1251] {strides = array<i32>} : memref<400x128xf32, #tpu.memory_space<vmem>>, vector<16xf32>,
          %add3A_1253 = arith.constant 64 : i32
          %add3A_1254 = arith.addi %mul3A_1211, %add3A_1253 : i32
          %add3A_1255 = vector.broadcast %add3A_1254 : i32 to vector<16xi32>
          %add3A_1256 = arith.addi %iota3A, %add3A_1255 : vector<16xi32>
          tpu.vector_store_idx %arg8[%add3A_1256], %get3A_1252 {add = true} : memref<12800xf32, #tpu.memory_space<vmem>>[vector<16xi32>], vector<16xf32>,
          %add3A_1257 = arith.constant 14 : i32
          %add3A_1258 = arith.addi %mul3A_52, %add3A_1257 : i32
          %get3A_1259 = arith.index_cast %add3A_1258 : i32 to index
          %get3A_1260 = arith.constant 80 : index
          %get3A_1261 = tpu.vector_load %arg6[%get3A_1259, %get3A_1260] {strides = array<i32>} : memref<400x128xf32, #tpu.memory_space<vmem>>, vector<16xf32>,
          %add3A_1262 = arith.constant 80 : i32
          %add3A_1263 = arith.addi %mul3A_1211, %add3A_1262 : i32
          %add3A_1264 = vector.broadcast %add3A_1263 : i32 to vector<16xi32>
          %add3A_1265 = arith.addi %iota3A, %add3A_1264 : vector<16xi32>
          tpu.vector_store_idx %arg8[%add3A_1265], %get3A_1261 {add = true} : memref<12800xf32, #tpu.memory_space<vmem>>[vector<16xi32>], vector<16xf32>,
          %add3A_1266 = arith.constant 14 : i32
          %add3A_1267 = arith.addi %mul3A_52, %add3A_1266 : i32
          %get3A_1268 = arith.index_cast %add3A_1267 : i32 to index
          %get3A_1269 = arith.constant 96 : index
          %get3A_1270 = tpu.vector_load %arg6[%get3A_1268, %get3A_1269] {strides = array<i32>} : memref<400x128xf32, #tpu.memory_space<vmem>>, vector<16xf32>,
          %add3A_1271 = arith.constant 96 : i32
          %add3A_1272 = arith.addi %mul3A_1211, %add3A_1271 : i32
          %add3A_1273 = vector.broadcast %add3A_1272 : i32 to vector<16xi32>
          %add3A_1274 = arith.addi %iota3A, %add3A_1273 : vector<16xi32>
          tpu.vector_store_idx %arg8[%add3A_1274], %get3A_1270 {add = true} : memref<12800xf32, #tpu.memory_space<vmem>>[vector<16xi32>], vector<16xf32>,
          %add3A_1275 = arith.constant 14 : i32
          %add3A_1276 = arith.addi %mul3A_52, %add3A_1275 : i32
          %get3A_1277 = arith.index_cast %add3A_1276 : i32 to index
          %get3A_1278 = arith.constant 112 : index
          %get3A_1279 = tpu.vector_load %arg6[%get3A_1277, %get3A_1278] {strides = array<i32>} : memref<400x128xf32, #tpu.memory_space<vmem>>, vector<16xf32>,
          %add3A_1280 = arith.constant 112 : i32
          %add3A_1281 = arith.addi %mul3A_1211, %add3A_1280 : i32
          %add3A_1282 = vector.broadcast %add3A_1281 : i32 to vector<16xi32>
          %add3A_1283 = arith.addi %iota3A, %add3A_1282 : vector<16xi32>
          tpu.vector_store_idx %arg8[%add3A_1283], %get3A_1279 {add = true} : memref<12800xf32, #tpu.memory_space<vmem>>[vector<16xi32>], vector<16xf32>,
          %slice3A_1284 = vector.extract_strided_slice %get3A_50 {offsets = [14], sizes = [1], strides = [1]} : vector<16xi32> to vector<1xi32>
          %squeeze3A_1285 = vector.extract %slice3A_1284[0] : i32 from vector<1xi32>
          %mul3A_1286 = arith.constant 16 : i32
          %mul3A_1287 = arith.muli %squeeze3A_1285, %mul3A_1286 : i32
          %add3A_1288 = vector.broadcast %mul3A_1287 : i32 to vector<16xi32>
          %add3A_1289 = arith.addi %iota3A, %add3A_1288 : vector<16xi32>
          tpu.vector_store_idx %arg9[%add3A_1289], %select_n3A_12 {add = true} : memref<1600xf32, #tpu.memory_space<vmem>>[vector<16xi32>], vector<16xf32>,
          %slice3A_1290 = vector.extract_strided_slice %get3A_50 {offsets = [15], sizes = [1], strides = [1]} : vector<16xi32> to vector<1xi32>
          %squeeze3A_1291 = vector.extract %slice3A_1290[0] : i32 from vector<1xi32>
          %mul3A_1292 = arith.constant 128 : i32
          %mul3A_1293 = arith.muli %squeeze3A_1291, %mul3A_1292 : i32
          %add3A_1294 = arith.constant 15 : i32
          %add3A_1295 = arith.addi %mul3A_52, %add3A_1294 : i32
          %get3A_1296 = arith.index_cast %add3A_1295 : i32 to index
          %get3A_1297 = arith.constant 0 : index
          %get3A_1298 = tpu.vector_load %arg6[%get3A_1296, %get3A_1297] {strides = array<i32>} : memref<400x128xf32, #tpu.memory_space<vmem>>, vector<16xf32>,
          %add3A_1299 = arith.constant 0 : i32
          %add3A_1300 = arith.addi %mul3A_1293, %add3A_1299 : i32
          %add3A_1301 = vector.broadcast %add3A_1300 : i32 to vector<16xi32>
          %add3A_1302 = arith.addi %iota3A, %add3A_1301 : vector<16xi32>
          tpu.vector_store_idx %arg8[%add3A_1302], %get3A_1298 {add = true} : memref<12800xf32, #tpu.memory_space<vmem>>[vector<16xi32>], vector<16xf32>,
          %add3A_1303 = arith.constant 15 : i32
          %add3A_1304 = arith.addi %mul3A_52, %add3A_1303 : i32
          %get3A_1305 = arith.index_cast %add3A_1304 : i32 to index
          %get3A_1306 = arith.constant 16 : index
          %get3A_1307 = tpu.vector_load %arg6[%get3A_1305, %get3A_1306] {strides = array<i32>} : memref<400x128xf32, #tpu.memory_space<vmem>>, vector<16xf32>,
          %add3A_1308 = arith.constant 16 : i32
          %add3A_1309 = arith.addi %mul3A_1293, %add3A_1308 : i32
          %add3A_1310 = vector.broadcast %add3A_1309 : i32 to vector<16xi32>
          %add3A_1311 = arith.addi %iota3A, %add3A_1310 : vector<16xi32>
          tpu.vector_store_idx %arg8[%add3A_1311], %get3A_1307 {add = true} : memref<12800xf32, #tpu.memory_space<vmem>>[vector<16xi32>], vector<16xf32>,
          %add3A_1312 = arith.constant 15 : i32
          %add3A_1313 = arith.addi %mul3A_52, %add3A_1312 : i32
          %get3A_1314 = arith.index_cast %add3A_1313 : i32 to index
          %get3A_1315 = arith.constant 32 : index
          %get3A_1316 = tpu.vector_load %arg6[%get3A_1314, %get3A_1315] {strides = array<i32>} : memref<400x128xf32, #tpu.memory_space<vmem>>, vector<16xf32>,
          %add3A_1317 = arith.constant 32 : i32
          %add3A_1318 = arith.addi %mul3A_1293, %add3A_1317 : i32
          %add3A_1319 = vector.broadcast %add3A_1318 : i32 to vector<16xi32>
          %add3A_1320 = arith.addi %iota3A, %add3A_1319 : vector<16xi32>
          tpu.vector_store_idx %arg8[%add3A_1320], %get3A_1316 {add = true} : memref<12800xf32, #tpu.memory_space<vmem>>[vector<16xi32>], vector<16xf32>,
          %add3A_1321 = arith.constant 15 : i32
          %add3A_1322 = arith.addi %mul3A_52, %add3A_1321 : i32
          %get3A_1323 = arith.index_cast %add3A_1322 : i32 to index
          %get3A_1324 = arith.constant 48 : index
          %get3A_1325 = tpu.vector_load %arg6[%get3A_1323, %get3A_1324] {strides = array<i32>} : memref<400x128xf32, #tpu.memory_space<vmem>>, vector<16xf32>,
          %add3A_1326 = arith.constant 48 : i32
          %add3A_1327 = arith.addi %mul3A_1293, %add3A_1326 : i32
          %add3A_1328 = vector.broadcast %add3A_1327 : i32 to vector<16xi32>
          %add3A_1329 = arith.addi %iota3A, %add3A_1328 : vector<16xi32>
          tpu.vector_store_idx %arg8[%add3A_1329], %get3A_1325 {add = true} : memref<12800xf32, #tpu.memory_space<vmem>>[vector<16xi32>], vector<16xf32>,
          %add3A_1330 = arith.constant 15 : i32
          %add3A_1331 = arith.addi %mul3A_52, %add3A_1330 : i32
          %get3A_1332 = arith.index_cast %add3A_1331 : i32 to index
          %get3A_1333 = arith.constant 64 : index
          %get3A_1334 = tpu.vector_load %arg6[%get3A_1332, %get3A_1333] {strides = array<i32>} : memref<400x128xf32, #tpu.memory_space<vmem>>, vector<16xf32>,
          %add3A_1335 = arith.constant 64 : i32
          %add3A_1336 = arith.addi %mul3A_1293, %add3A_1335 : i32
          %add3A_1337 = vector.broadcast %add3A_1336 : i32 to vector<16xi32>
          %add3A_1338 = arith.addi %iota3A, %add3A_1337 : vector<16xi32>
          tpu.vector_store_idx %arg8[%add3A_1338], %get3A_1334 {add = true} : memref<12800xf32, #tpu.memory_space<vmem>>[vector<16xi32>], vector<16xf32>,
          %add3A_1339 = arith.constant 15 : i32
          %add3A_1340 = arith.addi %mul3A_52, %add3A_1339 : i32
          %get3A_1341 = arith.index_cast %add3A_1340 : i32 to index
          %get3A_1342 = arith.constant 80 : index
          %get3A_1343 = tpu.vector_load %arg6[%get3A_1341, %get3A_1342] {strides = array<i32>} : memref<400x128xf32, #tpu.memory_space<vmem>>, vector<16xf32>,
          %add3A_1344 = arith.constant 80 : i32
          %add3A_1345 = arith.addi %mul3A_1293, %add3A_1344 : i32
          %add3A_1346 = vector.broadcast %add3A_1345 : i32 to vector<16xi32>
          %add3A_1347 = arith.addi %iota3A, %add3A_1346 : vector<16xi32>
          tpu.vector_store_idx %arg8[%add3A_1347], %get3A_1343 {add = true} : memref<12800xf32, #tpu.memory_space<vmem>>[vector<16xi32>], vector<16xf32>,
          %add3A_1348 = arith.constant 15 : i32
          %add3A_1349 = arith.addi %mul3A_52, %add3A_1348 : i32
          %get3A_1350 = arith.index_cast %add3A_1349 : i32 to index
          %get3A_1351 = arith.constant 96 : index
          %get3A_1352 = tpu.vector_load %arg6[%get3A_1350, %get3A_1351] {strides = array<i32>} : memref<400x128xf32, #tpu.memory_space<vmem>>, vector<16xf32>,
          %add3A_1353 = arith.constant 96 : i32
          %add3A_1354 = arith.addi %mul3A_1293, %add3A_1353 : i32
          %add3A_1355 = vector.broadcast %add3A_1354 : i32 to vector<16xi32>
          %add3A_1356 = arith.addi %iota3A, %add3A_1355 : vector<16xi32>
          tpu.vector_store_idx %arg8[%add3A_1356], %get3A_1352 {add = true} : memref<12800xf32, #tpu.memory_space<vmem>>[vector<16xi32>], vector<16xf32>,
          %add3A_1357 = arith.constant 15 : i32
          %add3A_1358 = arith.addi %mul3A_52, %add3A_1357 : i32
          %get3A_1359 = arith.index_cast %add3A_1358 : i32 to index
          %get3A_1360 = arith.constant 112 : index
          %get3A_1361 = tpu.vector_load %arg6[%get3A_1359, %get3A_1360] {strides = array<i32>} : memref<400x128xf32, #tpu.memory_space<vmem>>, vector<16xf32>,
          %add3A_1362 = arith.constant 112 : i32
          %add3A_1363 = arith.addi %mul3A_1293, %add3A_1362 : i32
          %add3A_1364 = vector.broadcast %add3A_1363 : i32 to vector<16xi32>
          %add3A_1365 = arith.addi %iota3A, %add3A_1364 : vector<16xi32>
          tpu.vector_store_idx %arg8[%add3A_1365], %get3A_1361 {add = true} : memref<12800xf32, #tpu.memory_space<vmem>>[vector<16xi32>], vector<16xf32>,
          %slice3A_1366 = vector.extract_strided_slice %get3A_50 {offsets = [15], sizes = [1], strides = [1]} : vector<16xi32> to vector<1xi32>
          %squeeze3A_1367 = vector.extract %slice3A_1366[0] : i32 from vector<1xi32>
          %mul3A_1368 = arith.constant 16 : i32
          %mul3A_1369 = arith.muli %squeeze3A_1367, %mul3A_1368 : i32
          %add3A_1370 = vector.broadcast %mul3A_1369 : i32 to vector<16xi32>
          %add3A_1371 = arith.addi %iota3A, %add3A_1370 : vector<16xi32>
          tpu.vector_store_idx %arg9[%add3A_1371], %select_n3A_12 {add = true} : memref<1600xf32, #tpu.memory_space<vmem>>[vector<16xi32>], vector<16xf32>,
        } else {
        }
      }
      %scan3A_46 = arith.constant 25 : i32
    }
    %while3A_34 = arith.constant 1 : i32
    scf.for %while3A_35 = %while3A_32 to %while3A_28 step %while3A_34  : i32 {
      %mul3A_36 = arith.constant 32 : i32
      %mul3A_37 = arith.muli %mul3A_36, %while3A_35 : i32
      %add3A_38 = arith.addi %add3A, %mul3A_37 : i32
      %mul3A_39 = arith.constant 400 : i32
      %mul3A_40 = arith.muli %add3A_38, %mul3A_39 : i32
      "tpu.region"() ({
        %run_scoped3A = tpu.sem_alloc : memref<!tpu.dma_semaphore, #tpu.memory_space<semaphore_mem>>
        %dma_start3A = arith.constant 0 : i32
        %dma_start3A_47 = tpu.memref_slice %arg2[%mul3A_40, %dma_start3A] : memref<100000x128xf32, #tpu.memory_space<hbm>> -> memref<400x128xf32, #tpu.memory_space<hbm>>
        %dma_start3A_48 = arith.constant 0 : i32
        %dma_start3A_49 = tpu.memref_slice %arg2[%mul3A_40, %dma_start3A_48] : memref<100000x128xf32, #tpu.memory_space<hbm>> -> memref<400x128xf32, #tpu.memory_space<hbm>>
        tpu.enqueue_dma source(%dma_start3A_49 : memref<400x128xf32, #tpu.memory_space<hbm>>) target(%arg6 : memref<400x128xf32, #tpu.memory_space<vmem>>) target_semaphore(%run_scoped3A : memref<!tpu.dma_semaphore, #tpu.memory_space<semaphore_mem>>)
        %dma_wait3A = arith.constant 0 : i32
        %dma_wait3A_50 = tpu.memref_slice %arg2[%mul3A_40, %dma_wait3A] : memref<100000x128xf32, #tpu.memory_space<hbm>> -> memref<400x128xf32, #tpu.memory_space<hbm>>
        %dma_wait3A_51 = arith.constant 0 : i32
        %dma_wait3A_52 = tpu.memref_slice %arg2[%mul3A_40, %dma_wait3A_51] : memref<100000x128xf32, #tpu.memory_space<hbm>> -> memref<400x128xf32, #tpu.memory_space<hbm>>
        tpu.wait_dma2 semaphore(%run_scoped3A : memref<!tpu.dma_semaphore, #tpu.memory_space<semaphore_mem>>) src(%dma_wait3A_52 : memref<400x128xf32, #tpu.memory_space<hbm>>) dst(%arg6 : memref<400x128xf32, #tpu.memory_space<vmem>>)
        tpu.yield
      }) : () -> ()
      "tpu.region"() ({
        %run_scoped3A = tpu.sem_alloc : memref<!tpu.dma_semaphore, #tpu.memory_space<semaphore_mem>>
        %dma_start3A = tpu.memref_slice %arg3[%mul3A_40] : memref<100000xi32, #tpu.memory_space<hbm>> -> memref<400xi32, #tpu.memory_space<hbm>>
        %dma_start3A_47 = tpu.memref_slice %arg3[%mul3A_40] : memref<100000xi32, #tpu.memory_space<hbm>> -> memref<400xi32, #tpu.memory_space<hbm>>
        tpu.enqueue_dma source(%dma_start3A_47 : memref<400xi32, #tpu.memory_space<hbm>>) target(%arg7 : memref<400xi32, #tpu.memory_space<vmem>>) target_semaphore(%run_scoped3A : memref<!tpu.dma_semaphore, #tpu.memory_space<semaphore_mem>>)
        %dma_wait3A = tpu.memref_slice %arg3[%mul3A_40] : memref<100000xi32, #tpu.memory_space<hbm>> -> memref<400xi32, #tpu.memory_space<hbm>>
        %dma_wait3A_48 = tpu.memref_slice %arg3[%mul3A_40] : memref<100000xi32, #tpu.memory_space<hbm>> -> memref<400xi32, #tpu.memory_space<hbm>>
        tpu.wait_dma2 semaphore(%run_scoped3A : memref<!tpu.dma_semaphore, #tpu.memory_space<semaphore_mem>>) src(%dma_wait3A_48 : memref<400xi32, #tpu.memory_space<hbm>>) dst(%arg7 : memref<400xi32, #tpu.memory_space<vmem>>)
        tpu.yield
      }) : () -> ()
      %scan3A_41 = arith.constant 0 : i32
      %scan3A_42 = arith.constant 0 : i32
      %scan3A_43 = arith.constant 25 : i32
      %scan3A_44 = arith.addi %scan3A_42, %scan3A_43 : i32
      %scan3A_45 = arith.constant 1 : i32
      scf.for %scan3A_47 = %scan3A_42 to %scan3A_44 step %scan3A_45  : i32 {
        %mul3A_48 = arith.constant 16 : i32
        %mul3A_49 = arith.muli %scan3A_47, %mul3A_48 : i32
        %get3A = arith.index_cast %mul3A_49 : i32 to index
        %get3A_50 = tpu.vector_load %arg7[%get3A] {strides = array<i32>} : memref<400xi32, #tpu.memory_space<vmem>>, vector<16xi32>,
        %mul3A_51 = arith.constant 16 : i32
        %mul3A_52 = arith.muli %scan3A_47, %mul3A_51 : i32
        %slice3A = vector.extract_strided_slice %get3A_50 {offsets = [0], sizes = [1], strides = [1]} : vector<16xi32> to vector<1xi32>
        %squeeze3A = vector.extract %slice3A[0] : i32 from vector<1xi32>
        %slice3A_53 = vector.extract_strided_slice %get3A_50 {offsets = [15], sizes = [1], strides = [1]} : vector<16xi32> to vector<1xi32>
        %squeeze3A_54 = vector.extract %slice3A_53[0] : i32 from vector<1xi32>
        %eq3A_55 = arith.cmpi eq, %squeeze3A, %squeeze3A_54 : i32
        %convert_element_type3A = arith.extui %eq3A_55 : i1 to i32
        %cond3A = arith.constant 0 : i32
        %cond3A_56 = arith.cmpi ne, %convert_element_type3A, %cond3A : i32
        scf.if %cond3A_56 {
          %mul3A_60 = arith.constant 128 : i32
          %mul3A_61 = arith.muli %squeeze3A, %mul3A_60 : i32
          %add3A_62 = arith.constant 0 : i32
          %add3A_63 = arith.addi %mul3A_52, %add3A_62 : i32
          %get3A_64 = arith.index_cast %add3A_63 : i32 to index
          %get3A_65 = arith.constant 0 : index
          %get3A_66 = tpu.vector_load %arg6[%get3A_64, %get3A_65] {strides = array<i32>} : memref<400x128xf32, #tpu.memory_space<vmem>>, vector<16xf32>,
          %add3A_67 = arith.constant 1 : i32
          %add3A_68 = arith.addi %mul3A_52, %add3A_67 : i32
          %get3A_69 = arith.index_cast %add3A_68 : i32 to index
          %get3A_70 = arith.constant 0 : index
          %get3A_71 = tpu.vector_load %arg6[%get3A_69, %get3A_70] {strides = array<i32>} : memref<400x128xf32, #tpu.memory_space<vmem>>, vector<16xf32>,
          %add3A_72 = arith.constant 2 : i32
          %add3A_73 = arith.addi %mul3A_52, %add3A_72 : i32
          %get3A_74 = arith.index_cast %add3A_73 : i32 to index
          %get3A_75 = arith.constant 0 : index
          %get3A_76 = tpu.vector_load %arg6[%get3A_74, %get3A_75] {strides = array<i32>} : memref<400x128xf32, #tpu.memory_space<vmem>>, vector<16xf32>,
          %add3A_77 = arith.constant 3 : i32
          %add3A_78 = arith.addi %mul3A_52, %add3A_77 : i32
          %get3A_79 = arith.index_cast %add3A_78 : i32 to index
          %get3A_80 = arith.constant 0 : index
          %get3A_81 = tpu.vector_load %arg6[%get3A_79, %get3A_80] {strides = array<i32>} : memref<400x128xf32, #tpu.memory_space<vmem>>, vector<16xf32>,
          %add3A_82 = arith.constant 4 : i32
          %add3A_83 = arith.addi %mul3A_52, %add3A_82 : i32
          %get3A_84 = arith.index_cast %add3A_83 : i32 to index
          %get3A_85 = arith.constant 0 : index
          %get3A_86 = tpu.vector_load %arg6[%get3A_84, %get3A_85] {strides = array<i32>} : memref<400x128xf32, #tpu.memory_space<vmem>>, vector<16xf32>,
          %add3A_87 = arith.constant 5 : i32
          %add3A_88 = arith.addi %mul3A_52, %add3A_87 : i32
          %get3A_89 = arith.index_cast %add3A_88 : i32 to index
          %get3A_90 = arith.constant 0 : index
          %get3A_91 = tpu.vector_load %arg6[%get3A_89, %get3A_90] {strides = array<i32>} : memref<400x128xf32, #tpu.memory_space<vmem>>, vector<16xf32>,
          %add3A_92 = arith.constant 6 : i32
          %add3A_93 = arith.addi %mul3A_52, %add3A_92 : i32
          %get3A_94 = arith.index_cast %add3A_93 : i32 to index
          %get3A_95 = arith.constant 0 : index
          %get3A_96 = tpu.vector_load %arg6[%get3A_94, %get3A_95] {strides = array<i32>} : memref<400x128xf32, #tpu.memory_space<vmem>>, vector<16xf32>,
          %add3A_97 = arith.constant 7 : i32
          %add3A_98 = arith.addi %mul3A_52, %add3A_97 : i32
          %get3A_99 = arith.index_cast %add3A_98 : i32 to index
          %get3A_100 = arith.constant 0 : index
          %get3A_101 = tpu.vector_load %arg6[%get3A_99, %get3A_100] {strides = array<i32>} : memref<400x128xf32, #tpu.memory_space<vmem>>, vector<16xf32>,
          %add3A_102 = arith.constant 8 : i32
          %add3A_103 = arith.addi %mul3A_52, %add3A_102 : i32
          %get3A_104 = arith.index_cast %add3A_103 : i32 to index
          %get3A_105 = arith.constant 0 : index
          %get3A_106 = tpu.vector_load %arg6[%get3A_104, %get3A_105] {strides = array<i32>} : memref<400x128xf32, #tpu.memory_space<vmem>>, vector<16xf32>,
          %add3A_107 = arith.constant 9 : i32
          %add3A_108 = arith.addi %mul3A_52, %add3A_107 : i32
          %get3A_109 = arith.index_cast %add3A_108 : i32 to index
          %get3A_110 = arith.constant 0 : index
          %get3A_111 = tpu.vector_load %arg6[%get3A_109, %get3A_110] {strides = array<i32>} : memref<400x128xf32, #tpu.memory_space<vmem>>, vector<16xf32>,
          %add3A_112 = arith.constant 10 : i32
          %add3A_113 = arith.addi %mul3A_52, %add3A_112 : i32
          %get3A_114 = arith.index_cast %add3A_113 : i32 to index
          %get3A_115 = arith.constant 0 : index
          %get3A_116 = tpu.vector_load %arg6[%get3A_114, %get3A_115] {strides = array<i32>} : memref<400x128xf32, #tpu.memory_space<vmem>>, vector<16xf32>,
          %add3A_117 = arith.constant 11 : i32
          %add3A_118 = arith.addi %mul3A_52, %add3A_117 : i32
          %get3A_119 = arith.index_cast %add3A_118 : i32 to index
          %get3A_120 = arith.constant 0 : index
          %get3A_121 = tpu.vector_load %arg6[%get3A_119, %get3A_120] {strides = array<i32>} : memref<400x128xf32, #tpu.memory_space<vmem>>, vector<16xf32>,
          %add3A_122 = arith.constant 12 : i32
          %add3A_123 = arith.addi %mul3A_52, %add3A_122 : i32
          %get3A_124 = arith.index_cast %add3A_123 : i32 to index
          %get3A_125 = arith.constant 0 : index
          %get3A_126 = tpu.vector_load %arg6[%get3A_124, %get3A_125] {strides = array<i32>} : memref<400x128xf32, #tpu.memory_space<vmem>>, vector<16xf32>,
          %add3A_127 = arith.constant 13 : i32
          %add3A_128 = arith.addi %mul3A_52, %add3A_127 : i32
          %get3A_129 = arith.index_cast %add3A_128 : i32 to index
          %get3A_130 = arith.constant 0 : index
          %get3A_131 = tpu.vector_load %arg6[%get3A_129, %get3A_130] {strides = array<i32>} : memref<400x128xf32, #tpu.memory_space<vmem>>, vector<16xf32>,
          %add3A_132 = arith.constant 14 : i32
          %add3A_133 = arith.addi %mul3A_52, %add3A_132 : i32
          %get3A_134 = arith.index_cast %add3A_133 : i32 to index
          %get3A_135 = arith.constant 0 : index
          %get3A_136 = tpu.vector_load %arg6[%get3A_134, %get3A_135] {strides = array<i32>} : memref<400x128xf32, #tpu.memory_space<vmem>>, vector<16xf32>,
          %add3A_137 = arith.constant 15 : i32
          %add3A_138 = arith.addi %mul3A_52, %add3A_137 : i32
          %get3A_139 = arith.index_cast %add3A_138 : i32 to index
          %get3A_140 = arith.constant 0 : index
          %get3A_141 = tpu.vector_load %arg6[%get3A_139, %get3A_140] {strides = array<i32>} : memref<400x128xf32, #tpu.memory_space<vmem>>, vector<16xf32>,
          %add3A_142 = arith.addf %get3A_66, %get3A_71 : vector<16xf32>
          %add3A_143 = arith.addf %get3A_76, %get3A_81 : vector<16xf32>
          %add3A_144 = arith.addf %get3A_86, %get3A_91 : vector<16xf32>
          %add3A_145 = arith.addf %get3A_96, %get3A_101 : vector<16xf32>
          %add3A_146 = arith.addf %get3A_106, %get3A_111 : vector<16xf32>
          %add3A_147 = arith.addf %get3A_116, %get3A_121 : vector<16xf32>
          %add3A_148 = arith.addf %get3A_126, %get3A_131 : vector<16xf32>
          %add3A_149 = arith.addf %get3A_136, %get3A_141 : vector<16xf32>
          %add3A_150 = arith.addf %add3A_142, %add3A_143 : vector<16xf32>
          %add3A_151 = arith.addf %add3A_144, %add3A_145 : vector<16xf32>
          %add3A_152 = arith.addf %add3A_146, %add3A_147 : vector<16xf32>
          %add3A_153 = arith.addf %add3A_148, %add3A_149 : vector<16xf32>
          %add3A_154 = arith.addf %add3A_150, %add3A_151 : vector<16xf32>
          %add3A_155 = arith.addf %add3A_152, %add3A_153 : vector<16xf32>
          %add3A_156 = arith.addf %add3A_154, %add3A_155 : vector<16xf32>
          %add3A_157 = arith.constant 0 : i32
          %add3A_158 = arith.addi %mul3A_61, %add3A_157 : i32
          %add3A_159 = vector.broadcast %add3A_158 : i32 to vector<16xi32>
          %add3A_160 = arith.addi %iota3A, %add3A_159 : vector<16xi32>
          tpu.vector_store_idx %arg8[%add3A_160], %add3A_156 {add = true} : memref<12800xf32, #tpu.memory_space<vmem>>[vector<16xi32>], vector<16xf32>,
          %add3A_161 = arith.constant 0 : i32
          %add3A_162 = arith.addi %mul3A_52, %add3A_161 : i32
          %get3A_163 = arith.index_cast %add3A_162 : i32 to index
          %get3A_164 = arith.constant 16 : index
          %get3A_165 = tpu.vector_load %arg6[%get3A_163, %get3A_164] {strides = array<i32>} : memref<400x128xf32, #tpu.memory_space<vmem>>, vector<16xf32>,
          %add3A_166 = arith.constant 1 : i32
          %add3A_167 = arith.addi %mul3A_52, %add3A_166 : i32
          %get3A_168 = arith.index_cast %add3A_167 : i32 to index
          %get3A_169 = arith.constant 16 : index
          %get3A_170 = tpu.vector_load %arg6[%get3A_168, %get3A_169] {strides = array<i32>} : memref<400x128xf32, #tpu.memory_space<vmem>>, vector<16xf32>,
          %add3A_171 = arith.constant 2 : i32
          %add3A_172 = arith.addi %mul3A_52, %add3A_171 : i32
          %get3A_173 = arith.index_cast %add3A_172 : i32 to index
          %get3A_174 = arith.constant 16 : index
          %get3A_175 = tpu.vector_load %arg6[%get3A_173, %get3A_174] {strides = array<i32>} : memref<400x128xf32, #tpu.memory_space<vmem>>, vector<16xf32>,
          %add3A_176 = arith.constant 3 : i32
          %add3A_177 = arith.addi %mul3A_52, %add3A_176 : i32
          %get3A_178 = arith.index_cast %add3A_177 : i32 to index
          %get3A_179 = arith.constant 16 : index
          %get3A_180 = tpu.vector_load %arg6[%get3A_178, %get3A_179] {strides = array<i32>} : memref<400x128xf32, #tpu.memory_space<vmem>>, vector<16xf32>,
          %add3A_181 = arith.constant 4 : i32
          %add3A_182 = arith.addi %mul3A_52, %add3A_181 : i32
          %get3A_183 = arith.index_cast %add3A_182 : i32 to index
          %get3A_184 = arith.constant 16 : index
          %get3A_185 = tpu.vector_load %arg6[%get3A_183, %get3A_184] {strides = array<i32>} : memref<400x128xf32, #tpu.memory_space<vmem>>, vector<16xf32>,
          %add3A_186 = arith.constant 5 : i32
          %add3A_187 = arith.addi %mul3A_52, %add3A_186 : i32
          %get3A_188 = arith.index_cast %add3A_187 : i32 to index
          %get3A_189 = arith.constant 16 : index
          %get3A_190 = tpu.vector_load %arg6[%get3A_188, %get3A_189] {strides = array<i32>} : memref<400x128xf32, #tpu.memory_space<vmem>>, vector<16xf32>,
          %add3A_191 = arith.constant 6 : i32
          %add3A_192 = arith.addi %mul3A_52, %add3A_191 : i32
          %get3A_193 = arith.index_cast %add3A_192 : i32 to index
          %get3A_194 = arith.constant 16 : index
          %get3A_195 = tpu.vector_load %arg6[%get3A_193, %get3A_194] {strides = array<i32>} : memref<400x128xf32, #tpu.memory_space<vmem>>, vector<16xf32>,
          %add3A_196 = arith.constant 7 : i32
          %add3A_197 = arith.addi %mul3A_52, %add3A_196 : i32
          %get3A_198 = arith.index_cast %add3A_197 : i32 to index
          %get3A_199 = arith.constant 16 : index
          %get3A_200 = tpu.vector_load %arg6[%get3A_198, %get3A_199] {strides = array<i32>} : memref<400x128xf32, #tpu.memory_space<vmem>>, vector<16xf32>,
          %add3A_201 = arith.constant 8 : i32
          %add3A_202 = arith.addi %mul3A_52, %add3A_201 : i32
          %get3A_203 = arith.index_cast %add3A_202 : i32 to index
          %get3A_204 = arith.constant 16 : index
          %get3A_205 = tpu.vector_load %arg6[%get3A_203, %get3A_204] {strides = array<i32>} : memref<400x128xf32, #tpu.memory_space<vmem>>, vector<16xf32>,
          %add3A_206 = arith.constant 9 : i32
          %add3A_207 = arith.addi %mul3A_52, %add3A_206 : i32
          %get3A_208 = arith.index_cast %add3A_207 : i32 to index
          %get3A_209 = arith.constant 16 : index
          %get3A_210 = tpu.vector_load %arg6[%get3A_208, %get3A_209] {strides = array<i32>} : memref<400x128xf32, #tpu.memory_space<vmem>>, vector<16xf32>,
          %add3A_211 = arith.constant 10 : i32
          %add3A_212 = arith.addi %mul3A_52, %add3A_211 : i32
          %get3A_213 = arith.index_cast %add3A_212 : i32 to index
          %get3A_214 = arith.constant 16 : index
          %get3A_215 = tpu.vector_load %arg6[%get3A_213, %get3A_214] {strides = array<i32>} : memref<400x128xf32, #tpu.memory_space<vmem>>, vector<16xf32>,
          %add3A_216 = arith.constant 11 : i32
          %add3A_217 = arith.addi %mul3A_52, %add3A_216 : i32
          %get3A_218 = arith.index_cast %add3A_217 : i32 to index
          %get3A_219 = arith.constant 16 : index
          %get3A_220 = tpu.vector_load %arg6[%get3A_218, %get3A_219] {strides = array<i32>} : memref<400x128xf32, #tpu.memory_space<vmem>>, vector<16xf32>,
          %add3A_221 = arith.constant 12 : i32
          %add3A_222 = arith.addi %mul3A_52, %add3A_221 : i32
          %get3A_223 = arith.index_cast %add3A_222 : i32 to index
          %get3A_224 = arith.constant 16 : index
          %get3A_225 = tpu.vector_load %arg6[%get3A_223, %get3A_224] {strides = array<i32>} : memref<400x128xf32, #tpu.memory_space<vmem>>, vector<16xf32>,
          %add3A_226 = arith.constant 13 : i32
          %add3A_227 = arith.addi %mul3A_52, %add3A_226 : i32
          %get3A_228 = arith.index_cast %add3A_227 : i32 to index
          %get3A_229 = arith.constant 16 : index
          %get3A_230 = tpu.vector_load %arg6[%get3A_228, %get3A_229] {strides = array<i32>} : memref<400x128xf32, #tpu.memory_space<vmem>>, vector<16xf32>,
          %add3A_231 = arith.constant 14 : i32
          %add3A_232 = arith.addi %mul3A_52, %add3A_231 : i32
          %get3A_233 = arith.index_cast %add3A_232 : i32 to index
          %get3A_234 = arith.constant 16 : index
          %get3A_235 = tpu.vector_load %arg6[%get3A_233, %get3A_234] {strides = array<i32>} : memref<400x128xf32, #tpu.memory_space<vmem>>, vector<16xf32>,
          %add3A_236 = arith.constant 15 : i32
          %add3A_237 = arith.addi %mul3A_52, %add3A_236 : i32
          %get3A_238 = arith.index_cast %add3A_237 : i32 to index
          %get3A_239 = arith.constant 16 : index
          %get3A_240 = tpu.vector_load %arg6[%get3A_238, %get3A_239] {strides = array<i32>} : memref<400x128xf32, #tpu.memory_space<vmem>>, vector<16xf32>,
          %add3A_241 = arith.addf %get3A_165, %get3A_170 : vector<16xf32>
          %add3A_242 = arith.addf %get3A_175, %get3A_180 : vector<16xf32>
          %add3A_243 = arith.addf %get3A_185, %get3A_190 : vector<16xf32>
          %add3A_244 = arith.addf %get3A_195, %get3A_200 : vector<16xf32>
          %add3A_245 = arith.addf %get3A_205, %get3A_210 : vector<16xf32>
          %add3A_246 = arith.addf %get3A_215, %get3A_220 : vector<16xf32>
          %add3A_247 = arith.addf %get3A_225, %get3A_230 : vector<16xf32>
          %add3A_248 = arith.addf %get3A_235, %get3A_240 : vector<16xf32>
          %add3A_249 = arith.addf %add3A_241, %add3A_242 : vector<16xf32>
          %add3A_250 = arith.addf %add3A_243, %add3A_244 : vector<16xf32>
          %add3A_251 = arith.addf %add3A_245, %add3A_246 : vector<16xf32>
          %add3A_252 = arith.addf %add3A_247, %add3A_248 : vector<16xf32>
          %add3A_253 = arith.addf %add3A_249, %add3A_250 : vector<16xf32>
          %add3A_254 = arith.addf %add3A_251, %add3A_252 : vector<16xf32>
          %add3A_255 = arith.addf %add3A_253, %add3A_254 : vector<16xf32>
          %add3A_256 = arith.constant 16 : i32
          %add3A_257 = arith.addi %mul3A_61, %add3A_256 : i32
          %add3A_258 = vector.broadcast %add3A_257 : i32 to vector<16xi32>
          %add3A_259 = arith.addi %iota3A, %add3A_258 : vector<16xi32>
          tpu.vector_store_idx %arg8[%add3A_259], %add3A_255 {add = true} : memref<12800xf32, #tpu.memory_space<vmem>>[vector<16xi32>], vector<16xf32>,
          %add3A_260 = arith.constant 0 : i32
          %add3A_261 = arith.addi %mul3A_52, %add3A_260 : i32
          %get3A_262 = arith.index_cast %add3A_261 : i32 to index
          %get3A_263 = arith.constant 32 : index
          %get3A_264 = tpu.vector_load %arg6[%get3A_262, %get3A_263] {strides = array<i32>} : memref<400x128xf32, #tpu.memory_space<vmem>>, vector<16xf32>,
          %add3A_265 = arith.constant 1 : i32
          %add3A_266 = arith.addi %mul3A_52, %add3A_265 : i32
          %get3A_267 = arith.index_cast %add3A_266 : i32 to index
          %get3A_268 = arith.constant 32 : index
          %get3A_269 = tpu.vector_load %arg6[%get3A_267, %get3A_268] {strides = array<i32>} : memref<400x128xf32, #tpu.memory_space<vmem>>, vector<16xf32>,
          %add3A_270 = arith.constant 2 : i32
          %add3A_271 = arith.addi %mul3A_52, %add3A_270 : i32
          %get3A_272 = arith.index_cast %add3A_271 : i32 to index
          %get3A_273 = arith.constant 32 : index
          %get3A_274 = tpu.vector_load %arg6[%get3A_272, %get3A_273] {strides = array<i32>} : memref<400x128xf32, #tpu.memory_space<vmem>>, vector<16xf32>,
          %add3A_275 = arith.constant 3 : i32
          %add3A_276 = arith.addi %mul3A_52, %add3A_275 : i32
          %get3A_277 = arith.index_cast %add3A_276 : i32 to index
          %get3A_278 = arith.constant 32 : index
          %get3A_279 = tpu.vector_load %arg6[%get3A_277, %get3A_278] {strides = array<i32>} : memref<400x128xf32, #tpu.memory_space<vmem>>, vector<16xf32>,
          %add3A_280 = arith.constant 4 : i32
          %add3A_281 = arith.addi %mul3A_52, %add3A_280 : i32
          %get3A_282 = arith.index_cast %add3A_281 : i32 to index
          %get3A_283 = arith.constant 32 : index
          %get3A_284 = tpu.vector_load %arg6[%get3A_282, %get3A_283] {strides = array<i32>} : memref<400x128xf32, #tpu.memory_space<vmem>>, vector<16xf32>,
          %add3A_285 = arith.constant 5 : i32
          %add3A_286 = arith.addi %mul3A_52, %add3A_285 : i32
          %get3A_287 = arith.index_cast %add3A_286 : i32 to index
          %get3A_288 = arith.constant 32 : index
          %get3A_289 = tpu.vector_load %arg6[%get3A_287, %get3A_288] {strides = array<i32>} : memref<400x128xf32, #tpu.memory_space<vmem>>, vector<16xf32>,
          %add3A_290 = arith.constant 6 : i32
          %add3A_291 = arith.addi %mul3A_52, %add3A_290 : i32
          %get3A_292 = arith.index_cast %add3A_291 : i32 to index
          %get3A_293 = arith.constant 32 : index
          %get3A_294 = tpu.vector_load %arg6[%get3A_292, %get3A_293] {strides = array<i32>} : memref<400x128xf32, #tpu.memory_space<vmem>>, vector<16xf32>,
          %add3A_295 = arith.constant 7 : i32
          %add3A_296 = arith.addi %mul3A_52, %add3A_295 : i32
          %get3A_297 = arith.index_cast %add3A_296 : i32 to index
          %get3A_298 = arith.constant 32 : index
          %get3A_299 = tpu.vector_load %arg6[%get3A_297, %get3A_298] {strides = array<i32>} : memref<400x128xf32, #tpu.memory_space<vmem>>, vector<16xf32>,
          %add3A_300 = arith.constant 8 : i32
          %add3A_301 = arith.addi %mul3A_52, %add3A_300 : i32
          %get3A_302 = arith.index_cast %add3A_301 : i32 to index
          %get3A_303 = arith.constant 32 : index
          %get3A_304 = tpu.vector_load %arg6[%get3A_302, %get3A_303] {strides = array<i32>} : memref<400x128xf32, #tpu.memory_space<vmem>>, vector<16xf32>,
          %add3A_305 = arith.constant 9 : i32
          %add3A_306 = arith.addi %mul3A_52, %add3A_305 : i32
          %get3A_307 = arith.index_cast %add3A_306 : i32 to index
          %get3A_308 = arith.constant 32 : index
          %get3A_309 = tpu.vector_load %arg6[%get3A_307, %get3A_308] {strides = array<i32>} : memref<400x128xf32, #tpu.memory_space<vmem>>, vector<16xf32>,
          %add3A_310 = arith.constant 10 : i32
          %add3A_311 = arith.addi %mul3A_52, %add3A_310 : i32
          %get3A_312 = arith.index_cast %add3A_311 : i32 to index
          %get3A_313 = arith.constant 32 : index
          %get3A_314 = tpu.vector_load %arg6[%get3A_312, %get3A_313] {strides = array<i32>} : memref<400x128xf32, #tpu.memory_space<vmem>>, vector<16xf32>,
          %add3A_315 = arith.constant 11 : i32
          %add3A_316 = arith.addi %mul3A_52, %add3A_315 : i32
          %get3A_317 = arith.index_cast %add3A_316 : i32 to index
          %get3A_318 = arith.constant 32 : index
          %get3A_319 = tpu.vector_load %arg6[%get3A_317, %get3A_318] {strides = array<i32>} : memref<400x128xf32, #tpu.memory_space<vmem>>, vector<16xf32>,
          %add3A_320 = arith.constant 12 : i32
          %add3A_321 = arith.addi %mul3A_52, %add3A_320 : i32
          %get3A_322 = arith.index_cast %add3A_321 : i32 to index
          %get3A_323 = arith.constant 32 : index
          %get3A_324 = tpu.vector_load %arg6[%get3A_322, %get3A_323] {strides = array<i32>} : memref<400x128xf32, #tpu.memory_space<vmem>>, vector<16xf32>,
          %add3A_325 = arith.constant 13 : i32
          %add3A_326 = arith.addi %mul3A_52, %add3A_325 : i32
          %get3A_327 = arith.index_cast %add3A_326 : i32 to index
          %get3A_328 = arith.constant 32 : index
          %get3A_329 = tpu.vector_load %arg6[%get3A_327, %get3A_328] {strides = array<i32>} : memref<400x128xf32, #tpu.memory_space<vmem>>, vector<16xf32>,
          %add3A_330 = arith.constant 14 : i32
          %add3A_331 = arith.addi %mul3A_52, %add3A_330 : i32
          %get3A_332 = arith.index_cast %add3A_331 : i32 to index
          %get3A_333 = arith.constant 32 : index
          %get3A_334 = tpu.vector_load %arg6[%get3A_332, %get3A_333] {strides = array<i32>} : memref<400x128xf32, #tpu.memory_space<vmem>>, vector<16xf32>,
          %add3A_335 = arith.constant 15 : i32
          %add3A_336 = arith.addi %mul3A_52, %add3A_335 : i32
          %get3A_337 = arith.index_cast %add3A_336 : i32 to index
          %get3A_338 = arith.constant 32 : index
          %get3A_339 = tpu.vector_load %arg6[%get3A_337, %get3A_338] {strides = array<i32>} : memref<400x128xf32, #tpu.memory_space<vmem>>, vector<16xf32>,
          %add3A_340 = arith.addf %get3A_264, %get3A_269 : vector<16xf32>
          %add3A_341 = arith.addf %get3A_274, %get3A_279 : vector<16xf32>
          %add3A_342 = arith.addf %get3A_284, %get3A_289 : vector<16xf32>
          %add3A_343 = arith.addf %get3A_294, %get3A_299 : vector<16xf32>
          %add3A_344 = arith.addf %get3A_304, %get3A_309 : vector<16xf32>
          %add3A_345 = arith.addf %get3A_314, %get3A_319 : vector<16xf32>
          %add3A_346 = arith.addf %get3A_324, %get3A_329 : vector<16xf32>
          %add3A_347 = arith.addf %get3A_334, %get3A_339 : vector<16xf32>
          %add3A_348 = arith.addf %add3A_340, %add3A_341 : vector<16xf32>
          %add3A_349 = arith.addf %add3A_342, %add3A_343 : vector<16xf32>
          %add3A_350 = arith.addf %add3A_344, %add3A_345 : vector<16xf32>
          %add3A_351 = arith.addf %add3A_346, %add3A_347 : vector<16xf32>
          %add3A_352 = arith.addf %add3A_348, %add3A_349 : vector<16xf32>
          %add3A_353 = arith.addf %add3A_350, %add3A_351 : vector<16xf32>
          %add3A_354 = arith.addf %add3A_352, %add3A_353 : vector<16xf32>
          %add3A_355 = arith.constant 32 : i32
          %add3A_356 = arith.addi %mul3A_61, %add3A_355 : i32
          %add3A_357 = vector.broadcast %add3A_356 : i32 to vector<16xi32>
          %add3A_358 = arith.addi %iota3A, %add3A_357 : vector<16xi32>
          tpu.vector_store_idx %arg8[%add3A_358], %add3A_354 {add = true} : memref<12800xf32, #tpu.memory_space<vmem>>[vector<16xi32>], vector<16xf32>,
          %add3A_359 = arith.constant 0 : i32
          %add3A_360 = arith.addi %mul3A_52, %add3A_359 : i32
          %get3A_361 = arith.index_cast %add3A_360 : i32 to index
          %get3A_362 = arith.constant 48 : index
          %get3A_363 = tpu.vector_load %arg6[%get3A_361, %get3A_362] {strides = array<i32>} : memref<400x128xf32, #tpu.memory_space<vmem>>, vector<16xf32>,
          %add3A_364 = arith.constant 1 : i32
          %add3A_365 = arith.addi %mul3A_52, %add3A_364 : i32
          %get3A_366 = arith.index_cast %add3A_365 : i32 to index
          %get3A_367 = arith.constant 48 : index
          %get3A_368 = tpu.vector_load %arg6[%get3A_366, %get3A_367] {strides = array<i32>} : memref<400x128xf32, #tpu.memory_space<vmem>>, vector<16xf32>,
          %add3A_369 = arith.constant 2 : i32
          %add3A_370 = arith.addi %mul3A_52, %add3A_369 : i32
          %get3A_371 = arith.index_cast %add3A_370 : i32 to index
          %get3A_372 = arith.constant 48 : index
          %get3A_373 = tpu.vector_load %arg6[%get3A_371, %get3A_372] {strides = array<i32>} : memref<400x128xf32, #tpu.memory_space<vmem>>, vector<16xf32>,
          %add3A_374 = arith.constant 3 : i32
          %add3A_375 = arith.addi %mul3A_52, %add3A_374 : i32
          %get3A_376 = arith.index_cast %add3A_375 : i32 to index
          %get3A_377 = arith.constant 48 : index
          %get3A_378 = tpu.vector_load %arg6[%get3A_376, %get3A_377] {strides = array<i32>} : memref<400x128xf32, #tpu.memory_space<vmem>>, vector<16xf32>,
          %add3A_379 = arith.constant 4 : i32
          %add3A_380 = arith.addi %mul3A_52, %add3A_379 : i32
          %get3A_381 = arith.index_cast %add3A_380 : i32 to index
          %get3A_382 = arith.constant 48 : index
          %get3A_383 = tpu.vector_load %arg6[%get3A_381, %get3A_382] {strides = array<i32>} : memref<400x128xf32, #tpu.memory_space<vmem>>, vector<16xf32>,
          %add3A_384 = arith.constant 5 : i32
          %add3A_385 = arith.addi %mul3A_52, %add3A_384 : i32
          %get3A_386 = arith.index_cast %add3A_385 : i32 to index
          %get3A_387 = arith.constant 48 : index
          %get3A_388 = tpu.vector_load %arg6[%get3A_386, %get3A_387] {strides = array<i32>} : memref<400x128xf32, #tpu.memory_space<vmem>>, vector<16xf32>,
          %add3A_389 = arith.constant 6 : i32
          %add3A_390 = arith.addi %mul3A_52, %add3A_389 : i32
          %get3A_391 = arith.index_cast %add3A_390 : i32 to index
          %get3A_392 = arith.constant 48 : index
          %get3A_393 = tpu.vector_load %arg6[%get3A_391, %get3A_392] {strides = array<i32>} : memref<400x128xf32, #tpu.memory_space<vmem>>, vector<16xf32>,
          %add3A_394 = arith.constant 7 : i32
          %add3A_395 = arith.addi %mul3A_52, %add3A_394 : i32
          %get3A_396 = arith.index_cast %add3A_395 : i32 to index
          %get3A_397 = arith.constant 48 : index
          %get3A_398 = tpu.vector_load %arg6[%get3A_396, %get3A_397] {strides = array<i32>} : memref<400x128xf32, #tpu.memory_space<vmem>>, vector<16xf32>,
          %add3A_399 = arith.constant 8 : i32
          %add3A_400 = arith.addi %mul3A_52, %add3A_399 : i32
          %get3A_401 = arith.index_cast %add3A_400 : i32 to index
          %get3A_402 = arith.constant 48 : index
          %get3A_403 = tpu.vector_load %arg6[%get3A_401, %get3A_402] {strides = array<i32>} : memref<400x128xf32, #tpu.memory_space<vmem>>, vector<16xf32>,
          %add3A_404 = arith.constant 9 : i32
          %add3A_405 = arith.addi %mul3A_52, %add3A_404 : i32
          %get3A_406 = arith.index_cast %add3A_405 : i32 to index
          %get3A_407 = arith.constant 48 : index
          %get3A_408 = tpu.vector_load %arg6[%get3A_406, %get3A_407] {strides = array<i32>} : memref<400x128xf32, #tpu.memory_space<vmem>>, vector<16xf32>,
          %add3A_409 = arith.constant 10 : i32
          %add3A_410 = arith.addi %mul3A_52, %add3A_409 : i32
          %get3A_411 = arith.index_cast %add3A_410 : i32 to index
          %get3A_412 = arith.constant 48 : index
          %get3A_413 = tpu.vector_load %arg6[%get3A_411, %get3A_412] {strides = array<i32>} : memref<400x128xf32, #tpu.memory_space<vmem>>, vector<16xf32>,
          %add3A_414 = arith.constant 11 : i32
          %add3A_415 = arith.addi %mul3A_52, %add3A_414 : i32
          %get3A_416 = arith.index_cast %add3A_415 : i32 to index
          %get3A_417 = arith.constant 48 : index
          %get3A_418 = tpu.vector_load %arg6[%get3A_416, %get3A_417] {strides = array<i32>} : memref<400x128xf32, #tpu.memory_space<vmem>>, vector<16xf32>,
          %add3A_419 = arith.constant 12 : i32
          %add3A_420 = arith.addi %mul3A_52, %add3A_419 : i32
          %get3A_421 = arith.index_cast %add3A_420 : i32 to index
          %get3A_422 = arith.constant 48 : index
          %get3A_423 = tpu.vector_load %arg6[%get3A_421, %get3A_422] {strides = array<i32>} : memref<400x128xf32, #tpu.memory_space<vmem>>, vector<16xf32>,
          %add3A_424 = arith.constant 13 : i32
          %add3A_425 = arith.addi %mul3A_52, %add3A_424 : i32
          %get3A_426 = arith.index_cast %add3A_425 : i32 to index
          %get3A_427 = arith.constant 48 : index
          %get3A_428 = tpu.vector_load %arg6[%get3A_426, %get3A_427] {strides = array<i32>} : memref<400x128xf32, #tpu.memory_space<vmem>>, vector<16xf32>,
          %add3A_429 = arith.constant 14 : i32
          %add3A_430 = arith.addi %mul3A_52, %add3A_429 : i32
          %get3A_431 = arith.index_cast %add3A_430 : i32 to index
          %get3A_432 = arith.constant 48 : index
          %get3A_433 = tpu.vector_load %arg6[%get3A_431, %get3A_432] {strides = array<i32>} : memref<400x128xf32, #tpu.memory_space<vmem>>, vector<16xf32>,
          %add3A_434 = arith.constant 15 : i32
          %add3A_435 = arith.addi %mul3A_52, %add3A_434 : i32
          %get3A_436 = arith.index_cast %add3A_435 : i32 to index
          %get3A_437 = arith.constant 48 : index
          %get3A_438 = tpu.vector_load %arg6[%get3A_436, %get3A_437] {strides = array<i32>} : memref<400x128xf32, #tpu.memory_space<vmem>>, vector<16xf32>,
          %add3A_439 = arith.addf %get3A_363, %get3A_368 : vector<16xf32>
          %add3A_440 = arith.addf %get3A_373, %get3A_378 : vector<16xf32>
          %add3A_441 = arith.addf %get3A_383, %get3A_388 : vector<16xf32>
          %add3A_442 = arith.addf %get3A_393, %get3A_398 : vector<16xf32>
          %add3A_443 = arith.addf %get3A_403, %get3A_408 : vector<16xf32>
          %add3A_444 = arith.addf %get3A_413, %get3A_418 : vector<16xf32>
          %add3A_445 = arith.addf %get3A_423, %get3A_428 : vector<16xf32>
          %add3A_446 = arith.addf %get3A_433, %get3A_438 : vector<16xf32>
          %add3A_447 = arith.addf %add3A_439, %add3A_440 : vector<16xf32>
          %add3A_448 = arith.addf %add3A_441, %add3A_442 : vector<16xf32>
          %add3A_449 = arith.addf %add3A_443, %add3A_444 : vector<16xf32>
          %add3A_450 = arith.addf %add3A_445, %add3A_446 : vector<16xf32>
          %add3A_451 = arith.addf %add3A_447, %add3A_448 : vector<16xf32>
          %add3A_452 = arith.addf %add3A_449, %add3A_450 : vector<16xf32>
          %add3A_453 = arith.addf %add3A_451, %add3A_452 : vector<16xf32>
          %add3A_454 = arith.constant 48 : i32
          %add3A_455 = arith.addi %mul3A_61, %add3A_454 : i32
          %add3A_456 = vector.broadcast %add3A_455 : i32 to vector<16xi32>
          %add3A_457 = arith.addi %iota3A, %add3A_456 : vector<16xi32>
          tpu.vector_store_idx %arg8[%add3A_457], %add3A_453 {add = true} : memref<12800xf32, #tpu.memory_space<vmem>>[vector<16xi32>], vector<16xf32>,
          %add3A_458 = arith.constant 0 : i32
          %add3A_459 = arith.addi %mul3A_52, %add3A_458 : i32
          %get3A_460 = arith.index_cast %add3A_459 : i32 to index
          %get3A_461 = arith.constant 64 : index
          %get3A_462 = tpu.vector_load %arg6[%get3A_460, %get3A_461] {strides = array<i32>} : memref<400x128xf32, #tpu.memory_space<vmem>>, vector<16xf32>,
          %add3A_463 = arith.constant 1 : i32
          %add3A_464 = arith.addi %mul3A_52, %add3A_463 : i32
          %get3A_465 = arith.index_cast %add3A_464 : i32 to index
          %get3A_466 = arith.constant 64 : index
          %get3A_467 = tpu.vector_load %arg6[%get3A_465, %get3A_466] {strides = array<i32>} : memref<400x128xf32, #tpu.memory_space<vmem>>, vector<16xf32>,
          %add3A_468 = arith.constant 2 : i32
          %add3A_469 = arith.addi %mul3A_52, %add3A_468 : i32
          %get3A_470 = arith.index_cast %add3A_469 : i32 to index
          %get3A_471 = arith.constant 64 : index
          %get3A_472 = tpu.vector_load %arg6[%get3A_470, %get3A_471] {strides = array<i32>} : memref<400x128xf32, #tpu.memory_space<vmem>>, vector<16xf32>,
          %add3A_473 = arith.constant 3 : i32
          %add3A_474 = arith.addi %mul3A_52, %add3A_473 : i32
          %get3A_475 = arith.index_cast %add3A_474 : i32 to index
          %get3A_476 = arith.constant 64 : index
          %get3A_477 = tpu.vector_load %arg6[%get3A_475, %get3A_476] {strides = array<i32>} : memref<400x128xf32, #tpu.memory_space<vmem>>, vector<16xf32>,
          %add3A_478 = arith.constant 4 : i32
          %add3A_479 = arith.addi %mul3A_52, %add3A_478 : i32
          %get3A_480 = arith.index_cast %add3A_479 : i32 to index
          %get3A_481 = arith.constant 64 : index
          %get3A_482 = tpu.vector_load %arg6[%get3A_480, %get3A_481] {strides = array<i32>} : memref<400x128xf32, #tpu.memory_space<vmem>>, vector<16xf32>,
          %add3A_483 = arith.constant 5 : i32
          %add3A_484 = arith.addi %mul3A_52, %add3A_483 : i32
          %get3A_485 = arith.index_cast %add3A_484 : i32 to index
          %get3A_486 = arith.constant 64 : index
          %get3A_487 = tpu.vector_load %arg6[%get3A_485, %get3A_486] {strides = array<i32>} : memref<400x128xf32, #tpu.memory_space<vmem>>, vector<16xf32>,
          %add3A_488 = arith.constant 6 : i32
          %add3A_489 = arith.addi %mul3A_52, %add3A_488 : i32
          %get3A_490 = arith.index_cast %add3A_489 : i32 to index
          %get3A_491 = arith.constant 64 : index
          %get3A_492 = tpu.vector_load %arg6[%get3A_490, %get3A_491] {strides = array<i32>} : memref<400x128xf32, #tpu.memory_space<vmem>>, vector<16xf32>,
          %add3A_493 = arith.constant 7 : i32
          %add3A_494 = arith.addi %mul3A_52, %add3A_493 : i32
          %get3A_495 = arith.index_cast %add3A_494 : i32 to index
          %get3A_496 = arith.constant 64 : index
          %get3A_497 = tpu.vector_load %arg6[%get3A_495, %get3A_496] {strides = array<i32>} : memref<400x128xf32, #tpu.memory_space<vmem>>, vector<16xf32>,
          %add3A_498 = arith.constant 8 : i32
          %add3A_499 = arith.addi %mul3A_52, %add3A_498 : i32
          %get3A_500 = arith.index_cast %add3A_499 : i32 to index
          %get3A_501 = arith.constant 64 : index
          %get3A_502 = tpu.vector_load %arg6[%get3A_500, %get3A_501] {strides = array<i32>} : memref<400x128xf32, #tpu.memory_space<vmem>>, vector<16xf32>,
          %add3A_503 = arith.constant 9 : i32
          %add3A_504 = arith.addi %mul3A_52, %add3A_503 : i32
          %get3A_505 = arith.index_cast %add3A_504 : i32 to index
          %get3A_506 = arith.constant 64 : index
          %get3A_507 = tpu.vector_load %arg6[%get3A_505, %get3A_506] {strides = array<i32>} : memref<400x128xf32, #tpu.memory_space<vmem>>, vector<16xf32>,
          %add3A_508 = arith.constant 10 : i32
          %add3A_509 = arith.addi %mul3A_52, %add3A_508 : i32
          %get3A_510 = arith.index_cast %add3A_509 : i32 to index
          %get3A_511 = arith.constant 64 : index
          %get3A_512 = tpu.vector_load %arg6[%get3A_510, %get3A_511] {strides = array<i32>} : memref<400x128xf32, #tpu.memory_space<vmem>>, vector<16xf32>,
          %add3A_513 = arith.constant 11 : i32
          %add3A_514 = arith.addi %mul3A_52, %add3A_513 : i32
          %get3A_515 = arith.index_cast %add3A_514 : i32 to index
          %get3A_516 = arith.constant 64 : index
          %get3A_517 = tpu.vector_load %arg6[%get3A_515, %get3A_516] {strides = array<i32>} : memref<400x128xf32, #tpu.memory_space<vmem>>, vector<16xf32>,
          %add3A_518 = arith.constant 12 : i32
          %add3A_519 = arith.addi %mul3A_52, %add3A_518 : i32
          %get3A_520 = arith.index_cast %add3A_519 : i32 to index
          %get3A_521 = arith.constant 64 : index
          %get3A_522 = tpu.vector_load %arg6[%get3A_520, %get3A_521] {strides = array<i32>} : memref<400x128xf32, #tpu.memory_space<vmem>>, vector<16xf32>,
          %add3A_523 = arith.constant 13 : i32
          %add3A_524 = arith.addi %mul3A_52, %add3A_523 : i32
          %get3A_525 = arith.index_cast %add3A_524 : i32 to index
          %get3A_526 = arith.constant 64 : index
          %get3A_527 = tpu.vector_load %arg6[%get3A_525, %get3A_526] {strides = array<i32>} : memref<400x128xf32, #tpu.memory_space<vmem>>, vector<16xf32>,
          %add3A_528 = arith.constant 14 : i32
          %add3A_529 = arith.addi %mul3A_52, %add3A_528 : i32
          %get3A_530 = arith.index_cast %add3A_529 : i32 to index
          %get3A_531 = arith.constant 64 : index
          %get3A_532 = tpu.vector_load %arg6[%get3A_530, %get3A_531] {strides = array<i32>} : memref<400x128xf32, #tpu.memory_space<vmem>>, vector<16xf32>,
          %add3A_533 = arith.constant 15 : i32
          %add3A_534 = arith.addi %mul3A_52, %add3A_533 : i32
          %get3A_535 = arith.index_cast %add3A_534 : i32 to index
          %get3A_536 = arith.constant 64 : index
          %get3A_537 = tpu.vector_load %arg6[%get3A_535, %get3A_536] {strides = array<i32>} : memref<400x128xf32, #tpu.memory_space<vmem>>, vector<16xf32>,
          %add3A_538 = arith.addf %get3A_462, %get3A_467 : vector<16xf32>
          %add3A_539 = arith.addf %get3A_472, %get3A_477 : vector<16xf32>
          %add3A_540 = arith.addf %get3A_482, %get3A_487 : vector<16xf32>
          %add3A_541 = arith.addf %get3A_492, %get3A_497 : vector<16xf32>
          %add3A_542 = arith.addf %get3A_502, %get3A_507 : vector<16xf32>
          %add3A_543 = arith.addf %get3A_512, %get3A_517 : vector<16xf32>
          %add3A_544 = arith.addf %get3A_522, %get3A_527 : vector<16xf32>
          %add3A_545 = arith.addf %get3A_532, %get3A_537 : vector<16xf32>
          %add3A_546 = arith.addf %add3A_538, %add3A_539 : vector<16xf32>
          %add3A_547 = arith.addf %add3A_540, %add3A_541 : vector<16xf32>
          %add3A_548 = arith.addf %add3A_542, %add3A_543 : vector<16xf32>
          %add3A_549 = arith.addf %add3A_544, %add3A_545 : vector<16xf32>
          %add3A_550 = arith.addf %add3A_546, %add3A_547 : vector<16xf32>
          %add3A_551 = arith.addf %add3A_548, %add3A_549 : vector<16xf32>
          %add3A_552 = arith.addf %add3A_550, %add3A_551 : vector<16xf32>
          %add3A_553 = arith.constant 64 : i32
          %add3A_554 = arith.addi %mul3A_61, %add3A_553 : i32
          %add3A_555 = vector.broadcast %add3A_554 : i32 to vector<16xi32>
          %add3A_556 = arith.addi %iota3A, %add3A_555 : vector<16xi32>
          tpu.vector_store_idx %arg8[%add3A_556], %add3A_552 {add = true} : memref<12800xf32, #tpu.memory_space<vmem>>[vector<16xi32>], vector<16xf32>,
          %add3A_557 = arith.constant 0 : i32
          %add3A_558 = arith.addi %mul3A_52, %add3A_557 : i32
          %get3A_559 = arith.index_cast %add3A_558 : i32 to index
          %get3A_560 = arith.constant 80 : index
          %get3A_561 = tpu.vector_load %arg6[%get3A_559, %get3A_560] {strides = array<i32>} : memref<400x128xf32, #tpu.memory_space<vmem>>, vector<16xf32>,
          %add3A_562 = arith.constant 1 : i32
          %add3A_563 = arith.addi %mul3A_52, %add3A_562 : i32
          %get3A_564 = arith.index_cast %add3A_563 : i32 to index
          %get3A_565 = arith.constant 80 : index
          %get3A_566 = tpu.vector_load %arg6[%get3A_564, %get3A_565] {strides = array<i32>} : memref<400x128xf32, #tpu.memory_space<vmem>>, vector<16xf32>,
          %add3A_567 = arith.constant 2 : i32
          %add3A_568 = arith.addi %mul3A_52, %add3A_567 : i32
          %get3A_569 = arith.index_cast %add3A_568 : i32 to index
          %get3A_570 = arith.constant 80 : index
          %get3A_571 = tpu.vector_load %arg6[%get3A_569, %get3A_570] {strides = array<i32>} : memref<400x128xf32, #tpu.memory_space<vmem>>, vector<16xf32>,
          %add3A_572 = arith.constant 3 : i32
          %add3A_573 = arith.addi %mul3A_52, %add3A_572 : i32
          %get3A_574 = arith.index_cast %add3A_573 : i32 to index
          %get3A_575 = arith.constant 80 : index
          %get3A_576 = tpu.vector_load %arg6[%get3A_574, %get3A_575] {strides = array<i32>} : memref<400x128xf32, #tpu.memory_space<vmem>>, vector<16xf32>,
          %add3A_577 = arith.constant 4 : i32
          %add3A_578 = arith.addi %mul3A_52, %add3A_577 : i32
          %get3A_579 = arith.index_cast %add3A_578 : i32 to index
          %get3A_580 = arith.constant 80 : index
          %get3A_581 = tpu.vector_load %arg6[%get3A_579, %get3A_580] {strides = array<i32>} : memref<400x128xf32, #tpu.memory_space<vmem>>, vector<16xf32>,
          %add3A_582 = arith.constant 5 : i32
          %add3A_583 = arith.addi %mul3A_52, %add3A_582 : i32
          %get3A_584 = arith.index_cast %add3A_583 : i32 to index
          %get3A_585 = arith.constant 80 : index
          %get3A_586 = tpu.vector_load %arg6[%get3A_584, %get3A_585] {strides = array<i32>} : memref<400x128xf32, #tpu.memory_space<vmem>>, vector<16xf32>,
          %add3A_587 = arith.constant 6 : i32
          %add3A_588 = arith.addi %mul3A_52, %add3A_587 : i32
          %get3A_589 = arith.index_cast %add3A_588 : i32 to index
          %get3A_590 = arith.constant 80 : index
          %get3A_591 = tpu.vector_load %arg6[%get3A_589, %get3A_590] {strides = array<i32>} : memref<400x128xf32, #tpu.memory_space<vmem>>, vector<16xf32>,
          %add3A_592 = arith.constant 7 : i32
          %add3A_593 = arith.addi %mul3A_52, %add3A_592 : i32
          %get3A_594 = arith.index_cast %add3A_593 : i32 to index
          %get3A_595 = arith.constant 80 : index
          %get3A_596 = tpu.vector_load %arg6[%get3A_594, %get3A_595] {strides = array<i32>} : memref<400x128xf32, #tpu.memory_space<vmem>>, vector<16xf32>,
          %add3A_597 = arith.constant 8 : i32
          %add3A_598 = arith.addi %mul3A_52, %add3A_597 : i32
          %get3A_599 = arith.index_cast %add3A_598 : i32 to index
          %get3A_600 = arith.constant 80 : index
          %get3A_601 = tpu.vector_load %arg6[%get3A_599, %get3A_600] {strides = array<i32>} : memref<400x128xf32, #tpu.memory_space<vmem>>, vector<16xf32>,
          %add3A_602 = arith.constant 9 : i32
          %add3A_603 = arith.addi %mul3A_52, %add3A_602 : i32
          %get3A_604 = arith.index_cast %add3A_603 : i32 to index
          %get3A_605 = arith.constant 80 : index
          %get3A_606 = tpu.vector_load %arg6[%get3A_604, %get3A_605] {strides = array<i32>} : memref<400x128xf32, #tpu.memory_space<vmem>>, vector<16xf32>,
          %add3A_607 = arith.constant 10 : i32
          %add3A_608 = arith.addi %mul3A_52, %add3A_607 : i32
          %get3A_609 = arith.index_cast %add3A_608 : i32 to index
          %get3A_610 = arith.constant 80 : index
          %get3A_611 = tpu.vector_load %arg6[%get3A_609, %get3A_610] {strides = array<i32>} : memref<400x128xf32, #tpu.memory_space<vmem>>, vector<16xf32>,
          %add3A_612 = arith.constant 11 : i32
          %add3A_613 = arith.addi %mul3A_52, %add3A_612 : i32
          %get3A_614 = arith.index_cast %add3A_613 : i32 to index
          %get3A_615 = arith.constant 80 : index
          %get3A_616 = tpu.vector_load %arg6[%get3A_614, %get3A_615] {strides = array<i32>} : memref<400x128xf32, #tpu.memory_space<vmem>>, vector<16xf32>,
          %add3A_617 = arith.constant 12 : i32
          %add3A_618 = arith.addi %mul3A_52, %add3A_617 : i32
          %get3A_619 = arith.index_cast %add3A_618 : i32 to index
          %get3A_620 = arith.constant 80 : index
          %get3A_621 = tpu.vector_load %arg6[%get3A_619, %get3A_620] {strides = array<i32>} : memref<400x128xf32, #tpu.memory_space<vmem>>, vector<16xf32>,
          %add3A_622 = arith.constant 13 : i32
          %add3A_623 = arith.addi %mul3A_52, %add3A_622 : i32
          %get3A_624 = arith.index_cast %add3A_623 : i32 to index
          %get3A_625 = arith.constant 80 : index
          %get3A_626 = tpu.vector_load %arg6[%get3A_624, %get3A_625] {strides = array<i32>} : memref<400x128xf32, #tpu.memory_space<vmem>>, vector<16xf32>,
          %add3A_627 = arith.constant 14 : i32
          %add3A_628 = arith.addi %mul3A_52, %add3A_627 : i32
          %get3A_629 = arith.index_cast %add3A_628 : i32 to index
          %get3A_630 = arith.constant 80 : index
          %get3A_631 = tpu.vector_load %arg6[%get3A_629, %get3A_630] {strides = array<i32>} : memref<400x128xf32, #tpu.memory_space<vmem>>, vector<16xf32>,
          %add3A_632 = arith.constant 15 : i32
          %add3A_633 = arith.addi %mul3A_52, %add3A_632 : i32
          %get3A_634 = arith.index_cast %add3A_633 : i32 to index
          %get3A_635 = arith.constant 80 : index
          %get3A_636 = tpu.vector_load %arg6[%get3A_634, %get3A_635] {strides = array<i32>} : memref<400x128xf32, #tpu.memory_space<vmem>>, vector<16xf32>,
          %add3A_637 = arith.addf %get3A_561, %get3A_566 : vector<16xf32>
          %add3A_638 = arith.addf %get3A_571, %get3A_576 : vector<16xf32>
          %add3A_639 = arith.addf %get3A_581, %get3A_586 : vector<16xf32>
          %add3A_640 = arith.addf %get3A_591, %get3A_596 : vector<16xf32>
          %add3A_641 = arith.addf %get3A_601, %get3A_606 : vector<16xf32>
          %add3A_642 = arith.addf %get3A_611, %get3A_616 : vector<16xf32>
          %add3A_643 = arith.addf %get3A_621, %get3A_626 : vector<16xf32>
          %add3A_644 = arith.addf %get3A_631, %get3A_636 : vector<16xf32>
          %add3A_645 = arith.addf %add3A_637, %add3A_638 : vector<16xf32>
          %add3A_646 = arith.addf %add3A_639, %add3A_640 : vector<16xf32>
          %add3A_647 = arith.addf %add3A_641, %add3A_642 : vector<16xf32>
          %add3A_648 = arith.addf %add3A_643, %add3A_644 : vector<16xf32>
          %add3A_649 = arith.addf %add3A_645, %add3A_646 : vector<16xf32>
          %add3A_650 = arith.addf %add3A_647, %add3A_648 : vector<16xf32>
          %add3A_651 = arith.addf %add3A_649, %add3A_650 : vector<16xf32>
          %add3A_652 = arith.constant 80 : i32
          %add3A_653 = arith.addi %mul3A_61, %add3A_652 : i32
          %add3A_654 = vector.broadcast %add3A_653 : i32 to vector<16xi32>
          %add3A_655 = arith.addi %iota3A, %add3A_654 : vector<16xi32>
          tpu.vector_store_idx %arg8[%add3A_655], %add3A_651 {add = true} : memref<12800xf32, #tpu.memory_space<vmem>>[vector<16xi32>], vector<16xf32>,
          %add3A_656 = arith.constant 0 : i32
          %add3A_657 = arith.addi %mul3A_52, %add3A_656 : i32
          %get3A_658 = arith.index_cast %add3A_657 : i32 to index
          %get3A_659 = arith.constant 96 : index
          %get3A_660 = tpu.vector_load %arg6[%get3A_658, %get3A_659] {strides = array<i32>} : memref<400x128xf32, #tpu.memory_space<vmem>>, vector<16xf32>,
          %add3A_661 = arith.constant 1 : i32
          %add3A_662 = arith.addi %mul3A_52, %add3A_661 : i32
          %get3A_663 = arith.index_cast %add3A_662 : i32 to index
          %get3A_664 = arith.constant 96 : index
          %get3A_665 = tpu.vector_load %arg6[%get3A_663, %get3A_664] {strides = array<i32>} : memref<400x128xf32, #tpu.memory_space<vmem>>, vector<16xf32>,
          %add3A_666 = arith.constant 2 : i32
          %add3A_667 = arith.addi %mul3A_52, %add3A_666 : i32
          %get3A_668 = arith.index_cast %add3A_667 : i32 to index
          %get3A_669 = arith.constant 96 : index
          %get3A_670 = tpu.vector_load %arg6[%get3A_668, %get3A_669] {strides = array<i32>} : memref<400x128xf32, #tpu.memory_space<vmem>>, vector<16xf32>,
          %add3A_671 = arith.constant 3 : i32
          %add3A_672 = arith.addi %mul3A_52, %add3A_671 : i32
          %get3A_673 = arith.index_cast %add3A_672 : i32 to index
          %get3A_674 = arith.constant 96 : index
          %get3A_675 = tpu.vector_load %arg6[%get3A_673, %get3A_674] {strides = array<i32>} : memref<400x128xf32, #tpu.memory_space<vmem>>, vector<16xf32>,
          %add3A_676 = arith.constant 4 : i32
          %add3A_677 = arith.addi %mul3A_52, %add3A_676 : i32
          %get3A_678 = arith.index_cast %add3A_677 : i32 to index
          %get3A_679 = arith.constant 96 : index
          %get3A_680 = tpu.vector_load %arg6[%get3A_678, %get3A_679] {strides = array<i32>} : memref<400x128xf32, #tpu.memory_space<vmem>>, vector<16xf32>,
          %add3A_681 = arith.constant 5 : i32
          %add3A_682 = arith.addi %mul3A_52, %add3A_681 : i32
          %get3A_683 = arith.index_cast %add3A_682 : i32 to index
          %get3A_684 = arith.constant 96 : index
          %get3A_685 = tpu.vector_load %arg6[%get3A_683, %get3A_684] {strides = array<i32>} : memref<400x128xf32, #tpu.memory_space<vmem>>, vector<16xf32>,
          %add3A_686 = arith.constant 6 : i32
          %add3A_687 = arith.addi %mul3A_52, %add3A_686 : i32
          %get3A_688 = arith.index_cast %add3A_687 : i32 to index
          %get3A_689 = arith.constant 96 : index
          %get3A_690 = tpu.vector_load %arg6[%get3A_688, %get3A_689] {strides = array<i32>} : memref<400x128xf32, #tpu.memory_space<vmem>>, vector<16xf32>,
          %add3A_691 = arith.constant 7 : i32
          %add3A_692 = arith.addi %mul3A_52, %add3A_691 : i32
          %get3A_693 = arith.index_cast %add3A_692 : i32 to index
          %get3A_694 = arith.constant 96 : index
          %get3A_695 = tpu.vector_load %arg6[%get3A_693, %get3A_694] {strides = array<i32>} : memref<400x128xf32, #tpu.memory_space<vmem>>, vector<16xf32>,
          %add3A_696 = arith.constant 8 : i32
          %add3A_697 = arith.addi %mul3A_52, %add3A_696 : i32
          %get3A_698 = arith.index_cast %add3A_697 : i32 to index
          %get3A_699 = arith.constant 96 : index
          %get3A_700 = tpu.vector_load %arg6[%get3A_698, %get3A_699] {strides = array<i32>} : memref<400x128xf32, #tpu.memory_space<vmem>>, vector<16xf32>,
          %add3A_701 = arith.constant 9 : i32
          %add3A_702 = arith.addi %mul3A_52, %add3A_701 : i32
          %get3A_703 = arith.index_cast %add3A_702 : i32 to index
          %get3A_704 = arith.constant 96 : index
          %get3A_705 = tpu.vector_load %arg6[%get3A_703, %get3A_704] {strides = array<i32>} : memref<400x128xf32, #tpu.memory_space<vmem>>, vector<16xf32>,
          %add3A_706 = arith.constant 10 : i32
          %add3A_707 = arith.addi %mul3A_52, %add3A_706 : i32
          %get3A_708 = arith.index_cast %add3A_707 : i32 to index
          %get3A_709 = arith.constant 96 : index
          %get3A_710 = tpu.vector_load %arg6[%get3A_708, %get3A_709] {strides = array<i32>} : memref<400x128xf32, #tpu.memory_space<vmem>>, vector<16xf32>,
          %add3A_711 = arith.constant 11 : i32
          %add3A_712 = arith.addi %mul3A_52, %add3A_711 : i32
          %get3A_713 = arith.index_cast %add3A_712 : i32 to index
          %get3A_714 = arith.constant 96 : index
          %get3A_715 = tpu.vector_load %arg6[%get3A_713, %get3A_714] {strides = array<i32>} : memref<400x128xf32, #tpu.memory_space<vmem>>, vector<16xf32>,
          %add3A_716 = arith.constant 12 : i32
          %add3A_717 = arith.addi %mul3A_52, %add3A_716 : i32
          %get3A_718 = arith.index_cast %add3A_717 : i32 to index
          %get3A_719 = arith.constant 96 : index
          %get3A_720 = tpu.vector_load %arg6[%get3A_718, %get3A_719] {strides = array<i32>} : memref<400x128xf32, #tpu.memory_space<vmem>>, vector<16xf32>,
          %add3A_721 = arith.constant 13 : i32
          %add3A_722 = arith.addi %mul3A_52, %add3A_721 : i32
          %get3A_723 = arith.index_cast %add3A_722 : i32 to index
          %get3A_724 = arith.constant 96 : index
          %get3A_725 = tpu.vector_load %arg6[%get3A_723, %get3A_724] {strides = array<i32>} : memref<400x128xf32, #tpu.memory_space<vmem>>, vector<16xf32>,
          %add3A_726 = arith.constant 14 : i32
          %add3A_727 = arith.addi %mul3A_52, %add3A_726 : i32
          %get3A_728 = arith.index_cast %add3A_727 : i32 to index
          %get3A_729 = arith.constant 96 : index
          %get3A_730 = tpu.vector_load %arg6[%get3A_728, %get3A_729] {strides = array<i32>} : memref<400x128xf32, #tpu.memory_space<vmem>>, vector<16xf32>,
          %add3A_731 = arith.constant 15 : i32
          %add3A_732 = arith.addi %mul3A_52, %add3A_731 : i32
          %get3A_733 = arith.index_cast %add3A_732 : i32 to index
          %get3A_734 = arith.constant 96 : index
          %get3A_735 = tpu.vector_load %arg6[%get3A_733, %get3A_734] {strides = array<i32>} : memref<400x128xf32, #tpu.memory_space<vmem>>, vector<16xf32>,
          %add3A_736 = arith.addf %get3A_660, %get3A_665 : vector<16xf32>
          %add3A_737 = arith.addf %get3A_670, %get3A_675 : vector<16xf32>
          %add3A_738 = arith.addf %get3A_680, %get3A_685 : vector<16xf32>
          %add3A_739 = arith.addf %get3A_690, %get3A_695 : vector<16xf32>
          %add3A_740 = arith.addf %get3A_700, %get3A_705 : vector<16xf32>
          %add3A_741 = arith.addf %get3A_710, %get3A_715 : vector<16xf32>
          %add3A_742 = arith.addf %get3A_720, %get3A_725 : vector<16xf32>
          %add3A_743 = arith.addf %get3A_730, %get3A_735 : vector<16xf32>
          %add3A_744 = arith.addf %add3A_736, %add3A_737 : vector<16xf32>
          %add3A_745 = arith.addf %add3A_738, %add3A_739 : vector<16xf32>
          %add3A_746 = arith.addf %add3A_740, %add3A_741 : vector<16xf32>
          %add3A_747 = arith.addf %add3A_742, %add3A_743 : vector<16xf32>
          %add3A_748 = arith.addf %add3A_744, %add3A_745 : vector<16xf32>
          %add3A_749 = arith.addf %add3A_746, %add3A_747 : vector<16xf32>
          %add3A_750 = arith.addf %add3A_748, %add3A_749 : vector<16xf32>
          %add3A_751 = arith.constant 96 : i32
          %add3A_752 = arith.addi %mul3A_61, %add3A_751 : i32
          %add3A_753 = vector.broadcast %add3A_752 : i32 to vector<16xi32>
          %add3A_754 = arith.addi %iota3A, %add3A_753 : vector<16xi32>
          tpu.vector_store_idx %arg8[%add3A_754], %add3A_750 {add = true} : memref<12800xf32, #tpu.memory_space<vmem>>[vector<16xi32>], vector<16xf32>,
          %add3A_755 = arith.constant 0 : i32
          %add3A_756 = arith.addi %mul3A_52, %add3A_755 : i32
          %get3A_757 = arith.index_cast %add3A_756 : i32 to index
          %get3A_758 = arith.constant 112 : index
          %get3A_759 = tpu.vector_load %arg6[%get3A_757, %get3A_758] {strides = array<i32>} : memref<400x128xf32, #tpu.memory_space<vmem>>, vector<16xf32>,
          %add3A_760 = arith.constant 1 : i32
          %add3A_761 = arith.addi %mul3A_52, %add3A_760 : i32
          %get3A_762 = arith.index_cast %add3A_761 : i32 to index
          %get3A_763 = arith.constant 112 : index
          %get3A_764 = tpu.vector_load %arg6[%get3A_762, %get3A_763] {strides = array<i32>} : memref<400x128xf32, #tpu.memory_space<vmem>>, vector<16xf32>,
          %add3A_765 = arith.constant 2 : i32
          %add3A_766 = arith.addi %mul3A_52, %add3A_765 : i32
          %get3A_767 = arith.index_cast %add3A_766 : i32 to index
          %get3A_768 = arith.constant 112 : index
          %get3A_769 = tpu.vector_load %arg6[%get3A_767, %get3A_768] {strides = array<i32>} : memref<400x128xf32, #tpu.memory_space<vmem>>, vector<16xf32>,
          %add3A_770 = arith.constant 3 : i32
          %add3A_771 = arith.addi %mul3A_52, %add3A_770 : i32
          %get3A_772 = arith.index_cast %add3A_771 : i32 to index
          %get3A_773 = arith.constant 112 : index
          %get3A_774 = tpu.vector_load %arg6[%get3A_772, %get3A_773] {strides = array<i32>} : memref<400x128xf32, #tpu.memory_space<vmem>>, vector<16xf32>,
          %add3A_775 = arith.constant 4 : i32
          %add3A_776 = arith.addi %mul3A_52, %add3A_775 : i32
          %get3A_777 = arith.index_cast %add3A_776 : i32 to index
          %get3A_778 = arith.constant 112 : index
          %get3A_779 = tpu.vector_load %arg6[%get3A_777, %get3A_778] {strides = array<i32>} : memref<400x128xf32, #tpu.memory_space<vmem>>, vector<16xf32>,
          %add3A_780 = arith.constant 5 : i32
          %add3A_781 = arith.addi %mul3A_52, %add3A_780 : i32
          %get3A_782 = arith.index_cast %add3A_781 : i32 to index
          %get3A_783 = arith.constant 112 : index
          %get3A_784 = tpu.vector_load %arg6[%get3A_782, %get3A_783] {strides = array<i32>} : memref<400x128xf32, #tpu.memory_space<vmem>>, vector<16xf32>,
          %add3A_785 = arith.constant 6 : i32
          %add3A_786 = arith.addi %mul3A_52, %add3A_785 : i32
          %get3A_787 = arith.index_cast %add3A_786 : i32 to index
          %get3A_788 = arith.constant 112 : index
          %get3A_789 = tpu.vector_load %arg6[%get3A_787, %get3A_788] {strides = array<i32>} : memref<400x128xf32, #tpu.memory_space<vmem>>, vector<16xf32>,
          %add3A_790 = arith.constant 7 : i32
          %add3A_791 = arith.addi %mul3A_52, %add3A_790 : i32
          %get3A_792 = arith.index_cast %add3A_791 : i32 to index
          %get3A_793 = arith.constant 112 : index
          %get3A_794 = tpu.vector_load %arg6[%get3A_792, %get3A_793] {strides = array<i32>} : memref<400x128xf32, #tpu.memory_space<vmem>>, vector<16xf32>,
          %add3A_795 = arith.constant 8 : i32
          %add3A_796 = arith.addi %mul3A_52, %add3A_795 : i32
          %get3A_797 = arith.index_cast %add3A_796 : i32 to index
          %get3A_798 = arith.constant 112 : index
          %get3A_799 = tpu.vector_load %arg6[%get3A_797, %get3A_798] {strides = array<i32>} : memref<400x128xf32, #tpu.memory_space<vmem>>, vector<16xf32>,
          %add3A_800 = arith.constant 9 : i32
          %add3A_801 = arith.addi %mul3A_52, %add3A_800 : i32
          %get3A_802 = arith.index_cast %add3A_801 : i32 to index
          %get3A_803 = arith.constant 112 : index
          %get3A_804 = tpu.vector_load %arg6[%get3A_802, %get3A_803] {strides = array<i32>} : memref<400x128xf32, #tpu.memory_space<vmem>>, vector<16xf32>,
          %add3A_805 = arith.constant 10 : i32
          %add3A_806 = arith.addi %mul3A_52, %add3A_805 : i32
          %get3A_807 = arith.index_cast %add3A_806 : i32 to index
          %get3A_808 = arith.constant 112 : index
          %get3A_809 = tpu.vector_load %arg6[%get3A_807, %get3A_808] {strides = array<i32>} : memref<400x128xf32, #tpu.memory_space<vmem>>, vector<16xf32>,
          %add3A_810 = arith.constant 11 : i32
          %add3A_811 = arith.addi %mul3A_52, %add3A_810 : i32
          %get3A_812 = arith.index_cast %add3A_811 : i32 to index
          %get3A_813 = arith.constant 112 : index
          %get3A_814 = tpu.vector_load %arg6[%get3A_812, %get3A_813] {strides = array<i32>} : memref<400x128xf32, #tpu.memory_space<vmem>>, vector<16xf32>,
          %add3A_815 = arith.constant 12 : i32
          %add3A_816 = arith.addi %mul3A_52, %add3A_815 : i32
          %get3A_817 = arith.index_cast %add3A_816 : i32 to index
          %get3A_818 = arith.constant 112 : index
          %get3A_819 = tpu.vector_load %arg6[%get3A_817, %get3A_818] {strides = array<i32>} : memref<400x128xf32, #tpu.memory_space<vmem>>, vector<16xf32>,
          %add3A_820 = arith.constant 13 : i32
          %add3A_821 = arith.addi %mul3A_52, %add3A_820 : i32
          %get3A_822 = arith.index_cast %add3A_821 : i32 to index
          %get3A_823 = arith.constant 112 : index
          %get3A_824 = tpu.vector_load %arg6[%get3A_822, %get3A_823] {strides = array<i32>} : memref<400x128xf32, #tpu.memory_space<vmem>>, vector<16xf32>,
          %add3A_825 = arith.constant 14 : i32
          %add3A_826 = arith.addi %mul3A_52, %add3A_825 : i32
          %get3A_827 = arith.index_cast %add3A_826 : i32 to index
          %get3A_828 = arith.constant 112 : index
          %get3A_829 = tpu.vector_load %arg6[%get3A_827, %get3A_828] {strides = array<i32>} : memref<400x128xf32, #tpu.memory_space<vmem>>, vector<16xf32>,
          %add3A_830 = arith.constant 15 : i32
          %add3A_831 = arith.addi %mul3A_52, %add3A_830 : i32
          %get3A_832 = arith.index_cast %add3A_831 : i32 to index
          %get3A_833 = arith.constant 112 : index
          %get3A_834 = tpu.vector_load %arg6[%get3A_832, %get3A_833] {strides = array<i32>} : memref<400x128xf32, #tpu.memory_space<vmem>>, vector<16xf32>,
          %add3A_835 = arith.addf %get3A_759, %get3A_764 : vector<16xf32>
          %add3A_836 = arith.addf %get3A_769, %get3A_774 : vector<16xf32>
          %add3A_837 = arith.addf %get3A_779, %get3A_784 : vector<16xf32>
          %add3A_838 = arith.addf %get3A_789, %get3A_794 : vector<16xf32>
          %add3A_839 = arith.addf %get3A_799, %get3A_804 : vector<16xf32>
          %add3A_840 = arith.addf %get3A_809, %get3A_814 : vector<16xf32>
          %add3A_841 = arith.addf %get3A_819, %get3A_824 : vector<16xf32>
          %add3A_842 = arith.addf %get3A_829, %get3A_834 : vector<16xf32>
          %add3A_843 = arith.addf %add3A_835, %add3A_836 : vector<16xf32>
          %add3A_844 = arith.addf %add3A_837, %add3A_838 : vector<16xf32>
          %add3A_845 = arith.addf %add3A_839, %add3A_840 : vector<16xf32>
          %add3A_846 = arith.addf %add3A_841, %add3A_842 : vector<16xf32>
          %add3A_847 = arith.addf %add3A_843, %add3A_844 : vector<16xf32>
          %add3A_848 = arith.addf %add3A_845, %add3A_846 : vector<16xf32>
          %add3A_849 = arith.addf %add3A_847, %add3A_848 : vector<16xf32>
          %add3A_850 = arith.constant 112 : i32
          %add3A_851 = arith.addi %mul3A_61, %add3A_850 : i32
          %add3A_852 = vector.broadcast %add3A_851 : i32 to vector<16xi32>
          %add3A_853 = arith.addi %iota3A, %add3A_852 : vector<16xi32>
          tpu.vector_store_idx %arg8[%add3A_853], %add3A_849 {add = true} : memref<12800xf32, #tpu.memory_space<vmem>>[vector<16xi32>], vector<16xf32>,
          %mul3A_854 = arith.constant 16 : i32
          %mul3A_855 = arith.muli %squeeze3A, %mul3A_854 : i32
          %add3A_856 = vector.broadcast %mul3A_855 : i32 to vector<16xi32>
          %add3A_857 = arith.addi %iota3A, %add3A_856 : vector<16xi32>
          tpu.vector_store_idx %arg9[%add3A_857], %select_n3A_20 {add = true} : memref<1600xf32, #tpu.memory_space<vmem>>[vector<16xi32>], vector<16xf32>,
        } else {
        }
        %ne3A = arith.cmpi ne, %squeeze3A, %squeeze3A_54 : i32
        %convert_element_type3A_57 = arith.extui %ne3A : i1 to i32
        %cond3A_58 = arith.constant 0 : i32
        %cond3A_59 = arith.cmpi ne, %convert_element_type3A_57, %cond3A_58 : i32
        scf.if %cond3A_59 {
          %slice3A_60 = vector.extract_strided_slice %get3A_50 {offsets = [0], sizes = [1], strides = [1]} : vector<16xi32> to vector<1xi32>
          %squeeze3A_61 = vector.extract %slice3A_60[0] : i32 from vector<1xi32>
          %mul3A_62 = arith.constant 128 : i32
          %mul3A_63 = arith.muli %squeeze3A_61, %mul3A_62 : i32
          %add3A_64 = arith.constant 0 : i32
          %add3A_65 = arith.addi %mul3A_52, %add3A_64 : i32
          %get3A_66 = arith.index_cast %add3A_65 : i32 to index
          %get3A_67 = arith.constant 0 : index
          %get3A_68 = tpu.vector_load %arg6[%get3A_66, %get3A_67] {strides = array<i32>} : memref<400x128xf32, #tpu.memory_space<vmem>>, vector<16xf32>,
          %add3A_69 = arith.constant 0 : i32
          %add3A_70 = arith.addi %mul3A_63, %add3A_69 : i32
          %add3A_71 = vector.broadcast %add3A_70 : i32 to vector<16xi32>
          %add3A_72 = arith.addi %iota3A, %add3A_71 : vector<16xi32>
          tpu.vector_store_idx %arg8[%add3A_72], %get3A_68 {add = true} : memref<12800xf32, #tpu.memory_space<vmem>>[vector<16xi32>], vector<16xf32>,
          %add3A_73 = arith.constant 0 : i32
          %add3A_74 = arith.addi %mul3A_52, %add3A_73 : i32
          %get3A_75 = arith.index_cast %add3A_74 : i32 to index
          %get3A_76 = arith.constant 16 : index
          %get3A_77 = tpu.vector_load %arg6[%get3A_75, %get3A_76] {strides = array<i32>} : memref<400x128xf32, #tpu.memory_space<vmem>>, vector<16xf32>,
          %add3A_78 = arith.constant 16 : i32
          %add3A_79 = arith.addi %mul3A_63, %add3A_78 : i32
          %add3A_80 = vector.broadcast %add3A_79 : i32 to vector<16xi32>
          %add3A_81 = arith.addi %iota3A, %add3A_80 : vector<16xi32>
          tpu.vector_store_idx %arg8[%add3A_81], %get3A_77 {add = true} : memref<12800xf32, #tpu.memory_space<vmem>>[vector<16xi32>], vector<16xf32>,
          %add3A_82 = arith.constant 0 : i32
          %add3A_83 = arith.addi %mul3A_52, %add3A_82 : i32
          %get3A_84 = arith.index_cast %add3A_83 : i32 to index
          %get3A_85 = arith.constant 32 : index
          %get3A_86 = tpu.vector_load %arg6[%get3A_84, %get3A_85] {strides = array<i32>} : memref<400x128xf32, #tpu.memory_space<vmem>>, vector<16xf32>,
          %add3A_87 = arith.constant 32 : i32
          %add3A_88 = arith.addi %mul3A_63, %add3A_87 : i32
          %add3A_89 = vector.broadcast %add3A_88 : i32 to vector<16xi32>
          %add3A_90 = arith.addi %iota3A, %add3A_89 : vector<16xi32>
          tpu.vector_store_idx %arg8[%add3A_90], %get3A_86 {add = true} : memref<12800xf32, #tpu.memory_space<vmem>>[vector<16xi32>], vector<16xf32>,
          %add3A_91 = arith.constant 0 : i32
          %add3A_92 = arith.addi %mul3A_52, %add3A_91 : i32
          %get3A_93 = arith.index_cast %add3A_92 : i32 to index
          %get3A_94 = arith.constant 48 : index
          %get3A_95 = tpu.vector_load %arg6[%get3A_93, %get3A_94] {strides = array<i32>} : memref<400x128xf32, #tpu.memory_space<vmem>>, vector<16xf32>,
          %add3A_96 = arith.constant 48 : i32
          %add3A_97 = arith.addi %mul3A_63, %add3A_96 : i32
          %add3A_98 = vector.broadcast %add3A_97 : i32 to vector<16xi32>
          %add3A_99 = arith.addi %iota3A, %add3A_98 : vector<16xi32>
          tpu.vector_store_idx %arg8[%add3A_99], %get3A_95 {add = true} : memref<12800xf32, #tpu.memory_space<vmem>>[vector<16xi32>], vector<16xf32>,
          %add3A_100 = arith.constant 0 : i32
          %add3A_101 = arith.addi %mul3A_52, %add3A_100 : i32
          %get3A_102 = arith.index_cast %add3A_101 : i32 to index
          %get3A_103 = arith.constant 64 : index
          %get3A_104 = tpu.vector_load %arg6[%get3A_102, %get3A_103] {strides = array<i32>} : memref<400x128xf32, #tpu.memory_space<vmem>>, vector<16xf32>,
          %add3A_105 = arith.constant 64 : i32
          %add3A_106 = arith.addi %mul3A_63, %add3A_105 : i32
          %add3A_107 = vector.broadcast %add3A_106 : i32 to vector<16xi32>
          %add3A_108 = arith.addi %iota3A, %add3A_107 : vector<16xi32>
          tpu.vector_store_idx %arg8[%add3A_108], %get3A_104 {add = true} : memref<12800xf32, #tpu.memory_space<vmem>>[vector<16xi32>], vector<16xf32>,
          %add3A_109 = arith.constant 0 : i32
          %add3A_110 = arith.addi %mul3A_52, %add3A_109 : i32
          %get3A_111 = arith.index_cast %add3A_110 : i32 to index
          %get3A_112 = arith.constant 80 : index
          %get3A_113 = tpu.vector_load %arg6[%get3A_111, %get3A_112] {strides = array<i32>} : memref<400x128xf32, #tpu.memory_space<vmem>>, vector<16xf32>,
          %add3A_114 = arith.constant 80 : i32
          %add3A_115 = arith.addi %mul3A_63, %add3A_114 : i32
          %add3A_116 = vector.broadcast %add3A_115 : i32 to vector<16xi32>
          %add3A_117 = arith.addi %iota3A, %add3A_116 : vector<16xi32>
          tpu.vector_store_idx %arg8[%add3A_117], %get3A_113 {add = true} : memref<12800xf32, #tpu.memory_space<vmem>>[vector<16xi32>], vector<16xf32>,
          %add3A_118 = arith.constant 0 : i32
          %add3A_119 = arith.addi %mul3A_52, %add3A_118 : i32
          %get3A_120 = arith.index_cast %add3A_119 : i32 to index
          %get3A_121 = arith.constant 96 : index
          %get3A_122 = tpu.vector_load %arg6[%get3A_120, %get3A_121] {strides = array<i32>} : memref<400x128xf32, #tpu.memory_space<vmem>>, vector<16xf32>,
          %add3A_123 = arith.constant 96 : i32
          %add3A_124 = arith.addi %mul3A_63, %add3A_123 : i32
          %add3A_125 = vector.broadcast %add3A_124 : i32 to vector<16xi32>
          %add3A_126 = arith.addi %iota3A, %add3A_125 : vector<16xi32>
          tpu.vector_store_idx %arg8[%add3A_126], %get3A_122 {add = true} : memref<12800xf32, #tpu.memory_space<vmem>>[vector<16xi32>], vector<16xf32>,
          %add3A_127 = arith.constant 0 : i32
          %add3A_128 = arith.addi %mul3A_52, %add3A_127 : i32
          %get3A_129 = arith.index_cast %add3A_128 : i32 to index
          %get3A_130 = arith.constant 112 : index
          %get3A_131 = tpu.vector_load %arg6[%get3A_129, %get3A_130] {strides = array<i32>} : memref<400x128xf32, #tpu.memory_space<vmem>>, vector<16xf32>,
          %add3A_132 = arith.constant 112 : i32
          %add3A_133 = arith.addi %mul3A_63, %add3A_132 : i32
          %add3A_134 = vector.broadcast %add3A_133 : i32 to vector<16xi32>
          %add3A_135 = arith.addi %iota3A, %add3A_134 : vector<16xi32>
          tpu.vector_store_idx %arg8[%add3A_135], %get3A_131 {add = true} : memref<12800xf32, #tpu.memory_space<vmem>>[vector<16xi32>], vector<16xf32>,
          %slice3A_136 = vector.extract_strided_slice %get3A_50 {offsets = [0], sizes = [1], strides = [1]} : vector<16xi32> to vector<1xi32>
          %squeeze3A_137 = vector.extract %slice3A_136[0] : i32 from vector<1xi32>
          %mul3A_138 = arith.constant 16 : i32
          %mul3A_139 = arith.muli %squeeze3A_137, %mul3A_138 : i32
          %add3A_140 = vector.broadcast %mul3A_139 : i32 to vector<16xi32>
          %add3A_141 = arith.addi %iota3A, %add3A_140 : vector<16xi32>
          tpu.vector_store_idx %arg9[%add3A_141], %select_n3A_12 {add = true} : memref<1600xf32, #tpu.memory_space<vmem>>[vector<16xi32>], vector<16xf32>,
          %slice3A_142 = vector.extract_strided_slice %get3A_50 {offsets = [1], sizes = [1], strides = [1]} : vector<16xi32> to vector<1xi32>
          %squeeze3A_143 = vector.extract %slice3A_142[0] : i32 from vector<1xi32>
          %mul3A_144 = arith.constant 128 : i32
          %mul3A_145 = arith.muli %squeeze3A_143, %mul3A_144 : i32
          %add3A_146 = arith.constant 1 : i32
          %add3A_147 = arith.addi %mul3A_52, %add3A_146 : i32
          %get3A_148 = arith.index_cast %add3A_147 : i32 to index
          %get3A_149 = arith.constant 0 : index
          %get3A_150 = tpu.vector_load %arg6[%get3A_148, %get3A_149] {strides = array<i32>} : memref<400x128xf32, #tpu.memory_space<vmem>>, vector<16xf32>,
          %add3A_151 = arith.constant 0 : i32
          %add3A_152 = arith.addi %mul3A_145, %add3A_151 : i32
          %add3A_153 = vector.broadcast %add3A_152 : i32 to vector<16xi32>
          %add3A_154 = arith.addi %iota3A, %add3A_153 : vector<16xi32>
          tpu.vector_store_idx %arg8[%add3A_154], %get3A_150 {add = true} : memref<12800xf32, #tpu.memory_space<vmem>>[vector<16xi32>], vector<16xf32>,
          %add3A_155 = arith.constant 1 : i32
          %add3A_156 = arith.addi %mul3A_52, %add3A_155 : i32
          %get3A_157 = arith.index_cast %add3A_156 : i32 to index
          %get3A_158 = arith.constant 16 : index
          %get3A_159 = tpu.vector_load %arg6[%get3A_157, %get3A_158] {strides = array<i32>} : memref<400x128xf32, #tpu.memory_space<vmem>>, vector<16xf32>,
          %add3A_160 = arith.constant 16 : i32
          %add3A_161 = arith.addi %mul3A_145, %add3A_160 : i32
          %add3A_162 = vector.broadcast %add3A_161 : i32 to vector<16xi32>
          %add3A_163 = arith.addi %iota3A, %add3A_162 : vector<16xi32>
          tpu.vector_store_idx %arg8[%add3A_163], %get3A_159 {add = true} : memref<12800xf32, #tpu.memory_space<vmem>>[vector<16xi32>], vector<16xf32>,
          %add3A_164 = arith.constant 1 : i32
          %add3A_165 = arith.addi %mul3A_52, %add3A_164 : i32
          %get3A_166 = arith.index_cast %add3A_165 : i32 to index
          %get3A_167 = arith.constant 32 : index
          %get3A_168 = tpu.vector_load %arg6[%get3A_166, %get3A_167] {strides = array<i32>} : memref<400x128xf32, #tpu.memory_space<vmem>>, vector<16xf32>,
          %add3A_169 = arith.constant 32 : i32
          %add3A_170 = arith.addi %mul3A_145, %add3A_169 : i32
          %add3A_171 = vector.broadcast %add3A_170 : i32 to vector<16xi32>
          %add3A_172 = arith.addi %iota3A, %add3A_171 : vector<16xi32>
          tpu.vector_store_idx %arg8[%add3A_172], %get3A_168 {add = true} : memref<12800xf32, #tpu.memory_space<vmem>>[vector<16xi32>], vector<16xf32>,
          %add3A_173 = arith.constant 1 : i32
          %add3A_174 = arith.addi %mul3A_52, %add3A_173 : i32
          %get3A_175 = arith.index_cast %add3A_174 : i32 to index
          %get3A_176 = arith.constant 48 : index
          %get3A_177 = tpu.vector_load %arg6[%get3A_175, %get3A_176] {strides = array<i32>} : memref<400x128xf32, #tpu.memory_space<vmem>>, vector<16xf32>,
          %add3A_178 = arith.constant 48 : i32
          %add3A_179 = arith.addi %mul3A_145, %add3A_178 : i32
          %add3A_180 = vector.broadcast %add3A_179 : i32 to vector<16xi32>
          %add3A_181 = arith.addi %iota3A, %add3A_180 : vector<16xi32>
          tpu.vector_store_idx %arg8[%add3A_181], %get3A_177 {add = true} : memref<12800xf32, #tpu.memory_space<vmem>>[vector<16xi32>], vector<16xf32>,
          %add3A_182 = arith.constant 1 : i32
          %add3A_183 = arith.addi %mul3A_52, %add3A_182 : i32
          %get3A_184 = arith.index_cast %add3A_183 : i32 to index
          %get3A_185 = arith.constant 64 : index
          %get3A_186 = tpu.vector_load %arg6[%get3A_184, %get3A_185] {strides = array<i32>} : memref<400x128xf32, #tpu.memory_space<vmem>>, vector<16xf32>,
          %add3A_187 = arith.constant 64 : i32
          %add3A_188 = arith.addi %mul3A_145, %add3A_187 : i32
          %add3A_189 = vector.broadcast %add3A_188 : i32 to vector<16xi32>
          %add3A_190 = arith.addi %iota3A, %add3A_189 : vector<16xi32>
          tpu.vector_store_idx %arg8[%add3A_190], %get3A_186 {add = true} : memref<12800xf32, #tpu.memory_space<vmem>>[vector<16xi32>], vector<16xf32>,
          %add3A_191 = arith.constant 1 : i32
          %add3A_192 = arith.addi %mul3A_52, %add3A_191 : i32
          %get3A_193 = arith.index_cast %add3A_192 : i32 to index
          %get3A_194 = arith.constant 80 : index
          %get3A_195 = tpu.vector_load %arg6[%get3A_193, %get3A_194] {strides = array<i32>} : memref<400x128xf32, #tpu.memory_space<vmem>>, vector<16xf32>,
          %add3A_196 = arith.constant 80 : i32
          %add3A_197 = arith.addi %mul3A_145, %add3A_196 : i32
          %add3A_198 = vector.broadcast %add3A_197 : i32 to vector<16xi32>
          %add3A_199 = arith.addi %iota3A, %add3A_198 : vector<16xi32>
          tpu.vector_store_idx %arg8[%add3A_199], %get3A_195 {add = true} : memref<12800xf32, #tpu.memory_space<vmem>>[vector<16xi32>], vector<16xf32>,
          %add3A_200 = arith.constant 1 : i32
          %add3A_201 = arith.addi %mul3A_52, %add3A_200 : i32
          %get3A_202 = arith.index_cast %add3A_201 : i32 to index
          %get3A_203 = arith.constant 96 : index
          %get3A_204 = tpu.vector_load %arg6[%get3A_202, %get3A_203] {strides = array<i32>} : memref<400x128xf32, #tpu.memory_space<vmem>>, vector<16xf32>,
          %add3A_205 = arith.constant 96 : i32
          %add3A_206 = arith.addi %mul3A_145, %add3A_205 : i32
          %add3A_207 = vector.broadcast %add3A_206 : i32 to vector<16xi32>
          %add3A_208 = arith.addi %iota3A, %add3A_207 : vector<16xi32>
          tpu.vector_store_idx %arg8[%add3A_208], %get3A_204 {add = true} : memref<12800xf32, #tpu.memory_space<vmem>>[vector<16xi32>], vector<16xf32>,
          %add3A_209 = arith.constant 1 : i32
          %add3A_210 = arith.addi %mul3A_52, %add3A_209 : i32
          %get3A_211 = arith.index_cast %add3A_210 : i32 to index
          %get3A_212 = arith.constant 112 : index
          %get3A_213 = tpu.vector_load %arg6[%get3A_211, %get3A_212] {strides = array<i32>} : memref<400x128xf32, #tpu.memory_space<vmem>>, vector<16xf32>,
          %add3A_214 = arith.constant 112 : i32
          %add3A_215 = arith.addi %mul3A_145, %add3A_214 : i32
          %add3A_216 = vector.broadcast %add3A_215 : i32 to vector<16xi32>
          %add3A_217 = arith.addi %iota3A, %add3A_216 : vector<16xi32>
          tpu.vector_store_idx %arg8[%add3A_217], %get3A_213 {add = true} : memref<12800xf32, #tpu.memory_space<vmem>>[vector<16xi32>], vector<16xf32>,
          %slice3A_218 = vector.extract_strided_slice %get3A_50 {offsets = [1], sizes = [1], strides = [1]} : vector<16xi32> to vector<1xi32>
          %squeeze3A_219 = vector.extract %slice3A_218[0] : i32 from vector<1xi32>
          %mul3A_220 = arith.constant 16 : i32
          %mul3A_221 = arith.muli %squeeze3A_219, %mul3A_220 : i32
          %add3A_222 = vector.broadcast %mul3A_221 : i32 to vector<16xi32>
          %add3A_223 = arith.addi %iota3A, %add3A_222 : vector<16xi32>
          tpu.vector_store_idx %arg9[%add3A_223], %select_n3A_12 {add = true} : memref<1600xf32, #tpu.memory_space<vmem>>[vector<16xi32>], vector<16xf32>,
          %slice3A_224 = vector.extract_strided_slice %get3A_50 {offsets = [2], sizes = [1], strides = [1]} : vector<16xi32> to vector<1xi32>
          %squeeze3A_225 = vector.extract %slice3A_224[0] : i32 from vector<1xi32>
          %mul3A_226 = arith.constant 128 : i32
          %mul3A_227 = arith.muli %squeeze3A_225, %mul3A_226 : i32
          %add3A_228 = arith.constant 2 : i32
          %add3A_229 = arith.addi %mul3A_52, %add3A_228 : i32
          %get3A_230 = arith.index_cast %add3A_229 : i32 to index
          %get3A_231 = arith.constant 0 : index
          %get3A_232 = tpu.vector_load %arg6[%get3A_230, %get3A_231] {strides = array<i32>} : memref<400x128xf32, #tpu.memory_space<vmem>>, vector<16xf32>,
          %add3A_233 = arith.constant 0 : i32
          %add3A_234 = arith.addi %mul3A_227, %add3A_233 : i32
          %add3A_235 = vector.broadcast %add3A_234 : i32 to vector<16xi32>
          %add3A_236 = arith.addi %iota3A, %add3A_235 : vector<16xi32>
          tpu.vector_store_idx %arg8[%add3A_236], %get3A_232 {add = true} : memref<12800xf32, #tpu.memory_space<vmem>>[vector<16xi32>], vector<16xf32>,
          %add3A_237 = arith.constant 2 : i32
          %add3A_238 = arith.addi %mul3A_52, %add3A_237 : i32
          %get3A_239 = arith.index_cast %add3A_238 : i32 to index
          %get3A_240 = arith.constant 16 : index
          %get3A_241 = tpu.vector_load %arg6[%get3A_239, %get3A_240] {strides = array<i32>} : memref<400x128xf32, #tpu.memory_space<vmem>>, vector<16xf32>,
          %add3A_242 = arith.constant 16 : i32
          %add3A_243 = arith.addi %mul3A_227, %add3A_242 : i32
          %add3A_244 = vector.broadcast %add3A_243 : i32 to vector<16xi32>
          %add3A_245 = arith.addi %iota3A, %add3A_244 : vector<16xi32>
          tpu.vector_store_idx %arg8[%add3A_245], %get3A_241 {add = true} : memref<12800xf32, #tpu.memory_space<vmem>>[vector<16xi32>], vector<16xf32>,
          %add3A_246 = arith.constant 2 : i32
          %add3A_247 = arith.addi %mul3A_52, %add3A_246 : i32
          %get3A_248 = arith.index_cast %add3A_247 : i32 to index
          %get3A_249 = arith.constant 32 : index
          %get3A_250 = tpu.vector_load %arg6[%get3A_248, %get3A_249] {strides = array<i32>} : memref<400x128xf32, #tpu.memory_space<vmem>>, vector<16xf32>,
          %add3A_251 = arith.constant 32 : i32
          %add3A_252 = arith.addi %mul3A_227, %add3A_251 : i32
          %add3A_253 = vector.broadcast %add3A_252 : i32 to vector<16xi32>
          %add3A_254 = arith.addi %iota3A, %add3A_253 : vector<16xi32>
          tpu.vector_store_idx %arg8[%add3A_254], %get3A_250 {add = true} : memref<12800xf32, #tpu.memory_space<vmem>>[vector<16xi32>], vector<16xf32>,
          %add3A_255 = arith.constant 2 : i32
          %add3A_256 = arith.addi %mul3A_52, %add3A_255 : i32
          %get3A_257 = arith.index_cast %add3A_256 : i32 to index
          %get3A_258 = arith.constant 48 : index
          %get3A_259 = tpu.vector_load %arg6[%get3A_257, %get3A_258] {strides = array<i32>} : memref<400x128xf32, #tpu.memory_space<vmem>>, vector<16xf32>,
          %add3A_260 = arith.constant 48 : i32
          %add3A_261 = arith.addi %mul3A_227, %add3A_260 : i32
          %add3A_262 = vector.broadcast %add3A_261 : i32 to vector<16xi32>
          %add3A_263 = arith.addi %iota3A, %add3A_262 : vector<16xi32>
          tpu.vector_store_idx %arg8[%add3A_263], %get3A_259 {add = true} : memref<12800xf32, #tpu.memory_space<vmem>>[vector<16xi32>], vector<16xf32>,
          %add3A_264 = arith.constant 2 : i32
          %add3A_265 = arith.addi %mul3A_52, %add3A_264 : i32
          %get3A_266 = arith.index_cast %add3A_265 : i32 to index
          %get3A_267 = arith.constant 64 : index
          %get3A_268 = tpu.vector_load %arg6[%get3A_266, %get3A_267] {strides = array<i32>} : memref<400x128xf32, #tpu.memory_space<vmem>>, vector<16xf32>,
          %add3A_269 = arith.constant 64 : i32
          %add3A_270 = arith.addi %mul3A_227, %add3A_269 : i32
          %add3A_271 = vector.broadcast %add3A_270 : i32 to vector<16xi32>
          %add3A_272 = arith.addi %iota3A, %add3A_271 : vector<16xi32>
          tpu.vector_store_idx %arg8[%add3A_272], %get3A_268 {add = true} : memref<12800xf32, #tpu.memory_space<vmem>>[vector<16xi32>], vector<16xf32>,
          %add3A_273 = arith.constant 2 : i32
          %add3A_274 = arith.addi %mul3A_52, %add3A_273 : i32
          %get3A_275 = arith.index_cast %add3A_274 : i32 to index
          %get3A_276 = arith.constant 80 : index
          %get3A_277 = tpu.vector_load %arg6[%get3A_275, %get3A_276] {strides = array<i32>} : memref<400x128xf32, #tpu.memory_space<vmem>>, vector<16xf32>,
          %add3A_278 = arith.constant 80 : i32
          %add3A_279 = arith.addi %mul3A_227, %add3A_278 : i32
          %add3A_280 = vector.broadcast %add3A_279 : i32 to vector<16xi32>
          %add3A_281 = arith.addi %iota3A, %add3A_280 : vector<16xi32>
          tpu.vector_store_idx %arg8[%add3A_281], %get3A_277 {add = true} : memref<12800xf32, #tpu.memory_space<vmem>>[vector<16xi32>], vector<16xf32>,
          %add3A_282 = arith.constant 2 : i32
          %add3A_283 = arith.addi %mul3A_52, %add3A_282 : i32
          %get3A_284 = arith.index_cast %add3A_283 : i32 to index
          %get3A_285 = arith.constant 96 : index
          %get3A_286 = tpu.vector_load %arg6[%get3A_284, %get3A_285] {strides = array<i32>} : memref<400x128xf32, #tpu.memory_space<vmem>>, vector<16xf32>,
          %add3A_287 = arith.constant 96 : i32
          %add3A_288 = arith.addi %mul3A_227, %add3A_287 : i32
          %add3A_289 = vector.broadcast %add3A_288 : i32 to vector<16xi32>
          %add3A_290 = arith.addi %iota3A, %add3A_289 : vector<16xi32>
          tpu.vector_store_idx %arg8[%add3A_290], %get3A_286 {add = true} : memref<12800xf32, #tpu.memory_space<vmem>>[vector<16xi32>], vector<16xf32>,
          %add3A_291 = arith.constant 2 : i32
          %add3A_292 = arith.addi %mul3A_52, %add3A_291 : i32
          %get3A_293 = arith.index_cast %add3A_292 : i32 to index
          %get3A_294 = arith.constant 112 : index
          %get3A_295 = tpu.vector_load %arg6[%get3A_293, %get3A_294] {strides = array<i32>} : memref<400x128xf32, #tpu.memory_space<vmem>>, vector<16xf32>,
          %add3A_296 = arith.constant 112 : i32
          %add3A_297 = arith.addi %mul3A_227, %add3A_296 : i32
          %add3A_298 = vector.broadcast %add3A_297 : i32 to vector<16xi32>
          %add3A_299 = arith.addi %iota3A, %add3A_298 : vector<16xi32>
          tpu.vector_store_idx %arg8[%add3A_299], %get3A_295 {add = true} : memref<12800xf32, #tpu.memory_space<vmem>>[vector<16xi32>], vector<16xf32>,
          %slice3A_300 = vector.extract_strided_slice %get3A_50 {offsets = [2], sizes = [1], strides = [1]} : vector<16xi32> to vector<1xi32>
          %squeeze3A_301 = vector.extract %slice3A_300[0] : i32 from vector<1xi32>
          %mul3A_302 = arith.constant 16 : i32
          %mul3A_303 = arith.muli %squeeze3A_301, %mul3A_302 : i32
          %add3A_304 = vector.broadcast %mul3A_303 : i32 to vector<16xi32>
          %add3A_305 = arith.addi %iota3A, %add3A_304 : vector<16xi32>
          tpu.vector_store_idx %arg9[%add3A_305], %select_n3A_12 {add = true} : memref<1600xf32, #tpu.memory_space<vmem>>[vector<16xi32>], vector<16xf32>,
          %slice3A_306 = vector.extract_strided_slice %get3A_50 {offsets = [3], sizes = [1], strides = [1]} : vector<16xi32> to vector<1xi32>
          %squeeze3A_307 = vector.extract %slice3A_306[0] : i32 from vector<1xi32>
          %mul3A_308 = arith.constant 128 : i32
          %mul3A_309 = arith.muli %squeeze3A_307, %mul3A_308 : i32
          %add3A_310 = arith.constant 3 : i32
          %add3A_311 = arith.addi %mul3A_52, %add3A_310 : i32
          %get3A_312 = arith.index_cast %add3A_311 : i32 to index
          %get3A_313 = arith.constant 0 : index
          %get3A_314 = tpu.vector_load %arg6[%get3A_312, %get3A_313] {strides = array<i32>} : memref<400x128xf32, #tpu.memory_space<vmem>>, vector<16xf32>,
          %add3A_315 = arith.constant 0 : i32
          %add3A_316 = arith.addi %mul3A_309, %add3A_315 : i32
          %add3A_317 = vector.broadcast %add3A_316 : i32 to vector<16xi32>
          %add3A_318 = arith.addi %iota3A, %add3A_317 : vector<16xi32>
          tpu.vector_store_idx %arg8[%add3A_318], %get3A_314 {add = true} : memref<12800xf32, #tpu.memory_space<vmem>>[vector<16xi32>], vector<16xf32>,
          %add3A_319 = arith.constant 3 : i32
          %add3A_320 = arith.addi %mul3A_52, %add3A_319 : i32
          %get3A_321 = arith.index_cast %add3A_320 : i32 to index
          %get3A_322 = arith.constant 16 : index
          %get3A_323 = tpu.vector_load %arg6[%get3A_321, %get3A_322] {strides = array<i32>} : memref<400x128xf32, #tpu.memory_space<vmem>>, vector<16xf32>,
          %add3A_324 = arith.constant 16 : i32
          %add3A_325 = arith.addi %mul3A_309, %add3A_324 : i32
          %add3A_326 = vector.broadcast %add3A_325 : i32 to vector<16xi32>
          %add3A_327 = arith.addi %iota3A, %add3A_326 : vector<16xi32>
          tpu.vector_store_idx %arg8[%add3A_327], %get3A_323 {add = true} : memref<12800xf32, #tpu.memory_space<vmem>>[vector<16xi32>], vector<16xf32>,
          %add3A_328 = arith.constant 3 : i32
          %add3A_329 = arith.addi %mul3A_52, %add3A_328 : i32
          %get3A_330 = arith.index_cast %add3A_329 : i32 to index
          %get3A_331 = arith.constant 32 : index
          %get3A_332 = tpu.vector_load %arg6[%get3A_330, %get3A_331] {strides = array<i32>} : memref<400x128xf32, #tpu.memory_space<vmem>>, vector<16xf32>,
          %add3A_333 = arith.constant 32 : i32
          %add3A_334 = arith.addi %mul3A_309, %add3A_333 : i32
          %add3A_335 = vector.broadcast %add3A_334 : i32 to vector<16xi32>
          %add3A_336 = arith.addi %iota3A, %add3A_335 : vector<16xi32>
          tpu.vector_store_idx %arg8[%add3A_336], %get3A_332 {add = true} : memref<12800xf32, #tpu.memory_space<vmem>>[vector<16xi32>], vector<16xf32>,
          %add3A_337 = arith.constant 3 : i32
          %add3A_338 = arith.addi %mul3A_52, %add3A_337 : i32
          %get3A_339 = arith.index_cast %add3A_338 : i32 to index
          %get3A_340 = arith.constant 48 : index
          %get3A_341 = tpu.vector_load %arg6[%get3A_339, %get3A_340] {strides = array<i32>} : memref<400x128xf32, #tpu.memory_space<vmem>>, vector<16xf32>,
          %add3A_342 = arith.constant 48 : i32
          %add3A_343 = arith.addi %mul3A_309, %add3A_342 : i32
          %add3A_344 = vector.broadcast %add3A_343 : i32 to vector<16xi32>
          %add3A_345 = arith.addi %iota3A, %add3A_344 : vector<16xi32>
          tpu.vector_store_idx %arg8[%add3A_345], %get3A_341 {add = true} : memref<12800xf32, #tpu.memory_space<vmem>>[vector<16xi32>], vector<16xf32>,
          %add3A_346 = arith.constant 3 : i32
          %add3A_347 = arith.addi %mul3A_52, %add3A_346 : i32
          %get3A_348 = arith.index_cast %add3A_347 : i32 to index
          %get3A_349 = arith.constant 64 : index
          %get3A_350 = tpu.vector_load %arg6[%get3A_348, %get3A_349] {strides = array<i32>} : memref<400x128xf32, #tpu.memory_space<vmem>>, vector<16xf32>,
          %add3A_351 = arith.constant 64 : i32
          %add3A_352 = arith.addi %mul3A_309, %add3A_351 : i32
          %add3A_353 = vector.broadcast %add3A_352 : i32 to vector<16xi32>
          %add3A_354 = arith.addi %iota3A, %add3A_353 : vector<16xi32>
          tpu.vector_store_idx %arg8[%add3A_354], %get3A_350 {add = true} : memref<12800xf32, #tpu.memory_space<vmem>>[vector<16xi32>], vector<16xf32>,
          %add3A_355 = arith.constant 3 : i32
          %add3A_356 = arith.addi %mul3A_52, %add3A_355 : i32
          %get3A_357 = arith.index_cast %add3A_356 : i32 to index
          %get3A_358 = arith.constant 80 : index
          %get3A_359 = tpu.vector_load %arg6[%get3A_357, %get3A_358] {strides = array<i32>} : memref<400x128xf32, #tpu.memory_space<vmem>>, vector<16xf32>,
          %add3A_360 = arith.constant 80 : i32
          %add3A_361 = arith.addi %mul3A_309, %add3A_360 : i32
          %add3A_362 = vector.broadcast %add3A_361 : i32 to vector<16xi32>
          %add3A_363 = arith.addi %iota3A, %add3A_362 : vector<16xi32>
          tpu.vector_store_idx %arg8[%add3A_363], %get3A_359 {add = true} : memref<12800xf32, #tpu.memory_space<vmem>>[vector<16xi32>], vector<16xf32>,
          %add3A_364 = arith.constant 3 : i32
          %add3A_365 = arith.addi %mul3A_52, %add3A_364 : i32
          %get3A_366 = arith.index_cast %add3A_365 : i32 to index
          %get3A_367 = arith.constant 96 : index
          %get3A_368 = tpu.vector_load %arg6[%get3A_366, %get3A_367] {strides = array<i32>} : memref<400x128xf32, #tpu.memory_space<vmem>>, vector<16xf32>,
          %add3A_369 = arith.constant 96 : i32
          %add3A_370 = arith.addi %mul3A_309, %add3A_369 : i32
          %add3A_371 = vector.broadcast %add3A_370 : i32 to vector<16xi32>
          %add3A_372 = arith.addi %iota3A, %add3A_371 : vector<16xi32>
          tpu.vector_store_idx %arg8[%add3A_372], %get3A_368 {add = true} : memref<12800xf32, #tpu.memory_space<vmem>>[vector<16xi32>], vector<16xf32>,
          %add3A_373 = arith.constant 3 : i32
          %add3A_374 = arith.addi %mul3A_52, %add3A_373 : i32
          %get3A_375 = arith.index_cast %add3A_374 : i32 to index
          %get3A_376 = arith.constant 112 : index
          %get3A_377 = tpu.vector_load %arg6[%get3A_375, %get3A_376] {strides = array<i32>} : memref<400x128xf32, #tpu.memory_space<vmem>>, vector<16xf32>,
          %add3A_378 = arith.constant 112 : i32
          %add3A_379 = arith.addi %mul3A_309, %add3A_378 : i32
          %add3A_380 = vector.broadcast %add3A_379 : i32 to vector<16xi32>
          %add3A_381 = arith.addi %iota3A, %add3A_380 : vector<16xi32>
          tpu.vector_store_idx %arg8[%add3A_381], %get3A_377 {add = true} : memref<12800xf32, #tpu.memory_space<vmem>>[vector<16xi32>], vector<16xf32>,
          %slice3A_382 = vector.extract_strided_slice %get3A_50 {offsets = [3], sizes = [1], strides = [1]} : vector<16xi32> to vector<1xi32>
          %squeeze3A_383 = vector.extract %slice3A_382[0] : i32 from vector<1xi32>
          %mul3A_384 = arith.constant 16 : i32
          %mul3A_385 = arith.muli %squeeze3A_383, %mul3A_384 : i32
          %add3A_386 = vector.broadcast %mul3A_385 : i32 to vector<16xi32>
          %add3A_387 = arith.addi %iota3A, %add3A_386 : vector<16xi32>
          tpu.vector_store_idx %arg9[%add3A_387], %select_n3A_12 {add = true} : memref<1600xf32, #tpu.memory_space<vmem>>[vector<16xi32>], vector<16xf32>,
          %slice3A_388 = vector.extract_strided_slice %get3A_50 {offsets = [4], sizes = [1], strides = [1]} : vector<16xi32> to vector<1xi32>
          %squeeze3A_389 = vector.extract %slice3A_388[0] : i32 from vector<1xi32>
          %mul3A_390 = arith.constant 128 : i32
          %mul3A_391 = arith.muli %squeeze3A_389, %mul3A_390 : i32
          %add3A_392 = arith.constant 4 : i32
          %add3A_393 = arith.addi %mul3A_52, %add3A_392 : i32
          %get3A_394 = arith.index_cast %add3A_393 : i32 to index
          %get3A_395 = arith.constant 0 : index
          %get3A_396 = tpu.vector_load %arg6[%get3A_394, %get3A_395] {strides = array<i32>} : memref<400x128xf32, #tpu.memory_space<vmem>>, vector<16xf32>,
          %add3A_397 = arith.constant 0 : i32
          %add3A_398 = arith.addi %mul3A_391, %add3A_397 : i32
          %add3A_399 = vector.broadcast %add3A_398 : i32 to vector<16xi32>
          %add3A_400 = arith.addi %iota3A, %add3A_399 : vector<16xi32>
          tpu.vector_store_idx %arg8[%add3A_400], %get3A_396 {add = true} : memref<12800xf32, #tpu.memory_space<vmem>>[vector<16xi32>], vector<16xf32>,
          %add3A_401 = arith.constant 4 : i32
          %add3A_402 = arith.addi %mul3A_52, %add3A_401 : i32
          %get3A_403 = arith.index_cast %add3A_402 : i32 to index
          %get3A_404 = arith.constant 16 : index
          %get3A_405 = tpu.vector_load %arg6[%get3A_403, %get3A_404] {strides = array<i32>} : memref<400x128xf32, #tpu.memory_space<vmem>>, vector<16xf32>,
          %add3A_406 = arith.constant 16 : i32
          %add3A_407 = arith.addi %mul3A_391, %add3A_406 : i32
          %add3A_408 = vector.broadcast %add3A_407 : i32 to vector<16xi32>
          %add3A_409 = arith.addi %iota3A, %add3A_408 : vector<16xi32>
          tpu.vector_store_idx %arg8[%add3A_409], %get3A_405 {add = true} : memref<12800xf32, #tpu.memory_space<vmem>>[vector<16xi32>], vector<16xf32>,
          %add3A_410 = arith.constant 4 : i32
          %add3A_411 = arith.addi %mul3A_52, %add3A_410 : i32
          %get3A_412 = arith.index_cast %add3A_411 : i32 to index
          %get3A_413 = arith.constant 32 : index
          %get3A_414 = tpu.vector_load %arg6[%get3A_412, %get3A_413] {strides = array<i32>} : memref<400x128xf32, #tpu.memory_space<vmem>>, vector<16xf32>,
          %add3A_415 = arith.constant 32 : i32
          %add3A_416 = arith.addi %mul3A_391, %add3A_415 : i32
          %add3A_417 = vector.broadcast %add3A_416 : i32 to vector<16xi32>
          %add3A_418 = arith.addi %iota3A, %add3A_417 : vector<16xi32>
          tpu.vector_store_idx %arg8[%add3A_418], %get3A_414 {add = true} : memref<12800xf32, #tpu.memory_space<vmem>>[vector<16xi32>], vector<16xf32>,
          %add3A_419 = arith.constant 4 : i32
          %add3A_420 = arith.addi %mul3A_52, %add3A_419 : i32
          %get3A_421 = arith.index_cast %add3A_420 : i32 to index
          %get3A_422 = arith.constant 48 : index
          %get3A_423 = tpu.vector_load %arg6[%get3A_421, %get3A_422] {strides = array<i32>} : memref<400x128xf32, #tpu.memory_space<vmem>>, vector<16xf32>,
          %add3A_424 = arith.constant 48 : i32
          %add3A_425 = arith.addi %mul3A_391, %add3A_424 : i32
          %add3A_426 = vector.broadcast %add3A_425 : i32 to vector<16xi32>
          %add3A_427 = arith.addi %iota3A, %add3A_426 : vector<16xi32>
          tpu.vector_store_idx %arg8[%add3A_427], %get3A_423 {add = true} : memref<12800xf32, #tpu.memory_space<vmem>>[vector<16xi32>], vector<16xf32>,
          %add3A_428 = arith.constant 4 : i32
          %add3A_429 = arith.addi %mul3A_52, %add3A_428 : i32
          %get3A_430 = arith.index_cast %add3A_429 : i32 to index
          %get3A_431 = arith.constant 64 : index
          %get3A_432 = tpu.vector_load %arg6[%get3A_430, %get3A_431] {strides = array<i32>} : memref<400x128xf32, #tpu.memory_space<vmem>>, vector<16xf32>,
          %add3A_433 = arith.constant 64 : i32
          %add3A_434 = arith.addi %mul3A_391, %add3A_433 : i32
          %add3A_435 = vector.broadcast %add3A_434 : i32 to vector<16xi32>
          %add3A_436 = arith.addi %iota3A, %add3A_435 : vector<16xi32>
          tpu.vector_store_idx %arg8[%add3A_436], %get3A_432 {add = true} : memref<12800xf32, #tpu.memory_space<vmem>>[vector<16xi32>], vector<16xf32>,
          %add3A_437 = arith.constant 4 : i32
          %add3A_438 = arith.addi %mul3A_52, %add3A_437 : i32
          %get3A_439 = arith.index_cast %add3A_438 : i32 to index
          %get3A_440 = arith.constant 80 : index
          %get3A_441 = tpu.vector_load %arg6[%get3A_439, %get3A_440] {strides = array<i32>} : memref<400x128xf32, #tpu.memory_space<vmem>>, vector<16xf32>,
          %add3A_442 = arith.constant 80 : i32
          %add3A_443 = arith.addi %mul3A_391, %add3A_442 : i32
          %add3A_444 = vector.broadcast %add3A_443 : i32 to vector<16xi32>
          %add3A_445 = arith.addi %iota3A, %add3A_444 : vector<16xi32>
          tpu.vector_store_idx %arg8[%add3A_445], %get3A_441 {add = true} : memref<12800xf32, #tpu.memory_space<vmem>>[vector<16xi32>], vector<16xf32>,
          %add3A_446 = arith.constant 4 : i32
          %add3A_447 = arith.addi %mul3A_52, %add3A_446 : i32
          %get3A_448 = arith.index_cast %add3A_447 : i32 to index
          %get3A_449 = arith.constant 96 : index
          %get3A_450 = tpu.vector_load %arg6[%get3A_448, %get3A_449] {strides = array<i32>} : memref<400x128xf32, #tpu.memory_space<vmem>>, vector<16xf32>,
          %add3A_451 = arith.constant 96 : i32
          %add3A_452 = arith.addi %mul3A_391, %add3A_451 : i32
          %add3A_453 = vector.broadcast %add3A_452 : i32 to vector<16xi32>
          %add3A_454 = arith.addi %iota3A, %add3A_453 : vector<16xi32>
          tpu.vector_store_idx %arg8[%add3A_454], %get3A_450 {add = true} : memref<12800xf32, #tpu.memory_space<vmem>>[vector<16xi32>], vector<16xf32>,
          %add3A_455 = arith.constant 4 : i32
          %add3A_456 = arith.addi %mul3A_52, %add3A_455 : i32
          %get3A_457 = arith.index_cast %add3A_456 : i32 to index
          %get3A_458 = arith.constant 112 : index
          %get3A_459 = tpu.vector_load %arg6[%get3A_457, %get3A_458] {strides = array<i32>} : memref<400x128xf32, #tpu.memory_space<vmem>>, vector<16xf32>,
          %add3A_460 = arith.constant 112 : i32
          %add3A_461 = arith.addi %mul3A_391, %add3A_460 : i32
          %add3A_462 = vector.broadcast %add3A_461 : i32 to vector<16xi32>
          %add3A_463 = arith.addi %iota3A, %add3A_462 : vector<16xi32>
          tpu.vector_store_idx %arg8[%add3A_463], %get3A_459 {add = true} : memref<12800xf32, #tpu.memory_space<vmem>>[vector<16xi32>], vector<16xf32>,
          %slice3A_464 = vector.extract_strided_slice %get3A_50 {offsets = [4], sizes = [1], strides = [1]} : vector<16xi32> to vector<1xi32>
          %squeeze3A_465 = vector.extract %slice3A_464[0] : i32 from vector<1xi32>
          %mul3A_466 = arith.constant 16 : i32
          %mul3A_467 = arith.muli %squeeze3A_465, %mul3A_466 : i32
          %add3A_468 = vector.broadcast %mul3A_467 : i32 to vector<16xi32>
          %add3A_469 = arith.addi %iota3A, %add3A_468 : vector<16xi32>
          tpu.vector_store_idx %arg9[%add3A_469], %select_n3A_12 {add = true} : memref<1600xf32, #tpu.memory_space<vmem>>[vector<16xi32>], vector<16xf32>,
          %slice3A_470 = vector.extract_strided_slice %get3A_50 {offsets = [5], sizes = [1], strides = [1]} : vector<16xi32> to vector<1xi32>
          %squeeze3A_471 = vector.extract %slice3A_470[0] : i32 from vector<1xi32>
          %mul3A_472 = arith.constant 128 : i32
          %mul3A_473 = arith.muli %squeeze3A_471, %mul3A_472 : i32
          %add3A_474 = arith.constant 5 : i32
          %add3A_475 = arith.addi %mul3A_52, %add3A_474 : i32
          %get3A_476 = arith.index_cast %add3A_475 : i32 to index
          %get3A_477 = arith.constant 0 : index
          %get3A_478 = tpu.vector_load %arg6[%get3A_476, %get3A_477] {strides = array<i32>} : memref<400x128xf32, #tpu.memory_space<vmem>>, vector<16xf32>,
          %add3A_479 = arith.constant 0 : i32
          %add3A_480 = arith.addi %mul3A_473, %add3A_479 : i32
          %add3A_481 = vector.broadcast %add3A_480 : i32 to vector<16xi32>
          %add3A_482 = arith.addi %iota3A, %add3A_481 : vector<16xi32>
          tpu.vector_store_idx %arg8[%add3A_482], %get3A_478 {add = true} : memref<12800xf32, #tpu.memory_space<vmem>>[vector<16xi32>], vector<16xf32>,
          %add3A_483 = arith.constant 5 : i32
          %add3A_484 = arith.addi %mul3A_52, %add3A_483 : i32
          %get3A_485 = arith.index_cast %add3A_484 : i32 to index
          %get3A_486 = arith.constant 16 : index
          %get3A_487 = tpu.vector_load %arg6[%get3A_485, %get3A_486] {strides = array<i32>} : memref<400x128xf32, #tpu.memory_space<vmem>>, vector<16xf32>,
          %add3A_488 = arith.constant 16 : i32
          %add3A_489 = arith.addi %mul3A_473, %add3A_488 : i32
          %add3A_490 = vector.broadcast %add3A_489 : i32 to vector<16xi32>
          %add3A_491 = arith.addi %iota3A, %add3A_490 : vector<16xi32>
          tpu.vector_store_idx %arg8[%add3A_491], %get3A_487 {add = true} : memref<12800xf32, #tpu.memory_space<vmem>>[vector<16xi32>], vector<16xf32>,
          %add3A_492 = arith.constant 5 : i32
          %add3A_493 = arith.addi %mul3A_52, %add3A_492 : i32
          %get3A_494 = arith.index_cast %add3A_493 : i32 to index
          %get3A_495 = arith.constant 32 : index
          %get3A_496 = tpu.vector_load %arg6[%get3A_494, %get3A_495] {strides = array<i32>} : memref<400x128xf32, #tpu.memory_space<vmem>>, vector<16xf32>,
          %add3A_497 = arith.constant 32 : i32
          %add3A_498 = arith.addi %mul3A_473, %add3A_497 : i32
          %add3A_499 = vector.broadcast %add3A_498 : i32 to vector<16xi32>
          %add3A_500 = arith.addi %iota3A, %add3A_499 : vector<16xi32>
          tpu.vector_store_idx %arg8[%add3A_500], %get3A_496 {add = true} : memref<12800xf32, #tpu.memory_space<vmem>>[vector<16xi32>], vector<16xf32>,
          %add3A_501 = arith.constant 5 : i32
          %add3A_502 = arith.addi %mul3A_52, %add3A_501 : i32
          %get3A_503 = arith.index_cast %add3A_502 : i32 to index
          %get3A_504 = arith.constant 48 : index
          %get3A_505 = tpu.vector_load %arg6[%get3A_503, %get3A_504] {strides = array<i32>} : memref<400x128xf32, #tpu.memory_space<vmem>>, vector<16xf32>,
          %add3A_506 = arith.constant 48 : i32
          %add3A_507 = arith.addi %mul3A_473, %add3A_506 : i32
          %add3A_508 = vector.broadcast %add3A_507 : i32 to vector<16xi32>
          %add3A_509 = arith.addi %iota3A, %add3A_508 : vector<16xi32>
          tpu.vector_store_idx %arg8[%add3A_509], %get3A_505 {add = true} : memref<12800xf32, #tpu.memory_space<vmem>>[vector<16xi32>], vector<16xf32>,
          %add3A_510 = arith.constant 5 : i32
          %add3A_511 = arith.addi %mul3A_52, %add3A_510 : i32
          %get3A_512 = arith.index_cast %add3A_511 : i32 to index
          %get3A_513 = arith.constant 64 : index
          %get3A_514 = tpu.vector_load %arg6[%get3A_512, %get3A_513] {strides = array<i32>} : memref<400x128xf32, #tpu.memory_space<vmem>>, vector<16xf32>,
          %add3A_515 = arith.constant 64 : i32
          %add3A_516 = arith.addi %mul3A_473, %add3A_515 : i32
          %add3A_517 = vector.broadcast %add3A_516 : i32 to vector<16xi32>
          %add3A_518 = arith.addi %iota3A, %add3A_517 : vector<16xi32>
          tpu.vector_store_idx %arg8[%add3A_518], %get3A_514 {add = true} : memref<12800xf32, #tpu.memory_space<vmem>>[vector<16xi32>], vector<16xf32>,
          %add3A_519 = arith.constant 5 : i32
          %add3A_520 = arith.addi %mul3A_52, %add3A_519 : i32
          %get3A_521 = arith.index_cast %add3A_520 : i32 to index
          %get3A_522 = arith.constant 80 : index
          %get3A_523 = tpu.vector_load %arg6[%get3A_521, %get3A_522] {strides = array<i32>} : memref<400x128xf32, #tpu.memory_space<vmem>>, vector<16xf32>,
          %add3A_524 = arith.constant 80 : i32
          %add3A_525 = arith.addi %mul3A_473, %add3A_524 : i32
          %add3A_526 = vector.broadcast %add3A_525 : i32 to vector<16xi32>
          %add3A_527 = arith.addi %iota3A, %add3A_526 : vector<16xi32>
          tpu.vector_store_idx %arg8[%add3A_527], %get3A_523 {add = true} : memref<12800xf32, #tpu.memory_space<vmem>>[vector<16xi32>], vector<16xf32>,
          %add3A_528 = arith.constant 5 : i32
          %add3A_529 = arith.addi %mul3A_52, %add3A_528 : i32
          %get3A_530 = arith.index_cast %add3A_529 : i32 to index
          %get3A_531 = arith.constant 96 : index
          %get3A_532 = tpu.vector_load %arg6[%get3A_530, %get3A_531] {strides = array<i32>} : memref<400x128xf32, #tpu.memory_space<vmem>>, vector<16xf32>,
          %add3A_533 = arith.constant 96 : i32
          %add3A_534 = arith.addi %mul3A_473, %add3A_533 : i32
          %add3A_535 = vector.broadcast %add3A_534 : i32 to vector<16xi32>
          %add3A_536 = arith.addi %iota3A, %add3A_535 : vector<16xi32>
          tpu.vector_store_idx %arg8[%add3A_536], %get3A_532 {add = true} : memref<12800xf32, #tpu.memory_space<vmem>>[vector<16xi32>], vector<16xf32>,
          %add3A_537 = arith.constant 5 : i32
          %add3A_538 = arith.addi %mul3A_52, %add3A_537 : i32
          %get3A_539 = arith.index_cast %add3A_538 : i32 to index
          %get3A_540 = arith.constant 112 : index
          %get3A_541 = tpu.vector_load %arg6[%get3A_539, %get3A_540] {strides = array<i32>} : memref<400x128xf32, #tpu.memory_space<vmem>>, vector<16xf32>,
          %add3A_542 = arith.constant 112 : i32
          %add3A_543 = arith.addi %mul3A_473, %add3A_542 : i32
          %add3A_544 = vector.broadcast %add3A_543 : i32 to vector<16xi32>
          %add3A_545 = arith.addi %iota3A, %add3A_544 : vector<16xi32>
          tpu.vector_store_idx %arg8[%add3A_545], %get3A_541 {add = true} : memref<12800xf32, #tpu.memory_space<vmem>>[vector<16xi32>], vector<16xf32>,
          %slice3A_546 = vector.extract_strided_slice %get3A_50 {offsets = [5], sizes = [1], strides = [1]} : vector<16xi32> to vector<1xi32>
          %squeeze3A_547 = vector.extract %slice3A_546[0] : i32 from vector<1xi32>
          %mul3A_548 = arith.constant 16 : i32
          %mul3A_549 = arith.muli %squeeze3A_547, %mul3A_548 : i32
          %add3A_550 = vector.broadcast %mul3A_549 : i32 to vector<16xi32>
          %add3A_551 = arith.addi %iota3A, %add3A_550 : vector<16xi32>
          tpu.vector_store_idx %arg9[%add3A_551], %select_n3A_12 {add = true} : memref<1600xf32, #tpu.memory_space<vmem>>[vector<16xi32>], vector<16xf32>,
          %slice3A_552 = vector.extract_strided_slice %get3A_50 {offsets = [6], sizes = [1], strides = [1]} : vector<16xi32> to vector<1xi32>
          %squeeze3A_553 = vector.extract %slice3A_552[0] : i32 from vector<1xi32>
          %mul3A_554 = arith.constant 128 : i32
          %mul3A_555 = arith.muli %squeeze3A_553, %mul3A_554 : i32
          %add3A_556 = arith.constant 6 : i32
          %add3A_557 = arith.addi %mul3A_52, %add3A_556 : i32
          %get3A_558 = arith.index_cast %add3A_557 : i32 to index
          %get3A_559 = arith.constant 0 : index
          %get3A_560 = tpu.vector_load %arg6[%get3A_558, %get3A_559] {strides = array<i32>} : memref<400x128xf32, #tpu.memory_space<vmem>>, vector<16xf32>,
          %add3A_561 = arith.constant 0 : i32
          %add3A_562 = arith.addi %mul3A_555, %add3A_561 : i32
          %add3A_563 = vector.broadcast %add3A_562 : i32 to vector<16xi32>
          %add3A_564 = arith.addi %iota3A, %add3A_563 : vector<16xi32>
          tpu.vector_store_idx %arg8[%add3A_564], %get3A_560 {add = true} : memref<12800xf32, #tpu.memory_space<vmem>>[vector<16xi32>], vector<16xf32>,
          %add3A_565 = arith.constant 6 : i32
          %add3A_566 = arith.addi %mul3A_52, %add3A_565 : i32
          %get3A_567 = arith.index_cast %add3A_566 : i32 to index
          %get3A_568 = arith.constant 16 : index
          %get3A_569 = tpu.vector_load %arg6[%get3A_567, %get3A_568] {strides = array<i32>} : memref<400x128xf32, #tpu.memory_space<vmem>>, vector<16xf32>,
          %add3A_570 = arith.constant 16 : i32
          %add3A_571 = arith.addi %mul3A_555, %add3A_570 : i32
          %add3A_572 = vector.broadcast %add3A_571 : i32 to vector<16xi32>
          %add3A_573 = arith.addi %iota3A, %add3A_572 : vector<16xi32>
          tpu.vector_store_idx %arg8[%add3A_573], %get3A_569 {add = true} : memref<12800xf32, #tpu.memory_space<vmem>>[vector<16xi32>], vector<16xf32>,
          %add3A_574 = arith.constant 6 : i32
          %add3A_575 = arith.addi %mul3A_52, %add3A_574 : i32
          %get3A_576 = arith.index_cast %add3A_575 : i32 to index
          %get3A_577 = arith.constant 32 : index
          %get3A_578 = tpu.vector_load %arg6[%get3A_576, %get3A_577] {strides = array<i32>} : memref<400x128xf32, #tpu.memory_space<vmem>>, vector<16xf32>,
          %add3A_579 = arith.constant 32 : i32
          %add3A_580 = arith.addi %mul3A_555, %add3A_579 : i32
          %add3A_581 = vector.broadcast %add3A_580 : i32 to vector<16xi32>
          %add3A_582 = arith.addi %iota3A, %add3A_581 : vector<16xi32>
          tpu.vector_store_idx %arg8[%add3A_582], %get3A_578 {add = true} : memref<12800xf32, #tpu.memory_space<vmem>>[vector<16xi32>], vector<16xf32>,
          %add3A_583 = arith.constant 6 : i32
          %add3A_584 = arith.addi %mul3A_52, %add3A_583 : i32
          %get3A_585 = arith.index_cast %add3A_584 : i32 to index
          %get3A_586 = arith.constant 48 : index
          %get3A_587 = tpu.vector_load %arg6[%get3A_585, %get3A_586] {strides = array<i32>} : memref<400x128xf32, #tpu.memory_space<vmem>>, vector<16xf32>,
          %add3A_588 = arith.constant 48 : i32
          %add3A_589 = arith.addi %mul3A_555, %add3A_588 : i32
          %add3A_590 = vector.broadcast %add3A_589 : i32 to vector<16xi32>
          %add3A_591 = arith.addi %iota3A, %add3A_590 : vector<16xi32>
          tpu.vector_store_idx %arg8[%add3A_591], %get3A_587 {add = true} : memref<12800xf32, #tpu.memory_space<vmem>>[vector<16xi32>], vector<16xf32>,
          %add3A_592 = arith.constant 6 : i32
          %add3A_593 = arith.addi %mul3A_52, %add3A_592 : i32
          %get3A_594 = arith.index_cast %add3A_593 : i32 to index
          %get3A_595 = arith.constant 64 : index
          %get3A_596 = tpu.vector_load %arg6[%get3A_594, %get3A_595] {strides = array<i32>} : memref<400x128xf32, #tpu.memory_space<vmem>>, vector<16xf32>,
          %add3A_597 = arith.constant 64 : i32
          %add3A_598 = arith.addi %mul3A_555, %add3A_597 : i32
          %add3A_599 = vector.broadcast %add3A_598 : i32 to vector<16xi32>
          %add3A_600 = arith.addi %iota3A, %add3A_599 : vector<16xi32>
          tpu.vector_store_idx %arg8[%add3A_600], %get3A_596 {add = true} : memref<12800xf32, #tpu.memory_space<vmem>>[vector<16xi32>], vector<16xf32>,
          %add3A_601 = arith.constant 6 : i32
          %add3A_602 = arith.addi %mul3A_52, %add3A_601 : i32
          %get3A_603 = arith.index_cast %add3A_602 : i32 to index
          %get3A_604 = arith.constant 80 : index
          %get3A_605 = tpu.vector_load %arg6[%get3A_603, %get3A_604] {strides = array<i32>} : memref<400x128xf32, #tpu.memory_space<vmem>>, vector<16xf32>,
          %add3A_606 = arith.constant 80 : i32
          %add3A_607 = arith.addi %mul3A_555, %add3A_606 : i32
          %add3A_608 = vector.broadcast %add3A_607 : i32 to vector<16xi32>
          %add3A_609 = arith.addi %iota3A, %add3A_608 : vector<16xi32>
          tpu.vector_store_idx %arg8[%add3A_609], %get3A_605 {add = true} : memref<12800xf32, #tpu.memory_space<vmem>>[vector<16xi32>], vector<16xf32>,
          %add3A_610 = arith.constant 6 : i32
          %add3A_611 = arith.addi %mul3A_52, %add3A_610 : i32
          %get3A_612 = arith.index_cast %add3A_611 : i32 to index
          %get3A_613 = arith.constant 96 : index
          %get3A_614 = tpu.vector_load %arg6[%get3A_612, %get3A_613] {strides = array<i32>} : memref<400x128xf32, #tpu.memory_space<vmem>>, vector<16xf32>,
          %add3A_615 = arith.constant 96 : i32
          %add3A_616 = arith.addi %mul3A_555, %add3A_615 : i32
          %add3A_617 = vector.broadcast %add3A_616 : i32 to vector<16xi32>
          %add3A_618 = arith.addi %iota3A, %add3A_617 : vector<16xi32>
          tpu.vector_store_idx %arg8[%add3A_618], %get3A_614 {add = true} : memref<12800xf32, #tpu.memory_space<vmem>>[vector<16xi32>], vector<16xf32>,
          %add3A_619 = arith.constant 6 : i32
          %add3A_620 = arith.addi %mul3A_52, %add3A_619 : i32
          %get3A_621 = arith.index_cast %add3A_620 : i32 to index
          %get3A_622 = arith.constant 112 : index
          %get3A_623 = tpu.vector_load %arg6[%get3A_621, %get3A_622] {strides = array<i32>} : memref<400x128xf32, #tpu.memory_space<vmem>>, vector<16xf32>,
          %add3A_624 = arith.constant 112 : i32
          %add3A_625 = arith.addi %mul3A_555, %add3A_624 : i32
          %add3A_626 = vector.broadcast %add3A_625 : i32 to vector<16xi32>
          %add3A_627 = arith.addi %iota3A, %add3A_626 : vector<16xi32>
          tpu.vector_store_idx %arg8[%add3A_627], %get3A_623 {add = true} : memref<12800xf32, #tpu.memory_space<vmem>>[vector<16xi32>], vector<16xf32>,
          %slice3A_628 = vector.extract_strided_slice %get3A_50 {offsets = [6], sizes = [1], strides = [1]} : vector<16xi32> to vector<1xi32>
          %squeeze3A_629 = vector.extract %slice3A_628[0] : i32 from vector<1xi32>
          %mul3A_630 = arith.constant 16 : i32
          %mul3A_631 = arith.muli %squeeze3A_629, %mul3A_630 : i32
          %add3A_632 = vector.broadcast %mul3A_631 : i32 to vector<16xi32>
          %add3A_633 = arith.addi %iota3A, %add3A_632 : vector<16xi32>
          tpu.vector_store_idx %arg9[%add3A_633], %select_n3A_12 {add = true} : memref<1600xf32, #tpu.memory_space<vmem>>[vector<16xi32>], vector<16xf32>,
          %slice3A_634 = vector.extract_strided_slice %get3A_50 {offsets = [7], sizes = [1], strides = [1]} : vector<16xi32> to vector<1xi32>
          %squeeze3A_635 = vector.extract %slice3A_634[0] : i32 from vector<1xi32>
          %mul3A_636 = arith.constant 128 : i32
          %mul3A_637 = arith.muli %squeeze3A_635, %mul3A_636 : i32
          %add3A_638 = arith.constant 7 : i32
          %add3A_639 = arith.addi %mul3A_52, %add3A_638 : i32
          %get3A_640 = arith.index_cast %add3A_639 : i32 to index
          %get3A_641 = arith.constant 0 : index
          %get3A_642 = tpu.vector_load %arg6[%get3A_640, %get3A_641] {strides = array<i32>} : memref<400x128xf32, #tpu.memory_space<vmem>>, vector<16xf32>,
          %add3A_643 = arith.constant 0 : i32
          %add3A_644 = arith.addi %mul3A_637, %add3A_643 : i32
          %add3A_645 = vector.broadcast %add3A_644 : i32 to vector<16xi32>
          %add3A_646 = arith.addi %iota3A, %add3A_645 : vector<16xi32>
          tpu.vector_store_idx %arg8[%add3A_646], %get3A_642 {add = true} : memref<12800xf32, #tpu.memory_space<vmem>>[vector<16xi32>], vector<16xf32>,
          %add3A_647 = arith.constant 7 : i32
          %add3A_648 = arith.addi %mul3A_52, %add3A_647 : i32
          %get3A_649 = arith.index_cast %add3A_648 : i32 to index
          %get3A_650 = arith.constant 16 : index
          %get3A_651 = tpu.vector_load %arg6[%get3A_649, %get3A_650] {strides = array<i32>} : memref<400x128xf32, #tpu.memory_space<vmem>>, vector<16xf32>,
          %add3A_652 = arith.constant 16 : i32
          %add3A_653 = arith.addi %mul3A_637, %add3A_652 : i32
          %add3A_654 = vector.broadcast %add3A_653 : i32 to vector<16xi32>
          %add3A_655 = arith.addi %iota3A, %add3A_654 : vector<16xi32>
          tpu.vector_store_idx %arg8[%add3A_655], %get3A_651 {add = true} : memref<12800xf32, #tpu.memory_space<vmem>>[vector<16xi32>], vector<16xf32>,
          %add3A_656 = arith.constant 7 : i32
          %add3A_657 = arith.addi %mul3A_52, %add3A_656 : i32
          %get3A_658 = arith.index_cast %add3A_657 : i32 to index
          %get3A_659 = arith.constant 32 : index
          %get3A_660 = tpu.vector_load %arg6[%get3A_658, %get3A_659] {strides = array<i32>} : memref<400x128xf32, #tpu.memory_space<vmem>>, vector<16xf32>,
          %add3A_661 = arith.constant 32 : i32
          %add3A_662 = arith.addi %mul3A_637, %add3A_661 : i32
          %add3A_663 = vector.broadcast %add3A_662 : i32 to vector<16xi32>
          %add3A_664 = arith.addi %iota3A, %add3A_663 : vector<16xi32>
          tpu.vector_store_idx %arg8[%add3A_664], %get3A_660 {add = true} : memref<12800xf32, #tpu.memory_space<vmem>>[vector<16xi32>], vector<16xf32>,
          %add3A_665 = arith.constant 7 : i32
          %add3A_666 = arith.addi %mul3A_52, %add3A_665 : i32
          %get3A_667 = arith.index_cast %add3A_666 : i32 to index
          %get3A_668 = arith.constant 48 : index
          %get3A_669 = tpu.vector_load %arg6[%get3A_667, %get3A_668] {strides = array<i32>} : memref<400x128xf32, #tpu.memory_space<vmem>>, vector<16xf32>,
          %add3A_670 = arith.constant 48 : i32
          %add3A_671 = arith.addi %mul3A_637, %add3A_670 : i32
          %add3A_672 = vector.broadcast %add3A_671 : i32 to vector<16xi32>
          %add3A_673 = arith.addi %iota3A, %add3A_672 : vector<16xi32>
          tpu.vector_store_idx %arg8[%add3A_673], %get3A_669 {add = true} : memref<12800xf32, #tpu.memory_space<vmem>>[vector<16xi32>], vector<16xf32>,
          %add3A_674 = arith.constant 7 : i32
          %add3A_675 = arith.addi %mul3A_52, %add3A_674 : i32
          %get3A_676 = arith.index_cast %add3A_675 : i32 to index
          %get3A_677 = arith.constant 64 : index
          %get3A_678 = tpu.vector_load %arg6[%get3A_676, %get3A_677] {strides = array<i32>} : memref<400x128xf32, #tpu.memory_space<vmem>>, vector<16xf32>,
          %add3A_679 = arith.constant 64 : i32
          %add3A_680 = arith.addi %mul3A_637, %add3A_679 : i32
          %add3A_681 = vector.broadcast %add3A_680 : i32 to vector<16xi32>
          %add3A_682 = arith.addi %iota3A, %add3A_681 : vector<16xi32>
          tpu.vector_store_idx %arg8[%add3A_682], %get3A_678 {add = true} : memref<12800xf32, #tpu.memory_space<vmem>>[vector<16xi32>], vector<16xf32>,
          %add3A_683 = arith.constant 7 : i32
          %add3A_684 = arith.addi %mul3A_52, %add3A_683 : i32
          %get3A_685 = arith.index_cast %add3A_684 : i32 to index
          %get3A_686 = arith.constant 80 : index
          %get3A_687 = tpu.vector_load %arg6[%get3A_685, %get3A_686] {strides = array<i32>} : memref<400x128xf32, #tpu.memory_space<vmem>>, vector<16xf32>,
          %add3A_688 = arith.constant 80 : i32
          %add3A_689 = arith.addi %mul3A_637, %add3A_688 : i32
          %add3A_690 = vector.broadcast %add3A_689 : i32 to vector<16xi32>
          %add3A_691 = arith.addi %iota3A, %add3A_690 : vector<16xi32>
          tpu.vector_store_idx %arg8[%add3A_691], %get3A_687 {add = true} : memref<12800xf32, #tpu.memory_space<vmem>>[vector<16xi32>], vector<16xf32>,
          %add3A_692 = arith.constant 7 : i32
          %add3A_693 = arith.addi %mul3A_52, %add3A_692 : i32
          %get3A_694 = arith.index_cast %add3A_693 : i32 to index
          %get3A_695 = arith.constant 96 : index
          %get3A_696 = tpu.vector_load %arg6[%get3A_694, %get3A_695] {strides = array<i32>} : memref<400x128xf32, #tpu.memory_space<vmem>>, vector<16xf32>,
          %add3A_697 = arith.constant 96 : i32
          %add3A_698 = arith.addi %mul3A_637, %add3A_697 : i32
          %add3A_699 = vector.broadcast %add3A_698 : i32 to vector<16xi32>
          %add3A_700 = arith.addi %iota3A, %add3A_699 : vector<16xi32>
          tpu.vector_store_idx %arg8[%add3A_700], %get3A_696 {add = true} : memref<12800xf32, #tpu.memory_space<vmem>>[vector<16xi32>], vector<16xf32>,
          %add3A_701 = arith.constant 7 : i32
          %add3A_702 = arith.addi %mul3A_52, %add3A_701 : i32
          %get3A_703 = arith.index_cast %add3A_702 : i32 to index
          %get3A_704 = arith.constant 112 : index
          %get3A_705 = tpu.vector_load %arg6[%get3A_703, %get3A_704] {strides = array<i32>} : memref<400x128xf32, #tpu.memory_space<vmem>>, vector<16xf32>,
          %add3A_706 = arith.constant 112 : i32
          %add3A_707 = arith.addi %mul3A_637, %add3A_706 : i32
          %add3A_708 = vector.broadcast %add3A_707 : i32 to vector<16xi32>
          %add3A_709 = arith.addi %iota3A, %add3A_708 : vector<16xi32>
          tpu.vector_store_idx %arg8[%add3A_709], %get3A_705 {add = true} : memref<12800xf32, #tpu.memory_space<vmem>>[vector<16xi32>], vector<16xf32>,
          %slice3A_710 = vector.extract_strided_slice %get3A_50 {offsets = [7], sizes = [1], strides = [1]} : vector<16xi32> to vector<1xi32>
          %squeeze3A_711 = vector.extract %slice3A_710[0] : i32 from vector<1xi32>
          %mul3A_712 = arith.constant 16 : i32
          %mul3A_713 = arith.muli %squeeze3A_711, %mul3A_712 : i32
          %add3A_714 = vector.broadcast %mul3A_713 : i32 to vector<16xi32>
          %add3A_715 = arith.addi %iota3A, %add3A_714 : vector<16xi32>
          tpu.vector_store_idx %arg9[%add3A_715], %select_n3A_12 {add = true} : memref<1600xf32, #tpu.memory_space<vmem>>[vector<16xi32>], vector<16xf32>,
          %slice3A_716 = vector.extract_strided_slice %get3A_50 {offsets = [8], sizes = [1], strides = [1]} : vector<16xi32> to vector<1xi32>
          %squeeze3A_717 = vector.extract %slice3A_716[0] : i32 from vector<1xi32>
          %mul3A_718 = arith.constant 128 : i32
          %mul3A_719 = arith.muli %squeeze3A_717, %mul3A_718 : i32
          %add3A_720 = arith.constant 8 : i32
          %add3A_721 = arith.addi %mul3A_52, %add3A_720 : i32
          %get3A_722 = arith.index_cast %add3A_721 : i32 to index
          %get3A_723 = arith.constant 0 : index
          %get3A_724 = tpu.vector_load %arg6[%get3A_722, %get3A_723] {strides = array<i32>} : memref<400x128xf32, #tpu.memory_space<vmem>>, vector<16xf32>,
          %add3A_725 = arith.constant 0 : i32
          %add3A_726 = arith.addi %mul3A_719, %add3A_725 : i32
          %add3A_727 = vector.broadcast %add3A_726 : i32 to vector<16xi32>
          %add3A_728 = arith.addi %iota3A, %add3A_727 : vector<16xi32>
          tpu.vector_store_idx %arg8[%add3A_728], %get3A_724 {add = true} : memref<12800xf32, #tpu.memory_space<vmem>>[vector<16xi32>], vector<16xf32>,
          %add3A_729 = arith.constant 8 : i32
          %add3A_730 = arith.addi %mul3A_52, %add3A_729 : i32
          %get3A_731 = arith.index_cast %add3A_730 : i32 to index
          %get3A_732 = arith.constant 16 : index
          %get3A_733 = tpu.vector_load %arg6[%get3A_731, %get3A_732] {strides = array<i32>} : memref<400x128xf32, #tpu.memory_space<vmem>>, vector<16xf32>,
          %add3A_734 = arith.constant 16 : i32
          %add3A_735 = arith.addi %mul3A_719, %add3A_734 : i32
          %add3A_736 = vector.broadcast %add3A_735 : i32 to vector<16xi32>
          %add3A_737 = arith.addi %iota3A, %add3A_736 : vector<16xi32>
          tpu.vector_store_idx %arg8[%add3A_737], %get3A_733 {add = true} : memref<12800xf32, #tpu.memory_space<vmem>>[vector<16xi32>], vector<16xf32>,
          %add3A_738 = arith.constant 8 : i32
          %add3A_739 = arith.addi %mul3A_52, %add3A_738 : i32
          %get3A_740 = arith.index_cast %add3A_739 : i32 to index
          %get3A_741 = arith.constant 32 : index
          %get3A_742 = tpu.vector_load %arg6[%get3A_740, %get3A_741] {strides = array<i32>} : memref<400x128xf32, #tpu.memory_space<vmem>>, vector<16xf32>,
          %add3A_743 = arith.constant 32 : i32
          %add3A_744 = arith.addi %mul3A_719, %add3A_743 : i32
          %add3A_745 = vector.broadcast %add3A_744 : i32 to vector<16xi32>
          %add3A_746 = arith.addi %iota3A, %add3A_745 : vector<16xi32>
          tpu.vector_store_idx %arg8[%add3A_746], %get3A_742 {add = true} : memref<12800xf32, #tpu.memory_space<vmem>>[vector<16xi32>], vector<16xf32>,
          %add3A_747 = arith.constant 8 : i32
          %add3A_748 = arith.addi %mul3A_52, %add3A_747 : i32
          %get3A_749 = arith.index_cast %add3A_748 : i32 to index
          %get3A_750 = arith.constant 48 : index
          %get3A_751 = tpu.vector_load %arg6[%get3A_749, %get3A_750] {strides = array<i32>} : memref<400x128xf32, #tpu.memory_space<vmem>>, vector<16xf32>,
          %add3A_752 = arith.constant 48 : i32
          %add3A_753 = arith.addi %mul3A_719, %add3A_752 : i32
          %add3A_754 = vector.broadcast %add3A_753 : i32 to vector<16xi32>
          %add3A_755 = arith.addi %iota3A, %add3A_754 : vector<16xi32>
          tpu.vector_store_idx %arg8[%add3A_755], %get3A_751 {add = true} : memref<12800xf32, #tpu.memory_space<vmem>>[vector<16xi32>], vector<16xf32>,
          %add3A_756 = arith.constant 8 : i32
          %add3A_757 = arith.addi %mul3A_52, %add3A_756 : i32
          %get3A_758 = arith.index_cast %add3A_757 : i32 to index
          %get3A_759 = arith.constant 64 : index
          %get3A_760 = tpu.vector_load %arg6[%get3A_758, %get3A_759] {strides = array<i32>} : memref<400x128xf32, #tpu.memory_space<vmem>>, vector<16xf32>,
          %add3A_761 = arith.constant 64 : i32
          %add3A_762 = arith.addi %mul3A_719, %add3A_761 : i32
          %add3A_763 = vector.broadcast %add3A_762 : i32 to vector<16xi32>
          %add3A_764 = arith.addi %iota3A, %add3A_763 : vector<16xi32>
          tpu.vector_store_idx %arg8[%add3A_764], %get3A_760 {add = true} : memref<12800xf32, #tpu.memory_space<vmem>>[vector<16xi32>], vector<16xf32>,
          %add3A_765 = arith.constant 8 : i32
          %add3A_766 = arith.addi %mul3A_52, %add3A_765 : i32
          %get3A_767 = arith.index_cast %add3A_766 : i32 to index
          %get3A_768 = arith.constant 80 : index
          %get3A_769 = tpu.vector_load %arg6[%get3A_767, %get3A_768] {strides = array<i32>} : memref<400x128xf32, #tpu.memory_space<vmem>>, vector<16xf32>,
          %add3A_770 = arith.constant 80 : i32
          %add3A_771 = arith.addi %mul3A_719, %add3A_770 : i32
          %add3A_772 = vector.broadcast %add3A_771 : i32 to vector<16xi32>
          %add3A_773 = arith.addi %iota3A, %add3A_772 : vector<16xi32>
          tpu.vector_store_idx %arg8[%add3A_773], %get3A_769 {add = true} : memref<12800xf32, #tpu.memory_space<vmem>>[vector<16xi32>], vector<16xf32>,
          %add3A_774 = arith.constant 8 : i32
          %add3A_775 = arith.addi %mul3A_52, %add3A_774 : i32
          %get3A_776 = arith.index_cast %add3A_775 : i32 to index
          %get3A_777 = arith.constant 96 : index
          %get3A_778 = tpu.vector_load %arg6[%get3A_776, %get3A_777] {strides = array<i32>} : memref<400x128xf32, #tpu.memory_space<vmem>>, vector<16xf32>,
          %add3A_779 = arith.constant 96 : i32
          %add3A_780 = arith.addi %mul3A_719, %add3A_779 : i32
          %add3A_781 = vector.broadcast %add3A_780 : i32 to vector<16xi32>
          %add3A_782 = arith.addi %iota3A, %add3A_781 : vector<16xi32>
          tpu.vector_store_idx %arg8[%add3A_782], %get3A_778 {add = true} : memref<12800xf32, #tpu.memory_space<vmem>>[vector<16xi32>], vector<16xf32>,
          %add3A_783 = arith.constant 8 : i32
          %add3A_784 = arith.addi %mul3A_52, %add3A_783 : i32
          %get3A_785 = arith.index_cast %add3A_784 : i32 to index
          %get3A_786 = arith.constant 112 : index
          %get3A_787 = tpu.vector_load %arg6[%get3A_785, %get3A_786] {strides = array<i32>} : memref<400x128xf32, #tpu.memory_space<vmem>>, vector<16xf32>,
          %add3A_788 = arith.constant 112 : i32
          %add3A_789 = arith.addi %mul3A_719, %add3A_788 : i32
          %add3A_790 = vector.broadcast %add3A_789 : i32 to vector<16xi32>
          %add3A_791 = arith.addi %iota3A, %add3A_790 : vector<16xi32>
          tpu.vector_store_idx %arg8[%add3A_791], %get3A_787 {add = true} : memref<12800xf32, #tpu.memory_space<vmem>>[vector<16xi32>], vector<16xf32>,
          %slice3A_792 = vector.extract_strided_slice %get3A_50 {offsets = [8], sizes = [1], strides = [1]} : vector<16xi32> to vector<1xi32>
          %squeeze3A_793 = vector.extract %slice3A_792[0] : i32 from vector<1xi32>
          %mul3A_794 = arith.constant 16 : i32
          %mul3A_795 = arith.muli %squeeze3A_793, %mul3A_794 : i32
          %add3A_796 = vector.broadcast %mul3A_795 : i32 to vector<16xi32>
          %add3A_797 = arith.addi %iota3A, %add3A_796 : vector<16xi32>
          tpu.vector_store_idx %arg9[%add3A_797], %select_n3A_12 {add = true} : memref<1600xf32, #tpu.memory_space<vmem>>[vector<16xi32>], vector<16xf32>,
          %slice3A_798 = vector.extract_strided_slice %get3A_50 {offsets = [9], sizes = [1], strides = [1]} : vector<16xi32> to vector<1xi32>
          %squeeze3A_799 = vector.extract %slice3A_798[0] : i32 from vector<1xi32>
          %mul3A_800 = arith.constant 128 : i32
          %mul3A_801 = arith.muli %squeeze3A_799, %mul3A_800 : i32
          %add3A_802 = arith.constant 9 : i32
          %add3A_803 = arith.addi %mul3A_52, %add3A_802 : i32
          %get3A_804 = arith.index_cast %add3A_803 : i32 to index
          %get3A_805 = arith.constant 0 : index
          %get3A_806 = tpu.vector_load %arg6[%get3A_804, %get3A_805] {strides = array<i32>} : memref<400x128xf32, #tpu.memory_space<vmem>>, vector<16xf32>,
          %add3A_807 = arith.constant 0 : i32
          %add3A_808 = arith.addi %mul3A_801, %add3A_807 : i32
          %add3A_809 = vector.broadcast %add3A_808 : i32 to vector<16xi32>
          %add3A_810 = arith.addi %iota3A, %add3A_809 : vector<16xi32>
          tpu.vector_store_idx %arg8[%add3A_810], %get3A_806 {add = true} : memref<12800xf32, #tpu.memory_space<vmem>>[vector<16xi32>], vector<16xf32>,
          %add3A_811 = arith.constant 9 : i32
          %add3A_812 = arith.addi %mul3A_52, %add3A_811 : i32
          %get3A_813 = arith.index_cast %add3A_812 : i32 to index
          %get3A_814 = arith.constant 16 : index
          %get3A_815 = tpu.vector_load %arg6[%get3A_813, %get3A_814] {strides = array<i32>} : memref<400x128xf32, #tpu.memory_space<vmem>>, vector<16xf32>,
          %add3A_816 = arith.constant 16 : i32
          %add3A_817 = arith.addi %mul3A_801, %add3A_816 : i32
          %add3A_818 = vector.broadcast %add3A_817 : i32 to vector<16xi32>
          %add3A_819 = arith.addi %iota3A, %add3A_818 : vector<16xi32>
          tpu.vector_store_idx %arg8[%add3A_819], %get3A_815 {add = true} : memref<12800xf32, #tpu.memory_space<vmem>>[vector<16xi32>], vector<16xf32>,
          %add3A_820 = arith.constant 9 : i32
          %add3A_821 = arith.addi %mul3A_52, %add3A_820 : i32
          %get3A_822 = arith.index_cast %add3A_821 : i32 to index
          %get3A_823 = arith.constant 32 : index
          %get3A_824 = tpu.vector_load %arg6[%get3A_822, %get3A_823] {strides = array<i32>} : memref<400x128xf32, #tpu.memory_space<vmem>>, vector<16xf32>,
          %add3A_825 = arith.constant 32 : i32
          %add3A_826 = arith.addi %mul3A_801, %add3A_825 : i32
          %add3A_827 = vector.broadcast %add3A_826 : i32 to vector<16xi32>
          %add3A_828 = arith.addi %iota3A, %add3A_827 : vector<16xi32>
          tpu.vector_store_idx %arg8[%add3A_828], %get3A_824 {add = true} : memref<12800xf32, #tpu.memory_space<vmem>>[vector<16xi32>], vector<16xf32>,
          %add3A_829 = arith.constant 9 : i32
          %add3A_830 = arith.addi %mul3A_52, %add3A_829 : i32
          %get3A_831 = arith.index_cast %add3A_830 : i32 to index
          %get3A_832 = arith.constant 48 : index
          %get3A_833 = tpu.vector_load %arg6[%get3A_831, %get3A_832] {strides = array<i32>} : memref<400x128xf32, #tpu.memory_space<vmem>>, vector<16xf32>,
          %add3A_834 = arith.constant 48 : i32
          %add3A_835 = arith.addi %mul3A_801, %add3A_834 : i32
          %add3A_836 = vector.broadcast %add3A_835 : i32 to vector<16xi32>
          %add3A_837 = arith.addi %iota3A, %add3A_836 : vector<16xi32>
          tpu.vector_store_idx %arg8[%add3A_837], %get3A_833 {add = true} : memref<12800xf32, #tpu.memory_space<vmem>>[vector<16xi32>], vector<16xf32>,
          %add3A_838 = arith.constant 9 : i32
          %add3A_839 = arith.addi %mul3A_52, %add3A_838 : i32
          %get3A_840 = arith.index_cast %add3A_839 : i32 to index
          %get3A_841 = arith.constant 64 : index
          %get3A_842 = tpu.vector_load %arg6[%get3A_840, %get3A_841] {strides = array<i32>} : memref<400x128xf32, #tpu.memory_space<vmem>>, vector<16xf32>,
          %add3A_843 = arith.constant 64 : i32
          %add3A_844 = arith.addi %mul3A_801, %add3A_843 : i32
          %add3A_845 = vector.broadcast %add3A_844 : i32 to vector<16xi32>
          %add3A_846 = arith.addi %iota3A, %add3A_845 : vector<16xi32>
          tpu.vector_store_idx %arg8[%add3A_846], %get3A_842 {add = true} : memref<12800xf32, #tpu.memory_space<vmem>>[vector<16xi32>], vector<16xf32>,
          %add3A_847 = arith.constant 9 : i32
          %add3A_848 = arith.addi %mul3A_52, %add3A_847 : i32
          %get3A_849 = arith.index_cast %add3A_848 : i32 to index
          %get3A_850 = arith.constant 80 : index
          %get3A_851 = tpu.vector_load %arg6[%get3A_849, %get3A_850] {strides = array<i32>} : memref<400x128xf32, #tpu.memory_space<vmem>>, vector<16xf32>,
          %add3A_852 = arith.constant 80 : i32
          %add3A_853 = arith.addi %mul3A_801, %add3A_852 : i32
          %add3A_854 = vector.broadcast %add3A_853 : i32 to vector<16xi32>
          %add3A_855 = arith.addi %iota3A, %add3A_854 : vector<16xi32>
          tpu.vector_store_idx %arg8[%add3A_855], %get3A_851 {add = true} : memref<12800xf32, #tpu.memory_space<vmem>>[vector<16xi32>], vector<16xf32>,
          %add3A_856 = arith.constant 9 : i32
          %add3A_857 = arith.addi %mul3A_52, %add3A_856 : i32
          %get3A_858 = arith.index_cast %add3A_857 : i32 to index
          %get3A_859 = arith.constant 96 : index
          %get3A_860 = tpu.vector_load %arg6[%get3A_858, %get3A_859] {strides = array<i32>} : memref<400x128xf32, #tpu.memory_space<vmem>>, vector<16xf32>,
          %add3A_861 = arith.constant 96 : i32
          %add3A_862 = arith.addi %mul3A_801, %add3A_861 : i32
          %add3A_863 = vector.broadcast %add3A_862 : i32 to vector<16xi32>
          %add3A_864 = arith.addi %iota3A, %add3A_863 : vector<16xi32>
          tpu.vector_store_idx %arg8[%add3A_864], %get3A_860 {add = true} : memref<12800xf32, #tpu.memory_space<vmem>>[vector<16xi32>], vector<16xf32>,
          %add3A_865 = arith.constant 9 : i32
          %add3A_866 = arith.addi %mul3A_52, %add3A_865 : i32
          %get3A_867 = arith.index_cast %add3A_866 : i32 to index
          %get3A_868 = arith.constant 112 : index
          %get3A_869 = tpu.vector_load %arg6[%get3A_867, %get3A_868] {strides = array<i32>} : memref<400x128xf32, #tpu.memory_space<vmem>>, vector<16xf32>,
          %add3A_870 = arith.constant 112 : i32
          %add3A_871 = arith.addi %mul3A_801, %add3A_870 : i32
          %add3A_872 = vector.broadcast %add3A_871 : i32 to vector<16xi32>
          %add3A_873 = arith.addi %iota3A, %add3A_872 : vector<16xi32>
          tpu.vector_store_idx %arg8[%add3A_873], %get3A_869 {add = true} : memref<12800xf32, #tpu.memory_space<vmem>>[vector<16xi32>], vector<16xf32>,
          %slice3A_874 = vector.extract_strided_slice %get3A_50 {offsets = [9], sizes = [1], strides = [1]} : vector<16xi32> to vector<1xi32>
          %squeeze3A_875 = vector.extract %slice3A_874[0] : i32 from vector<1xi32>
          %mul3A_876 = arith.constant 16 : i32
          %mul3A_877 = arith.muli %squeeze3A_875, %mul3A_876 : i32
          %add3A_878 = vector.broadcast %mul3A_877 : i32 to vector<16xi32>
          %add3A_879 = arith.addi %iota3A, %add3A_878 : vector<16xi32>
          tpu.vector_store_idx %arg9[%add3A_879], %select_n3A_12 {add = true} : memref<1600xf32, #tpu.memory_space<vmem>>[vector<16xi32>], vector<16xf32>,
          %slice3A_880 = vector.extract_strided_slice %get3A_50 {offsets = [10], sizes = [1], strides = [1]} : vector<16xi32> to vector<1xi32>
          %squeeze3A_881 = vector.extract %slice3A_880[0] : i32 from vector<1xi32>
          %mul3A_882 = arith.constant 128 : i32
          %mul3A_883 = arith.muli %squeeze3A_881, %mul3A_882 : i32
          %add3A_884 = arith.constant 10 : i32
          %add3A_885 = arith.addi %mul3A_52, %add3A_884 : i32
          %get3A_886 = arith.index_cast %add3A_885 : i32 to index
          %get3A_887 = arith.constant 0 : index
          %get3A_888 = tpu.vector_load %arg6[%get3A_886, %get3A_887] {strides = array<i32>} : memref<400x128xf32, #tpu.memory_space<vmem>>, vector<16xf32>,
          %add3A_889 = arith.constant 0 : i32
          %add3A_890 = arith.addi %mul3A_883, %add3A_889 : i32
          %add3A_891 = vector.broadcast %add3A_890 : i32 to vector<16xi32>
          %add3A_892 = arith.addi %iota3A, %add3A_891 : vector<16xi32>
          tpu.vector_store_idx %arg8[%add3A_892], %get3A_888 {add = true} : memref<12800xf32, #tpu.memory_space<vmem>>[vector<16xi32>], vector<16xf32>,
          %add3A_893 = arith.constant 10 : i32
          %add3A_894 = arith.addi %mul3A_52, %add3A_893 : i32
          %get3A_895 = arith.index_cast %add3A_894 : i32 to index
          %get3A_896 = arith.constant 16 : index
          %get3A_897 = tpu.vector_load %arg6[%get3A_895, %get3A_896] {strides = array<i32>} : memref<400x128xf32, #tpu.memory_space<vmem>>, vector<16xf32>,
          %add3A_898 = arith.constant 16 : i32
          %add3A_899 = arith.addi %mul3A_883, %add3A_898 : i32
          %add3A_900 = vector.broadcast %add3A_899 : i32 to vector<16xi32>
          %add3A_901 = arith.addi %iota3A, %add3A_900 : vector<16xi32>
          tpu.vector_store_idx %arg8[%add3A_901], %get3A_897 {add = true} : memref<12800xf32, #tpu.memory_space<vmem>>[vector<16xi32>], vector<16xf32>,
          %add3A_902 = arith.constant 10 : i32
          %add3A_903 = arith.addi %mul3A_52, %add3A_902 : i32
          %get3A_904 = arith.index_cast %add3A_903 : i32 to index
          %get3A_905 = arith.constant 32 : index
          %get3A_906 = tpu.vector_load %arg6[%get3A_904, %get3A_905] {strides = array<i32>} : memref<400x128xf32, #tpu.memory_space<vmem>>, vector<16xf32>,
          %add3A_907 = arith.constant 32 : i32
          %add3A_908 = arith.addi %mul3A_883, %add3A_907 : i32
          %add3A_909 = vector.broadcast %add3A_908 : i32 to vector<16xi32>
          %add3A_910 = arith.addi %iota3A, %add3A_909 : vector<16xi32>
          tpu.vector_store_idx %arg8[%add3A_910], %get3A_906 {add = true} : memref<12800xf32, #tpu.memory_space<vmem>>[vector<16xi32>], vector<16xf32>,
          %add3A_911 = arith.constant 10 : i32
          %add3A_912 = arith.addi %mul3A_52, %add3A_911 : i32
          %get3A_913 = arith.index_cast %add3A_912 : i32 to index
          %get3A_914 = arith.constant 48 : index
          %get3A_915 = tpu.vector_load %arg6[%get3A_913, %get3A_914] {strides = array<i32>} : memref<400x128xf32, #tpu.memory_space<vmem>>, vector<16xf32>,
          %add3A_916 = arith.constant 48 : i32
          %add3A_917 = arith.addi %mul3A_883, %add3A_916 : i32
          %add3A_918 = vector.broadcast %add3A_917 : i32 to vector<16xi32>
          %add3A_919 = arith.addi %iota3A, %add3A_918 : vector<16xi32>
          tpu.vector_store_idx %arg8[%add3A_919], %get3A_915 {add = true} : memref<12800xf32, #tpu.memory_space<vmem>>[vector<16xi32>], vector<16xf32>,
          %add3A_920 = arith.constant 10 : i32
          %add3A_921 = arith.addi %mul3A_52, %add3A_920 : i32
          %get3A_922 = arith.index_cast %add3A_921 : i32 to index
          %get3A_923 = arith.constant 64 : index
          %get3A_924 = tpu.vector_load %arg6[%get3A_922, %get3A_923] {strides = array<i32>} : memref<400x128xf32, #tpu.memory_space<vmem>>, vector<16xf32>,
          %add3A_925 = arith.constant 64 : i32
          %add3A_926 = arith.addi %mul3A_883, %add3A_925 : i32
          %add3A_927 = vector.broadcast %add3A_926 : i32 to vector<16xi32>
          %add3A_928 = arith.addi %iota3A, %add3A_927 : vector<16xi32>
          tpu.vector_store_idx %arg8[%add3A_928], %get3A_924 {add = true} : memref<12800xf32, #tpu.memory_space<vmem>>[vector<16xi32>], vector<16xf32>,
          %add3A_929 = arith.constant 10 : i32
          %add3A_930 = arith.addi %mul3A_52, %add3A_929 : i32
          %get3A_931 = arith.index_cast %add3A_930 : i32 to index
          %get3A_932 = arith.constant 80 : index
          %get3A_933 = tpu.vector_load %arg6[%get3A_931, %get3A_932] {strides = array<i32>} : memref<400x128xf32, #tpu.memory_space<vmem>>, vector<16xf32>,
          %add3A_934 = arith.constant 80 : i32
          %add3A_935 = arith.addi %mul3A_883, %add3A_934 : i32
          %add3A_936 = vector.broadcast %add3A_935 : i32 to vector<16xi32>
          %add3A_937 = arith.addi %iota3A, %add3A_936 : vector<16xi32>
          tpu.vector_store_idx %arg8[%add3A_937], %get3A_933 {add = true} : memref<12800xf32, #tpu.memory_space<vmem>>[vector<16xi32>], vector<16xf32>,
          %add3A_938 = arith.constant 10 : i32
          %add3A_939 = arith.addi %mul3A_52, %add3A_938 : i32
          %get3A_940 = arith.index_cast %add3A_939 : i32 to index
          %get3A_941 = arith.constant 96 : index
          %get3A_942 = tpu.vector_load %arg6[%get3A_940, %get3A_941] {strides = array<i32>} : memref<400x128xf32, #tpu.memory_space<vmem>>, vector<16xf32>,
          %add3A_943 = arith.constant 96 : i32
          %add3A_944 = arith.addi %mul3A_883, %add3A_943 : i32
          %add3A_945 = vector.broadcast %add3A_944 : i32 to vector<16xi32>
          %add3A_946 = arith.addi %iota3A, %add3A_945 : vector<16xi32>
          tpu.vector_store_idx %arg8[%add3A_946], %get3A_942 {add = true} : memref<12800xf32, #tpu.memory_space<vmem>>[vector<16xi32>], vector<16xf32>,
          %add3A_947 = arith.constant 10 : i32
          %add3A_948 = arith.addi %mul3A_52, %add3A_947 : i32
          %get3A_949 = arith.index_cast %add3A_948 : i32 to index
          %get3A_950 = arith.constant 112 : index
          %get3A_951 = tpu.vector_load %arg6[%get3A_949, %get3A_950] {strides = array<i32>} : memref<400x128xf32, #tpu.memory_space<vmem>>, vector<16xf32>,
          %add3A_952 = arith.constant 112 : i32
          %add3A_953 = arith.addi %mul3A_883, %add3A_952 : i32
          %add3A_954 = vector.broadcast %add3A_953 : i32 to vector<16xi32>
          %add3A_955 = arith.addi %iota3A, %add3A_954 : vector<16xi32>
          tpu.vector_store_idx %arg8[%add3A_955], %get3A_951 {add = true} : memref<12800xf32, #tpu.memory_space<vmem>>[vector<16xi32>], vector<16xf32>,
          %slice3A_956 = vector.extract_strided_slice %get3A_50 {offsets = [10], sizes = [1], strides = [1]} : vector<16xi32> to vector<1xi32>
          %squeeze3A_957 = vector.extract %slice3A_956[0] : i32 from vector<1xi32>
          %mul3A_958 = arith.constant 16 : i32
          %mul3A_959 = arith.muli %squeeze3A_957, %mul3A_958 : i32
          %add3A_960 = vector.broadcast %mul3A_959 : i32 to vector<16xi32>
          %add3A_961 = arith.addi %iota3A, %add3A_960 : vector<16xi32>
          tpu.vector_store_idx %arg9[%add3A_961], %select_n3A_12 {add = true} : memref<1600xf32, #tpu.memory_space<vmem>>[vector<16xi32>], vector<16xf32>,
          %slice3A_962 = vector.extract_strided_slice %get3A_50 {offsets = [11], sizes = [1], strides = [1]} : vector<16xi32> to vector<1xi32>
          %squeeze3A_963 = vector.extract %slice3A_962[0] : i32 from vector<1xi32>
          %mul3A_964 = arith.constant 128 : i32
          %mul3A_965 = arith.muli %squeeze3A_963, %mul3A_964 : i32
          %add3A_966 = arith.constant 11 : i32
          %add3A_967 = arith.addi %mul3A_52, %add3A_966 : i32
          %get3A_968 = arith.index_cast %add3A_967 : i32 to index
          %get3A_969 = arith.constant 0 : index
          %get3A_970 = tpu.vector_load %arg6[%get3A_968, %get3A_969] {strides = array<i32>} : memref<400x128xf32, #tpu.memory_space<vmem>>, vector<16xf32>,
          %add3A_971 = arith.constant 0 : i32
          %add3A_972 = arith.addi %mul3A_965, %add3A_971 : i32
          %add3A_973 = vector.broadcast %add3A_972 : i32 to vector<16xi32>
          %add3A_974 = arith.addi %iota3A, %add3A_973 : vector<16xi32>
          tpu.vector_store_idx %arg8[%add3A_974], %get3A_970 {add = true} : memref<12800xf32, #tpu.memory_space<vmem>>[vector<16xi32>], vector<16xf32>,
          %add3A_975 = arith.constant 11 : i32
          %add3A_976 = arith.addi %mul3A_52, %add3A_975 : i32
          %get3A_977 = arith.index_cast %add3A_976 : i32 to index
          %get3A_978 = arith.constant 16 : index
          %get3A_979 = tpu.vector_load %arg6[%get3A_977, %get3A_978] {strides = array<i32>} : memref<400x128xf32, #tpu.memory_space<vmem>>, vector<16xf32>,
          %add3A_980 = arith.constant 16 : i32
          %add3A_981 = arith.addi %mul3A_965, %add3A_980 : i32
          %add3A_982 = vector.broadcast %add3A_981 : i32 to vector<16xi32>
          %add3A_983 = arith.addi %iota3A, %add3A_982 : vector<16xi32>
          tpu.vector_store_idx %arg8[%add3A_983], %get3A_979 {add = true} : memref<12800xf32, #tpu.memory_space<vmem>>[vector<16xi32>], vector<16xf32>,
          %add3A_984 = arith.constant 11 : i32
          %add3A_985 = arith.addi %mul3A_52, %add3A_984 : i32
          %get3A_986 = arith.index_cast %add3A_985 : i32 to index
          %get3A_987 = arith.constant 32 : index
          %get3A_988 = tpu.vector_load %arg6[%get3A_986, %get3A_987] {strides = array<i32>} : memref<400x128xf32, #tpu.memory_space<vmem>>, vector<16xf32>,
          %add3A_989 = arith.constant 32 : i32
          %add3A_990 = arith.addi %mul3A_965, %add3A_989 : i32
          %add3A_991 = vector.broadcast %add3A_990 : i32 to vector<16xi32>
          %add3A_992 = arith.addi %iota3A, %add3A_991 : vector<16xi32>
          tpu.vector_store_idx %arg8[%add3A_992], %get3A_988 {add = true} : memref<12800xf32, #tpu.memory_space<vmem>>[vector<16xi32>], vector<16xf32>,
          %add3A_993 = arith.constant 11 : i32
          %add3A_994 = arith.addi %mul3A_52, %add3A_993 : i32
          %get3A_995 = arith.index_cast %add3A_994 : i32 to index
          %get3A_996 = arith.constant 48 : index
          %get3A_997 = tpu.vector_load %arg6[%get3A_995, %get3A_996] {strides = array<i32>} : memref<400x128xf32, #tpu.memory_space<vmem>>, vector<16xf32>,
          %add3A_998 = arith.constant 48 : i32
          %add3A_999 = arith.addi %mul3A_965, %add3A_998 : i32
          %add3A_1000 = vector.broadcast %add3A_999 : i32 to vector<16xi32>
          %add3A_1001 = arith.addi %iota3A, %add3A_1000 : vector<16xi32>
          tpu.vector_store_idx %arg8[%add3A_1001], %get3A_997 {add = true} : memref<12800xf32, #tpu.memory_space<vmem>>[vector<16xi32>], vector<16xf32>,
          %add3A_1002 = arith.constant 11 : i32
          %add3A_1003 = arith.addi %mul3A_52, %add3A_1002 : i32
          %get3A_1004 = arith.index_cast %add3A_1003 : i32 to index
          %get3A_1005 = arith.constant 64 : index
          %get3A_1006 = tpu.vector_load %arg6[%get3A_1004, %get3A_1005] {strides = array<i32>} : memref<400x128xf32, #tpu.memory_space<vmem>>, vector<16xf32>,
          %add3A_1007 = arith.constant 64 : i32
          %add3A_1008 = arith.addi %mul3A_965, %add3A_1007 : i32
          %add3A_1009 = vector.broadcast %add3A_1008 : i32 to vector<16xi32>
          %add3A_1010 = arith.addi %iota3A, %add3A_1009 : vector<16xi32>
          tpu.vector_store_idx %arg8[%add3A_1010], %get3A_1006 {add = true} : memref<12800xf32, #tpu.memory_space<vmem>>[vector<16xi32>], vector<16xf32>,
          %add3A_1011 = arith.constant 11 : i32
          %add3A_1012 = arith.addi %mul3A_52, %add3A_1011 : i32
          %get3A_1013 = arith.index_cast %add3A_1012 : i32 to index
          %get3A_1014 = arith.constant 80 : index
          %get3A_1015 = tpu.vector_load %arg6[%get3A_1013, %get3A_1014] {strides = array<i32>} : memref<400x128xf32, #tpu.memory_space<vmem>>, vector<16xf32>,
          %add3A_1016 = arith.constant 80 : i32
          %add3A_1017 = arith.addi %mul3A_965, %add3A_1016 : i32
          %add3A_1018 = vector.broadcast %add3A_1017 : i32 to vector<16xi32>
          %add3A_1019 = arith.addi %iota3A, %add3A_1018 : vector<16xi32>
          tpu.vector_store_idx %arg8[%add3A_1019], %get3A_1015 {add = true} : memref<12800xf32, #tpu.memory_space<vmem>>[vector<16xi32>], vector<16xf32>,
          %add3A_1020 = arith.constant 11 : i32
          %add3A_1021 = arith.addi %mul3A_52, %add3A_1020 : i32
          %get3A_1022 = arith.index_cast %add3A_1021 : i32 to index
          %get3A_1023 = arith.constant 96 : index
          %get3A_1024 = tpu.vector_load %arg6[%get3A_1022, %get3A_1023] {strides = array<i32>} : memref<400x128xf32, #tpu.memory_space<vmem>>, vector<16xf32>,
          %add3A_1025 = arith.constant 96 : i32
          %add3A_1026 = arith.addi %mul3A_965, %add3A_1025 : i32
          %add3A_1027 = vector.broadcast %add3A_1026 : i32 to vector<16xi32>
          %add3A_1028 = arith.addi %iota3A, %add3A_1027 : vector<16xi32>
          tpu.vector_store_idx %arg8[%add3A_1028], %get3A_1024 {add = true} : memref<12800xf32, #tpu.memory_space<vmem>>[vector<16xi32>], vector<16xf32>,
          %add3A_1029 = arith.constant 11 : i32
          %add3A_1030 = arith.addi %mul3A_52, %add3A_1029 : i32
          %get3A_1031 = arith.index_cast %add3A_1030 : i32 to index
          %get3A_1032 = arith.constant 112 : index
          %get3A_1033 = tpu.vector_load %arg6[%get3A_1031, %get3A_1032] {strides = array<i32>} : memref<400x128xf32, #tpu.memory_space<vmem>>, vector<16xf32>,
          %add3A_1034 = arith.constant 112 : i32
          %add3A_1035 = arith.addi %mul3A_965, %add3A_1034 : i32
          %add3A_1036 = vector.broadcast %add3A_1035 : i32 to vector<16xi32>
          %add3A_1037 = arith.addi %iota3A, %add3A_1036 : vector<16xi32>
          tpu.vector_store_idx %arg8[%add3A_1037], %get3A_1033 {add = true} : memref<12800xf32, #tpu.memory_space<vmem>>[vector<16xi32>], vector<16xf32>,
          %slice3A_1038 = vector.extract_strided_slice %get3A_50 {offsets = [11], sizes = [1], strides = [1]} : vector<16xi32> to vector<1xi32>
          %squeeze3A_1039 = vector.extract %slice3A_1038[0] : i32 from vector<1xi32>
          %mul3A_1040 = arith.constant 16 : i32
          %mul3A_1041 = arith.muli %squeeze3A_1039, %mul3A_1040 : i32
          %add3A_1042 = vector.broadcast %mul3A_1041 : i32 to vector<16xi32>
          %add3A_1043 = arith.addi %iota3A, %add3A_1042 : vector<16xi32>
          tpu.vector_store_idx %arg9[%add3A_1043], %select_n3A_12 {add = true} : memref<1600xf32, #tpu.memory_space<vmem>>[vector<16xi32>], vector<16xf32>,
          %slice3A_1044 = vector.extract_strided_slice %get3A_50 {offsets = [12], sizes = [1], strides = [1]} : vector<16xi32> to vector<1xi32>
          %squeeze3A_1045 = vector.extract %slice3A_1044[0] : i32 from vector<1xi32>
          %mul3A_1046 = arith.constant 128 : i32
          %mul3A_1047 = arith.muli %squeeze3A_1045, %mul3A_1046 : i32
          %add3A_1048 = arith.constant 12 : i32
          %add3A_1049 = arith.addi %mul3A_52, %add3A_1048 : i32
          %get3A_1050 = arith.index_cast %add3A_1049 : i32 to index
          %get3A_1051 = arith.constant 0 : index
          %get3A_1052 = tpu.vector_load %arg6[%get3A_1050, %get3A_1051] {strides = array<i32>} : memref<400x128xf32, #tpu.memory_space<vmem>>, vector<16xf32>,
          %add3A_1053 = arith.constant 0 : i32
          %add3A_1054 = arith.addi %mul3A_1047, %add3A_1053 : i32
          %add3A_1055 = vector.broadcast %add3A_1054 : i32 to vector<16xi32>
          %add3A_1056 = arith.addi %iota3A, %add3A_1055 : vector<16xi32>
          tpu.vector_store_idx %arg8[%add3A_1056], %get3A_1052 {add = true} : memref<12800xf32, #tpu.memory_space<vmem>>[vector<16xi32>], vector<16xf32>,
          %add3A_1057 = arith.constant 12 : i32
          %add3A_1058 = arith.addi %mul3A_52, %add3A_1057 : i32
          %get3A_1059 = arith.index_cast %add3A_1058 : i32 to index
          %get3A_1060 = arith.constant 16 : index
          %get3A_1061 = tpu.vector_load %arg6[%get3A_1059, %get3A_1060] {strides = array<i32>} : memref<400x128xf32, #tpu.memory_space<vmem>>, vector<16xf32>,
          %add3A_1062 = arith.constant 16 : i32
          %add3A_1063 = arith.addi %mul3A_1047, %add3A_1062 : i32
          %add3A_1064 = vector.broadcast %add3A_1063 : i32 to vector<16xi32>
          %add3A_1065 = arith.addi %iota3A, %add3A_1064 : vector<16xi32>
          tpu.vector_store_idx %arg8[%add3A_1065], %get3A_1061 {add = true} : memref<12800xf32, #tpu.memory_space<vmem>>[vector<16xi32>], vector<16xf32>,
          %add3A_1066 = arith.constant 12 : i32
          %add3A_1067 = arith.addi %mul3A_52, %add3A_1066 : i32
          %get3A_1068 = arith.index_cast %add3A_1067 : i32 to index
          %get3A_1069 = arith.constant 32 : index
          %get3A_1070 = tpu.vector_load %arg6[%get3A_1068, %get3A_1069] {strides = array<i32>} : memref<400x128xf32, #tpu.memory_space<vmem>>, vector<16xf32>,
          %add3A_1071 = arith.constant 32 : i32
          %add3A_1072 = arith.addi %mul3A_1047, %add3A_1071 : i32
          %add3A_1073 = vector.broadcast %add3A_1072 : i32 to vector<16xi32>
          %add3A_1074 = arith.addi %iota3A, %add3A_1073 : vector<16xi32>
          tpu.vector_store_idx %arg8[%add3A_1074], %get3A_1070 {add = true} : memref<12800xf32, #tpu.memory_space<vmem>>[vector<16xi32>], vector<16xf32>,
          %add3A_1075 = arith.constant 12 : i32
          %add3A_1076 = arith.addi %mul3A_52, %add3A_1075 : i32
          %get3A_1077 = arith.index_cast %add3A_1076 : i32 to index
          %get3A_1078 = arith.constant 48 : index
          %get3A_1079 = tpu.vector_load %arg6[%get3A_1077, %get3A_1078] {strides = array<i32>} : memref<400x128xf32, #tpu.memory_space<vmem>>, vector<16xf32>,
          %add3A_1080 = arith.constant 48 : i32
          %add3A_1081 = arith.addi %mul3A_1047, %add3A_1080 : i32
          %add3A_1082 = vector.broadcast %add3A_1081 : i32 to vector<16xi32>
          %add3A_1083 = arith.addi %iota3A, %add3A_1082 : vector<16xi32>
          tpu.vector_store_idx %arg8[%add3A_1083], %get3A_1079 {add = true} : memref<12800xf32, #tpu.memory_space<vmem>>[vector<16xi32>], vector<16xf32>,
          %add3A_1084 = arith.constant 12 : i32
          %add3A_1085 = arith.addi %mul3A_52, %add3A_1084 : i32
          %get3A_1086 = arith.index_cast %add3A_1085 : i32 to index
          %get3A_1087 = arith.constant 64 : index
          %get3A_1088 = tpu.vector_load %arg6[%get3A_1086, %get3A_1087] {strides = array<i32>} : memref<400x128xf32, #tpu.memory_space<vmem>>, vector<16xf32>,
          %add3A_1089 = arith.constant 64 : i32
          %add3A_1090 = arith.addi %mul3A_1047, %add3A_1089 : i32
          %add3A_1091 = vector.broadcast %add3A_1090 : i32 to vector<16xi32>
          %add3A_1092 = arith.addi %iota3A, %add3A_1091 : vector<16xi32>
          tpu.vector_store_idx %arg8[%add3A_1092], %get3A_1088 {add = true} : memref<12800xf32, #tpu.memory_space<vmem>>[vector<16xi32>], vector<16xf32>,
          %add3A_1093 = arith.constant 12 : i32
          %add3A_1094 = arith.addi %mul3A_52, %add3A_1093 : i32
          %get3A_1095 = arith.index_cast %add3A_1094 : i32 to index
          %get3A_1096 = arith.constant 80 : index
          %get3A_1097 = tpu.vector_load %arg6[%get3A_1095, %get3A_1096] {strides = array<i32>} : memref<400x128xf32, #tpu.memory_space<vmem>>, vector<16xf32>,
          %add3A_1098 = arith.constant 80 : i32
          %add3A_1099 = arith.addi %mul3A_1047, %add3A_1098 : i32
          %add3A_1100 = vector.broadcast %add3A_1099 : i32 to vector<16xi32>
          %add3A_1101 = arith.addi %iota3A, %add3A_1100 : vector<16xi32>
          tpu.vector_store_idx %arg8[%add3A_1101], %get3A_1097 {add = true} : memref<12800xf32, #tpu.memory_space<vmem>>[vector<16xi32>], vector<16xf32>,
          %add3A_1102 = arith.constant 12 : i32
          %add3A_1103 = arith.addi %mul3A_52, %add3A_1102 : i32
          %get3A_1104 = arith.index_cast %add3A_1103 : i32 to index
          %get3A_1105 = arith.constant 96 : index
          %get3A_1106 = tpu.vector_load %arg6[%get3A_1104, %get3A_1105] {strides = array<i32>} : memref<400x128xf32, #tpu.memory_space<vmem>>, vector<16xf32>,
          %add3A_1107 = arith.constant 96 : i32
          %add3A_1108 = arith.addi %mul3A_1047, %add3A_1107 : i32
          %add3A_1109 = vector.broadcast %add3A_1108 : i32 to vector<16xi32>
          %add3A_1110 = arith.addi %iota3A, %add3A_1109 : vector<16xi32>
          tpu.vector_store_idx %arg8[%add3A_1110], %get3A_1106 {add = true} : memref<12800xf32, #tpu.memory_space<vmem>>[vector<16xi32>], vector<16xf32>,
          %add3A_1111 = arith.constant 12 : i32
          %add3A_1112 = arith.addi %mul3A_52, %add3A_1111 : i32
          %get3A_1113 = arith.index_cast %add3A_1112 : i32 to index
          %get3A_1114 = arith.constant 112 : index
          %get3A_1115 = tpu.vector_load %arg6[%get3A_1113, %get3A_1114] {strides = array<i32>} : memref<400x128xf32, #tpu.memory_space<vmem>>, vector<16xf32>,
          %add3A_1116 = arith.constant 112 : i32
          %add3A_1117 = arith.addi %mul3A_1047, %add3A_1116 : i32
          %add3A_1118 = vector.broadcast %add3A_1117 : i32 to vector<16xi32>
          %add3A_1119 = arith.addi %iota3A, %add3A_1118 : vector<16xi32>
          tpu.vector_store_idx %arg8[%add3A_1119], %get3A_1115 {add = true} : memref<12800xf32, #tpu.memory_space<vmem>>[vector<16xi32>], vector<16xf32>,
          %slice3A_1120 = vector.extract_strided_slice %get3A_50 {offsets = [12], sizes = [1], strides = [1]} : vector<16xi32> to vector<1xi32>
          %squeeze3A_1121 = vector.extract %slice3A_1120[0] : i32 from vector<1xi32>
          %mul3A_1122 = arith.constant 16 : i32
          %mul3A_1123 = arith.muli %squeeze3A_1121, %mul3A_1122 : i32
          %add3A_1124 = vector.broadcast %mul3A_1123 : i32 to vector<16xi32>
          %add3A_1125 = arith.addi %iota3A, %add3A_1124 : vector<16xi32>
          tpu.vector_store_idx %arg9[%add3A_1125], %select_n3A_12 {add = true} : memref<1600xf32, #tpu.memory_space<vmem>>[vector<16xi32>], vector<16xf32>,
          %slice3A_1126 = vector.extract_strided_slice %get3A_50 {offsets = [13], sizes = [1], strides = [1]} : vector<16xi32> to vector<1xi32>
          %squeeze3A_1127 = vector.extract %slice3A_1126[0] : i32 from vector<1xi32>
          %mul3A_1128 = arith.constant 128 : i32
          %mul3A_1129 = arith.muli %squeeze3A_1127, %mul3A_1128 : i32
          %add3A_1130 = arith.constant 13 : i32
          %add3A_1131 = arith.addi %mul3A_52, %add3A_1130 : i32
          %get3A_1132 = arith.index_cast %add3A_1131 : i32 to index
          %get3A_1133 = arith.constant 0 : index
          %get3A_1134 = tpu.vector_load %arg6[%get3A_1132, %get3A_1133] {strides = array<i32>} : memref<400x128xf32, #tpu.memory_space<vmem>>, vector<16xf32>,
          %add3A_1135 = arith.constant 0 : i32
          %add3A_1136 = arith.addi %mul3A_1129, %add3A_1135 : i32
          %add3A_1137 = vector.broadcast %add3A_1136 : i32 to vector<16xi32>
          %add3A_1138 = arith.addi %iota3A, %add3A_1137 : vector<16xi32>
          tpu.vector_store_idx %arg8[%add3A_1138], %get3A_1134 {add = true} : memref<12800xf32, #tpu.memory_space<vmem>>[vector<16xi32>], vector<16xf32>,
          %add3A_1139 = arith.constant 13 : i32
          %add3A_1140 = arith.addi %mul3A_52, %add3A_1139 : i32
          %get3A_1141 = arith.index_cast %add3A_1140 : i32 to index
          %get3A_1142 = arith.constant 16 : index
          %get3A_1143 = tpu.vector_load %arg6[%get3A_1141, %get3A_1142] {strides = array<i32>} : memref<400x128xf32, #tpu.memory_space<vmem>>, vector<16xf32>,
          %add3A_1144 = arith.constant 16 : i32
          %add3A_1145 = arith.addi %mul3A_1129, %add3A_1144 : i32
          %add3A_1146 = vector.broadcast %add3A_1145 : i32 to vector<16xi32>
          %add3A_1147 = arith.addi %iota3A, %add3A_1146 : vector<16xi32>
          tpu.vector_store_idx %arg8[%add3A_1147], %get3A_1143 {add = true} : memref<12800xf32, #tpu.memory_space<vmem>>[vector<16xi32>], vector<16xf32>,
          %add3A_1148 = arith.constant 13 : i32
          %add3A_1149 = arith.addi %mul3A_52, %add3A_1148 : i32
          %get3A_1150 = arith.index_cast %add3A_1149 : i32 to index
          %get3A_1151 = arith.constant 32 : index
          %get3A_1152 = tpu.vector_load %arg6[%get3A_1150, %get3A_1151] {strides = array<i32>} : memref<400x128xf32, #tpu.memory_space<vmem>>, vector<16xf32>,
          %add3A_1153 = arith.constant 32 : i32
          %add3A_1154 = arith.addi %mul3A_1129, %add3A_1153 : i32
          %add3A_1155 = vector.broadcast %add3A_1154 : i32 to vector<16xi32>
          %add3A_1156 = arith.addi %iota3A, %add3A_1155 : vector<16xi32>
          tpu.vector_store_idx %arg8[%add3A_1156], %get3A_1152 {add = true} : memref<12800xf32, #tpu.memory_space<vmem>>[vector<16xi32>], vector<16xf32>,
          %add3A_1157 = arith.constant 13 : i32
          %add3A_1158 = arith.addi %mul3A_52, %add3A_1157 : i32
          %get3A_1159 = arith.index_cast %add3A_1158 : i32 to index
          %get3A_1160 = arith.constant 48 : index
          %get3A_1161 = tpu.vector_load %arg6[%get3A_1159, %get3A_1160] {strides = array<i32>} : memref<400x128xf32, #tpu.memory_space<vmem>>, vector<16xf32>,
          %add3A_1162 = arith.constant 48 : i32
          %add3A_1163 = arith.addi %mul3A_1129, %add3A_1162 : i32
          %add3A_1164 = vector.broadcast %add3A_1163 : i32 to vector<16xi32>
          %add3A_1165 = arith.addi %iota3A, %add3A_1164 : vector<16xi32>
          tpu.vector_store_idx %arg8[%add3A_1165], %get3A_1161 {add = true} : memref<12800xf32, #tpu.memory_space<vmem>>[vector<16xi32>], vector<16xf32>,
          %add3A_1166 = arith.constant 13 : i32
          %add3A_1167 = arith.addi %mul3A_52, %add3A_1166 : i32
          %get3A_1168 = arith.index_cast %add3A_1167 : i32 to index
          %get3A_1169 = arith.constant 64 : index
          %get3A_1170 = tpu.vector_load %arg6[%get3A_1168, %get3A_1169] {strides = array<i32>} : memref<400x128xf32, #tpu.memory_space<vmem>>, vector<16xf32>,
          %add3A_1171 = arith.constant 64 : i32
          %add3A_1172 = arith.addi %mul3A_1129, %add3A_1171 : i32
          %add3A_1173 = vector.broadcast %add3A_1172 : i32 to vector<16xi32>
          %add3A_1174 = arith.addi %iota3A, %add3A_1173 : vector<16xi32>
          tpu.vector_store_idx %arg8[%add3A_1174], %get3A_1170 {add = true} : memref<12800xf32, #tpu.memory_space<vmem>>[vector<16xi32>], vector<16xf32>,
          %add3A_1175 = arith.constant 13 : i32
          %add3A_1176 = arith.addi %mul3A_52, %add3A_1175 : i32
          %get3A_1177 = arith.index_cast %add3A_1176 : i32 to index
          %get3A_1178 = arith.constant 80 : index
          %get3A_1179 = tpu.vector_load %arg6[%get3A_1177, %get3A_1178] {strides = array<i32>} : memref<400x128xf32, #tpu.memory_space<vmem>>, vector<16xf32>,
          %add3A_1180 = arith.constant 80 : i32
          %add3A_1181 = arith.addi %mul3A_1129, %add3A_1180 : i32
          %add3A_1182 = vector.broadcast %add3A_1181 : i32 to vector<16xi32>
          %add3A_1183 = arith.addi %iota3A, %add3A_1182 : vector<16xi32>
          tpu.vector_store_idx %arg8[%add3A_1183], %get3A_1179 {add = true} : memref<12800xf32, #tpu.memory_space<vmem>>[vector<16xi32>], vector<16xf32>,
          %add3A_1184 = arith.constant 13 : i32
          %add3A_1185 = arith.addi %mul3A_52, %add3A_1184 : i32
          %get3A_1186 = arith.index_cast %add3A_1185 : i32 to index
          %get3A_1187 = arith.constant 96 : index
          %get3A_1188 = tpu.vector_load %arg6[%get3A_1186, %get3A_1187] {strides = array<i32>} : memref<400x128xf32, #tpu.memory_space<vmem>>, vector<16xf32>,
          %add3A_1189 = arith.constant 96 : i32
          %add3A_1190 = arith.addi %mul3A_1129, %add3A_1189 : i32
          %add3A_1191 = vector.broadcast %add3A_1190 : i32 to vector<16xi32>
          %add3A_1192 = arith.addi %iota3A, %add3A_1191 : vector<16xi32>
          tpu.vector_store_idx %arg8[%add3A_1192], %get3A_1188 {add = true} : memref<12800xf32, #tpu.memory_space<vmem>>[vector<16xi32>], vector<16xf32>,
          %add3A_1193 = arith.constant 13 : i32
          %add3A_1194 = arith.addi %mul3A_52, %add3A_1193 : i32
          %get3A_1195 = arith.index_cast %add3A_1194 : i32 to index
          %get3A_1196 = arith.constant 112 : index
          %get3A_1197 = tpu.vector_load %arg6[%get3A_1195, %get3A_1196] {strides = array<i32>} : memref<400x128xf32, #tpu.memory_space<vmem>>, vector<16xf32>,
          %add3A_1198 = arith.constant 112 : i32
          %add3A_1199 = arith.addi %mul3A_1129, %add3A_1198 : i32
          %add3A_1200 = vector.broadcast %add3A_1199 : i32 to vector<16xi32>
          %add3A_1201 = arith.addi %iota3A, %add3A_1200 : vector<16xi32>
          tpu.vector_store_idx %arg8[%add3A_1201], %get3A_1197 {add = true} : memref<12800xf32, #tpu.memory_space<vmem>>[vector<16xi32>], vector<16xf32>,
          %slice3A_1202 = vector.extract_strided_slice %get3A_50 {offsets = [13], sizes = [1], strides = [1]} : vector<16xi32> to vector<1xi32>
          %squeeze3A_1203 = vector.extract %slice3A_1202[0] : i32 from vector<1xi32>
          %mul3A_1204 = arith.constant 16 : i32
          %mul3A_1205 = arith.muli %squeeze3A_1203, %mul3A_1204 : i32
          %add3A_1206 = vector.broadcast %mul3A_1205 : i32 to vector<16xi32>
          %add3A_1207 = arith.addi %iota3A, %add3A_1206 : vector<16xi32>
          tpu.vector_store_idx %arg9[%add3A_1207], %select_n3A_12 {add = true} : memref<1600xf32, #tpu.memory_space<vmem>>[vector<16xi32>], vector<16xf32>,
          %slice3A_1208 = vector.extract_strided_slice %get3A_50 {offsets = [14], sizes = [1], strides = [1]} : vector<16xi32> to vector<1xi32>
          %squeeze3A_1209 = vector.extract %slice3A_1208[0] : i32 from vector<1xi32>
          %mul3A_1210 = arith.constant 128 : i32
          %mul3A_1211 = arith.muli %squeeze3A_1209, %mul3A_1210 : i32
          %add3A_1212 = arith.constant 14 : i32
          %add3A_1213 = arith.addi %mul3A_52, %add3A_1212 : i32
          %get3A_1214 = arith.index_cast %add3A_1213 : i32 to index
          %get3A_1215 = arith.constant 0 : index
          %get3A_1216 = tpu.vector_load %arg6[%get3A_1214, %get3A_1215] {strides = array<i32>} : memref<400x128xf32, #tpu.memory_space<vmem>>, vector<16xf32>,
          %add3A_1217 = arith.constant 0 : i32
          %add3A_1218 = arith.addi %mul3A_1211, %add3A_1217 : i32
          %add3A_1219 = vector.broadcast %add3A_1218 : i32 to vector<16xi32>
          %add3A_1220 = arith.addi %iota3A, %add3A_1219 : vector<16xi32>
          tpu.vector_store_idx %arg8[%add3A_1220], %get3A_1216 {add = true} : memref<12800xf32, #tpu.memory_space<vmem>>[vector<16xi32>], vector<16xf32>,
          %add3A_1221 = arith.constant 14 : i32
          %add3A_1222 = arith.addi %mul3A_52, %add3A_1221 : i32
          %get3A_1223 = arith.index_cast %add3A_1222 : i32 to index
          %get3A_1224 = arith.constant 16 : index
          %get3A_1225 = tpu.vector_load %arg6[%get3A_1223, %get3A_1224] {strides = array<i32>} : memref<400x128xf32, #tpu.memory_space<vmem>>, vector<16xf32>,
          %add3A_1226 = arith.constant 16 : i32
          %add3A_1227 = arith.addi %mul3A_1211, %add3A_1226 : i32
          %add3A_1228 = vector.broadcast %add3A_1227 : i32 to vector<16xi32>
          %add3A_1229 = arith.addi %iota3A, %add3A_1228 : vector<16xi32>
          tpu.vector_store_idx %arg8[%add3A_1229], %get3A_1225 {add = true} : memref<12800xf32, #tpu.memory_space<vmem>>[vector<16xi32>], vector<16xf32>,
          %add3A_1230 = arith.constant 14 : i32
          %add3A_1231 = arith.addi %mul3A_52, %add3A_1230 : i32
          %get3A_1232 = arith.index_cast %add3A_1231 : i32 to index
          %get3A_1233 = arith.constant 32 : index
          %get3A_1234 = tpu.vector_load %arg6[%get3A_1232, %get3A_1233] {strides = array<i32>} : memref<400x128xf32, #tpu.memory_space<vmem>>, vector<16xf32>,
          %add3A_1235 = arith.constant 32 : i32
          %add3A_1236 = arith.addi %mul3A_1211, %add3A_1235 : i32
          %add3A_1237 = vector.broadcast %add3A_1236 : i32 to vector<16xi32>
          %add3A_1238 = arith.addi %iota3A, %add3A_1237 : vector<16xi32>
          tpu.vector_store_idx %arg8[%add3A_1238], %get3A_1234 {add = true} : memref<12800xf32, #tpu.memory_space<vmem>>[vector<16xi32>], vector<16xf32>,
          %add3A_1239 = arith.constant 14 : i32
          %add3A_1240 = arith.addi %mul3A_52, %add3A_1239 : i32
          %get3A_1241 = arith.index_cast %add3A_1240 : i32 to index
          %get3A_1242 = arith.constant 48 : index
          %get3A_1243 = tpu.vector_load %arg6[%get3A_1241, %get3A_1242] {strides = array<i32>} : memref<400x128xf32, #tpu.memory_space<vmem>>, vector<16xf32>,
          %add3A_1244 = arith.constant 48 : i32
          %add3A_1245 = arith.addi %mul3A_1211, %add3A_1244 : i32
          %add3A_1246 = vector.broadcast %add3A_1245 : i32 to vector<16xi32>
          %add3A_1247 = arith.addi %iota3A, %add3A_1246 : vector<16xi32>
          tpu.vector_store_idx %arg8[%add3A_1247], %get3A_1243 {add = true} : memref<12800xf32, #tpu.memory_space<vmem>>[vector<16xi32>], vector<16xf32>,
          %add3A_1248 = arith.constant 14 : i32
          %add3A_1249 = arith.addi %mul3A_52, %add3A_1248 : i32
          %get3A_1250 = arith.index_cast %add3A_1249 : i32 to index
          %get3A_1251 = arith.constant 64 : index
          %get3A_1252 = tpu.vector_load %arg6[%get3A_1250, %get3A_1251] {strides = array<i32>} : memref<400x128xf32, #tpu.memory_space<vmem>>, vector<16xf32>,
          %add3A_1253 = arith.constant 64 : i32
          %add3A_1254 = arith.addi %mul3A_1211, %add3A_1253 : i32
          %add3A_1255 = vector.broadcast %add3A_1254 : i32 to vector<16xi32>
          %add3A_1256 = arith.addi %iota3A, %add3A_1255 : vector<16xi32>
          tpu.vector_store_idx %arg8[%add3A_1256], %get3A_1252 {add = true} : memref<12800xf32, #tpu.memory_space<vmem>>[vector<16xi32>], vector<16xf32>,
          %add3A_1257 = arith.constant 14 : i32
          %add3A_1258 = arith.addi %mul3A_52, %add3A_1257 : i32
          %get3A_1259 = arith.index_cast %add3A_1258 : i32 to index
          %get3A_1260 = arith.constant 80 : index
          %get3A_1261 = tpu.vector_load %arg6[%get3A_1259, %get3A_1260] {strides = array<i32>} : memref<400x128xf32, #tpu.memory_space<vmem>>, vector<16xf32>,
          %add3A_1262 = arith.constant 80 : i32
          %add3A_1263 = arith.addi %mul3A_1211, %add3A_1262 : i32
          %add3A_1264 = vector.broadcast %add3A_1263 : i32 to vector<16xi32>
          %add3A_1265 = arith.addi %iota3A, %add3A_1264 : vector<16xi32>
          tpu.vector_store_idx %arg8[%add3A_1265], %get3A_1261 {add = true} : memref<12800xf32, #tpu.memory_space<vmem>>[vector<16xi32>], vector<16xf32>,
          %add3A_1266 = arith.constant 14 : i32
          %add3A_1267 = arith.addi %mul3A_52, %add3A_1266 : i32
          %get3A_1268 = arith.index_cast %add3A_1267 : i32 to index
          %get3A_1269 = arith.constant 96 : index
          %get3A_1270 = tpu.vector_load %arg6[%get3A_1268, %get3A_1269] {strides = array<i32>} : memref<400x128xf32, #tpu.memory_space<vmem>>, vector<16xf32>,
          %add3A_1271 = arith.constant 96 : i32
          %add3A_1272 = arith.addi %mul3A_1211, %add3A_1271 : i32
          %add3A_1273 = vector.broadcast %add3A_1272 : i32 to vector<16xi32>
          %add3A_1274 = arith.addi %iota3A, %add3A_1273 : vector<16xi32>
          tpu.vector_store_idx %arg8[%add3A_1274], %get3A_1270 {add = true} : memref<12800xf32, #tpu.memory_space<vmem>>[vector<16xi32>], vector<16xf32>,
          %add3A_1275 = arith.constant 14 : i32
          %add3A_1276 = arith.addi %mul3A_52, %add3A_1275 : i32
          %get3A_1277 = arith.index_cast %add3A_1276 : i32 to index
          %get3A_1278 = arith.constant 112 : index
          %get3A_1279 = tpu.vector_load %arg6[%get3A_1277, %get3A_1278] {strides = array<i32>} : memref<400x128xf32, #tpu.memory_space<vmem>>, vector<16xf32>,
          %add3A_1280 = arith.constant 112 : i32
          %add3A_1281 = arith.addi %mul3A_1211, %add3A_1280 : i32
          %add3A_1282 = vector.broadcast %add3A_1281 : i32 to vector<16xi32>
          %add3A_1283 = arith.addi %iota3A, %add3A_1282 : vector<16xi32>
          tpu.vector_store_idx %arg8[%add3A_1283], %get3A_1279 {add = true} : memref<12800xf32, #tpu.memory_space<vmem>>[vector<16xi32>], vector<16xf32>,
          %slice3A_1284 = vector.extract_strided_slice %get3A_50 {offsets = [14], sizes = [1], strides = [1]} : vector<16xi32> to vector<1xi32>
          %squeeze3A_1285 = vector.extract %slice3A_1284[0] : i32 from vector<1xi32>
          %mul3A_1286 = arith.constant 16 : i32
          %mul3A_1287 = arith.muli %squeeze3A_1285, %mul3A_1286 : i32
          %add3A_1288 = vector.broadcast %mul3A_1287 : i32 to vector<16xi32>
          %add3A_1289 = arith.addi %iota3A, %add3A_1288 : vector<16xi32>
          tpu.vector_store_idx %arg9[%add3A_1289], %select_n3A_12 {add = true} : memref<1600xf32, #tpu.memory_space<vmem>>[vector<16xi32>], vector<16xf32>,
          %slice3A_1290 = vector.extract_strided_slice %get3A_50 {offsets = [15], sizes = [1], strides = [1]} : vector<16xi32> to vector<1xi32>
          %squeeze3A_1291 = vector.extract %slice3A_1290[0] : i32 from vector<1xi32>
          %mul3A_1292 = arith.constant 128 : i32
          %mul3A_1293 = arith.muli %squeeze3A_1291, %mul3A_1292 : i32
          %add3A_1294 = arith.constant 15 : i32
          %add3A_1295 = arith.addi %mul3A_52, %add3A_1294 : i32
          %get3A_1296 = arith.index_cast %add3A_1295 : i32 to index
          %get3A_1297 = arith.constant 0 : index
          %get3A_1298 = tpu.vector_load %arg6[%get3A_1296, %get3A_1297] {strides = array<i32>} : memref<400x128xf32, #tpu.memory_space<vmem>>, vector<16xf32>,
          %add3A_1299 = arith.constant 0 : i32
          %add3A_1300 = arith.addi %mul3A_1293, %add3A_1299 : i32
          %add3A_1301 = vector.broadcast %add3A_1300 : i32 to vector<16xi32>
          %add3A_1302 = arith.addi %iota3A, %add3A_1301 : vector<16xi32>
          tpu.vector_store_idx %arg8[%add3A_1302], %get3A_1298 {add = true} : memref<12800xf32, #tpu.memory_space<vmem>>[vector<16xi32>], vector<16xf32>,
          %add3A_1303 = arith.constant 15 : i32
          %add3A_1304 = arith.addi %mul3A_52, %add3A_1303 : i32
          %get3A_1305 = arith.index_cast %add3A_1304 : i32 to index
          %get3A_1306 = arith.constant 16 : index
          %get3A_1307 = tpu.vector_load %arg6[%get3A_1305, %get3A_1306] {strides = array<i32>} : memref<400x128xf32, #tpu.memory_space<vmem>>, vector<16xf32>,
          %add3A_1308 = arith.constant 16 : i32
          %add3A_1309 = arith.addi %mul3A_1293, %add3A_1308 : i32
          %add3A_1310 = vector.broadcast %add3A_1309 : i32 to vector<16xi32>
          %add3A_1311 = arith.addi %iota3A, %add3A_1310 : vector<16xi32>
          tpu.vector_store_idx %arg8[%add3A_1311], %get3A_1307 {add = true} : memref<12800xf32, #tpu.memory_space<vmem>>[vector<16xi32>], vector<16xf32>,
          %add3A_1312 = arith.constant 15 : i32
          %add3A_1313 = arith.addi %mul3A_52, %add3A_1312 : i32
          %get3A_1314 = arith.index_cast %add3A_1313 : i32 to index
          %get3A_1315 = arith.constant 32 : index
          %get3A_1316 = tpu.vector_load %arg6[%get3A_1314, %get3A_1315] {strides = array<i32>} : memref<400x128xf32, #tpu.memory_space<vmem>>, vector<16xf32>,
          %add3A_1317 = arith.constant 32 : i32
          %add3A_1318 = arith.addi %mul3A_1293, %add3A_1317 : i32
          %add3A_1319 = vector.broadcast %add3A_1318 : i32 to vector<16xi32>
          %add3A_1320 = arith.addi %iota3A, %add3A_1319 : vector<16xi32>
          tpu.vector_store_idx %arg8[%add3A_1320], %get3A_1316 {add = true} : memref<12800xf32, #tpu.memory_space<vmem>>[vector<16xi32>], vector<16xf32>,
          %add3A_1321 = arith.constant 15 : i32
          %add3A_1322 = arith.addi %mul3A_52, %add3A_1321 : i32
          %get3A_1323 = arith.index_cast %add3A_1322 : i32 to index
          %get3A_1324 = arith.constant 48 : index
          %get3A_1325 = tpu.vector_load %arg6[%get3A_1323, %get3A_1324] {strides = array<i32>} : memref<400x128xf32, #tpu.memory_space<vmem>>, vector<16xf32>,
          %add3A_1326 = arith.constant 48 : i32
          %add3A_1327 = arith.addi %mul3A_1293, %add3A_1326 : i32
          %add3A_1328 = vector.broadcast %add3A_1327 : i32 to vector<16xi32>
          %add3A_1329 = arith.addi %iota3A, %add3A_1328 : vector<16xi32>
          tpu.vector_store_idx %arg8[%add3A_1329], %get3A_1325 {add = true} : memref<12800xf32, #tpu.memory_space<vmem>>[vector<16xi32>], vector<16xf32>,
          %add3A_1330 = arith.constant 15 : i32
          %add3A_1331 = arith.addi %mul3A_52, %add3A_1330 : i32
          %get3A_1332 = arith.index_cast %add3A_1331 : i32 to index
          %get3A_1333 = arith.constant 64 : index
          %get3A_1334 = tpu.vector_load %arg6[%get3A_1332, %get3A_1333] {strides = array<i32>} : memref<400x128xf32, #tpu.memory_space<vmem>>, vector<16xf32>,
          %add3A_1335 = arith.constant 64 : i32
          %add3A_1336 = arith.addi %mul3A_1293, %add3A_1335 : i32
          %add3A_1337 = vector.broadcast %add3A_1336 : i32 to vector<16xi32>
          %add3A_1338 = arith.addi %iota3A, %add3A_1337 : vector<16xi32>
          tpu.vector_store_idx %arg8[%add3A_1338], %get3A_1334 {add = true} : memref<12800xf32, #tpu.memory_space<vmem>>[vector<16xi32>], vector<16xf32>,
          %add3A_1339 = arith.constant 15 : i32
          %add3A_1340 = arith.addi %mul3A_52, %add3A_1339 : i32
          %get3A_1341 = arith.index_cast %add3A_1340 : i32 to index
          %get3A_1342 = arith.constant 80 : index
          %get3A_1343 = tpu.vector_load %arg6[%get3A_1341, %get3A_1342] {strides = array<i32>} : memref<400x128xf32, #tpu.memory_space<vmem>>, vector<16xf32>,
          %add3A_1344 = arith.constant 80 : i32
          %add3A_1345 = arith.addi %mul3A_1293, %add3A_1344 : i32
          %add3A_1346 = vector.broadcast %add3A_1345 : i32 to vector<16xi32>
          %add3A_1347 = arith.addi %iota3A, %add3A_1346 : vector<16xi32>
          tpu.vector_store_idx %arg8[%add3A_1347], %get3A_1343 {add = true} : memref<12800xf32, #tpu.memory_space<vmem>>[vector<16xi32>], vector<16xf32>,
          %add3A_1348 = arith.constant 15 : i32
          %add3A_1349 = arith.addi %mul3A_52, %add3A_1348 : i32
          %get3A_1350 = arith.index_cast %add3A_1349 : i32 to index
          %get3A_1351 = arith.constant 96 : index
          %get3A_1352 = tpu.vector_load %arg6[%get3A_1350, %get3A_1351] {strides = array<i32>} : memref<400x128xf32, #tpu.memory_space<vmem>>, vector<16xf32>,
          %add3A_1353 = arith.constant 96 : i32
          %add3A_1354 = arith.addi %mul3A_1293, %add3A_1353 : i32
          %add3A_1355 = vector.broadcast %add3A_1354 : i32 to vector<16xi32>
          %add3A_1356 = arith.addi %iota3A, %add3A_1355 : vector<16xi32>
          tpu.vector_store_idx %arg8[%add3A_1356], %get3A_1352 {add = true} : memref<12800xf32, #tpu.memory_space<vmem>>[vector<16xi32>], vector<16xf32>,
          %add3A_1357 = arith.constant 15 : i32
          %add3A_1358 = arith.addi %mul3A_52, %add3A_1357 : i32
          %get3A_1359 = arith.index_cast %add3A_1358 : i32 to index
          %get3A_1360 = arith.constant 112 : index
          %get3A_1361 = tpu.vector_load %arg6[%get3A_1359, %get3A_1360] {strides = array<i32>} : memref<400x128xf32, #tpu.memory_space<vmem>>, vector<16xf32>,
          %add3A_1362 = arith.constant 112 : i32
          %add3A_1363 = arith.addi %mul3A_1293, %add3A_1362 : i32
          %add3A_1364 = vector.broadcast %add3A_1363 : i32 to vector<16xi32>
          %add3A_1365 = arith.addi %iota3A, %add3A_1364 : vector<16xi32>
          tpu.vector_store_idx %arg8[%add3A_1365], %get3A_1361 {add = true} : memref<12800xf32, #tpu.memory_space<vmem>>[vector<16xi32>], vector<16xf32>,
          %slice3A_1366 = vector.extract_strided_slice %get3A_50 {offsets = [15], sizes = [1], strides = [1]} : vector<16xi32> to vector<1xi32>
          %squeeze3A_1367 = vector.extract %slice3A_1366[0] : i32 from vector<1xi32>
          %mul3A_1368 = arith.constant 16 : i32
          %mul3A_1369 = arith.muli %squeeze3A_1367, %mul3A_1368 : i32
          %add3A_1370 = vector.broadcast %mul3A_1369 : i32 to vector<16xi32>
          %add3A_1371 = arith.addi %iota3A, %add3A_1370 : vector<16xi32>
          tpu.vector_store_idx %arg9[%add3A_1371], %select_n3A_12 {add = true} : memref<1600xf32, #tpu.memory_space<vmem>>[vector<16xi32>], vector<16xf32>,
        } else {
        }
      }
      %scan3A_46 = arith.constant 25 : i32
    }
    "tpu.region"() ({
      %run_scoped3A = tpu.sem_alloc : memref<!tpu.dma_semaphore, #tpu.memory_space<semaphore_mem>>
      %dma_start3A = arith.constant 0 : i32
      %dma_start3A_35 = tpu.memref_slice %arg4[%add3A, %dma_start3A] : memref<32x12800xf32, #tpu.memory_space<hbm>> -> memref<1x12800xf32, #tpu.memory_space<hbm>>
      %dma_start3A_36 = tpu.memref_squeeze %dma_start3A_35 : memref<1x12800xf32, #tpu.memory_space<hbm>> -> memref<12800xf32, #tpu.memory_space<hbm>>
      %dma_start3A_37 = arith.constant 0 : i32
      %dma_start3A_38 = tpu.memref_slice %arg4[%add3A, %dma_start3A_37] : memref<32x12800xf32, #tpu.memory_space<hbm>> -> memref<1x12800xf32, #tpu.memory_space<hbm>>
      %dma_start3A_39 = tpu.memref_squeeze %dma_start3A_38 : memref<1x12800xf32, #tpu.memory_space<hbm>> -> memref<12800xf32, #tpu.memory_space<hbm>>
      tpu.enqueue_dma source(%arg8 : memref<12800xf32, #tpu.memory_space<vmem>>) target(%dma_start3A_39 : memref<12800xf32, #tpu.memory_space<hbm>>) target_semaphore(%run_scoped3A : memref<!tpu.dma_semaphore, #tpu.memory_space<semaphore_mem>>)
      %dma_wait3A = arith.constant 0 : i32
      %dma_wait3A_40 = tpu.memref_slice %arg4[%add3A, %dma_wait3A] : memref<32x12800xf32, #tpu.memory_space<hbm>> -> memref<1x12800xf32, #tpu.memory_space<hbm>>
      %dma_wait3A_41 = tpu.memref_squeeze %dma_wait3A_40 : memref<1x12800xf32, #tpu.memory_space<hbm>> -> memref<12800xf32, #tpu.memory_space<hbm>>
      %dma_wait3A_42 = arith.constant 0 : i32
      %dma_wait3A_43 = tpu.memref_slice %arg4[%add3A, %dma_wait3A_42] : memref<32x12800xf32, #tpu.memory_space<hbm>> -> memref<1x12800xf32, #tpu.memory_space<hbm>>
      %dma_wait3A_44 = tpu.memref_squeeze %dma_wait3A_43 : memref<1x12800xf32, #tpu.memory_space<hbm>> -> memref<12800xf32, #tpu.memory_space<hbm>>
      tpu.wait_dma2 semaphore(%run_scoped3A : memref<!tpu.dma_semaphore, #tpu.memory_space<semaphore_mem>>) src(%arg8 : memref<12800xf32, #tpu.memory_space<vmem>>) dst(%dma_wait3A_44 : memref<12800xf32, #tpu.memory_space<hbm>>)
      tpu.yield
    }) : () -> ()
    "tpu.region"() ({
      %run_scoped3A = tpu.sem_alloc : memref<!tpu.dma_semaphore, #tpu.memory_space<semaphore_mem>>
      %dma_start3A = arith.constant 0 : i32
      %dma_start3A_35 = tpu.memref_slice %arg5[%add3A, %dma_start3A] : memref<32x1600xf32, #tpu.memory_space<hbm>> -> memref<1x1600xf32, #tpu.memory_space<hbm>>
      %dma_start3A_36 = tpu.memref_squeeze %dma_start3A_35 : memref<1x1600xf32, #tpu.memory_space<hbm>> -> memref<1600xf32, #tpu.memory_space<hbm>>
      %dma_start3A_37 = arith.constant 0 : i32
      %dma_start3A_38 = tpu.memref_slice %arg5[%add3A, %dma_start3A_37] : memref<32x1600xf32, #tpu.memory_space<hbm>> -> memref<1x1600xf32, #tpu.memory_space<hbm>>
      %dma_start3A_39 = tpu.memref_squeeze %dma_start3A_38 : memref<1x1600xf32, #tpu.memory_space<hbm>> -> memref<1600xf32, #tpu.memory_space<hbm>>
      tpu.enqueue_dma source(%arg9 : memref<1600xf32, #tpu.memory_space<vmem>>) target(%dma_start3A_39 : memref<1600xf32, #tpu.memory_space<hbm>>) target_semaphore(%run_scoped3A : memref<!tpu.dma_semaphore, #tpu.memory_space<semaphore_mem>>)
      %dma_wait3A = arith.constant 0 : i32
      %dma_wait3A_40 = tpu.memref_slice %arg5[%add3A, %dma_wait3A] : memref<32x1600xf32, #tpu.memory_space<hbm>> -> memref<1x1600xf32, #tpu.memory_space<hbm>>
      %dma_wait3A_41 = tpu.memref_squeeze %dma_wait3A_40 : memref<1x1600xf32, #tpu.memory_space<hbm>> -> memref<1600xf32, #tpu.memory_space<hbm>>
      %dma_wait3A_42 = arith.constant 0 : i32
      %dma_wait3A_43 = tpu.memref_slice %arg5[%add3A, %dma_wait3A_42] : memref<32x1600xf32, #tpu.memory_space<hbm>> -> memref<1x1600xf32, #tpu.memory_space<hbm>>
      %dma_wait3A_44 = tpu.memref_squeeze %dma_wait3A_43 : memref<1x1600xf32, #tpu.memory_space<hbm>> -> memref<1600xf32, #tpu.memory_space<hbm>>
      tpu.wait_dma2 semaphore(%run_scoped3A : memref<!tpu.dma_semaphore, #tpu.memory_space<semaphore_mem>>) src(%arg9 : memref<1600xf32, #tpu.memory_space<vmem>>) dst(%dma_wait3A_44 : memref<1600xf32, #tpu.memory_space<hbm>>)
      tpu.yield
    }) : () -> ()
    return
  }
}

module attributes {stable_mosaic.version = 14 : i64} {
  func.func @_embed_body(%arg0: i32, %arg1: memref<10000x128xf32, #tpu.memory_space<vmem>>, %arg2: memref<128x128xf32, #tpu.memory_space<vmem>>, %arg3: memref<10000x128xf32, #tpu.memory_space<vmem>>) attributes {dimension_semantics = [#tpu.dimension_semantics<arbitrary>], iteration_bounds = array<i64: 10>, scalar_prefetch = 0 : i64, scratch_operands = 0 : i64, tpu.core_type = #tpu.core_type<tc>, window_params = [{transform_indices = @transform_0, window_bounds = array<i64: 10000, 128>}, {pipeline_mode = #tpu.pipeline_mode<synchronous>, transform_indices = @transform_1, window_bounds = array<i64: 128, 128>}, {transform_indices = @transform_2, window_bounds = array<i64: 10000, 128>}]} {
    %get3A = arith.constant 0 : index
    %get3A_0 = arith.constant 0 : index
    %get3A_1 = vector.load %arg1[%get3A, %get3A_0] : memref<10000x128xf32, #tpu.memory_space<vmem>>, vector<10000x128xf32>
    %get3A_2 = arith.constant 0 : index
    %get3A_3 = arith.constant 0 : index
    %get3A_4 = vector.load %arg2[%get3A_2, %get3A_3] : memref<128x128xf32, #tpu.memory_space<vmem>>, vector<128x128xf32>
    %transpose3A = tpu.transpose %get3A_4, [1, 0] : vector<128x128xf32> -> vector<128x128xf32>
    %dot_general3A = arith.constant dense<0.000000e+00> : vector<10000x128xf32>
    %dot_general3A_5 = tpu.matmul %get3A_1, %transpose3A, %dot_general3A {dimension_numbers = #tpu.dot_dimension_numbers<[1], [0], [0], [1], [0, 0, 1, 1], [], []>, transpose_lhs_hint = false} : vector<10000x128xf32>, vector<128x128xf32>, vector<10000x128xf32> -> vector<10000x128xf32>
    %swap3A = arith.constant 0 : index
    %swap3A_6 = arith.constant 0 : index
    %swap3A_7 = vector.load %arg3[%swap3A, %swap3A_6] : memref<10000x128xf32, #tpu.memory_space<vmem>>, vector<10000x128xf32>
    tpu.vector_store %arg3[%swap3A, %swap3A_6], %dot_general3A_5 {strides = array<i32>} : memref<10000x128xf32, #tpu.memory_space<vmem>>, vector<10000x128xf32>,
    return
  }
  func.func @transform_0(%arg0: i32) -> (i32, i32) {
    %c0_i32 = arith.constant 0 : i32
    %c0_i32_0 = arith.constant 0 : i32
    return %arg0, %c0_i32 : i32, i32
  }
  func.func @transform_1(%arg0: i32) -> (i32, i32) {
    %c0_i32 = arith.constant 0 : i32
    %c0_i32_0 = arith.constant 0 : i32
    %c0_i32_1 = arith.constant 0 : i32
    return %c0_i32, %c0_i32_0 : i32, i32
  }
  func.func @transform_2(%arg0: i32) -> (i32, i32) {
    %c0_i32 = arith.constant 0 : i32
    %c0_i32_0 = arith.constant 0 : i32
    return %arg0, %c0_i32 : i32, i32
  }
}

module attributes {stable_mosaic.version = 14 : i64} {
  func.func @_tc_tail_body(%arg0: memref<32x12800xf32, #tpu.memory_space<vmem>>, %arg1: memref<32x100x16xf32, #tpu.memory_space<vmem>>, %arg2: memref<4096x128xf32, #tpu.memory_space<vmem>>, %arg3: memref<128x128xf32, #tpu.memory_space<vmem>>, %arg4: memref<4096x1xi32, #tpu.memory_space<vmem>>, %arg5: memref<4096x100xf32, #tpu.memory_space<vmem>>) attributes {dimension_semantics = [], scalar_prefetch = 0 : i64, scratch_operands = 0 : i64, tpu.core_type = #tpu.core_type<tc>} {
    %get3A = arith.constant 0 : index
    %get3A_0 = arith.constant 0 : index
    %get3A_1 = vector.load %arg0[%get3A, %get3A_0] : memref<32x12800xf32, #tpu.memory_space<vmem>>, vector<32x12800xf32>
    %reduce_sum3A = arith.constant dense<0.000000e+00> : vector<12800xf32>
    %reduce_sum3A_2 = vector.multi_reduction <add>, %get3A_1, %reduce_sum3A [0] : vector<32x12800xf32> to vector<12800xf32>
    %reshape3A = vector.shape_cast %reduce_sum3A_2 : vector<12800xf32> to vector<100x128xf32>
    %get3A_3 = arith.constant 0 : index
    %get3A_4 = arith.constant 0 : index
    %get3A_5 = arith.constant 0 : index
    %get3A_6 = vector.load %arg1[%get3A_3, %get3A_4, %get3A_5] : memref<32x100x16xf32, #tpu.memory_space<vmem>>, vector<32x100x16xf32>
    %reduce_sum3A_7 = arith.constant dense<0.000000e+00> : vector<100x16xf32>
    %reduce_sum3A_8 = vector.multi_reduction <add>, %get3A_6, %reduce_sum3A_7 [0] : vector<32x100x16xf32> to vector<100x16xf32>
    %slice3A = vector.extract_strided_slice %reduce_sum3A_8 {offsets = [0, 0], sizes = [100, 1], strides = [1, 1]} : vector<100x16xf32> to vector<100x1xf32>
    %max3A = arith.constant 1.000000e+00 : f32
    %max3A_9 = vector.broadcast %max3A : f32 to vector<100x1xf32>
    %max3A_10 = arith.maximumf %slice3A, %max3A_9 : vector<100x1xf32>
    %div3A = vector.broadcast %max3A_10 : vector<100x1xf32> to vector<100x128xf32>
    %div3A_11 = arith.divf %reshape3A, %div3A : vector<100x128xf32>
    %get3A_12 = arith.constant 0 : index
    %get3A_13 = arith.constant 0 : index
    %get3A_14 = vector.load %arg2[%get3A_12, %get3A_13] : memref<4096x128xf32, #tpu.memory_space<vmem>>, vector<4096x128xf32>
    %get3A_15 = arith.constant 0 : index
    %get3A_16 = arith.constant 0 : index
    %get3A_17 = vector.load %arg3[%get3A_15, %get3A_16] : memref<128x128xf32, #tpu.memory_space<vmem>>, vector<128x128xf32>
    %transpose3A = tpu.transpose %get3A_17, [1, 0] : vector<128x128xf32> -> vector<128x128xf32>
    %dot_general3A = arith.constant dense<0.000000e+00> : vector<4096x128xf32>
    %dot_general3A_18 = tpu.matmul %get3A_14, %transpose3A, %dot_general3A {dimension_numbers = #tpu.dot_dimension_numbers<[1], [0], [0], [1], [0, 0, 1, 1], [], []>, transpose_lhs_hint = false} : vector<4096x128xf32>, vector<128x128xf32>, vector<4096x128xf32> -> vector<4096x128xf32>
    %mul3A = arith.mulf %div3A_11, %div3A_11 : vector<100x128xf32>
    %reduce_sum3A_19 = arith.constant dense<0.000000e+00> : vector<100xf32>
    %reduce_sum3A_20 = vector.multi_reduction <add>, %mul3A, %reduce_sum3A_19 [1] : vector<100x128xf32> to vector<100xf32>
    %broadcast_in_dim3A = vector.shape_cast %reduce_sum3A_20 : vector<100xf32> to vector<1x100xf32>
    %dot_general3A_21 = arith.constant dense<0.000000e+00> : vector<4096x100xf32>
    %dot_general3A_22 = tpu.matmul %dot_general3A_18, %div3A_11, %dot_general3A_21 {dimension_numbers = #tpu.dot_dimension_numbers<[1], [1], [0], [0], [0, 0, 1, 0], [], []>, precision = #tpu.contract_precision<fp32>, transpose_lhs_hint = false} : vector<4096x128xf32>, vector<100x128xf32>, vector<4096x100xf32> -> vector<4096x100xf32>
    %mul3A_23 = arith.constant 2.000000e+00 : f32
    %mul3A_24 = vector.broadcast %mul3A_23 : f32 to vector<4096x100xf32>
    %mul3A_25 = arith.mulf %mul3A_24, %dot_general3A_22 : vector<4096x100xf32>
    %sub3A = vector.broadcast %broadcast_in_dim3A : vector<1x100xf32> to vector<4096x100xf32>
    %sub3A_26 = arith.subf %mul3A_25, %sub3A : vector<4096x100xf32>
    %reduce_max3A = arith.constant dense<0xFF800000> : vector<4096xf32>
    %reduce_max3A_27 = vector.multi_reduction <maximumf>, %sub3A_26, %reduce_max3A [1] : vector<4096x100xf32> to vector<4096xf32>
    %broadcast_in_dim3A_28 = vector.shape_cast %reduce_max3A_27 : vector<4096xf32> to vector<4096x1xf32>
    %sub3A_29 = vector.broadcast %broadcast_in_dim3A_28 : vector<4096x1xf32> to vector<4096x100xf32>
    %sub3A_30 = arith.subf %sub3A_26, %sub3A_29 : vector<4096x100xf32>
    %exp3A = math.exp %sub3A_30 : vector<4096x100xf32>
    %reduce_sum3A_31 = arith.constant dense<0.000000e+00> : vector<4096xf32>
    %reduce_sum3A_32 = vector.multi_reduction <add>, %exp3A, %reduce_sum3A_31 [1] : vector<4096x100xf32> to vector<4096xf32>
    %broadcast_in_dim3A_33 = vector.shape_cast %reduce_sum3A_32 : vector<4096xf32> to vector<4096x1xf32>
    %div3A_34 = vector.broadcast %broadcast_in_dim3A_33 : vector<4096x1xf32> to vector<4096x100xf32>
    %div3A_35 = arith.divf %exp3A, %div3A_34 : vector<4096x100xf32>
    %argmax3A = tpu.reduce_index %sub3A_26 {axis = 1 : i32, kind = #tpu.reduction_kind<arg_max>} : vector<4096x100xf32> -> vector<4096xi32>
    %broadcast_in_dim3A_36 = vector.shape_cast %argmax3A : vector<4096xi32> to vector<4096x1xi32>
    %swap3A = arith.constant 0 : index
    %swap3A_37 = arith.constant 0 : index
    %swap3A_38 = vector.load %arg4[%swap3A, %swap3A_37] : memref<4096x1xi32, #tpu.memory_space<vmem>>, vector<4096x1xi32>
    tpu.vector_store %arg4[%swap3A, %swap3A_37], %broadcast_in_dim3A_36 {strides = array<i32>} : memref<4096x1xi32, #tpu.memory_space<vmem>>, vector<4096x1xi32>,
    %swap3A_39 = arith.constant 0 : index
    %swap3A_40 = arith.constant 0 : index
    %swap3A_41 = vector.load %arg5[%swap3A_39, %swap3A_40] : memref<4096x100xf32, #tpu.memory_space<vmem>>, vector<4096x100xf32>
    tpu.vector_store %arg5[%swap3A_39, %swap3A_40], %div3A_35 {strides = array<i32>} : memref<4096x100xf32, #tpu.memory_space<vmem>>, vector<4096x100xf32>,
    return
  }
}

</mosaic_0001>

<sc_bundles>
// kernel: kernel.5.cloned.1.call-start
scs
__scs_entry_jumppad:
0x0: {  	(pc) =	sbr.rel $0x88, $3  }
0x1: {  	(tag) =	ssettag $0x0;
	lr =	simm.s32 $0x1  }
0x2: {  	[smem:$0x3F9D] =	sst lr;
	_ =	strace $0xD0000000  }
0x3: {  	_ = 	snop  }
0x4: {  	_ = 	snop  }
0x5: {  	_ = 	snop  }
0x6: {  	_ = 	snop  }
0x7: {  	_ = 	snop  }
__scs_overlays_trampoline_lowered:
0x8: {  	[smem:$0x3FAC] =	sst s0  }
0x9: {  	[smem:$0x3FAD] =	sst s1  }
0xa: {  	[smem:$0x3FAE] =	sst s2  }
0xb: {  	[smem:$0x3FAF] =	sst s3  }
0xc: {  	[smem:$0x3FB0] =	sst s4  }
0xd: {  	[smem:$0x3FB1] =	sst s5  }
0xe: {  	[smem:$0x3FB2] =	sst s6  }
0xf: {  	[smem:$0x3FB3] =	sst s7  }
0x10: {  	[smem:$0x3FB4] =	sst s8  }
0x11: {  	[smem:$0x3FB5] =	sst s9;
	s0 =	simm.s32 @!p0 $0x0  }
0x12: {  	s1 =	sld [smem:$0x3F9B];
	s0 =	simm.s32 @p0 $0x1  }
0x13: {  	[smem:$0x3FB6] =	sst s0;
	s0 =	simm.s32 @!p1 $0x0  }
0x14: {  	s2 =	sld [smem:$0x3F9A];
	s0 =	simm.s32 @p1 $0x1  }
0x15: {  	[smem:$0x3FB7] =	sst s0;
	s0 =	simm.s32 @!p2 $0x0  }
0x16: {  	s3 =	sld [smem:$0x3FDB];
	s0 =	simm.s32 @p2 $0x1  }
0x17: {  	s4 =	simm.s32 $0x1BF5;
	[smem:$0x3FB9] =	sst s0  }
0x18: {  	s0 =	sld [smem:$0x3F9C];
	_ =	swait.ge [sflag:s4], $0x0  }
0x19: {  	s7 =	sld [smem:$0x3F9D]  }
0x1a: {  	s8 =	sadd.s32 $0xFFFFE003, lr  }
0x1b: {  	s9 =	sadd.s32 $0xFFFFFEF7, lr;
	s5 =	simm.s32 $0xFFFFFFFF;
	p2 =	slt.u32 s8, $0xFFFFF086  }
0x1c: {  	p1 =	slt.u32 s9, $0xF7A;
	s5 =	simm.s32 @!p2 $0x0  }
0x1d: {  	s5 =	simm.s32 @p1 $0x1;
	p0 =	seq.s32 s7, s2  }
0x1e: {  	s7 =	smul.u32 @!p0 $0xF7A, s2;
	p2 =	seq.s32 @!p0 s5, $0x0  }
0x1f: {  	s9 =	smul.u32 $0xF7A, s1;
	s8 =	simm.s32 @!p0 $0x1BF5;
	p2 =	por !p2, p0  }
0x20: {  	[sflag:s8] =	ssyncset.s32 @!p0 $0xFFFFF086;
	s6 =	sadd.s32 @!p0 s3, s7;
	s7 =	simm.s32 @!p0 $0x108  }
0x21: {  	s3 =	sadd.s32 s3, s9;
	s6 =	sadd.s32 @!p0 $0x88, s6;
	s7 =	simm.s32 @p2 $0x1082  }
0x22: {  	[simem:s7], [sflag:s8] =	dma.local @!p0 [hbm:s6], $0xF7A  }
0x23: {  	s9 =	sor.u32 $0xD0000000, s2;
	s6 =	simm.s32 $0x108;
	_ =	swait.ge @!p0 [sflag:s8], $0x0  }
0x24: {  	s3 =	sadd.s32 $0x88, s3;
	s6 =	simm.s32 @!p1 $0x1082;
	[sflag:s4] =	ssyncset.s32 $0xFFFFF086  }
0x25: {  	[simem:s6], [sflag:s4] =	dma.local [hbm:s3], $0xF7A  }
0x26: {  	[smem:$0x3F9D] =	sst s1;
	(tag) =	ssettag s2;
	_ =	strace s9  }
0x27: {  	s1 =	sld [smem:$0x3FAD]  }
0x28: {  	s2 =	sld [smem:$0x3FAE]  }
0x29: {  	s4 =	sld [smem:$0x3FB0]  }
0x2a: {  	p0 =	seq.s32 s5, $0x0;
	s5 =	sld [smem:$0x3FB1]  }
0x2b: {  	s6 =	sld [smem:$0x3FB2]  }
0x2c: {  	s7 =	sld [smem:$0x3FB3]  }
0x2d: {  	s3 =	simm.s32 $0x108;
	s8 =	sld [smem:$0x3FB4]  }
0x2e: {  	s3 =	simm.s32 @!p0 $0x1082;
	s9 =	sld [smem:$0x3FB5]  }
0x2f: {  	lr =	sadd.s32 s0, s3;
	s0 =	sld [smem:$0x3FAC]  }
0x30: {  	s3 =	sld [smem:$0x3FAF]  }
0x31: {  	[smem:$0x3FB8] =	sst s10  }
0x32: {  	s10 =	sld [smem:$0x3FB6];
	_ =	sdelay $0x3  }
0x33: {  	p0 =	seq.s32 s10, $0x1;
	s10 =	sld [smem:$0x3FB8];
	_ =	sdelay $0x3  }
0x34: {  	[smem:$0x3FB8] =	sst s10  }
0x35: {  	s10 =	sld [smem:$0x3FB7];
	_ =	sdelay $0x3  }
0x36: {  	p1 =	seq.s32 s10, $0x1;
	s10 =	sld [smem:$0x3FB8];
	_ =	sdelay $0x3  }
0x37: {  	[smem:$0x3FB8] =	sst s10  }
0x38: {  	s10 =	sld [smem:$0x3FB9]  }
0x39: {  	_ = 	snop;
	(pc) =	sbr.ind lr, $3  }
0x3a: {  	_ = 	snop  }
0x3b: {  	_ = 	snop  }
0x3c: {  	p2 =	seq.s32 s10, $0x1;
	s10 =	sld [smem:$0x3FB8]  }
0x3d: {  	_ =	shalt  }
0x3e: {  	_ =	shalt  }
0x3f: {  	_ =	shalt  }
0x40: {  	_ =	shalt  }
0x41: {  	_ =	shalt  }
0x42: {  	_ =	shalt  }
0x43: {  	_ =	shalt  }
0x44: {  	_ =	shalt  }
0x45: {  	_ =	shalt  }
0x46: {  	_ =	shalt  }
0x47: {  	_ =	shalt  }
0x48: {  	_ =	shalt  }
0x49: {  	_ =	shalt  }
0x4a: {  	_ =	shalt  }
0x4b: {  	_ =	shalt  }
0x4c: {  	_ =	shalt  }
0x4d: {  	_ =	shalt  }
0x4e: {  	_ =	shalt  }
0x4f: {  	_ =	shalt  }
0x50: {  	_ =	shalt  }
0x51: {  	_ =	shalt  }
0x52: {  	_ =	shalt  }
0x53: {  	_ =	shalt  }
0x54: {  	_ =	shalt  }
0x55: {  	_ =	shalt  }
0x56: {  	_ =	shalt  }
0x57: {  	_ =	shalt  }
0x58: {  	_ =	shalt  }
0x59: {  	_ =	shalt  }
0x5a: {  	_ =	shalt  }
0x5b: {  	_ =	shalt  }
0x5c: {  	_ =	shalt  }
0x5d: {  	_ =	shalt  }
0x5e: {  	_ =	shalt  }
0x5f: {  	_ =	shalt  }
0x60: {  	_ =	shalt  }
0x61: {  	_ =	shalt  }
0x62: {  	_ =	shalt  }
0x63: {  	_ =	shalt  }
0x64: {  	_ =	shalt  }
0x65: {  	_ =	shalt  }
0x66: {  	_ =	shalt  }
0x67: {  	_ =	shalt  }
0x68: {  	_ =	shalt  }
0x69: {  	_ =	shalt  }
0x6a: {  	_ =	shalt  }
0x6b: {  	_ =	shalt  }
0x6c: {  	_ =	shalt  }
0x6d: {  	_ =	shalt  }
0x6e: {  	_ =	shalt  }
0x6f: {  	_ =	shalt  }
0x70: {  	_ =	shalt  }
0x71: {  	_ =	shalt  }
0x72: {  	_ =	shalt  }
0x73: {  	_ =	shalt  }
0x74: {  	_ =	shalt  }
0x75: {  	_ =	shalt  }
0x76: {  	_ =	shalt  }
0x77: {  	_ =	shalt  }
0x78: {  	_ =	shalt  }
0x79: {  	_ =	shalt  }
0x7a: {  	_ =	shalt  }
0x7b: {  	_ =	shalt  }
0x7c: {  	_ =	shalt  }
0x7d: {  	_ =	shalt  }
0x7e: {  	_ =	shalt  }
0x7f: {  	_ =	shalt  }
0x80: {  	_ =	shalt  }
0x81: {  	_ =	shalt  }
0x82: {  	_ =	shalt  }
0x83: {  	_ =	shalt  }
0x84: {  	_ =	shalt  }
0x85: {  	_ =	shalt  }
0x86: {  	_ =	shalt  }
0x87: {  	_ =	shalt  }
.Lfunc_end0:
.L_simem_size_0:
called_computation_lowered:
.L_overlay_start_0:
0x88: {  	s2 =	sld [smem:$0x3FD9]  }
0x89: {  	s3 =	sld [smem:$0x3FFE];
	_ =	sdelay $0x1  }
0x8a: {  	s1 =	srdreg.scid  }
0x8b: {  	s0 =	sand.u32 $0x1, s1  }
0x8c: {  	s14 =	sshll.u32 s0, $0xA;
	s2 =	sadd.s32 s3, s2  }
0x8d: {  	s2 =	sadd.s32 s2, s14  }
0x8e: {  	[smem:$0x3FC4] =	sst s2  }
0x8f: {  	_ = 	snop  }
0x90: {  	s2 =	sld [smem:$0x3FD0];
	_ =	sdelay $0x2  }
0x91: {  	s4 =	simm.s32 $0xA;
	s5 =	simm.s32 $0x10;
	s15 =	sld [smem:$0x3FC6]  }
0x92: {  	[smem:s5], [sflag:s4] =	dma.local [hbm:s2], $0x1  }
0x93: {  	_ =	swait.eq [sflag:s4], $0x1  }
0x94: {  	[sflag:s4] =	ssyncset.done $0x0  }
0x95: {  	[sflag:s4] =	ssyncadd.s32 $0xFFFFFFFF  }
0x96: {  	s16 =	sld [smem:$0x11];
	(tm) =	ssettm $0x1  }
0x97: {  	s17 =	sld [smem:$0x3FFB];
	_ =	sdelay $0x3  }
0x98: {  	_ =	strace s17  }
0x99: {  	s4 =	sld [smem:$0x3FFC];
	_ =	sdelay $0x3  }
0x9a: {  	_ =	strace s4  }
0x9b: {  	s4 =	sld [smem:$0x3FFD];
	_ =	sdelay $0x3  }
0x9c: {  	_ =	strace s4  }
0x9d: {  	_ =	strace $0x8FFFFFFF  }
0x9e: {  	s18 =	sld [smem:$0x3FDB];
	_ =	sdelay $0x1  }
0x9f: {  	s19 =	simm.s32 $_scs_section_size  }
0xa0: {  	s6 =	simm.s32 $_size__tile_overlayer_lowered;
	s7 =	simm.s32 $_tile_overlayer_lowered  }
0xa1: {  	s22 =	simm.s32 $0x1BFF;
	s21 =	sshll.u32 s7, $0x1;
	s4 =	sadd.s32 s19, s18  }
0xa2: {  	s8 =	simm.s32 $0x0;
	s20 =	sshll.u32 s6, $0x1;
	s6 =	sadd.s32 s21, s4  }
0xa3: {  	[timem:s8], [sflag:s22] =	dma.local [hbm:s6], s20  }
0xa4: {  	_ =	swait.ge [sflag:s22], s20  }
0xa5: {  	s5 =	ssub.s32 $0x0, s20;
	[sflag:s22] =	ssyncset.done $0x0  }
0xa6: {  	[sflag:s22] =	ssyncadd.s32 s5;
	_ =	sdelay $0x1  }
0xa7: {  	s23 =	simm.s32 $0x1B8B  }
0xa8: {  	_ =	swait.ge [sflag:s23], $0x1  }
0xa9: {  	[sflag:s23] =	ssyncset.done $0x0  }
0xaa: {  	s25 =	simm.s32 $0x1B8E;
	s24 =	sld [smem:$0x3FFE];
	[sflag:s23] =	ssyncadd.s32 $0xFFFFFFFF  }
0xab: {  	s26 =	simm.s32 $execute0_lowered;
	[smem:$0x3FD2] =	sst s25  }
0xac: {  	s6 =	sshll.u32 s26, $0x1;
	_ =	strace $0x80000046;
	[dreg:$0x1] =	wrdreg $0xFFFFFFFF  }
0xad: {  	s28 =	simm.s32 $_size_execute0_lowered;
	s4 =	sadd.s32 s4, s6;
	[dreg:$0x0] =	wrdreg $0x0  }
0xae: {  	s6 =	sshll.u32 s28, $0x1;
	[dreg:$0x2] =	wrdreg s4  }
0xaf: {  	[dreg:$0x3] =	wrdreg s6  }
0xb0: {  	[dreg:$0x4] =	wrdreg $0xC0  }
0xb1: {  	_ =	task [dreg:s8], $0x5FFFF  }
0xb2: {  	[dreg:$0x1] =	wrdreg $0xFFFFFFFF  }
0xb3: {  	[dreg:$0x0] =	wrdreg $0x60  }
0xb4: {  	[dreg:$0x2] =	wrdreg s24  }
0xb5: {  	[dreg:$0x3] =	wrdreg s15  }
0xb6: {  	[dreg:$0x4] =	wrdreg s16  }
0xb7: {  	[dreg:$0x5] =	wrdreg $0x9  }
0xb8: {  	_ =	task.clear_ibuf [dreg:s8], $0x6FFFF;
	_ =	strace $0x90000046  }
0xb9: {  	s29 =	simm.s32 $0x9;
	_ =	strace $0x80000048  }
0xba: {  	_ =	swait.ge [sflag:s29], $0x1  }
0xbb: {  	[sflag:s29] =	ssyncadd.s32 $0xFFFFFFFF  }
0xbc: {  	_ =	strace $0x90000048  }
0xbd: {  	_ =	sfence  }
0xbe: {  	s30 =	sld [smem:$0x0];
	_ =	sdelay $0x2  }
0xbf: {  	s31 =	sshll.u32 s1, $0xD;
	s1 =	sshrl.u32 s1, $0x2  }
0xc0: {  	s3 =	sand.u32 $0x4000, s31;
	s1 =	sadd.s32 s1, s30  }
0xc1: {  	s0 =	sor.u32 s3, s0;
	s1 =	sshll.u32 s1, $0x11  }
0xc2: {  	s0 =	sor.u32 s1, s0  }
0xc3: {  	s0 =	sadd.s32 $0x8F2B, s0  }
0xc4: {  	[sflag:s0] =	ssyncadd.remote.s32 $0x1  }
0xc5: {  	_ =	sfence.sel $0xFFFF  }
0xc6: {  	[dreg:$0x0] =	wrdreg $0xFFFFFFFF;
	(pc) =	sbr.abs _section_cstart, $3  }
0xc7: {  	[dreg:$0x1] =	wrdreg $0xFFFFFFFF  }
0xc8: {  	_ =	task.clear_ibuf [dreg:s8], $0x2FFFF;
	_ =	strace $0x9FFFFFFF  }
0xc9: {  	(tm) =	ssettm $0x7FFFFFFF  }
tec
execute0_lowered:
.L_overlay_start_1:
0x0: {  	(tag) =	ssettag $0x1  }
0x1: {  	s6 =	rddreg [dreg:$0x0]  }
0x2: {  	s2 =	rddreg [dreg:$0x1];
	s1 =	srdreg.scid  }
0x3: {  	s0 =	stileid.u32;
	s7 =	rddreg [dreg:$0x2];
	s4 =	simm.s32 $0x0  }
0x4: {  	s13 =	simm.s32 $0xFC00;
	s14 =	simm.s32 $0x80;
	s15 =	simm.s32 $0x400  }
0x5: {  	s5 =	sand.u32 $0x1, s1;
	s3 =	sshll.u32 s0, $0x1;
	s1 =	rddreg [dreg:$0x3]  }
0x6: {  	s8 =	sshrl.u32 s0, $0x2;
	[smem:$0x7FF] =	sst s4;
	p0 =	slt.u32 s0, $0xD  }
0x7: {  	s3 =	sor.u32 s5, s3;
	s10 =	smul.u32 $0x3400, s8;
	_ =	strace $0x80000047  }
0x8: {  	s11 =	ssub.s32 $0x2, s5;
	s8 =	smul.u32 $0x19000, s8;
	s9 =	sshll.u32 s3, $0x7  }
0x9: {  	s5 =	sadd.s32 $0xE00, s6;
	s12 =	sshrl.u32 s11, $0x1;
	s9 =	sand.u32 $0x380, s9  }
.Ltmp0:
0xa: {  	v0 =	vimm.f32 $0.0e+00;
	v1 =	vlaneseq.u32;
	s31 =	ssub.s32 s11, s12;
	s11 =	simm.s32 $0xC800;
	(pc) =	sbr.rel .LBB2_1-.Ltmp0, $4  }
0xb: {  	vm0 =	vcmask $0x300;
	v10 =	vimm.s32 $0x0;
	v2 =	vor.u32 $0x10, v1;
	s12 =	simm.s32 $0xCA00;
	s10 =	sor.u32 s10, s9;
	s8 =	sor.u32 s8, s9  }
0xc: {  	v3 =	vor.u32 $0x20, v1;
	v4 =	vor.u32 $0x30, v1;
	v5 =	vor.u32 $0x40, v1;
	s9 =	smax.u32 s31, $0x1;
	s10 =	sshrl.u32 s10, $0x3;
	s8 =	sshrl.u32 s8, $0x3  }
0xd: {  	v6 =	vor.u32 $0x50, v1;
	v7 =	vor.u32 $0x60, v1;
	v8 =	vor.u32 $0x70, v1;
	s10 =	sadd.s32 s10, s6;
	s6 =	simm.s32 $0x8;
	s7 =	sadd.s32 s7, s8  }
0xe: {  	v9 =	vsel vm0, $0x41800000, v0;
	v10 =	vsel vm0, $0x7, v10;
	v11 =	vsel vm0, $0x3F800000, v0;
	s6 =	simm.s32 @!p0 $0x7;
	s8 =	sadd.s32 $0x187800, s10;
	s10 =	simm.s32 $0x1  }
.LBB2_10:
0xf: {  	[hbm4b:s7+s14] =	stream.strided.scatter [tilespmem:s12], [sflag:$0x1], $0x3200, s15, s14, $0x38;
	[tilespmem:$0x10280] =	vst v63  }
0x10: {  	s4 =	sadd.s32 $0x1, s4;
	_ =	swait.ge [sflag:s10], $0x3200  }
0x11: {  	p0 =	sne.s32 s4, s9;
	[sflag:s10] =	ssyncset.done $0x0  }
.Ltmp1:
0x12: {  	[sflag:s10] =	ssyncadd.s32 $0xFFFFCE00;
	(pc) =	sbr.rel @!p0 .LBB2_11-.Ltmp1, $4  }
0x13: {  	[hbm4b:s8+s14] =	stream.strided.scatter [tilespmem:s13], [sflag:$0x1], $0x680, s15, s14, $0x38;
	[tilespmem:$0x10280] =	vst v63  }
0x14: {  	_ =	swait.ge [sflag:s10], $0x680  }
0x15: {  	[sflag:s10] =	ssyncset.done $0x0  }
0x16: {  	[sflag:s10] =	ssyncadd.s32 $0xFFFFF980  }
.LBB2_1:
0x17: {  	s16 =	simm.s32 $0xCA40  }
0x18: {  	[tilespmem:s16+$0xFFFFFFD0] =	vst v0  }
0x19: {  	[tilespmem:s16+$0xFFFFFFE0] =	vst v0  }
0x1a: {  	[tilespmem:s16+$0xFFFFFFF0] =	vst v0  }
0x1b: {  	[tilespmem:s16+$0x0] =	vst v0  }
0x1c: {  	[tilespmem:s16+$0x10] =	vst v0  }
0x1d: {  	[tilespmem:s16+$0x20] =	vst v0  }
0x1e: {  	[tilespmem:s16+$0x30] =	vst v0  }
0x1f: {  	s18 =	simm.s32 $0x0;
	s17 =	simm.s32 $0x40;
	[tilespmem:s16+$0xFFFFFFC0] =	vst v0  }
.LBB2_2:
0x20: {  	p0 =	sne.s32 s17, $0x18C0;
	[tilespmem:s18+$0xFC00] =	vst v0;
	s16 =	sadd.s32 $0x80, s16  }
0x21: {  	[tilespmem:s16+$0xFFFFFFD0] =	vst v0  }
0x22: {  	[tilespmem:s16+$0xFFFFFFE0] =	vst v0  }
0x23: {  	[tilespmem:s16+$0xFFFFFFF0] =	vst v0  }
.Ltmp2:
0x24: {  	[tilespmem:s16+$0x0] =	vst v0;
	(pc) =	sbr.rel @p0 .LBB2_2-.Ltmp2, $4  }
0x25: {  	[tilespmem:s16+$0x10] =	vst v0  }
0x26: {  	[tilespmem:s16+$0x20] =	vst v0  }
0x27: {  	[tilespmem:s16+$0x30] =	vst v0  }
0x28: {  	s18 =	sshra.s32 s17, $0x2;
	s17 =	sadd.s32 $0x40, s17;
	[tilespmem:s16+$0xFFFFFFC0] =	vst v0  }
.Ltmp3:
0x29: {  	(pc) =	sbr.rel .LBB2_4-.Ltmp3, $2  }
0x2a: {  	_ =	sdelay $0x2  }
0x2b: {  	[tilespmem:s18+$0xFC00] =	vst v0;
	s16 =	simm.s32 $0x0;
	s17 =	simm.s32 $0x0  }
.LBB2_9:
0x2c: {  	s17 =	sadd.s32 $0x1, s17  }
0x2d: {  	p0 =	sne.s32 s17, s6  }
.Ltmp4:
0x2e: {  	_ = 	snop;
	(pc) =	sbr.rel @!p0 .LBB2_10-.Ltmp4, $1  }
0x2f: {  	_ =	sdelay $0x3  }
.LBB2_4:
0x30: {  	s18 =	sshll.u32 s17, $0x5  }
0x31: {  	s18 =	sor.u32 s3, s18  }
0x32: {  	s19 =	smul.u32 $0xC800, s18;
	_ =	sdelay $0x1  }
0x33: {  	s19 =	sshrl.u32 s19, $0x3  }
0x34: {  	s18 =	smul.u32 $0x190, s18;
	s19 =	sadd.s32 s5, s19  }
0x35: {  	[tilespmem:s16], [sflag:$0x1] =	stream.linear.gather [hbm4b:s19+s16], $0xC800, $0x38;
	[tilespmem:$0x10280] =	vst v63  }
0x36: {  	_ =	swait.ge [sflag:s10], $0xC800  }
0x37: {  	s18 =	sshrl.u32 s18, $0x3;
	[sflag:s10] =	ssyncset.done $0x0  }
.Ltmp5:
0x38: {  	s18 =	sadd.s32 s2, s18;
	[sflag:s10] =	ssyncadd.s32 $0xFFFF3800;
	(pc) =	sbr.rel .LBB2_5-.Ltmp5, $4  }
0x39: {  	[tilespmem:s11], [sflag:$0x1] =	stream.linear.gather [hbm4b:s18+s16], $0x190, $0x38;
	[tilespmem:$0x10280] =	vst v63  }
0x3a: {  	_ =	swait.ge [sflag:s10], $0x190  }
0x3b: {  	[sflag:s10] =	ssyncset.done $0x0  }
0x3c: {  	s18 =	simm.s32 $0x0;
	[sflag:s10] =	ssyncadd.s32 $0xFFFFFE70  }
.LBB2_7:
0x3d: {  	v14 =	vmov s22  }
0x3e: {  	v14 =	vshrl.u32 v14, $0x7  }
0x3f: {  	v14 =	vshll.u32 v14, v10  }
0x40: {  	v14 =	vbroadcast v14, $0x0;
	_ =	sdelay $0x1  }
0x41: {  	v15 =	vor.u32 v1, v14;
	_ =	sdelay $0x4  }
0x42: {  	[tilespmem:v15+s12+$0x0] =	vst.idx.add.f32.msk $0xffff, v13  }
0x43: {  	v43 =	vor.u32 v2, v14;
	v13 =	vld [tilespmem:s19+$0x10];
	_ =	sdelay $0x4  }
0x44: {  	[tilespmem:v43+s12+$0x0] =	vst.idx.add.f32.msk $0xffff, v13  }
0x45: {  	v44 =	vor.u32 v3, v14;
	v13 =	vld [tilespmem:s19+$0x20];
	_ =	sdelay $0x4  }
0x46: {  	[tilespmem:v44+s12+$0x0] =	vst.idx.add.f32.msk $0xffff, v13  }
0x47: {  	v45 =	vor.u32 v4, v14;
	v13 =	vld [tilespmem:s19+$0x30];
	_ =	sdelay $0x4  }
0x48: {  	[tilespmem:v45+s12+$0x0] =	vst.idx.add.f32.msk $0xffff, v13  }
0x49: {  	v46 =	vor.u32 v5, v14;
	v13 =	vld [tilespmem:s19+$0x40];
	_ =	sdelay $0x2  }
0x4a: {  	(v2sf) =	vpush v12, $0x1;
	_ =	sdelay $0x1  }
0x4b: {  	[tilespmem:v46+s12+$0x0] =	vst.idx.add.f32.msk $0xffff, v13  }
0x4c: {  	v47 =	vor.u32 v6, v14;
	v13 =	vld [tilespmem:s19+$0x50];
	_ =	sdelay $0x4  }
0x4d: {  	[tilespmem:v47+s12+$0x0] =	vst.idx.add.f32.msk $0xffff, v13  }
0x4e: {  	v48 =	vor.u32 v7, v14;
	v13 =	vld [tilespmem:s19+$0x60];
	_ =	sdelay $0x4  }
0x4f: {  	[tilespmem:v48+s12+$0x0] =	vst.idx.add.f32.msk $0xffff, v13  }
0x50: {  	s21 =	sshll.u32 s21, $0x4;
	v14 =	vor.u32 v8, v14;
	s23 =	spop (v2sf);
	v13 =	vld [tilespmem:s19+$0x70]  }
0x51: {  	v49 =	vor.u32 s21, v1;
	s24 =	sshll.u32 s23, $0x7  }
0x52: {  	v16 =	vmov s24  }
0x53: {  	v16 =	vshrl.u32 v16, $0x7  }
0x54: {  	v16 =	vshll.u32 v16, v10  }
0x55: {  	v50 =	vbroadcast v16, $0x0;
	[tilespmem:v14+s12+$0x0] =	vst.idx.add.f32.msk $0xffff, v13  }
0x56: {  	[tilespmem:v49+s13+$0x0] =	vst.idx.add.f32.msk $0xffff, v11  }
0x57: {  	v51 =	vor.u32 v1, v50;
	v14 =	vld [tilespmem:s19+$0x80];
	_ =	sdelay $0x4  }
0x58: {  	[tilespmem:v51+s12+$0x0] =	vst.idx.add.f32.msk $0xffff, v14  }
0x59: {  	v52 =	vor.u32 v2, v50;
	v14 =	vld [tilespmem:s19+$0x90];
	_ =	sdelay $0x4  }
0x5a: {  	[tilespmem:v52+s12+$0x0] =	vst.idx.add.f32.msk $0xffff, v14  }
0x5b: {  	v53 =	vor.u32 v3, v50;
	v14 =	vld [tilespmem:s19+$0xA0];
	_ =	sdelay $0x4  }
0x5c: {  	[tilespmem:v53+s12+$0x0] =	vst.idx.add.f32.msk $0xffff, v14  }
0x5d: {  	v54 =	vor.u32 v4, v50;
	v14 =	vld [tilespmem:s19+$0xB0];
	_ =	sdelay $0x4  }
0x5e: {  	[tilespmem:v54+s12+$0x0] =	vst.idx.add.f32.msk $0xffff, v14  }
0x5f: {  	v55 =	vor.u32 v5, v50;
	v14 =	vld [tilespmem:s19+$0xC0];
	_ =	sdelay $0x2  }
0x60: {  	(v2sf) =	vpush v12, $0x2;
	_ =	sdelay $0x1  }
0x61: {  	[tilespmem:v55+s12+$0x0] =	vst.idx.add.f32.msk $0xffff, v14  }
0x62: {  	v56 =	vor.u32 v6, v50;
	v14 =	vld [tilespmem:s19+$0xD0];
	_ =	sdelay $0x4  }
0x63: {  	[tilespmem:v56+s12+$0x0] =	vst.idx.add.f32.msk $0xffff, v14  }
0x64: {  	v57 =	vor.u32 v7, v50;
	v14 =	vld [tilespmem:s19+$0xE0];
	_ =	sdelay $0x4  }
0x65: {  	[tilespmem:v57+s12+$0x0] =	vst.idx.add.f32.msk $0xffff, v14  }
0x66: {  	s25 =	sshll.u32 s23, $0x4;
	s26 =	spop (v2sf);
	v13 =	vor.u32 v8, v50;
	v14 =	vld [tilespmem:s19+$0xF0]  }
0x67: {  	v58 =	vor.u32 s25, v1;
	s28 =	sshll.u32 s26, $0x7  }
0x68: {  	v59 =	vmov s28  }
0x69: {  	v16 =	vshrl.u32 v59, $0x7  }
0x6a: {  	v16 =	vshll.u32 v16, v10  }
0x6b: {  	v60 =	vbroadcast v16, $0x0;
	[tilespmem:v13+s12+$0x0] =	vst.idx.add.f32.msk $0xffff, v14  }
0x6c: {  	[tilespmem:v58+s13+$0x0] =	vst.idx.add.f32.msk $0xffff, v11  }
0x6d: {  	v61 =	vor.u32 v1, v60;
	v14 =	vld [tilespmem:s19+$0x100];
	_ =	sdelay $0x4  }
0x6e: {  	[tilespmem:v61+s12+$0x0] =	vst.idx.add.f32.msk $0xffff, v14  }
0x6f: {  	v62 =	vor.u32 v2, v60;
	v14 =	vld [tilespmem:s19+$0x110];
	_ =	sdelay $0x4  }
0x70: {  	[tilespmem:v62+s12+$0x0] =	vst.idx.add.f32.msk $0xffff, v14  }
0x71: {  	v63 =	vor.u32 v3, v60;
	v14 =	vld [tilespmem:s19+$0x120];
	_ =	sdelay $0x4  }
0x72: {  	[tilespmem:v63+s12+$0x0] =	vst.idx.add.f32.msk $0xffff, v14  }
0x73: {  	v18 =	vor.u32 v4, v60;
	v14 =	vld [tilespmem:s19+$0x130];
	_ =	sdelay $0x4  }
0x74: {  	[tilespmem:v18+s12+$0x0] =	vst.idx.add.f32.msk $0xffff, v14  }
0x75: {  	v19 =	vor.u32 v5, v60;
	v14 =	vld [tilespmem:s19+$0x140];
	_ =	sdelay $0x2  }
0x76: {  	(v2sf) =	vpush v12, $0x3;
	_ =	sdelay $0x1  }
0x77: {  	[tilespmem:v19+s12+$0x0] =	vst.idx.add.f32.msk $0xffff, v14  }
0x78: {  	v20 =	vor.u32 v6, v60;
	v14 =	vld [tilespmem:s19+$0x150];
	_ =	sdelay $0x4  }
0x79: {  	[tilespmem:v20+s12+$0x0] =	vst.idx.add.f32.msk $0xffff, v14  }
0x7a: {  	v21 =	vor.u32 v7, v60;
	v14 =	vld [tilespmem:s19+$0x160];
	_ =	sdelay $0x4  }
0x7b: {  	[tilespmem:v21+s12+$0x0] =	vst.idx.add.f32.msk $0xffff, v14  }
0x7c: {  	s29 =	sshll.u32 s26, $0x4;
	s30 =	spop (v2sf);
	v13 =	vor.u32 v8, v60;
	v14 =	vld [tilespmem:s19+$0x170]  }
0x7d: {  	v22 =	vor.u32 s29, v1;
	s31 =	sshll.u32 s30, $0x7  }
0x7e: {  	v23 =	vmov s31  }
0x7f: {  	v16 =	vshrl.u32 v23, $0x7  }
0x80: {  	v16 =	vshll.u32 v16, v10  }
0x81: {  	v24 =	vbroadcast v16, $0x0;
	[tilespmem:v13+s12+$0x0] =	vst.idx.add.f32.msk $0xffff, v14  }
0x82: {  	[tilespmem:v22+s13+$0x0] =	vst.idx.add.f32.msk $0xffff, v11  }
0x83: {  	v25 =	vor.u32 v1, v24;
	v14 =	vld [tilespmem:s19+$0x180];
	_ =	sdelay $0x4  }
0x84: {  	[tilespmem:v25+s12+$0x0] =	vst.idx.add.f32.msk $0xffff, v14  }
0x85: {  	v26 =	vor.u32 v2, v24;
	v14 =	vld [tilespmem:s19+$0x190];
	_ =	sdelay $0x4  }
0x86: {  	[tilespmem:v26+s12+$0x0] =	vst.idx.add.f32.msk $0xffff, v14  }
0x87: {  	v27 =	vor.u32 v3, v24;
	v14 =	vld [tilespmem:s19+$0x1A0];
	_ =	sdelay $0x4  }
0x88: {  	[tilespmem:v27+s12+$0x0] =	vst.idx.add.f32.msk $0xffff, v14  }
0x89: {  	v28 =	vor.u32 v4, v24;
	v14 =	vld [tilespmem:s19+$0x1B0];
	_ =	sdelay $0x4  }
0x8a: {  	[tilespmem:v28+s12+$0x0] =	vst.idx.add.f32.msk $0xffff, v14  }
0x8b: {  	v29 =	vor.u32 v5, v24;
	v14 =	vld [tilespmem:s19+$0x1C0];
	_ =	sdelay $0x2  }
0x8c: {  	(v2sf) =	vpush v12, $0x4;
	_ =	sdelay $0x1  }
0x8d: {  	[tilespmem:v29+s12+$0x0] =	vst.idx.add.f32.msk $0xffff, v14  }
0x8e: {  	v30 =	vor.u32 v6, v24;
	v14 =	vld [tilespmem:s19+$0x1D0];
	_ =	sdelay $0x4  }
0x8f: {  	[tilespmem:v30+s12+$0x0] =	vst.idx.add.f32.msk $0xffff, v14  }
0x90: {  	v31 =	vor.u32 v7, v24;
	v14 =	vld [tilespmem:s19+$0x1E0];
	_ =	sdelay $0x4  }
0x91: {  	[tilespmem:v31+s12+$0x0] =	vst.idx.add.f32.msk $0xffff, v14  }
0x92: {  	s22 =	sshll.u32 s30, $0x4;
	s23 =	spop (v2sf);
	v13 =	vor.u32 v8, v24;
	v14 =	vld [tilespmem:s19+$0x1F0]  }
0x93: {  	v32 =	vor.u32 s22, v1;
	s24 =	sshll.u32 s23, $0x7  }
0x94: {  	v33 =	vmov s24  }
0x95: {  	v16 =	vshrl.u32 v33, $0x7  }
0x96: {  	v16 =	vshll.u32 v16, v10  }
0x97: {  	v34 =	vbroadcast v16, $0x0;
	[tilespmem:v13+s12+$0x0] =	vst.idx.add.f32.msk $0xffff, v14  }
0x98: {  	[tilespmem:v32+s13+$0x0] =	vst.idx.add.f32.msk $0xffff, v11  }
0x99: {  	v35 =	vor.u32 v1, v34;
	v14 =	vld [tilespmem:s19+$0x200];
	_ =	sdelay $0x4  }
0x9a: {  	[tilespmem:v35+s12+$0x0] =	vst.idx.add.f32.msk $0xffff, v14  }
0x9b: {  	v36 =	vor.u32 v2, v34;
	v14 =	vld [tilespmem:s19+$0x210];
	_ =	sdelay $0x4  }
0x9c: {  	[tilespmem:v36+s12+$0x0] =	vst.idx.add.f32.msk $0xffff, v14  }
0x9d: {  	v37 =	vor.u32 v3, v34;
	v14 =	vld [tilespmem:s19+$0x220];
	_ =	sdelay $0x4  }
0x9e: {  	[tilespmem:v37+s12+$0x0] =	vst.idx.add.f32.msk $0xffff, v14  }
0x9f: {  	v38 =	vor.u32 v4, v34;
	v14 =	vld [tilespmem:s19+$0x230];
	_ =	sdelay $0x4  }
0xa0: {  	[tilespmem:v38+s12+$0x0] =	vst.idx.add.f32.msk $0xffff, v14  }
0xa1: {  	v39 =	vor.u32 v5, v34;
	v14 =	vld [tilespmem:s19+$0x240];
	_ =	sdelay $0x2  }
0xa2: {  	(v2sf) =	vpush v12, $0x5;
	_ =	sdelay $0x1  }
0xa3: {  	[tilespmem:v39+s12+$0x0] =	vst.idx.add.f32.msk $0xffff, v14  }
0xa4: {  	v40 =	vor.u32 v6, v34;
	v14 =	vld [tilespmem:s19+$0x250];
	_ =	sdelay $0x4  }
0xa5: {  	[tilespmem:v40+s12+$0x0] =	vst.idx.add.f32.msk $0xffff, v14  }
0xa6: {  	v41 =	vor.u32 v7, v34;
	v14 =	vld [tilespmem:s19+$0x260];
	_ =	sdelay $0x4  }
0xa7: {  	[tilespmem:v41+s12+$0x0] =	vst.idx.add.f32.msk $0xffff, v14  }
0xa8: {  	s25 =	sshll.u32 s23, $0x4;
	s26 =	spop (v2sf);
	v13 =	vor.u32 v8, v34;
	v14 =	vld [tilespmem:s19+$0x270]  }
0xa9: {  	v42 =	vor.u32 s25, v1;
	s28 =	sshll.u32 s26, $0x7  }
0xaa: {  	v43 =	vmov s28  }
0xab: {  	v16 =	vshrl.u32 v43, $0x7  }
0xac: {  	v16 =	vshll.u32 v16, v10  }
0xad: {  	v44 =	vbroadcast v16, $0x0;
	[tilespmem:v13+s12+$0x0] =	vst.idx.add.f32.msk $0xffff, v14  }
0xae: {  	[tilespmem:v42+s13+$0x0] =	vst.idx.add.f32.msk $0xffff, v11  }
0xaf: {  	v45 =	vor.u32 v1, v44;
	v14 =	vld [tilespmem:s19+$0x280];
	_ =	sdelay $0x4  }
0xb0: {  	[tilespmem:v45+s12+$0x0] =	vst.idx.add.f32.msk $0xffff, v14  }
0xb1: {  	v46 =	vor.u32 v2, v44;
	v14 =	vld [tilespmem:s19+$0x290];
	_ =	sdelay $0x4  }
0xb2: {  	[tilespmem:v46+s12+$0x0] =	vst.idx.add.f32.msk $0xffff, v14  }
0xb3: {  	v47 =	vor.u32 v3, v44;
	v14 =	vld [tilespmem:s19+$0x2A0];
	_ =	sdelay $0x4  }
0xb4: {  	[tilespmem:v47+s12+$0x0] =	vst.idx.add.f32.msk $0xffff, v14  }
0xb5: {  	v48 =	vor.u32 v4, v44;
	v14 =	vld [tilespmem:s19+$0x2B0];
	_ =	sdelay $0x4  }
0xb6: {  	[tilespmem:v48+s12+$0x0] =	vst.idx.add.f32.msk $0xffff, v14  }
0xb7: {  	v49 =	vor.u32 v5, v44;
	v14 =	vld [tilespmem:s19+$0x2C0];
	_ =	sdelay $0x2  }
0xb8: {  	(v2sf) =	vpush v12, $0x6;
	_ =	sdelay $0x1  }
0xb9: {  	[tilespmem:v49+s12+$0x0] =	vst.idx.add.f32.msk $0xffff, v14  }
0xba: {  	v50 =	vor.u32 v6, v44;
	v14 =	vld [tilespmem:s19+$0x2D0];
	_ =	sdelay $0x4  }
0xbb: {  	[tilespmem:v50+s12+$0x0] =	vst.idx.add.f32.msk $0xffff, v14  }
0xbc: {  	v51 =	vor.u32 v7, v44;
	v14 =	vld [tilespmem:s19+$0x2E0];
	_ =	sdelay $0x4  }
0xbd: {  	[tilespmem:v51+s12+$0x0] =	vst.idx.add.f32.msk $0xffff, v14  }
0xbe: {  	s29 =	sshll.u32 s26, $0x4;
	s30 =	spop (v2sf);
	v13 =	vor.u32 v8, v44;
	v14 =	vld [tilespmem:s19+$0x2F0]  }
0xbf: {  	v52 =	vor.u32 s29, v1;
	s31 =	sshll.u32 s30, $0x7  }
0xc0: {  	v53 =	vmov s31  }
0xc1: {  	v16 =	vshrl.u32 v53, $0x7  }
0xc2: {  	v16 =	vshll.u32 v16, v10  }
0xc3: {  	v54 =	vbroadcast v16, $0x0;
	[tilespmem:v13+s12+$0x0] =	vst.idx.add.f32.msk $0xffff, v14  }
0xc4: {  	[tilespmem:v52+s13+$0x0] =	vst.idx.add.f32.msk $0xffff, v11  }
0xc5: {  	v55 =	vor.u32 v1, v54;
	v14 =	vld [tilespmem:s19+$0x300];
	_ =	sdelay $0x4  }
0xc6: {  	[tilespmem:v55+s12+$0x0] =	vst.idx.add.f32.msk $0xffff, v14  }
0xc7: {  	v56 =	vor.u32 v2, v54;
	v14 =	vld [tilespmem:s19+$0x310];
	_ =	sdelay $0x4  }
0xc8: {  	[tilespmem:v56+s12+$0x0] =	vst.idx.add.f32.msk $0xffff, v14  }
0xc9: {  	v57 =	vor.u32 v3, v54;
	v14 =	vld [tilespmem:s19+$0x320];
	_ =	sdelay $0x4  }
0xca: {  	[tilespmem:v57+s12+$0x0] =	vst.idx.add.f32.msk $0xffff, v14  }
0xcb: {  	v58 =	vor.u32 v4, v54;
	v14 =	vld [tilespmem:s19+$0x330];
	_ =	sdelay $0x4  }
0xcc: {  	[tilespmem:v58+s12+$0x0] =	vst.idx.add.f32.msk $0xffff, v14  }
0xcd: {  	v59 =	vor.u32 v5, v54;
	v14 =	vld [tilespmem:s19+$0x340];
	_ =	sdelay $0x2  }
0xce: {  	(v2sf) =	vpush v12, $0x7;
	_ =	sdelay $0x1  }
0xcf: {  	[tilespmem:v59+s12+$0x0] =	vst.idx.add.f32.msk $0xffff, v14  }
0xd0: {  	v60 =	vor.u32 v6, v54;
	v14 =	vld [tilespmem:s19+$0x350];
	_ =	sdelay $0x4  }
0xd1: {  	[tilespmem:v60+s12+$0x0] =	vst.idx.add.f32.msk $0xffff, v14  }
0xd2: {  	v61 =	vor.u32 v7, v54;
	v14 =	vld [tilespmem:s19+$0x360];
	_ =	sdelay $0x4  }
0xd3: {  	[tilespmem:v61+s12+$0x0] =	vst.idx.add.f32.msk $0xffff, v14  }
0xd4: {  	s22 =	sshll.u32 s30, $0x4;
	s23 =	spop (v2sf);
	v13 =	vor.u32 v8, v54;
	v14 =	vld [tilespmem:s19+$0x370]  }
0xd5: {  	s24 =	sshll.u32 s23, $0x7;
	v62 =	vor.u32 s22, v1  }
0xd6: {  	v63 =	vmov s24  }
0xd7: {  	v16 =	vshrl.u32 v63, $0x7  }
0xd8: {  	v16 =	vshll.u32 v16, v10  }
0xd9: {  	v20 =	vbroadcast v16, $0x0;
	[tilespmem:v13+s12+$0x0] =	vst.idx.add.f32.msk $0xffff, v14  }
0xda: {  	[tilespmem:v62+s13+$0x0] =	vst.idx.add.f32.msk $0xffff, v11  }
0xdb: {  	v21 =	vor.u32 v1, v20;
	v14 =	vld [tilespmem:s19+$0x380];
	_ =	sdelay $0x4  }
0xdc: {  	[tilespmem:v21+s12+$0x0] =	vst.idx.add.f32.msk $0xffff, v14  }
0xdd: {  	v22 =	vor.u32 v2, v20;
	v14 =	vld [tilespmem:s19+$0x390];
	_ =	sdelay $0x4  }
0xde: {  	[tilespmem:v22+s12+$0x0] =	vst.idx.add.f32.msk $0xffff, v14  }
0xdf: {  	v23 =	vor.u32 v3, v20;
	v14 =	vld [tilespmem:s19+$0x3A0];
	_ =	sdelay $0x4  }
0xe0: {  	[tilespmem:v23+s12+$0x0] =	vst.idx.add.f32.msk $0xffff, v14  }
0xe1: {  	v24 =	vor.u32 v4, v20;
	v14 =	vld [tilespmem:s19+$0x3B0];
	_ =	sdelay $0x4  }
0xe2: {  	[tilespmem:v24+s12+$0x0] =	vst.idx.add.f32.msk $0xffff, v14  }
0xe3: {  	v25 =	vor.u32 v5, v20;
	v14 =	vld [tilespmem:s19+$0x3C0];
	_ =	sdelay $0x2  }
0xe4: {  	(v2sf) =	vpush v12, $0x8;
	_ =	sdelay $0x1  }
0xe5: {  	[tilespmem:v25+s12+$0x0] =	vst.idx.add.f32.msk $0xffff, v14  }
0xe6: {  	v26 =	vor.u32 v6, v20;
	v14 =	vld [tilespmem:s19+$0x3D0];
	_ =	sdelay $0x4  }
0xe7: {  	[tilespmem:v26+s12+$0x0] =	vst.idx.add.f32.msk $0xffff, v14  }
0xe8: {  	v27 =	vor.u32 v7, v20;
	v14 =	vld [tilespmem:s19+$0x3E0];
	_ =	sdelay $0x4  }
0xe9: {  	[tilespmem:v27+s12+$0x0] =	vst.idx.add.f32.msk $0xffff, v14  }
0xea: {  	s25 =	sshll.u32 s23, $0x4;
	s26 =	spop (v2sf);
	v13 =	vor.u32 v8, v20;
	v14 =	vld [tilespmem:s19+$0x3F0]  }
0xeb: {  	s28 =	sshll.u32 s26, $0x7;
	v28 =	vor.u32 s25, v1  }
0xec: {  	v29 =	vmov s28  }
0xed: {  	v16 =	vshrl.u32 v29, $0x7  }
0xee: {  	v16 =	vshll.u32 v16, v10  }
0xef: {  	v30 =	vbroadcast v16, $0x0;
	[tilespmem:v13+s12+$0x0] =	vst.idx.add.f32.msk $0xffff, v14  }
0xf0: {  	[tilespmem:v28+s13+$0x0] =	vst.idx.add.f32.msk $0xffff, v11  }
0xf1: {  	v31 =	vor.u32 v1, v30;
	v14 =	vld [tilespmem:s19+$0x400];
	_ =	sdelay $0x4  }
0xf2: {  	[tilespmem:v31+s12+$0x0] =	vst.idx.add.f32.msk $0xffff, v14  }
0xf3: {  	v32 =	vor.u32 v2, v30;
	v14 =	vld [tilespmem:s19+$0x410];
	_ =	sdelay $0x4  }
0xf4: {  	[tilespmem:v32+s12+$0x0] =	vst.idx.add.f32.msk $0xffff, v14  }
0xf5: {  	v33 =	vor.u32 v3, v30;
	v14 =	vld [tilespmem:s19+$0x420];
	_ =	sdelay $0x4  }
0xf6: {  	[tilespmem:v33+s12+$0x0] =	vst.idx.add.f32.msk $0xffff, v14  }
0xf7: {  	v34 =	vor.u32 v4, v30;
	v14 =	vld [tilespmem:s19+$0x430];
	_ =	sdelay $0x4  }
0xf8: {  	[tilespmem:v34+s12+$0x0] =	vst.idx.add.f32.msk $0xffff, v14  }
0xf9: {  	v35 =	vor.u32 v5, v30;
	v14 =	vld [tilespmem:s19+$0x440];
	_ =	sdelay $0x2  }
0xfa: {  	(v2sf) =	vpush v12, $0x9;
	_ =	sdelay $0x1  }
0xfb: {  	[tilespmem:v35+s12+$0x0] =	vst.idx.add.f32.msk $0xffff, v14  }
0xfc: {  	v36 =	vor.u32 v6, v30;
	v14 =	vld [tilespmem:s19+$0x450];
	_ =	sdelay $0x4  }
0xfd: {  	[tilespmem:v36+s12+$0x0] =	vst.idx.add.f32.msk $0xffff, v14  }
0xfe: {  	v37 =	vor.u32 v7, v30;
	v14 =	vld [tilespmem:s19+$0x460];
	_ =	sdelay $0x4  }
0xff: {  	[tilespmem:v37+s12+$0x0] =	vst.idx.add.f32.msk $0xffff, v14  }
0x100: {  	s29 =	sshll.u32 s26, $0x4;
	s30 =	spop (v2sf);
	v13 =	vor.u32 v8, v30;
	v14 =	vld [tilespmem:s19+$0x470]  }
0x101: {  	s31 =	sshll.u32 s30, $0x7;
	v38 =	vor.u32 s29, v1  }
0x102: {  	v39 =	vmov s31  }
0x103: {  	v16 =	vshrl.u32 v39, $0x7  }
0x104: {  	v16 =	vshll.u32 v16, v10  }
0x105: {  	v40 =	vbroadcast v16, $0x0;
	[tilespmem:v13+s12+$0x0] =	vst.idx.add.f32.msk $0xffff, v14  }
0x106: {  	[tilespmem:v38+s13+$0x0] =	vst.idx.add.f32.msk $0xffff, v11  }
0x107: {  	v41 =	vor.u32 v1, v40;
	v14 =	vld [tilespmem:s19+$0x480];
	_ =	sdelay $0x4  }
0x108: {  	[tilespmem:v41+s12+$0x0] =	vst.idx.add.f32.msk $0xffff, v14  }
0x109: {  	v42 =	vor.u32 v2, v40;
	v14 =	vld [tilespmem:s19+$0x490];
	_ =	sdelay $0x4  }
0x10a: {  	[tilespmem:v42+s12+$0x0] =	vst.idx.add.f32.msk $0xffff, v14  }
0x10b: {  	v43 =	vor.u32 v3, v40;
	v14 =	vld [tilespmem:s19+$0x4A0];
	_ =	sdelay $0x4  }
0x10c: {  	[tilespmem:v43+s12+$0x0] =	vst.idx.add.f32.msk $0xffff, v14  }
0x10d: {  	v44 =	vor.u32 v4, v40;
	v14 =	vld [tilespmem:s19+$0x4B0];
	_ =	sdelay $0x4  }
0x10e: {  	[tilespmem:v44+s12+$0x0] =	vst.idx.add.f32.msk $0xffff, v14  }
0x10f: {  	v45 =	vor.u32 v5, v40;
	v14 =	vld [tilespmem:s19+$0x4C0];
	_ =	sdelay $0x2  }
0x110: {  	(v2sf) =	vpush v12, $0xA;
	_ =	sdelay $0x1  }
0x111: {  	[tilespmem:v45+s12+$0x0] =	vst.idx.add.f32.msk $0xffff, v14  }
0x112: {  	v46 =	vor.u32 v6, v40;
	v14 =	vld [tilespmem:s19+$0x4D0];
	_ =	sdelay $0x4  }
0x113: {  	[tilespmem:v46+s12+$0x0] =	vst.idx.add.f32.msk $0xffff, v14  }
0x114: {  	v47 =	vor.u32 v7, v40;
	v14 =	vld [tilespmem:s19+$0x4E0];
	_ =	sdelay $0x4  }
0x115: {  	[tilespmem:v47+s12+$0x0] =	vst.idx.add.f32.msk $0xffff, v14  }
0x116: {  	s22 =	sshll.u32 s30, $0x4;
	s23 =	spop (v2sf);
	v13 =	vor.u32 v8, v40;
	v14 =	vld [tilespmem:s19+$0x4F0]  }
0x117: {  	s24 =	sshll.u32 s23, $0x7;
	v48 =	vor.u32 s22, v1  }
0x118: {  	v49 =	vmov s24  }
0x119: {  	v16 =	vshrl.u32 v49, $0x7  }
0x11a: {  	v16 =	vshll.u32 v16, v10  }
0x11b: {  	v50 =	vbroadcast v16, $0x0;
	[tilespmem:v13+s12+$0x0] =	vst.idx.add.f32.msk $0xffff, v14  }
0x11c: {  	[tilespmem:v48+s13+$0x0] =	vst.idx.add.f32.msk $0xffff, v11  }
0x11d: {  	v51 =	vor.u32 v1, v50;
	v14 =	vld [tilespmem:s19+$0x500];
	_ =	sdelay $0x4  }
0x11e: {  	[tilespmem:v51+s12+$0x0] =	vst.idx.add.f32.msk $0xffff, v14  }
0x11f: {  	v52 =	vor.u32 v2, v50;
	v14 =	vld [tilespmem:s19+$0x510];
	_ =	sdelay $0x4  }
0x120: {  	[tilespmem:v52+s12+$0x0] =	vst.idx.add.f32.msk $0xffff, v14  }
0x121: {  	v53 =	vor.u32 v3, v50;
	v14 =	vld [tilespmem:s19+$0x520];
	_ =	sdelay $0x4  }
0x122: {  	[tilespmem:v53+s12+$0x0] =	vst.idx.add.f32.msk $0xffff, v14  }
0x123: {  	v54 =	vor.u32 v4, v50;
	v14 =	vld [tilespmem:s19+$0x530];
	_ =	sdelay $0x4  }
0x124: {  	[tilespmem:v54+s12+$0x0] =	vst.idx.add.f32.msk $0xffff, v14  }
0x125: {  	v55 =	vor.u32 v5, v50;
	v14 =	vld [tilespmem:s19+$0x540];
	_ =	sdelay $0x2  }
0x126: {  	(v2sf) =	vpush v12, $0xB;
	_ =	sdelay $0x1  }
0x127: {  	[tilespmem:v55+s12+$0x0] =	vst.idx.add.f32.msk $0xffff, v14  }
0x128: {  	v56 =	vor.u32 v6, v50;
	v14 =	vld [tilespmem:s19+$0x550];
	_ =	sdelay $0x4  }
0x129: {  	[tilespmem:v56+s12+$0x0] =	vst.idx.add.f32.msk $0xffff, v14  }
0x12a: {  	v57 =	vor.u32 v7, v50;
	v14 =	vld [tilespmem:s19+$0x560];
	_ =	sdelay $0x4  }
0x12b: {  	[tilespmem:v57+s12+$0x0] =	vst.idx.add.f32.msk $0xffff, v14  }
0x12c: {  	s26 =	spop (v2sf);
	s25 =	sshll.u32 s23, $0x4;
	v13 =	vor.u32 v8, v50;
	v14 =	vld [tilespmem:s19+$0x570]  }
0x12d: {  	s28 =	sshll.u32 s26, $0x7;
	v58 =	vor.u32 s25, v1  }
0x12e: {  	v59 =	vmov s28  }
0x12f: {  	v16 =	vshrl.u32 v59, $0x7  }
0x130: {  	v16 =	vshll.u32 v16, v10  }
0x131: {  	v60 =	vbroadcast v16, $0x0;
	[tilespmem:v13+s12+$0x0] =	vst.idx.add.f32.msk $0xffff, v14  }
0x132: {  	[tilespmem:v58+s13+$0x0] =	vst.idx.add.f32.msk $0xffff, v11  }
0x133: {  	v61 =	vor.u32 v1, v60;
	v14 =	vld [tilespmem:s19+$0x580];
	_ =	sdelay $0x4  }
0x134: {  	[tilespmem:v61+s12+$0x0] =	vst.idx.add.f32.msk $0xffff, v14  }
0x135: {  	v62 =	vor.u32 v2, v60;
	v14 =	vld [tilespmem:s19+$0x590];
	_ =	sdelay $0x4  }
0x136: {  	[tilespmem:v62+s12+$0x0] =	vst.idx.add.f32.msk $0xffff, v14  }
0x137: {  	v63 =	vor.u32 v3, v60;
	v14 =	vld [tilespmem:s19+$0x5A0];
	_ =	sdelay $0x4  }
0x138: {  	[tilespmem:v63+s12+$0x0] =	vst.idx.add.f32.msk $0xffff, v14  }
0x139: {  	v18 =	vor.u32 v4, v60;
	v14 =	vld [tilespmem:s19+$0x5B0];
	_ =	sdelay $0x4  }
0x13a: {  	[tilespmem:v18+s12+$0x0] =	vst.idx.add.f32.msk $0xffff, v14  }
0x13b: {  	v19 =	vor.u32 v5, v60;
	v14 =	vld [tilespmem:s19+$0x5C0];
	_ =	sdelay $0x2  }
0x13c: {  	(v2sf) =	vpush v12, $0xC;
	_ =	sdelay $0x1  }
0x13d: {  	[tilespmem:v19+s12+$0x0] =	vst.idx.add.f32.msk $0xffff, v14  }
0x13e: {  	v20 =	vor.u32 v6, v60;
	v14 =	vld [tilespmem:s19+$0x5D0];
	_ =	sdelay $0x4  }
0x13f: {  	[tilespmem:v20+s12+$0x0] =	vst.idx.add.f32.msk $0xffff, v14  }
0x140: {  	v21 =	vor.u32 v7, v60;
	v14 =	vld [tilespmem:s19+$0x5E0];
	_ =	sdelay $0x4  }
0x141: {  	[tilespmem:v21+s12+$0x0] =	vst.idx.add.f32.msk $0xffff, v14  }
0x142: {  	s30 =	spop (v2sf);
	s29 =	sshll.u32 s26, $0x4;
	v13 =	vor.u32 v8, v60;
	v14 =	vld [tilespmem:s19+$0x5F0]  }
0x143: {  	s31 =	sshll.u32 s30, $0x7;
	v22 =	vor.u32 s29, v1  }
0x144: {  	v23 =	vmov s31  }
0x145: {  	v16 =	vshrl.u32 v23, $0x7  }
0x146: {  	v16 =	vshll.u32 v16, v10  }
0x147: {  	v24 =	vbroadcast v16, $0x0;
	[tilespmem:v13+s12+$0x0] =	vst.idx.add.f32.msk $0xffff, v14  }
0x148: {  	[tilespmem:v22+s13+$0x0] =	vst.idx.add.f32.msk $0xffff, v11  }
0x149: {  	v25 =	vor.u32 v1, v24;
	v14 =	vld [tilespmem:s19+$0x600];
	_ =	sdelay $0x4  }
0x14a: {  	[tilespmem:v25+s12+$0x0] =	vst.idx.add.f32.msk $0xffff, v14  }
0x14b: {  	v26 =	vor.u32 v2, v24;
	v14 =	vld [tilespmem:s19+$0x610];
	_ =	sdelay $0x4  }
0x14c: {  	[tilespmem:v26+s12+$0x0] =	vst.idx.add.f32.msk $0xffff, v14  }
0x14d: {  	v27 =	vor.u32 v3, v24;
	v14 =	vld [tilespmem:s19+$0x620];
	_ =	sdelay $0x4  }
0x14e: {  	[tilespmem:v27+s12+$0x0] =	vst.idx.add.f32.msk $0xffff, v14  }
0x14f: {  	v28 =	vor.u32 v4, v24;
	v14 =	vld [tilespmem:s19+$0x630];
	_ =	sdelay $0x4  }
0x150: {  	[tilespmem:v28+s12+$0x0] =	vst.idx.add.f32.msk $0xffff, v14  }
0x151: {  	v29 =	vor.u32 v5, v24;
	v14 =	vld [tilespmem:s19+$0x640];
	_ =	sdelay $0x2  }
0x152: {  	(v2sf) =	vpush v12, $0xD;
	_ =	sdelay $0x1  }
0x153: {  	[tilespmem:v29+s12+$0x0] =	vst.idx.add.f32.msk $0xffff, v14  }
0x154: {  	v30 =	vor.u32 v6, v24;
	v14 =	vld [tilespmem:s19+$0x650];
	_ =	sdelay $0x4  }
0x155: {  	[tilespmem:v30+s12+$0x0] =	vst.idx.add.f32.msk $0xffff, v14  }
0x156: {  	v31 =	vor.u32 v7, v24;
	v14 =	vld [tilespmem:s19+$0x660];
	_ =	sdelay $0x4  }
0x157: {  	[tilespmem:v31+s12+$0x0] =	vst.idx.add.f32.msk $0xffff, v14  }
0x158: {  	s23 =	spop (v2sf);
	s22 =	sshll.u32 s30, $0x4;
	v13 =	vor.u32 v8, v24;
	v14 =	vld [tilespmem:s19+$0x670]  }
0x159: {  	s24 =	sshll.u32 s23, $0x7;
	v32 =	vor.u32 s22, v1  }
0x15a: {  	v33 =	vmov s24  }
0x15b: {  	v16 =	vshrl.u32 v33, $0x7  }
0x15c: {  	v16 =	vshll.u32 v16, v10  }
0x15d: {  	v34 =	vbroadcast v16, $0x0;
	[tilespmem:v13+s12+$0x0] =	vst.idx.add.f32.msk $0xffff, v14  }
0x15e: {  	[tilespmem:v32+s13+$0x0] =	vst.idx.add.f32.msk $0xffff, v11  }
0x15f: {  	v35 =	vor.u32 v1, v34;
	v14 =	vld [tilespmem:s19+$0x680];
	_ =	sdelay $0x4  }
0x160: {  	[tilespmem:v35+s12+$0x0] =	vst.idx.add.f32.msk $0xffff, v14  }
0x161: {  	v36 =	vor.u32 v2, v34;
	v14 =	vld [tilespmem:s19+$0x690];
	_ =	sdelay $0x4  }
0x162: {  	[tilespmem:v36+s12+$0x0] =	vst.idx.add.f32.msk $0xffff, v14  }
0x163: {  	v37 =	vor.u32 v3, v34;
	v14 =	vld [tilespmem:s19+$0x6A0];
	_ =	sdelay $0x4  }
0x164: {  	[tilespmem:v37+s12+$0x0] =	vst.idx.add.f32.msk $0xffff, v14  }
0x165: {  	v38 =	vor.u32 v4, v34;
	v14 =	vld [tilespmem:s19+$0x6B0];
	_ =	sdelay $0x4  }
0x166: {  	[tilespmem:v38+s12+$0x0] =	vst.idx.add.f32.msk $0xffff, v14  }
0x167: {  	v39 =	vor.u32 v5, v34;
	v14 =	vld [tilespmem:s19+$0x6C0];
	_ =	sdelay $0x2  }
0x168: {  	(v2sf) =	vpush v12, $0xE;
	_ =	sdelay $0x1  }
0x169: {  	[tilespmem:v39+s12+$0x0] =	vst.idx.add.f32.msk $0xffff, v14  }
0x16a: {  	v41 =	vor.u32 v6, v34;
	v40 =	vld [tilespmem:s19+$0x6D0];
	_ =	sdelay $0x4  }
0x16b: {  	[tilespmem:v41+s12+$0x0] =	vst.idx.add.f32.msk $0xffff, v40  }
0x16c: {  	v42 =	vor.u32 v7, v34;
	v12 =	vld [tilespmem:s19+$0x6E0];
	_ =	sdelay $0x4  }
0x16d: {  	[tilespmem:v42+s12+$0x0] =	vst.idx.add.f32.msk $0xffff, v12  }
0x16e: {  	s26 =	spop (v2sf);
	s25 =	sshll.u32 s23, $0x4;
	v13 =	vor.u32 v8, v34;
	v12 =	vld [tilespmem:s19+$0x6F0]  }
0x16f: {  	s28 =	sshll.u32 s26, $0x7;
	v43 =	vor.u32 s25, v1  }
0x170: {  	v44 =	vmov s28  }
0x171: {  	v15 =	vshrl.u32 v44, $0x7  }
0x172: {  	v15 =	vshll.u32 v15, v10  }
0x173: {  	v45 =	vbroadcast v15, $0x0;
	[tilespmem:v13+s12+$0x0] =	vst.idx.add.f32.msk $0xffff, v12  }
0x174: {  	[tilespmem:v43+s13+$0x0] =	vst.idx.add.f32.msk $0xffff, v11  }
0x175: {  	v46 =	vor.u32 v1, v45;
	v13 =	vld [tilespmem:s19+$0x700];
	_ =	sdelay $0x4  }
0x176: {  	[tilespmem:v46+s12+$0x0] =	vst.idx.add.f32.msk $0xffff, v13  }
0x177: {  	v47 =	vor.u32 v2, v45;
	v13 =	vld [tilespmem:s19+$0x710];
	_ =	sdelay $0x4  }
0x178: {  	[tilespmem:v47+s12+$0x0] =	vst.idx.add.f32.msk $0xffff, v13  }
0x179: {  	v48 =	vor.u32 v3, v45;
	v13 =	vld [tilespmem:s19+$0x720];
	_ =	sdelay $0x4  }
0x17a: {  	[tilespmem:v48+s12+$0x0] =	vst.idx.add.f32.msk $0xffff, v13  }
0x17b: {  	v49 =	vor.u32 v4, v45;
	v13 =	vld [tilespmem:s19+$0x730];
	_ =	sdelay $0x4  }
0x17c: {  	[tilespmem:v49+s12+$0x0] =	vst.idx.add.f32.msk $0xffff, v13  }
0x17d: {  	v50 =	vor.u32 v5, v45;
	v13 =	vld [tilespmem:s19+$0x740];
	_ =	sdelay $0x4  }
0x17e: {  	[tilespmem:v50+s12+$0x0] =	vst.idx.add.f32.msk $0xffff, v13  }
0x17f: {  	v51 =	vor.u32 v6, v45;
	v13 =	vld [tilespmem:s19+$0x750];
	_ =	sdelay $0x4  }
0x180: {  	[tilespmem:v51+s12+$0x0] =	vst.idx.add.f32.msk $0xffff, v13  }
0x181: {  	v52 =	vor.u32 v7, v45;
	v13 =	vld [tilespmem:s19+$0x760];
	_ =	sdelay $0x4  }
0x182: {  	[tilespmem:v52+s12+$0x0] =	vst.idx.add.f32.msk $0xffff, v13  }
0x183: {  	s29 =	sshll.u32 s26, $0x4;
	v12 =	vor.u32 v8, v45;
	v13 =	vld [tilespmem:s19+$0x770]  }
0x184: {  	s30 =	sshll.u32 s20, $0x7;
	v53 =	vor.u32 s29, v1  }
0x185: {  	v54 =	vmov s30  }
0x186: {  	v15 =	vshrl.u32 v54, $0x7  }
0x187: {  	v15 =	vshll.u32 v15, v10  }
0x188: {  	v55 =	vbroadcast v15, $0x0;
	[tilespmem:v12+s12+$0x0] =	vst.idx.add.f32.msk $0xffff, v13  }
0x189: {  	[tilespmem:v53+s13+$0x0] =	vst.idx.add.f32.msk $0xffff, v11  }
0x18a: {  	v56 =	vor.u32 v1, v55;
	v13 =	vld [tilespmem:s19+$0x780];
	_ =	sdelay $0x4  }
0x18b: {  	[tilespmem:v56+s12+$0x0] =	vst.idx.add.f32.msk $0xffff, v13  }
0x18c: {  	v57 =	vor.u32 v2, v55;
	v13 =	vld [tilespmem:s19+$0x790];
	_ =	sdelay $0x4  }
0x18d: {  	[tilespmem:v57+s12+$0x0] =	vst.idx.add.f32.msk $0xffff, v13  }
0x18e: {  	v58 =	vor.u32 v3, v55;
	v13 =	vld [tilespmem:s19+$0x7A0];
	_ =	sdelay $0x4  }
0x18f: {  	[tilespmem:v58+s12+$0x0] =	vst.idx.add.f32.msk $0xffff, v13  }
0x190: {  	v59 =	vor.u32 v4, v55;
	v13 =	vld [tilespmem:s19+$0x7B0];
	_ =	sdelay $0x4  }
0x191: {  	[tilespmem:v59+s12+$0x0] =	vst.idx.add.f32.msk $0xffff, v13  }
0x192: {  	v60 =	vor.u32 v5, v55;
	v13 =	vld [tilespmem:s19+$0x7C0];
	_ =	sdelay $0x4  }
0x193: {  	[tilespmem:v60+s12+$0x0] =	vst.idx.add.f32.msk $0xffff, v13  }
0x194: {  	v61 =	vor.u32 v6, v55;
	v13 =	vld [tilespmem:s19+$0x7D0];
	_ =	sdelay $0x4  }
0x195: {  	[tilespmem:v61+s12+$0x0] =	vst.idx.add.f32.msk $0xffff, v13  }
0x196: {  	v62 =	vor.u32 v7, v55;
	v13 =	vld [tilespmem:s19+$0x7E0];
	_ =	sdelay $0x4  }
0x197: {  	[tilespmem:v62+s12+$0x0] =	vst.idx.add.f32.msk $0xffff, v13  }
0x198: {  	s31 =	sshll.u32 s20, $0x4;
	v12 =	vor.u32 v8, v55;
	v13 =	vld [tilespmem:s19+$0x7F0]  }
0x199: {  	v63 =	vor.u32 s31, v1;
	_ =	sdelay $0x3  }
0x19a: {  	[tilespmem:v12+s12+$0x0] =	vst.idx.add.f32.msk $0xffff, v13  }
0x19b: {  	[tilespmem:v63+s13+$0x0] =	vst.idx.add.f32.msk $0xffff, v11  }
.LBB2_8:
0x19c: {  	s18 =	sadd.s32 $0x1, s18  }
0x19d: {  	p0 =	sne.s32 s18, $0x19  }
.Ltmp6:
0x19e: {  	_ = 	snop;
	(pc) =	sbr.rel @!p0 .LBB2_9-.Ltmp6, $1  }
0x19f: {  	_ =	sdelay $0x3  }
.LBB2_5:
0x1a0: {  	s19 =	sshll.u32 s18, $0x4  }
0x1a1: {  	s19 =	sand.u32 $0x3FFFFFF0, s19  }
0x1a2: {  	v12 =	vld [tilespmem:s19+$0xC800];
	_ =	sdelay $0x4  }
0x1a3: {  	(v2sf) =	vpush v12, $0x0  }
0x1a4: {  	(v2sf) =	vpush v12, $0xF;
	_ =	sdelay $0xd  }
0x1a5: {  	s21 =	spop (v2sf)  }
0x1a6: {  	s20 =	spop (v2sf)  }
0x1a7: {  	p0 =	sne.s32 s21, s20  }
.Ltmp7:
0x1a8: {  	_ = 	snop;
	(pc) =	sbr.rel @p0 .LBB2_7-.Ltmp7, $4  }
0x1a9: {  	_ = 	snop  }
0x1aa: {  	s31 =	sshll.u32 s18, $0xB  }
0x1ab: {  	s19 =	sand.u32 $0x3FFFF800, s31  }
0x1ac: {  	v13 =	vld [tilespmem:s19+$0x0];
	s22 =	sshll.u32 s21, $0x7  }
0x1ad: {  	v12 =	vld [tilespmem:s19+$0x80]  }
0x1ae: {  	v14 =	vld [tilespmem:s19+$0x100]  }
0x1af: {  	v15 =	vld [tilespmem:s19+$0x180]  }
0x1b0: {  	v16 =	vld [tilespmem:s19+$0x200]  }
0x1b1: {  	v17 =	vld [tilespmem:s19+$0x280]  }
0x1b2: {  	v18 =	vld [tilespmem:s19+$0x300]  }
0x1b3: {  	v19 =	vld [tilespmem:s19+$0x380]  }
0x1b4: {  	v20 =	vld [tilespmem:s19+$0x400]  }
0x1b5: {  	v21 =	vld [tilespmem:s19+$0x480]  }
0x1b6: {  	v22 =	vld [tilespmem:s19+$0x500]  }
0x1b7: {  	v23 =	vld [tilespmem:s19+$0x580]  }
0x1b8: {  	v24 =	vld [tilespmem:s19+$0x600]  }
0x1b9: {  	v25 =	vld [tilespmem:s19+$0x680]  }
0x1ba: {  	v26 =	vld [tilespmem:s19+$0x700]  }
0x1bb: {  	v27 =	vld [tilespmem:s19+$0x780];
	_ =	sdelay $0x1  }
0x1bc: {  	v12 =	vadd.f32 v12, v13;
	v41 =	vadd.f32 v15, v14  }
0x1bd: {  	v44 =	vmov s22;
	v42 =	vadd.f32 v17, v16;
	v43 =	vadd.f32 v19, v18  }
0x1be: {  	v45 =	vadd.f32 v21, v20;
	v46 =	vadd.f32 v23, v22;
	v16 =	vshrl.u32 v44, $0x7  }
0x1bf: {  	v47 =	vadd.f32 v25, v24;
	v48 =	vadd.f32 v27, v26;
	v16 =	vshll.u32 v16, $0x7  }
0x1c0: {  	v13 =	vadd.f32 v41, v12;
	v14 =	vadd.f32 v43, v42;
	v12 =	vbroadcast v16, $0x0  }
0x1c1: {  	v49 =	vadd.f32 v46, v45;
	v50 =	vadd.f32 v48, v47  }
0x1c2: {  	v51 =	vor.u32 v1, v12  }
0x1c3: {  	v13 =	vadd.f32 v14, v13;
	v52 =	vadd.f32 v50, v49;
	_ =	sdelay $0x1  }
0x1c4: {  	v13 =	vadd.f32 v52, v13;
	_ =	sdelay $0x1  }
0x1c5: {  	[tilespmem:v51+s12+$0x0] =	vst.idx.add.f32.msk $0xffff, v13  }
0x1c6: {  	v13 =	vld [tilespmem:s19+$0x10]  }
0x1c7: {  	v53 =	vld [tilespmem:s19+$0x90]  }
0x1c8: {  	v54 =	vld [tilespmem:s19+$0x110]  }
0x1c9: {  	v55 =	vld [tilespmem:s19+$0x190]  }
0x1ca: {  	v17 =	vld [tilespmem:s19+$0x210]  }
0x1cb: {  	v56 =	vld [tilespmem:s19+$0x290]  }
0x1cc: {  	v57 =	vld [tilespmem:s19+$0x310]  }
0x1cd: {  	v58 =	vld [tilespmem:s19+$0x390]  }
0x1ce: {  	v59 =	vld [tilespmem:s19+$0x410]  }
0x1cf: {  	v60 =	vld [tilespmem:s19+$0x490]  }
0x1d0: {  	v61 =	vld [tilespmem:s19+$0x510]  }
0x1d1: {  	v62 =	vld [tilespmem:s19+$0x590]  }
0x1d2: {  	v63 =	vld [tilespmem:s19+$0x610]  }
0x1d3: {  	v32 =	vld [tilespmem:s19+$0x690]  }
0x1d4: {  	v33 =	vld [tilespmem:s19+$0x710]  }
0x1d5: {  	v28 =	vld [tilespmem:s19+$0x790];
	_ =	sdelay $0x1  }
0x1d6: {  	v13 =	vadd.f32 v53, v13;
	v34 =	vadd.f32 v55, v54  }
0x1d7: {  	v35 =	vadd.f32 v56, v17;
	v36 =	vadd.f32 v58, v57  }
0x1d8: {  	v37 =	vadd.f32 v60, v59;
	v38 =	vadd.f32 v62, v61  }
0x1d9: {  	v39 =	vadd.f32 v32, v63;
	v40 =	vadd.f32 v28, v33  }
0x1da: {  	v13 =	vadd.f32 v34, v13;
	v41 =	vadd.f32 v36, v35  }
0x1db: {  	v42 =	vadd.f32 v38, v37;
	v43 =	vadd.f32 v40, v39  }
0x1dc: {  	v44 =	vor.u32 v2, v12  }
0x1dd: {  	v13 =	vadd.f32 v41, v13;
	v45 =	vadd.f32 v43, v42;
	_ =	sdelay $0x1  }
0x1de: {  	v13 =	vadd.f32 v45, v13;
	_ =	sdelay $0x1  }
0x1df: {  	[tilespmem:v44+s12+$0x0] =	vst.idx.add.f32.msk $0xffff, v13  }
0x1e0: {  	v13 =	vld [tilespmem:s19+$0x20]  }
0x1e1: {  	v46 =	vld [tilespmem:s19+$0xA0]  }
0x1e2: {  	v47 =	vld [tilespmem:s19+$0x120]  }
0x1e3: {  	v48 =	vld [tilespmem:s19+$0x1A0]  }
0x1e4: {  	v17 =	vld [tilespmem:s19+$0x220]  }
0x1e5: {  	v49 =	vld [tilespmem:s19+$0x2A0]  }
0x1e6: {  	v50 =	vld [tilespmem:s19+$0x320]  }
0x1e7: {  	v51 =	vld [tilespmem:s19+$0x3A0]  }
0x1e8: {  	v52 =	vld [tilespmem:s19+$0x420]  }
0x1e9: {  	v53 =	vld [tilespmem:s19+$0x4A0]  }
0x1ea: {  	v54 =	vld [tilespmem:s19+$0x520]  }
0x1eb: {  	v55 =	vld [tilespmem:s19+$0x5A0]  }
0x1ec: {  	v56 =	vld [tilespmem:s19+$0x620]  }
0x1ed: {  	v57 =	vld [tilespmem:s19+$0x6A0]  }
0x1ee: {  	v58 =	vld [tilespmem:s19+$0x720]  }
0x1ef: {  	v59 =	vld [tilespmem:s19+$0x7A0];
	_ =	sdelay $0x1  }
0x1f0: {  	v13 =	vadd.f32 v46, v13;
	v60 =	vadd.f32 v48, v47  }
0x1f1: {  	v61 =	vadd.f32 v49, v17;
	v62 =	vadd.f32 v51, v50  }
0x1f2: {  	v63 =	vadd.f32 v53, v52;
	v24 =	vadd.f32 v55, v54  }
0x1f3: {  	v26 =	vadd.f32 v57, v56;
	v27 =	vadd.f32 v59, v58  }
0x1f4: {  	v13 =	vadd.f32 v60, v13;
	v28 =	vadd.f32 v62, v61  }
0x1f5: {  	v29 =	vadd.f32 v24, v63;
	v30 =	vadd.f32 v27, v26  }
0x1f6: {  	v31 =	vor.u32 v3, v12  }
0x1f7: {  	v13 =	vadd.f32 v28, v13;
	v32 =	vadd.f32 v30, v29;
	_ =	sdelay $0x1  }
0x1f8: {  	v13 =	vadd.f32 v32, v13;
	_ =	sdelay $0x1  }
0x1f9: {  	[tilespmem:v31+s12+$0x0] =	vst.idx.add.f32.msk $0xffff, v13  }
0x1fa: {  	v13 =	vld [tilespmem:s19+$0x30]  }
0x1fb: {  	v33 =	vld [tilespmem:s19+$0xB0]  }
0x1fc: {  	v34 =	vld [tilespmem:s19+$0x130]  }
0x1fd: {  	v35 =	vld [tilespmem:s19+$0x1B0]  }
0x1fe: {  	v17 =	vld [tilespmem:s19+$0x230]  }
0x1ff: {  	v36 =	vld [tilespmem:s19+$0x2B0]  }
0x200: {  	v37 =	vld [tilespmem:s19+$0x330]  }
0x201: {  	v38 =	vld [tilespmem:s19+$0x3B0]  }
0x202: {  	v39 =	vld [tilespmem:s19+$0x430]  }
0x203: {  	v40 =	vld [tilespmem:s19+$0x4B0]  }
0x204: {  	v41 =	vld [tilespmem:s19+$0x530]  }
0x205: {  	v42 =	vld [tilespmem:s19+$0x5B0]  }
0x206: {  	v43 =	vld [tilespmem:s19+$0x630]  }
0x207: {  	v44 =	vld [tilespmem:s19+$0x6B0]  }
0x208: {  	v45 =	vld [tilespmem:s19+$0x730]  }
0x209: {  	v46 =	vld [tilespmem:s19+$0x7B0];
	_ =	sdelay $0x1  }
0x20a: {  	v13 =	vadd.f32 v33, v13;
	v47 =	vadd.f32 v35, v34  }
0x20b: {  	v48 =	vadd.f32 v36, v17;
	v49 =	vadd.f32 v38, v37  }
0x20c: {  	v50 =	vadd.f32 v40, v39;
	v51 =	vadd.f32 v42, v41  }
0x20d: {  	v52 =	vadd.f32 v44, v43;
	v53 =	vadd.f32 v46, v45  }
0x20e: {  	v13 =	vadd.f32 v47, v13;
	v54 =	vadd.f32 v49, v48  }
0x20f: {  	v55 =	vadd.f32 v51, v50;
	v56 =	vadd.f32 v53, v52  }
0x210: {  	v57 =	vor.u32 v4, v12  }
0x211: {  	v13 =	vadd.f32 v54, v13;
	v58 =	vadd.f32 v56, v55;
	_ =	sdelay $0x1  }
0x212: {  	v13 =	vadd.f32 v58, v13;
	_ =	sdelay $0x1  }
0x213: {  	[tilespmem:v57+s12+$0x0] =	vst.idx.add.f32.msk $0xffff, v13  }
0x214: {  	v13 =	vld [tilespmem:s19+$0x40]  }
0x215: {  	v59 =	vld [tilespmem:s19+$0xC0]  }
0x216: {  	v60 =	vld [tilespmem:s19+$0x140]  }
0x217: {  	v61 =	vld [tilespmem:s19+$0x1C0]  }
0x218: {  	v17 =	vld [tilespmem:s19+$0x240]  }
0x219: {  	v62 =	vld [tilespmem:s19+$0x2C0]  }
0x21a: {  	v63 =	vld [tilespmem:s19+$0x340]  }
0x21b: {  	v32 =	vld [tilespmem:s19+$0x3C0]  }
0x21c: {  	v33 =	vld [tilespmem:s19+$0x440]  }
0x21d: {  	v34 =	vld [tilespmem:s19+$0x4C0]  }
0x21e: {  	v35 =	vld [tilespmem:s19+$0x540]  }
0x21f: {  	v36 =	vld [tilespmem:s19+$0x5C0]  }
0x220: {  	v37 =	vld [tilespmem:s19+$0x640]  }
0x221: {  	v38 =	vld [tilespmem:s19+$0x6C0]  }
0x222: {  	v39 =	vld [tilespmem:s19+$0x740]  }
0x223: {  	v40 =	vld [tilespmem:s19+$0x7C0];
	_ =	sdelay $0x1  }
0x224: {  	v13 =	vadd.f32 v59, v13;
	v41 =	vadd.f32 v61, v60  }
0x225: {  	v42 =	vadd.f32 v62, v17;
	v43 =	vadd.f32 v32, v63  }
0x226: {  	v44 =	vadd.f32 v34, v33;
	v45 =	vadd.f32 v36, v35  }
0x227: {  	v46 =	vadd.f32 v38, v37;
	v47 =	vadd.f32 v40, v39  }
0x228: {  	v13 =	vadd.f32 v41, v13;
	v48 =	vadd.f32 v43, v42  }
0x229: {  	v49 =	vadd.f32 v45, v44;
	v50 =	vadd.f32 v47, v46  }
0x22a: {  	v51 =	vor.u32 v5, v12  }
0x22b: {  	v13 =	vadd.f32 v48, v13;
	v52 =	vadd.f32 v50, v49;
	_ =	sdelay $0x1  }
0x22c: {  	v13 =	vadd.f32 v52, v13;
	_ =	sdelay $0x1  }
0x22d: {  	[tilespmem:v51+s12+$0x0] =	vst.idx.add.f32.msk $0xffff, v13  }
0x22e: {  	v13 =	vld [tilespmem:s19+$0x50]  }
0x22f: {  	v53 =	vld [tilespmem:s19+$0xD0]  }
0x230: {  	v54 =	vld [tilespmem:s19+$0x150]  }
0x231: {  	v55 =	vld [tilespmem:s19+$0x1D0]  }
0x232: {  	v17 =	vld [tilespmem:s19+$0x250]  }
0x233: {  	v56 =	vld [tilespmem:s19+$0x2D0]  }
0x234: {  	v57 =	vld [tilespmem:s19+$0x350]  }
0x235: {  	v58 =	vld [tilespmem:s19+$0x3D0]  }
0x236: {  	v59 =	vld [tilespmem:s19+$0x450]  }
0x237: {  	v60 =	vld [tilespmem:s19+$0x4D0]  }
0x238: {  	v61 =	vld [tilespmem:s19+$0x550]  }
0x239: {  	v62 =	vld [tilespmem:s19+$0x5D0]  }
0x23a: {  	v63 =	vld [tilespmem:s19+$0x650]  }
0x23b: {  	v32 =	vld [tilespmem:s19+$0x6D0]  }
0x23c: {  	v33 =	vld [tilespmem:s19+$0x750]  }
0x23d: {  	v34 =	vld [tilespmem:s19+$0x7D0];
	_ =	sdelay $0x1  }
0x23e: {  	v13 =	vadd.f32 v53, v13;
	v35 =	vadd.f32 v55, v54  }
0x23f: {  	v36 =	vadd.f32 v56, v17;
	v37 =	vadd.f32 v58, v57  }
0x240: {  	v38 =	vadd.f32 v60, v59;
	v39 =	vadd.f32 v62, v61  }
0x241: {  	v40 =	vadd.f32 v32, v63;
	v41 =	vadd.f32 v34, v33  }
0x242: {  	v13 =	vadd.f32 v35, v13;
	v42 =	vadd.f32 v37, v36  }
0x243: {  	v43 =	vadd.f32 v39, v38;
	v44 =	vadd.f32 v41, v40  }
0x244: {  	v45 =	vor.u32 v6, v12  }
0x245: {  	v13 =	vadd.f32 v42, v13;
	v46 =	vadd.f32 v44, v43;
	_ =	sdelay $0x1  }
0x246: {  	v13 =	vadd.f32 v46, v13;
	_ =	sdelay $0x1  }
0x247: {  	[tilespmem:v45+s12+$0x0] =	vst.idx.add.f32.msk $0xffff, v13  }
0x248: {  	v13 =	vld [tilespmem:s19+$0x60]  }
0x249: {  	v47 =	vld [tilespmem:s19+$0xE0]  }
0x24a: {  	v48 =	vld [tilespmem:s19+$0x160]  }
0x24b: {  	v49 =	vld [tilespmem:s19+$0x1E0]  }
0x24c: {  	v17 =	vld [tilespmem:s19+$0x260]  }
0x24d: {  	v50 =	vld [tilespmem:s19+$0x2E0]  }
0x24e: {  	v51 =	vld [tilespmem:s19+$0x360]  }
0x24f: {  	v52 =	vld [tilespmem:s19+$0x3E0]  }
0x250: {  	v53 =	vld [tilespmem:s19+$0x460]  }
0x251: {  	v54 =	vld [tilespmem:s19+$0x4E0]  }
0x252: {  	v55 =	vld [tilespmem:s19+$0x560]  }
0x253: {  	v56 =	vld [tilespmem:s19+$0x5E0]  }
0x254: {  	v57 =	vld [tilespmem:s19+$0x660]  }
0x255: {  	v58 =	vld [tilespmem:s19+$0x6E0]  }
0x256: {  	v59 =	vld [tilespmem:s19+$0x760]  }
0x257: {  	v60 =	vld [tilespmem:s19+$0x7E0];
	_ =	sdelay $0x1  }
0x258: {  	v13 =	vadd.f32 v47, v13;
	v61 =	vadd.f32 v49, v48  }
0x259: {  	v62 =	vadd.f32 v50, v17;
	v63 =	vadd.f32 v52, v51  }
0x25a: {  	v29 =	vadd.f32 v54, v53;
	v30 =	vadd.f32 v56, v55  }
0x25b: {  	v31 =	vadd.f32 v58, v57;
	v32 =	vadd.f32 v60, v59  }
0x25c: {  	v13 =	vadd.f32 v61, v13;
	v33 =	vadd.f32 v63, v62  }
0x25d: {  	v34 =	vadd.f32 v30, v29;
	v35 =	vadd.f32 v32, v31  }
0x25e: {  	v36 =	vor.u32 v7, v12  }
0x25f: {  	v13 =	vadd.f32 v33, v13;
	v37 =	vadd.f32 v35, v34;
	_ =	sdelay $0x1  }
0x260: {  	v13 =	vadd.f32 v37, v13;
	_ =	sdelay $0x1  }
0x261: {  	[tilespmem:v36+s12+$0x0] =	vst.idx.add.f32.msk $0xffff, v13  }
0x262: {  	v13 =	vld [tilespmem:s19+$0x70]  }
0x263: {  	v38 =	vld [tilespmem:s19+$0xF0]  }
0x264: {  	v39 =	vld [tilespmem:s19+$0x170]  }
0x265: {  	v40 =	vld [tilespmem:s19+$0x1F0]  }
0x266: {  	v17 =	vld [tilespmem:s19+$0x270]  }
0x267: {  	v41 =	vld [tilespmem:s19+$0x2F0]  }
0x268: {  	v42 =	vld [tilespmem:s19+$0x370]  }
0x269: {  	v43 =	vld [tilespmem:s19+$0x3F0]  }
0x26a: {  	v44 =	vld [tilespmem:s19+$0x470]  }
0x26b: {  	v45 =	vld [tilespmem:s19+$0x4F0]  }
0x26c: {  	v46 =	vld [tilespmem:s19+$0x570]  }
0x26d: {  	v47 =	vld [tilespmem:s19+$0x5F0]  }
0x26e: {  	v48 =	vld [tilespmem:s19+$0x670]  }
0x26f: {  	v49 =	vld [tilespmem:s19+$0x6F0]  }
0x270: {  	v50 =	vld [tilespmem:s19+$0x770]  }
0x271: {  	v51 =	vld [tilespmem:s19+$0x7F0];
	_ =	sdelay $0x1  }
0x272: {  	v13 =	vadd.f32 v38, v13;
	v52 =	vadd.f32 v40, v39  }
0x273: {  	v53 =	vadd.f32 v41, v17;
	v54 =	vadd.f32 v43, v42  }
0x274: {  	v55 =	vadd.f32 v45, v44;
	v56 =	vadd.f32 v47, v46  }
0x275: {  	v57 =	vadd.f32 v49, v48;
	v58 =	vadd.f32 v51, v50  }
0x276: {  	v13 =	vadd.f32 v52, v13;
	v59 =	vadd.f32 v54, v53  }
0x277: {  	v60 =	vadd.f32 v56, v55;
	v61 =	vadd.f32 v58, v57  }
0x278: {  	s31 =	sshll.u32 s21, $0x4;
	v12 =	vor.u32 v8, v12  }
0x279: {  	v63 =	vor.u32 s31, v1;
	v13 =	vadd.f32 v59, v13;
	v62 =	vadd.f32 v61, v60  }
.Ltmp8:
0x27a: {  	_ = 	snop;
	(pc) =	sbr.rel .LBB2_8-.Ltmp8, $3  }
0x27b: {  	v13 =	vadd.f32 v62, v13;
	_ =	sdelay $0x1  }
0x27c: {  	[tilespmem:v12+s12+$0x0] =	vst.idx.add.f32.msk $0xffff, v13  }
0x27d: {  	[tilespmem:v63+s13+$0x0] =	vst.idx.add.f32.msk $0xffff, v9  }
.LBB2_11:
0x27e: {  	_ =	sfence.sel $0x180000  }
0x27f: {  	[bflag:$0x0] =	sbarrier.arrive $0xFFFF  }
0x280: {  	p0 =	sne.s32 s0, $0x0;
	_ =	strace $0x90000047  }
0x281: {  	s0 =	sadd.s32 @!p0 $0x100000, s1;
	[bflag:$0x2] =	sbarrier.arrive $0xFFFF  }
0x282: {  	[sflag:s0] =	ssyncadd.tile.s32 @!p0 $0x1;
	_ =	shalt  }
.Lfunc_end2:
_tile_overlayer_lowered:
.L_overlay_start_2:
0x283: {  	(tag) =	ssettag $0x2  }
0x284: {  	s0 =	rddreg [dreg:$0x0];
	s2 =	stileid.u32  }
0x285: {  	s1 =	rddreg [dreg:$0x1];
	p0 =	sne.s32 s2, $0x0  }
0x286: {  	s3 =	rddreg [dreg:$0x2];
	[bflag:$0x3] =	sbarrier.arrive $0xFFFF;
	s2 =	simm.s32 @!p0 $0x1C01  }
0x287: {  	[timem:s3], [sflag:s2] =	dma.local @!p0 [hbm:s0], s1  }
0x288: {  	s0 =	simm.s32 @!p0 $0x1  }
0x289: {  	_ =	swait.ge @!p0 [sflag:s0], s1  }
0x28a: {  	s1 =	ssub.s32 @!p0 $0x0, s1;
	[sflag:s0] =	ssyncset.done @!p0 $0x0  }
0x28b: {  	[sflag:s0] =	ssyncadd.s32 @!p0 s1  }
0x28c: {  	[bflag:$0x3] =	sbarrier.arrive $0xFFFF  }
0x28d: {  	_ =	shalt  }

</sc_bundles>
